<compile_context>
chip_gen: v7x
topology: tpu7x:2x2x1
jax: 0.10.2.dev20260603
libtpu: 0.0.44.dev20260713+nightly
codegen_flags: <defaults>
</compile_context>

<pallas_src>
import functools

import jax
import jax.numpy as jnp
from jax import lax
from jax.experimental import pallas as pl
from jax.experimental.pallas import tpu as pltpu
from jax.experimental.pallas import tpu_sc as plsc

EMBEDDING_DIM = 32
_NC = 2
_NS = 16
_NW = _NC * _NS
_NBUF = 2


@functools.lru_cache(maxsize=None)
def _make_gather(batch: int, hist: int, dim: int, rows_per_chunk: int):
    b_per_w = batch // _NW
    nchunks = b_per_w // rows_per_chunk
    chunk = rows_per_chunk * hist
    assert nchunks % _NBUF == 0
    hist_pad = (hist + 7) // 8 * 8
    dim_pad = 128
    mesh = plsc.VectorSubcoreMesh(core_axis_name="c", subcore_axis_name="s")

    scratch = (
        [pltpu.VMEM((chunk,), jnp.int32) for _ in range(_NBUF)]
        + [pltpu.VMEM((chunk, dim), jnp.float32) for _ in range(_NBUF)]
        + [pltpu.SemaphoreType.DMA for _ in range(3 * _NBUF)]
    )

    @functools.partial(
        pl.kernel,
        mesh=mesh,
        out_type=jax.ShapeDtypeStruct((batch, hist_pad, dim_pad), jnp.float32),
        scratch_types=scratch,
        compiler_params=pltpu.CompilerParams(use_tc_tiling_on_sc=False),
    )
    def gather_kernel(ids_hbm, table_hbm, out_hbm, *bufs):
        idx_v = bufs[0:_NBUF]
        rows_v = bufs[_NBUF:2 * _NBUF]
        sem_i = bufs[2 * _NBUF:3 * _NBUF]
        sem_r = bufs[3 * _NBUF:4 * _NBUF]
        sem_o = bufs[4 * _NBUF:5 * _NBUF]

        wid = lax.axis_index("s") * _NC + lax.axis_index("c")
        row_base = wid * b_per_w

        def ids_start(i, b):
            off = (row_base + i * rows_per_chunk) * hist
            pltpu.async_copy(ids_hbm.at[pl.ds(off, chunk)], idx_v[b], sem_i[b])

        def ids_wait(b):
            pltpu.make_async_copy(
                ids_hbm.at[pl.ds(0, chunk)], idx_v[b], sem_i[b]
            ).wait()

        def store_wait(b):
            for _ in range(rows_per_chunk):
                pltpu.make_async_copy(
                    rows_v[b].at[pl.ds(0, hist), :],
                    out_hbm.at[0, pl.ds(0, hist), pl.ds(0, dim)],
                    sem_o[b],
                ).wait()

        for b in range(_NBUF):
            ids_start(b, b)

        def group(g, carry):
            for b in range(_NBUF):
                i = g * _NBUF + b
                brow = row_base + i * rows_per_chunk

                ids_wait(b)

                @pl.when(g > 0)
                def _():
                    store_wait(b)

                pltpu.async_copy(table_hbm.at[idx_v[b]], rows_v[b], sem_r[b]).wait()

                for r in range(rows_per_chunk):
                    pltpu.async_copy(
                        rows_v[b].at[pl.ds(r * hist, hist), :],
                        out_hbm.at[brow + r, pl.ds(0, hist), pl.ds(0, dim)],
                        sem_o[b],
                    )

                @pl.when(i + _NBUF < nchunks)
                def _():
                    ids_start(i + _NBUF, b)

            return carry

        lax.fori_loop(0, nchunks // _NBUF, group, 0)

        for b in range(_NBUF):
            store_wait(b)

    return gather_kernel


def kernel(token_ids, weights):
    b, h = token_ids.shape
    ids_flat = token_ids.astype(jnp.int32).reshape(b * h)
    big = _make_gather(b, h, EMBEDDING_DIM, 32)(ids_flat, weights)
    return big[:, :h, :EMBEDDING_DIM]

# --- scband reference (transcript-rebuilt; emitter-appended) ---
"""Pipeline reference for scband-my-embedding-27470610825558 (READ-ONLY COPY).

The authoritative reference and input builder live on the scoring server;
editing this copy changes nothing except your own understanding.
"""

import jax, jax.numpy as jnp
import numpy as np

NUM_EMBEDDINGS = 1000000
EMBEDDING_DIM = 32
BATCH = 16384
HIST_LEN = 50


def setup_inputs(seed: int = 0) -> dict:
    key = jax.random.key(seed)
    k_idx, k_w = jax.random.split(key)
    token_ids = jax.random.randint(k_idx, (BATCH, HIST_LEN), 0, NUM_EMBEDDINGS, dtype=jnp.int64 if jax.config.jax_enable_x64 else jnp.int32)
    # trunc_normal_(mean=0, std=1, a=-3, b=3)
    weights = jax.random.truncated_normal(k_w, -3.0, 3.0, (NUM_EMBEDDINGS, EMBEDDING_DIM), dtype=jnp.float32)
    return {"token_ids": token_ids, "weights": weights}


def reference(token_ids, weights):
    token_ids = token_ids.astype(jnp.int32)
    return jnp.take(weights, token_ids, axis=0)

if __name__ == "__main__":
    import jax
    _d = setup_inputs()
    print(jax.jit(kernel)(*tuple(_d.values())))

</pallas_src>

<mosaic_0001>
#map = affine_map<(d0, d1) -> (0)>
#map1 = affine_map<(d0, d1) -> (0, 0)>
#map2 = affine_map<(d0, d1) -> (0, 0, 0)>
module attributes {stable_mosaic.version = 14 : i64} {
  func.func @gather_kernel(%arg0: i32, %arg1: i32, %arg2: memref<819200xi32, #tpu.memory_space<hbm>>, %arg3: memref<1000000x32xf32, #tpu.memory_space<hbm>>, %arg4: memref<16384x56x128xf32, #tpu.memory_space<hbm>>, %arg5: memref<1600xi32, #tpu.memory_space<vmem>>, %arg6: memref<1600xi32, #tpu.memory_space<vmem>>, %arg7: memref<1600x32xf32, #tpu.memory_space<vmem>>, %arg8: memref<1600x32xf32, #tpu.memory_space<vmem>>, %arg9: memref<!tpu.dma_semaphore, #tpu.memory_space<semaphore_mem>>, %arg10: memref<!tpu.dma_semaphore, #tpu.memory_space<semaphore_mem>>, %arg11: memref<!tpu.dma_semaphore, #tpu.memory_space<semaphore_mem>>, %arg12: memref<!tpu.dma_semaphore, #tpu.memory_space<semaphore_mem>>, %arg13: memref<!tpu.dma_semaphore, #tpu.memory_space<semaphore_mem>>, %arg14: memref<!tpu.dma_semaphore, #tpu.memory_space<semaphore_mem>>) attributes {dimension_semantics = [#tpu.dimension_semantics<core_parallel>, #tpu.dimension_semantics<subcore_parallel>], iteration_bounds = array<i64: 2, 16>, scalar_prefetch = 0 : i64, scratch_operands = 10 : i64, tpu.core_type = #tpu.core_type<sc_vector_subcore>, window_params = [{transform_indices = #map}, {transform_indices = #map1}, {transform_indices = #map2}]} {
    %mul3A = arith.constant 2 : i32
    %mul3A_0 = arith.muli %arg1, %mul3A : i32
    %add3A = arith.addi %mul3A_0, %arg0 : i32
    %mul3A_1 = arith.constant 512 : i32
    %mul3A_2 = arith.muli %add3A, %mul3A_1 : i32
    %add3A_3 = arith.constant 0 : i32
    %add3A_4 = arith.addi %mul3A_2, %add3A_3 : i32
    %mul3A_5 = arith.constant 50 : i32
    %mul3A_6 = arith.muli %add3A_4, %mul3A_5 : i32
    %dma_start3A = tpu.memref_slice %arg2[%mul3A_6] : memref<819200xi32, #tpu.memory_space<hbm>> -> memref<1600xi32, #tpu.memory_space<hbm>>
    %dma_start3A_7 = tpu.memref_slice %arg2[%mul3A_6] : memref<819200xi32, #tpu.memory_space<hbm>> -> memref<1600xi32, #tpu.memory_space<hbm>>
    tpu.enqueue_dma source(%dma_start3A_7 : memref<1600xi32, #tpu.memory_space<hbm>>) target(%arg5 : memref<1600xi32, #tpu.memory_space<vmem>>) target_semaphore(%arg9 : memref<!tpu.dma_semaphore, #tpu.memory_space<semaphore_mem>>)
    %add3A_8 = arith.constant 32 : i32
    %add3A_9 = arith.addi %mul3A_2, %add3A_8 : i32
    %mul3A_10 = arith.constant 50 : i32
    %mul3A_11 = arith.muli %add3A_9, %mul3A_10 : i32
    %dma_start3A_12 = tpu.memref_slice %arg2[%mul3A_11] : memref<819200xi32, #tpu.memory_space<hbm>> -> memref<1600xi32, #tpu.memory_space<hbm>>
    %dma_start3A_13 = tpu.memref_slice %arg2[%mul3A_11] : memref<819200xi32, #tpu.memory_space<hbm>> -> memref<1600xi32, #tpu.memory_space<hbm>>
    tpu.enqueue_dma source(%dma_start3A_13 : memref<1600xi32, #tpu.memory_space<hbm>>) target(%arg6 : memref<1600xi32, #tpu.memory_space<vmem>>) target_semaphore(%arg10 : memref<!tpu.dma_semaphore, #tpu.memory_space<semaphore_mem>>)
    %scan3A = arith.constant 0 : i32
    %scan3A_14 = arith.constant 0 : i32
    %scan3A_15 = arith.constant 8 : i32
    %scan3A_16 = arith.addi %scan3A_14, %scan3A_15 : i32
    %scan3A_17 = arith.constant 1 : i32
    scf.for %scan3A_978 = %scan3A_14 to %scan3A_16 step %scan3A_17  : i32 {
      %mul3A_979 = arith.constant 2 : i32
      %mul3A_980 = arith.muli %scan3A_978, %mul3A_979 : i32
      %add3A_981 = arith.constant 0 : i32
      %add3A_982 = arith.addi %mul3A_980, %add3A_981 : i32
      %mul3A_983 = arith.constant 32 : i32
      %mul3A_984 = arith.muli %add3A_982, %mul3A_983 : i32
      %add3A_985 = arith.addi %mul3A_2, %mul3A_984 : i32
      %dma_wait3A_986 = arith.constant 0 : i32
      %dma_wait3A_987 = tpu.memref_slice %arg2[%dma_wait3A_986] : memref<819200xi32, #tpu.memory_space<hbm>> -> memref<1600xi32, #tpu.memory_space<hbm>>
      %dma_wait3A_988 = arith.constant 0 : i32
      %dma_wait3A_989 = tpu.memref_slice %arg2[%dma_wait3A_988] : memref<819200xi32, #tpu.memory_space<hbm>> -> memref<1600xi32, #tpu.memory_space<hbm>>
      tpu.wait_dma2 semaphore(%arg9 : memref<!tpu.dma_semaphore, #tpu.memory_space<semaphore_mem>>) src(%dma_wait3A_989 : memref<1600xi32, #tpu.memory_space<hbm>>) dst(%arg5 : memref<1600xi32, #tpu.memory_space<vmem>>)
      %gt3A = arith.constant 0 : i32
      %gt3A_990 = arith.cmpi sgt, %scan3A_978, %gt3A : i32
      %convert_element_type3A = arith.extui %gt3A_990 : i1 to i32
      %cond3A = arith.constant 0 : i32
      %cond3A_991 = arith.cmpi ne, %convert_element_type3A, %cond3A : i32
      scf.if %cond3A_991 {
        %dma_wait3A_2057 = arith.constant 0 : i32
        %dma_wait3A_2058 = arith.constant 0 : i32
        %dma_wait3A_2059 = arith.constant 0 : i32
        %dma_wait3A_2060 = tpu.memref_slice %arg7[%dma_wait3A_2058, %dma_wait3A_2059] : memref<1600x32xf32, #tpu.memory_space<vmem>> -> memref<50x32xf32, #tpu.memory_space<vmem>>
        %dma_wait3A_2061 = arith.constant 0 : i32
        %dma_wait3A_2062 = arith.constant 0 : i32
        %dma_wait3A_2063 = tpu.memref_slice %arg4[%dma_wait3A_2057, %dma_wait3A_2061, %dma_wait3A_2062] : memref<16384x56x128xf32, #tpu.memory_space<hbm>> -> memref<1x50x32xf32, #tpu.memory_space<hbm>>
        %dma_wait3A_2064 = tpu.memref_squeeze %dma_wait3A_2063 : memref<1x50x32xf32, #tpu.memory_space<hbm>> -> memref<50x32xf32, #tpu.memory_space<hbm>>
        %dma_wait3A_2065 = arith.constant 0 : i32
        %dma_wait3A_2066 = arith.constant 0 : i32
        %dma_wait3A_2067 = tpu.memref_slice %arg4[%dma_wait3A_2057, %dma_wait3A_2065, %dma_wait3A_2066] : memref<16384x56x128xf32, #tpu.memory_space<hbm>> -> memref<1x50x32xf32, #tpu.memory_space<hbm>>
        %dma_wait3A_2068 = tpu.memref_squeeze %dma_wait3A_2067 : memref<1x50x32xf32, #tpu.memory_space<hbm>> -> memref<50x32xf32, #tpu.memory_space<hbm>>
        %dma_wait3A_2069 = arith.constant 0 : i32
        %dma_wait3A_2070 = arith.constant 0 : i32
        %dma_wait3A_2071 = tpu.memref_slice %arg7[%dma_wait3A_2069, %dma_wait3A_2070] : memref<1600x32xf32, #tpu.memory_space<vmem>> -> memref<50x32xf32, #tpu.memory_space<vmem>>
        tpu.wait_dma2 semaphore(%arg13 : memref<!tpu.dma_semaphore, #tpu.memory_space<semaphore_mem>>) src(%dma_wait3A_2071 : memref<50x32xf32, #tpu.memory_space<vmem>>) dst(%dma_wait3A_2068 : memref<50x32xf32, #tpu.memory_space<hbm>>)
        %dma_wait3A_2072 = arith.constant 0 : i32
        %dma_wait3A_2073 = arith.constant 0 : i32
        %dma_wait3A_2074 = arith.constant 0 : i32
        %dma_wait3A_2075 = tpu.memref_slice %arg7[%dma_wait3A_2073, %dma_wait3A_2074] : memref<1600x32xf32, #tpu.memory_space<vmem>> -> memref<50x32xf32, #tpu.memory_space<vmem>>
        %dma_wait3A_2076 = arith.constant 0 : i32
        %dma_wait3A_2077 = arith.constant 0 : i32
        %dma_wait3A_2078 = tpu.memref_slice %arg4[%dma_wait3A_2072, %dma_wait3A_2076, %dma_wait3A_2077] : memref<16384x56x128xf32, #tpu.memory_space<hbm>> -> memref<1x50x32xf32, #tpu.memory_space<hbm>>
        %dma_wait3A_2079 = tpu.memref_squeeze %dma_wait3A_2078 : memref<1x50x32xf32, #tpu.memory_space<hbm>> -> memref<50x32xf32, #tpu.memory_space<hbm>>
        %dma_wait3A_2080 = arith.constant 0 : i32
        %dma_wait3A_2081 = arith.constant 0 : i32
        %dma_wait3A_2082 = tpu.memref_slice %arg4[%dma_wait3A_2072, %dma_wait3A_2080, %dma_wait3A_2081] : memref<16384x56x128xf32, #tpu.memory_space<hbm>> -> memref<1x50x32xf32, #tpu.memory_space<hbm>>
        %dma_wait3A_2083 = tpu.memref_squeeze %dma_wait3A_2082 : memref<1x50x32xf32, #tpu.memory_space<hbm>> -> memref<50x32xf32, #tpu.memory_space<hbm>>
        %dma_wait3A_2084 = arith.constant 0 : i32
        %dma_wait3A_2085 = arith.constant 0 : i32
        %dma_wait3A_2086 = tpu.memref_slice %arg7[%dma_wait3A_2084, %dma_wait3A_2085] : memref<1600x32xf32, #tpu.memory_space<vmem>> -> memref<50x32xf32, #tpu.memory_space<vmem>>
        tpu.wait_dma2 semaphore(%arg13 : memref<!tpu.dma_semaphore, #tpu.memory_space<semaphore_mem>>) src(%dma_wait3A_2086 : memref<50x32xf32, #tpu.memory_space<vmem>>) dst(%dma_wait3A_2083 : memref<50x32xf32, #tpu.memory_space<hbm>>)
        %dma_wait3A_2087 = arith.constant 0 : i32
        %dma_wait3A_2088 = arith.constant 0 : i32
        %dma_wait3A_2089 = arith.constant 0 : i32
        %dma_wait3A_2090 = tpu.memref_slice %arg7[%dma_wait3A_2088, %dma_wait3A_2089] : memref<1600x32xf32, #tpu.memory_space<vmem>> -> memref<50x32xf32, #tpu.memory_space<vmem>>
        %dma_wait3A_2091 = arith.constant 0 : i32
        %dma_wait3A_2092 = arith.constant 0 : i32
        %dma_wait3A_2093 = tpu.memref_slice %arg4[%dma_wait3A_2087, %dma_wait3A_2091, %dma_wait3A_2092] : memref<16384x56x128xf32, #tpu.memory_space<hbm>> -> memref<1x50x32xf32, #tpu.memory_space<hbm>>
        %dma_wait3A_2094 = tpu.memref_squeeze %dma_wait3A_2093 : memref<1x50x32xf32, #tpu.memory_space<hbm>> -> memref<50x32xf32, #tpu.memory_space<hbm>>
        %dma_wait3A_2095 = arith.constant 0 : i32
        %dma_wait3A_2096 = arith.constant 0 : i32
        %dma_wait3A_2097 = tpu.memref_slice %arg4[%dma_wait3A_2087, %dma_wait3A_2095, %dma_wait3A_2096] : memref<16384x56x128xf32, #tpu.memory_space<hbm>> -> memref<1x50x32xf32, #tpu.memory_space<hbm>>
        %dma_wait3A_2098 = tpu.memref_squeeze %dma_wait3A_2097 : memref<1x50x32xf32, #tpu.memory_space<hbm>> -> memref<50x32xf32, #tpu.memory_space<hbm>>
        %dma_wait3A_2099 = arith.constant 0 : i32
        %dma_wait3A_2100 = arith.constant 0 : i32
        %dma_wait3A_2101 = tpu.memref_slice %arg7[%dma_wait3A_2099, %dma_wait3A_2100] : memref<1600x32xf32, #tpu.memory_space<vmem>> -> memref<50x32xf32, #tpu.memory_space<vmem>>
        tpu.wait_dma2 semaphore(%arg13 : memref<!tpu.dma_semaphore, #tpu.memory_space<semaphore_mem>>) src(%dma_wait3A_2101 : memref<50x32xf32, #tpu.memory_space<vmem>>) dst(%dma_wait3A_2098 : memref<50x32xf32, #tpu.memory_space<hbm>>)
        %dma_wait3A_2102 = arith.constant 0 : i32
        %dma_wait3A_2103 = arith.constant 0 : i32
        %dma_wait3A_2104 = arith.constant 0 : i32
        %dma_wait3A_2105 = tpu.memref_slice %arg7[%dma_wait3A_2103, %dma_wait3A_2104] : memref<1600x32xf32, #tpu.memory_space<vmem>> -> memref<50x32xf32, #tpu.memory_space<vmem>>
        %dma_wait3A_2106 = arith.constant 0 : i32
        %dma_wait3A_2107 = arith.constant 0 : i32
        %dma_wait3A_2108 = tpu.memref_slice %arg4[%dma_wait3A_2102, %dma_wait3A_2106, %dma_wait3A_2107] : memref<16384x56x128xf32, #tpu.memory_space<hbm>> -> memref<1x50x32xf32, #tpu.memory_space<hbm>>
        %dma_wait3A_2109 = tpu.memref_squeeze %dma_wait3A_2108 : memref<1x50x32xf32, #tpu.memory_space<hbm>> -> memref<50x32xf32, #tpu.memory_space<hbm>>
        %dma_wait3A_2110 = arith.constant 0 : i32
        %dma_wait3A_2111 = arith.constant 0 : i32
        %dma_wait3A_2112 = tpu.memref_slice %arg4[%dma_wait3A_2102, %dma_wait3A_2110, %dma_wait3A_2111] : memref<16384x56x128xf32, #tpu.memory_space<hbm>> -> memref<1x50x32xf32, #tpu.memory_space<hbm>>
        %dma_wait3A_2113 = tpu.memref_squeeze %dma_wait3A_2112 : memref<1x50x32xf32, #tpu.memory_space<hbm>> -> memref<50x32xf32, #tpu.memory_space<hbm>>
        %dma_wait3A_2114 = arith.constant 0 : i32
        %dma_wait3A_2115 = arith.constant 0 : i32
        %dma_wait3A_2116 = tpu.memref_slice %arg7[%dma_wait3A_2114, %dma_wait3A_2115] : memref<1600x32xf32, #tpu.memory_space<vmem>> -> memref<50x32xf32, #tpu.memory_space<vmem>>
        tpu.wait_dma2 semaphore(%arg13 : memref<!tpu.dma_semaphore, #tpu.memory_space<semaphore_mem>>) src(%dma_wait3A_2116 : memref<50x32xf32, #tpu.memory_space<vmem>>) dst(%dma_wait3A_2113 : memref<50x32xf32, #tpu.memory_space<hbm>>)
        %dma_wait3A_2117 = arith.constant 0 : i32
        %dma_wait3A_2118 = arith.constant 0 : i32
        %dma_wait3A_2119 = arith.constant 0 : i32
        %dma_wait3A_2120 = tpu.memref_slice %arg7[%dma_wait3A_2118, %dma_wait3A_2119] : memref<1600x32xf32, #tpu.memory_space<vmem>> -> memref<50x32xf32, #tpu.memory_space<vmem>>
        %dma_wait3A_2121 = arith.constant 0 : i32
        %dma_wait3A_2122 = arith.constant 0 : i32
        %dma_wait3A_2123 = tpu.memref_slice %arg4[%dma_wait3A_2117, %dma_wait3A_2121, %dma_wait3A_2122] : memref<16384x56x128xf32, #tpu.memory_space<hbm>> -> memref<1x50x32xf32, #tpu.memory_space<hbm>>
        %dma_wait3A_2124 = tpu.memref_squeeze %dma_wait3A_2123 : memref<1x50x32xf32, #tpu.memory_space<hbm>> -> memref<50x32xf32, #tpu.memory_space<hbm>>
        %dma_wait3A_2125 = arith.constant 0 : i32
        %dma_wait3A_2126 = arith.constant 0 : i32
        %dma_wait3A_2127 = tpu.memref_slice %arg4[%dma_wait3A_2117, %dma_wait3A_2125, %dma_wait3A_2126] : memref<16384x56x128xf32, #tpu.memory_space<hbm>> -> memref<1x50x32xf32, #tpu.memory_space<hbm>>
        %dma_wait3A_2128 = tpu.memref_squeeze %dma_wait3A_2127 : memref<1x50x32xf32, #tpu.memory_space<hbm>> -> memref<50x32xf32, #tpu.memory_space<hbm>>
        %dma_wait3A_2129 = arith.constant 0 : i32
        %dma_wait3A_2130 = arith.constant 0 : i32
        %dma_wait3A_2131 = tpu.memref_slice %arg7[%dma_wait3A_2129, %dma_wait3A_2130] : memref<1600x32xf32, #tpu.memory_space<vmem>> -> memref<50x32xf32, #tpu.memory_space<vmem>>
        tpu.wait_dma2 semaphore(%arg13 : memref<!tpu.dma_semaphore, #tpu.memory_space<semaphore_mem>>) src(%dma_wait3A_2131 : memref<50x32xf32, #tpu.memory_space<vmem>>) dst(%dma_wait3A_2128 : memref<50x32xf32, #tpu.memory_space<hbm>>)
        %dma_wait3A_2132 = arith.constant 0 : i32
        %dma_wait3A_2133 = arith.constant 0 : i32
        %dma_wait3A_2134 = arith.constant 0 : i32
        %dma_wait3A_2135 = tpu.memref_slice %arg7[%dma_wait3A_2133, %dma_wait3A_2134] : memref<1600x32xf32, #tpu.memory_space<vmem>> -> memref<50x32xf32, #tpu.memory_space<vmem>>
        %dma_wait3A_2136 = arith.constant 0 : i32
        %dma_wait3A_2137 = arith.constant 0 : i32
        %dma_wait3A_2138 = tpu.memref_slice %arg4[%dma_wait3A_2132, %dma_wait3A_2136, %dma_wait3A_2137] : memref<16384x56x128xf32, #tpu.memory_space<hbm>> -> memref<1x50x32xf32, #tpu.memory_space<hbm>>
        %dma_wait3A_2139 = tpu.memref_squeeze %dma_wait3A_2138 : memref<1x50x32xf32, #tpu.memory_space<hbm>> -> memref<50x32xf32, #tpu.memory_space<hbm>>
        %dma_wait3A_2140 = arith.constant 0 : i32
        %dma_wait3A_2141 = arith.constant 0 : i32
        %dma_wait3A_2142 = tpu.memref_slice %arg4[%dma_wait3A_2132, %dma_wait3A_2140, %dma_wait3A_2141] : memref<16384x56x128xf32, #tpu.memory_space<hbm>> -> memref<1x50x32xf32, #tpu.memory_space<hbm>>
        %dma_wait3A_2143 = tpu.memref_squeeze %dma_wait3A_2142 : memref<1x50x32xf32, #tpu.memory_space<hbm>> -> memref<50x32xf32, #tpu.memory_space<hbm>>
        %dma_wait3A_2144 = arith.constant 0 : i32
        %dma_wait3A_2145 = arith.constant 0 : i32
        %dma_wait3A_2146 = tpu.memref_slice %arg7[%dma_wait3A_2144, %dma_wait3A_2145] : memref<1600x32xf32, #tpu.memory_space<vmem>> -> memref<50x32xf32, #tpu.memory_space<vmem>>
        tpu.wait_dma2 semaphore(%arg13 : memref<!tpu.dma_semaphore, #tpu.memory_space<semaphore_mem>>) src(%dma_wait3A_2146 : memref<50x32xf32, #tpu.memory_space<vmem>>) dst(%dma_wait3A_2143 : memref<50x32xf32, #tpu.memory_space<hbm>>)
        %dma_wait3A_2147 = arith.constant 0 : i32
        %dma_wait3A_2148 = arith.constant 0 : i32
        %dma_wait3A_2149 = arith.constant 0 : i32
        %dma_wait3A_2150 = tpu.memref_slice %arg7[%dma_wait3A_2148, %dma_wait3A_2149] : memref<1600x32xf32, #tpu.memory_space<vmem>> -> memref<50x32xf32, #tpu.memory_space<vmem>>
        %dma_wait3A_2151 = arith.constant 0 : i32
        %dma_wait3A_2152 = arith.constant 0 : i32
        %dma_wait3A_2153 = tpu.memref_slice %arg4[%dma_wait3A_2147, %dma_wait3A_2151, %dma_wait3A_2152] : memref<16384x56x128xf32, #tpu.memory_space<hbm>> -> memref<1x50x32xf32, #tpu.memory_space<hbm>>
        %dma_wait3A_2154 = tpu.memref_squeeze %dma_wait3A_2153 : memref<1x50x32xf32, #tpu.memory_space<hbm>> -> memref<50x32xf32, #tpu.memory_space<hbm>>
        %dma_wait3A_2155 = arith.constant 0 : i32
        %dma_wait3A_2156 = arith.constant 0 : i32
        %dma_wait3A_2157 = tpu.memref_slice %arg4[%dma_wait3A_2147, %dma_wait3A_2155, %dma_wait3A_2156] : memref<16384x56x128xf32, #tpu.memory_space<hbm>> -> memref<1x50x32xf32, #tpu.memory_space<hbm>>
        %dma_wait3A_2158 = tpu.memref_squeeze %dma_wait3A_2157 : memref<1x50x32xf32, #tpu.memory_space<hbm>> -> memref<50x32xf32, #tpu.memory_space<hbm>>
        %dma_wait3A_2159 = arith.constant 0 : i32
        %dma_wait3A_2160 = arith.constant 0 : i32
        %dma_wait3A_2161 = tpu.memref_slice %arg7[%dma_wait3A_2159, %dma_wait3A_2160] : memref<1600x32xf32, #tpu.memory_space<vmem>> -> memref<50x32xf32, #tpu.memory_space<vmem>>
        tpu.wait_dma2 semaphore(%arg13 : memref<!tpu.dma_semaphore, #tpu.memory_space<semaphore_mem>>) src(%dma_wait3A_2161 : memref<50x32xf32, #tpu.memory_space<vmem>>) dst(%dma_wait3A_2158 : memref<50x32xf32, #tpu.memory_space<hbm>>)
        %dma_wait3A_2162 = arith.constant 0 : i32
        %dma_wait3A_2163 = arith.constant 0 : i32
        %dma_wait3A_2164 = arith.constant 0 : i32
        %dma_wait3A_2165 = tpu.memref_slice %arg7[%dma_wait3A_2163, %dma_wait3A_2164] : memref<1600x32xf32, #tpu.memory_space<vmem>> -> memref<50x32xf32, #tpu.memory_space<vmem>>
        %dma_wait3A_2166 = arith.constant 0 : i32
        %dma_wait3A_2167 = arith.constant 0 : i32
        %dma_wait3A_2168 = tpu.memref_slice %arg4[%dma_wait3A_2162, %dma_wait3A_2166, %dma_wait3A_2167] : memref<16384x56x128xf32, #tpu.memory_space<hbm>> -> memref<1x50x32xf32, #tpu.memory_space<hbm>>
        %dma_wait3A_2169 = tpu.memref_squeeze %dma_wait3A_2168 : memref<1x50x32xf32, #tpu.memory_space<hbm>> -> memref<50x32xf32, #tpu.memory_space<hbm>>
        %dma_wait3A_2170 = arith.constant 0 : i32
        %dma_wait3A_2171 = arith.constant 0 : i32
        %dma_wait3A_2172 = tpu.memref_slice %arg4[%dma_wait3A_2162, %dma_wait3A_2170, %dma_wait3A_2171] : memref<16384x56x128xf32, #tpu.memory_space<hbm>> -> memref<1x50x32xf32, #tpu.memory_space<hbm>>
        %dma_wait3A_2173 = tpu.memref_squeeze %dma_wait3A_2172 : memref<1x50x32xf32, #tpu.memory_space<hbm>> -> memref<50x32xf32, #tpu.memory_space<hbm>>
        %dma_wait3A_2174 = arith.constant 0 : i32
        %dma_wait3A_2175 = arith.constant 0 : i32
        %dma_wait3A_2176 = tpu.memref_slice %arg7[%dma_wait3A_2174, %dma_wait3A_2175] : memref<1600x32xf32, #tpu.memory_space<vmem>> -> memref<50x32xf32, #tpu.memory_space<vmem>>
        tpu.wait_dma2 semaphore(%arg13 : memref<!tpu.dma_semaphore, #tpu.memory_space<semaphore_mem>>) src(%dma_wait3A_2176 : memref<50x32xf32, #tpu.memory_space<vmem>>) dst(%dma_wait3A_2173 : memref<50x32xf32, #tpu.memory_space<hbm>>)
        %dma_wait3A_2177 = arith.constant 0 : i32
        %dma_wait3A_2178 = arith.constant 0 : i32
        %dma_wait3A_2179 = arith.constant 0 : i32
        %dma_wait3A_2180 = tpu.memref_slice %arg7[%dma_wait3A_2178, %dma_wait3A_2179] : memref<1600x32xf32, #tpu.memory_space<vmem>> -> memref<50x32xf32, #tpu.memory_space<vmem>>
        %dma_wait3A_2181 = arith.constant 0 : i32
        %dma_wait3A_2182 = arith.constant 0 : i32
        %dma_wait3A_2183 = tpu.memref_slice %arg4[%dma_wait3A_2177, %dma_wait3A_2181, %dma_wait3A_2182] : memref<16384x56x128xf32, #tpu.memory_space<hbm>> -> memref<1x50x32xf32, #tpu.memory_space<hbm>>
        %dma_wait3A_2184 = tpu.memref_squeeze %dma_wait3A_2183 : memref<1x50x32xf32, #tpu.memory_space<hbm>> -> memref<50x32xf32, #tpu.memory_space<hbm>>
        %dma_wait3A_2185 = arith.constant 0 : i32
        %dma_wait3A_2186 = arith.constant 0 : i32
        %dma_wait3A_2187 = tpu.memref_slice %arg4[%dma_wait3A_2177, %dma_wait3A_2185, %dma_wait3A_2186] : memref<16384x56x128xf32, #tpu.memory_space<hbm>> -> memref<1x50x32xf32, #tpu.memory_space<hbm>>
        %dma_wait3A_2188 = tpu.memref_squeeze %dma_wait3A_2187 : memref<1x50x32xf32, #tpu.memory_space<hbm>> -> memref<50x32xf32, #tpu.memory_space<hbm>>
        %dma_wait3A_2189 = arith.constant 0 : i32
        %dma_wait3A_2190 = arith.constant 0 : i32
        %dma_wait3A_2191 = tpu.memref_slice %arg7[%dma_wait3A_2189, %dma_wait3A_2190] : memref<1600x32xf32, #tpu.memory_space<vmem>> -> memref<50x32xf32, #tpu.memory_space<vmem>>
        tpu.wait_dma2 semaphore(%arg13 : memref<!tpu.dma_semaphore, #tpu.memory_space<semaphore_mem>>) src(%dma_wait3A_2191 : memref<50x32xf32, #tpu.memory_space<vmem>>) dst(%dma_wait3A_2188 : memref<50x32xf32, #tpu.memory_space<hbm>>)
        %dma_wait3A_2192 = arith.constant 0 : i32
        %dma_wait3A_2193 = arith.constant 0 : i32
        %dma_wait3A_2194 = arith.constant 0 : i32
        %dma_wait3A_2195 = tpu.memref_slice %arg7[%dma_wait3A_2193, %dma_wait3A_2194] : memref<1600x32xf32, #tpu.memory_space<vmem>> -> memref<50x32xf32, #tpu.memory_space<vmem>>
        %dma_wait3A_2196 = arith.constant 0 : i32
        %dma_wait3A_2197 = arith.constant 0 : i32
        %dma_wait3A_2198 = tpu.memref_slice %arg4[%dma_wait3A_2192, %dma_wait3A_2196, %dma_wait3A_2197] : memref<16384x56x128xf32, #tpu.memory_space<hbm>> -> memref<1x50x32xf32, #tpu.memory_space<hbm>>
        %dma_wait3A_2199 = tpu.memref_squeeze %dma_wait3A_2198 : memref<1x50x32xf32, #tpu.memory_space<hbm>> -> memref<50x32xf32, #tpu.memory_space<hbm>>
        %dma_wait3A_2200 = arith.constant 0 : i32
        %dma_wait3A_2201 = arith.constant 0 : i32
        %dma_wait3A_2202 = tpu.memref_slice %arg4[%dma_wait3A_2192, %dma_wait3A_2200, %dma_wait3A_2201] : memref<16384x56x128xf32, #tpu.memory_space<hbm>> -> memref<1x50x32xf32, #tpu.memory_space<hbm>>
        %dma_wait3A_2203 = tpu.memref_squeeze %dma_wait3A_2202 : memref<1x50x32xf32, #tpu.memory_space<hbm>> -> memref<50x32xf32, #tpu.memory_space<hbm>>
        %dma_wait3A_2204 = arith.constant 0 : i32
        %dma_wait3A_2205 = arith.constant 0 : i32
        %dma_wait3A_2206 = tpu.memref_slice %arg7[%dma_wait3A_2204, %dma_wait3A_2205] : memref<1600x32xf32, #tpu.memory_space<vmem>> -> memref<50x32xf32, #tpu.memory_space<vmem>>
        tpu.wait_dma2 semaphore(%arg13 : memref<!tpu.dma_semaphore, #tpu.memory_space<semaphore_mem>>) src(%dma_wait3A_2206 : memref<50x32xf32, #tpu.memory_space<vmem>>) dst(%dma_wait3A_2203 : memref<50x32xf32, #tpu.memory_space<hbm>>)
        %dma_wait3A_2207 = arith.constant 0 : i32
        %dma_wait3A_2208 = arith.constant 0 : i32
        %dma_wait3A_2209 = arith.constant 0 : i32
        %dma_wait3A_2210 = tpu.memref_slice %arg7[%dma_wait3A_2208, %dma_wait3A_2209] : memref<1600x32xf32, #tpu.memory_space<vmem>> -> memref<50x32xf32, #tpu.memory_space<vmem>>
        %dma_wait3A_2211 = arith.constant 0 : i32
        %dma_wait3A_2212 = arith.constant 0 : i32
        %dma_wait3A_2213 = tpu.memref_slice %arg4[%dma_wait3A_2207, %dma_wait3A_2211, %dma_wait3A_2212] : memref<16384x56x128xf32, #tpu.memory_space<hbm>> -> memref<1x50x32xf32, #tpu.memory_space<hbm>>
        %dma_wait3A_2214 = tpu.memref_squeeze %dma_wait3A_2213 : memref<1x50x32xf32, #tpu.memory_space<hbm>> -> memref<50x32xf32, #tpu.memory_space<hbm>>
        %dma_wait3A_2215 = arith.constant 0 : i32
        %dma_wait3A_2216 = arith.constant 0 : i32
        %dma_wait3A_2217 = tpu.memref_slice %arg4[%dma_wait3A_2207, %dma_wait3A_2215, %dma_wait3A_2216] : memref<16384x56x128xf32, #tpu.memory_space<hbm>> -> memref<1x50x32xf32, #tpu.memory_space<hbm>>
        %dma_wait3A_2218 = tpu.memref_squeeze %dma_wait3A_2217 : memref<1x50x32xf32, #tpu.memory_space<hbm>> -> memref<50x32xf32, #tpu.memory_space<hbm>>
        %dma_wait3A_2219 = arith.constant 0 : i32
        %dma_wait3A_2220 = arith.constant 0 : i32
        %dma_wait3A_2221 = tpu.memref_slice %arg7[%dma_wait3A_2219, %dma_wait3A_2220] : memref<1600x32xf32, #tpu.memory_space<vmem>> -> memref<50x32xf32, #tpu.memory_space<vmem>>
        tpu.wait_dma2 semaphore(%arg13 : memref<!tpu.dma_semaphore, #tpu.memory_space<semaphore_mem>>) src(%dma_wait3A_2221 : memref<50x32xf32, #tpu.memory_space<vmem>>) dst(%dma_wait3A_2218 : memref<50x32xf32, #tpu.memory_space<hbm>>)
        %dma_wait3A_2222 = arith.constant 0 : i32
        %dma_wait3A_2223 = arith.constant 0 : i32
        %dma_wait3A_2224 = arith.constant 0 : i32
        %dma_wait3A_2225 = tpu.memref_slice %arg7[%dma_wait3A_2223, %dma_wait3A_2224] : memref<1600x32xf32, #tpu.memory_space<vmem>> -> memref<50x32xf32, #tpu.memory_space<vmem>>
        %dma_wait3A_2226 = arith.constant 0 : i32
        %dma_wait3A_2227 = arith.constant 0 : i32
        %dma_wait3A_2228 = tpu.memref_slice %arg4[%dma_wait3A_2222, %dma_wait3A_2226, %dma_wait3A_2227] : memref<16384x56x128xf32, #tpu.memory_space<hbm>> -> memref<1x50x32xf32, #tpu.memory_space<hbm>>
        %dma_wait3A_2229 = tpu.memref_squeeze %dma_wait3A_2228 : memref<1x50x32xf32, #tpu.memory_space<hbm>> -> memref<50x32xf32, #tpu.memory_space<hbm>>
        %dma_wait3A_2230 = arith.constant 0 : i32
        %dma_wait3A_2231 = arith.constant 0 : i32
        %dma_wait3A_2232 = tpu.memref_slice %arg4[%dma_wait3A_2222, %dma_wait3A_2230, %dma_wait3A_2231] : memref<16384x56x128xf32, #tpu.memory_space<hbm>> -> memref<1x50x32xf32, #tpu.memory_space<hbm>>
        %dma_wait3A_2233 = tpu.memref_squeeze %dma_wait3A_2232 : memref<1x50x32xf32, #tpu.memory_space<hbm>> -> memref<50x32xf32, #tpu.memory_space<hbm>>
        %dma_wait3A_2234 = arith.constant 0 : i32
        %dma_wait3A_2235 = arith.constant 0 : i32
        %dma_wait3A_2236 = tpu.memref_slice %arg7[%dma_wait3A_2234, %dma_wait3A_2235] : memref<1600x32xf32, #tpu.memory_space<vmem>> -> memref<50x32xf32, #tpu.memory_space<vmem>>
        tpu.wait_dma2 semaphore(%arg13 : memref<!tpu.dma_semaphore, #tpu.memory_space<semaphore_mem>>) src(%dma_wait3A_2236 : memref<50x32xf32, #tpu.memory_space<vmem>>) dst(%dma_wait3A_2233 : memref<50x32xf32, #tpu.memory_space<hbm>>)
        %dma_wait3A_2237 = arith.constant 0 : i32
        %dma_wait3A_2238 = arith.constant 0 : i32
        %dma_wait3A_2239 = arith.constant 0 : i32
        %dma_wait3A_2240 = tpu.memref_slice %arg7[%dma_wait3A_2238, %dma_wait3A_2239] : memref<1600x32xf32, #tpu.memory_space<vmem>> -> memref<50x32xf32, #tpu.memory_space<vmem>>
        %dma_wait3A_2241 = arith.constant 0 : i32
        %dma_wait3A_2242 = arith.constant 0 : i32
        %dma_wait3A_2243 = tpu.memref_slice %arg4[%dma_wait3A_2237, %dma_wait3A_2241, %dma_wait3A_2242] : memref<16384x56x128xf32, #tpu.memory_space<hbm>> -> memref<1x50x32xf32, #tpu.memory_space<hbm>>
        %dma_wait3A_2244 = tpu.memref_squeeze %dma_wait3A_2243 : memref<1x50x32xf32, #tpu.memory_space<hbm>> -> memref<50x32xf32, #tpu.memory_space<hbm>>
        %dma_wait3A_2245 = arith.constant 0 : i32
        %dma_wait3A_2246 = arith.constant 0 : i32
        %dma_wait3A_2247 = tpu.memref_slice %arg4[%dma_wait3A_2237, %dma_wait3A_2245, %dma_wait3A_2246] : memref<16384x56x128xf32, #tpu.memory_space<hbm>> -> memref<1x50x32xf32, #tpu.memory_space<hbm>>
        %dma_wait3A_2248 = tpu.memref_squeeze %dma_wait3A_2247 : memref<1x50x32xf32, #tpu.memory_space<hbm>> -> memref<50x32xf32, #tpu.memory_space<hbm>>
        %dma_wait3A_2249 = arith.constant 0 : i32
        %dma_wait3A_2250 = arith.constant 0 : i32
        %dma_wait3A_2251 = tpu.memref_slice %arg7[%dma_wait3A_2249, %dma_wait3A_2250] : memref<1600x32xf32, #tpu.memory_space<vmem>> -> memref<50x32xf32, #tpu.memory_space<vmem>>
        tpu.wait_dma2 semaphore(%arg13 : memref<!tpu.dma_semaphore, #tpu.memory_space<semaphore_mem>>) src(%dma_wait3A_2251 : memref<50x32xf32, #tpu.memory_space<vmem>>) dst(%dma_wait3A_2248 : memref<50x32xf32, #tpu.memory_space<hbm>>)
        %dma_wait3A_2252 = arith.constant 0 : i32
        %dma_wait3A_2253 = arith.constant 0 : i32
        %dma_wait3A_2254 = arith.constant 0 : i32
        %dma_wait3A_2255 = tpu.memref_slice %arg7[%dma_wait3A_2253, %dma_wait3A_2254] : memref<1600x32xf32, #tpu.memory_space<vmem>> -> memref<50x32xf32, #tpu.memory_space<vmem>>
        %dma_wait3A_2256 = arith.constant 0 : i32
        %dma_wait3A_2257 = arith.constant 0 : i32
        %dma_wait3A_2258 = tpu.memref_slice %arg4[%dma_wait3A_2252, %dma_wait3A_2256, %dma_wait3A_2257] : memref<16384x56x128xf32, #tpu.memory_space<hbm>> -> memref<1x50x32xf32, #tpu.memory_space<hbm>>
        %dma_wait3A_2259 = tpu.memref_squeeze %dma_wait3A_2258 : memref<1x50x32xf32, #tpu.memory_space<hbm>> -> memref<50x32xf32, #tpu.memory_space<hbm>>
        %dma_wait3A_2260 = arith.constant 0 : i32
        %dma_wait3A_2261 = arith.constant 0 : i32
        %dma_wait3A_2262 = tpu.memref_slice %arg4[%dma_wait3A_2252, %dma_wait3A_2260, %dma_wait3A_2261] : memref<16384x56x128xf32, #tpu.memory_space<hbm>> -> memref<1x50x32xf32, #tpu.memory_space<hbm>>
        %dma_wait3A_2263 = tpu.memref_squeeze %dma_wait3A_2262 : memref<1x50x32xf32, #tpu.memory_space<hbm>> -> memref<50x32xf32, #tpu.memory_space<hbm>>
        %dma_wait3A_2264 = arith.constant 0 : i32
        %dma_wait3A_2265 = arith.constant 0 : i32
        %dma_wait3A_2266 = tpu.memref_slice %arg7[%dma_wait3A_2264, %dma_wait3A_2265] : memref<1600x32xf32, #tpu.memory_space<vmem>> -> memref<50x32xf32, #tpu.memory_space<vmem>>
        tpu.wait_dma2 semaphore(%arg13 : memref<!tpu.dma_semaphore, #tpu.memory_space<semaphore_mem>>) src(%dma_wait3A_2266 : memref<50x32xf32, #tpu.memory_space<vmem>>) dst(%dma_wait3A_2263 : memref<50x32xf32, #tpu.memory_space<hbm>>)
        %dma_wait3A_2267 = arith.constant 0 : i32
        %dma_wait3A_2268 = arith.constant 0 : i32
        %dma_wait3A_2269 = arith.constant 0 : i32
        %dma_wait3A_2270 = tpu.memref_slice %arg7[%dma_wait3A_2268, %dma_wait3A_2269] : memref<1600x32xf32, #tpu.memory_space<vmem>> -> memref<50x32xf32, #tpu.memory_space<vmem>>
        %dma_wait3A_2271 = arith.constant 0 : i32
        %dma_wait3A_2272 = arith.constant 0 : i32
        %dma_wait3A_2273 = tpu.memref_slice %arg4[%dma_wait3A_2267, %dma_wait3A_2271, %dma_wait3A_2272] : memref<16384x56x128xf32, #tpu.memory_space<hbm>> -> memref<1x50x32xf32, #tpu.memory_space<hbm>>
        %dma_wait3A_2274 = tpu.memref_squeeze %dma_wait3A_2273 : memref<1x50x32xf32, #tpu.memory_space<hbm>> -> memref<50x32xf32, #tpu.memory_space<hbm>>
        %dma_wait3A_2275 = arith.constant 0 : i32
        %dma_wait3A_2276 = arith.constant 0 : i32
        %dma_wait3A_2277 = tpu.memref_slice %arg4[%dma_wait3A_2267, %dma_wait3A_2275, %dma_wait3A_2276] : memref<16384x56x128xf32, #tpu.memory_space<hbm>> -> memref<1x50x32xf32, #tpu.memory_space<hbm>>
        %dma_wait3A_2278 = tpu.memref_squeeze %dma_wait3A_2277 : memref<1x50x32xf32, #tpu.memory_space<hbm>> -> memref<50x32xf32, #tpu.memory_space<hbm>>
        %dma_wait3A_2279 = arith.constant 0 : i32
        %dma_wait3A_2280 = arith.constant 0 : i32
        %dma_wait3A_2281 = tpu.memref_slice %arg7[%dma_wait3A_2279, %dma_wait3A_2280] : memref<1600x32xf32, #tpu.memory_space<vmem>> -> memref<50x32xf32, #tpu.memory_space<vmem>>
        tpu.wait_dma2 semaphore(%arg13 : memref<!tpu.dma_semaphore, #tpu.memory_space<semaphore_mem>>) src(%dma_wait3A_2281 : memref<50x32xf32, #tpu.memory_space<vmem>>) dst(%dma_wait3A_2278 : memref<50x32xf32, #tpu.memory_space<hbm>>)
        %dma_wait3A_2282 = arith.constant 0 : i32
        %dma_wait3A_2283 = arith.constant 0 : i32
        %dma_wait3A_2284 = arith.constant 0 : i32
        %dma_wait3A_2285 = tpu.memref_slice %arg7[%dma_wait3A_2283, %dma_wait3A_2284] : memref<1600x32xf32, #tpu.memory_space<vmem>> -> memref<50x32xf32, #tpu.memory_space<vmem>>
        %dma_wait3A_2286 = arith.constant 0 : i32
        %dma_wait3A_2287 = arith.constant 0 : i32
        %dma_wait3A_2288 = tpu.memref_slice %arg4[%dma_wait3A_2282, %dma_wait3A_2286, %dma_wait3A_2287] : memref<16384x56x128xf32, #tpu.memory_space<hbm>> -> memref<1x50x32xf32, #tpu.memory_space<hbm>>
        %dma_wait3A_2289 = tpu.memref_squeeze %dma_wait3A_2288 : memref<1x50x32xf32, #tpu.memory_space<hbm>> -> memref<50x32xf32, #tpu.memory_space<hbm>>
        %dma_wait3A_2290 = arith.constant 0 : i32
        %dma_wait3A_2291 = arith.constant 0 : i32
        %dma_wait3A_2292 = tpu.memref_slice %arg4[%dma_wait3A_2282, %dma_wait3A_2290, %dma_wait3A_2291] : memref<16384x56x128xf32, #tpu.memory_space<hbm>> -> memref<1x50x32xf32, #tpu.memory_space<hbm>>
        %dma_wait3A_2293 = tpu.memref_squeeze %dma_wait3A_2292 : memref<1x50x32xf32, #tpu.memory_space<hbm>> -> memref<50x32xf32, #tpu.memory_space<hbm>>
        %dma_wait3A_2294 = arith.constant 0 : i32
        %dma_wait3A_2295 = arith.constant 0 : i32
        %dma_wait3A_2296 = tpu.memref_slice %arg7[%dma_wait3A_2294, %dma_wait3A_2295] : memref<1600x32xf32, #tpu.memory_space<vmem>> -> memref<50x32xf32, #tpu.memory_space<vmem>>
        tpu.wait_dma2 semaphore(%arg13 : memref<!tpu.dma_semaphore, #tpu.memory_space<semaphore_mem>>) src(%dma_wait3A_2296 : memref<50x32xf32, #tpu.memory_space<vmem>>) dst(%dma_wait3A_2293 : memref<50x32xf32, #tpu.memory_space<hbm>>)
        %dma_wait3A_2297 = arith.constant 0 : i32
        %dma_wait3A_2298 = arith.constant 0 : i32
        %dma_wait3A_2299 = arith.constant 0 : i32
        %dma_wait3A_2300 = tpu.memref_slice %arg7[%dma_wait3A_2298, %dma_wait3A_2299] : memref<1600x32xf32, #tpu.memory_space<vmem>> -> memref<50x32xf32, #tpu.memory_space<vmem>>
        %dma_wait3A_2301 = arith.constant 0 : i32
        %dma_wait3A_2302 = arith.constant 0 : i32
        %dma_wait3A_2303 = tpu.memref_slice %arg4[%dma_wait3A_2297, %dma_wait3A_2301, %dma_wait3A_2302] : memref<16384x56x128xf32, #tpu.memory_space<hbm>> -> memref<1x50x32xf32, #tpu.memory_space<hbm>>
        %dma_wait3A_2304 = tpu.memref_squeeze %dma_wait3A_2303 : memref<1x50x32xf32, #tpu.memory_space<hbm>> -> memref<50x32xf32, #tpu.memory_space<hbm>>
        %dma_wait3A_2305 = arith.constant 0 : i32
        %dma_wait3A_2306 = arith.constant 0 : i32
        %dma_wait3A_2307 = tpu.memref_slice %arg4[%dma_wait3A_2297, %dma_wait3A_2305, %dma_wait3A_2306] : memref<16384x56x128xf32, #tpu.memory_space<hbm>> -> memref<1x50x32xf32, #tpu.memory_space<hbm>>
        %dma_wait3A_2308 = tpu.memref_squeeze %dma_wait3A_2307 : memref<1x50x32xf32, #tpu.memory_space<hbm>> -> memref<50x32xf32, #tpu.memory_space<hbm>>
        %dma_wait3A_2309 = arith.constant 0 : i32
        %dma_wait3A_2310 = arith.constant 0 : i32
        %dma_wait3A_2311 = tpu.memref_slice %arg7[%dma_wait3A_2309, %dma_wait3A_2310] : memref<1600x32xf32, #tpu.memory_space<vmem>> -> memref<50x32xf32, #tpu.memory_space<vmem>>
        tpu.wait_dma2 semaphore(%arg13 : memref<!tpu.dma_semaphore, #tpu.memory_space<semaphore_mem>>) src(%dma_wait3A_2311 : memref<50x32xf32, #tpu.memory_space<vmem>>) dst(%dma_wait3A_2308 : memref<50x32xf32, #tpu.memory_space<hbm>>)
        %dma_wait3A_2312 = arith.constant 0 : i32
        %dma_wait3A_2313 = arith.constant 0 : i32
        %dma_wait3A_2314 = arith.constant 0 : i32
        %dma_wait3A_2315 = tpu.memref_slice %arg7[%dma_wait3A_2313, %dma_wait3A_2314] : memref<1600x32xf32, #tpu.memory_space<vmem>> -> memref<50x32xf32, #tpu.memory_space<vmem>>
        %dma_wait3A_2316 = arith.constant 0 : i32
        %dma_wait3A_2317 = arith.constant 0 : i32
        %dma_wait3A_2318 = tpu.memref_slice %arg4[%dma_wait3A_2312, %dma_wait3A_2316, %dma_wait3A_2317] : memref<16384x56x128xf32, #tpu.memory_space<hbm>> -> memref<1x50x32xf32, #tpu.memory_space<hbm>>
        %dma_wait3A_2319 = tpu.memref_squeeze %dma_wait3A_2318 : memref<1x50x32xf32, #tpu.memory_space<hbm>> -> memref<50x32xf32, #tpu.memory_space<hbm>>
        %dma_wait3A_2320 = arith.constant 0 : i32
        %dma_wait3A_2321 = arith.constant 0 : i32
        %dma_wait3A_2322 = tpu.memref_slice %arg4[%dma_wait3A_2312, %dma_wait3A_2320, %dma_wait3A_2321] : memref<16384x56x128xf32, #tpu.memory_space<hbm>> -> memref<1x50x32xf32, #tpu.memory_space<hbm>>
        %dma_wait3A_2323 = tpu.memref_squeeze %dma_wait3A_2322 : memref<1x50x32xf32, #tpu.memory_space<hbm>> -> memref<50x32xf32, #tpu.memory_space<hbm>>
        %dma_wait3A_2324 = arith.constant 0 : i32
        %dma_wait3A_2325 = arith.constant 0 : i32
        %dma_wait3A_2326 = tpu.memref_slice %arg7[%dma_wait3A_2324, %dma_wait3A_2325] : memref<1600x32xf32, #tpu.memory_space<vmem>> -> memref<50x32xf32, #tpu.memory_space<vmem>>
        tpu.wait_dma2 semaphore(%arg13 : memref<!tpu.dma_semaphore, #tpu.memory_space<semaphore_mem>>) src(%dma_wait3A_2326 : memref<50x32xf32, #tpu.memory_space<vmem>>) dst(%dma_wait3A_2323 : memref<50x32xf32, #tpu.memory_space<hbm>>)
        %dma_wait3A_2327 = arith.constant 0 : i32
        %dma_wait3A_2328 = arith.constant 0 : i32
        %dma_wait3A_2329 = arith.constant 0 : i32
        %dma_wait3A_2330 = tpu.memref_slice %arg7[%dma_wait3A_2328, %dma_wait3A_2329] : memref<1600x32xf32, #tpu.memory_space<vmem>> -> memref<50x32xf32, #tpu.memory_space<vmem>>
        %dma_wait3A_2331 = arith.constant 0 : i32
        %dma_wait3A_2332 = arith.constant 0 : i32
        %dma_wait3A_2333 = tpu.memref_slice %arg4[%dma_wait3A_2327, %dma_wait3A_2331, %dma_wait3A_2332] : memref<16384x56x128xf32, #tpu.memory_space<hbm>> -> memref<1x50x32xf32, #tpu.memory_space<hbm>>
        %dma_wait3A_2334 = tpu.memref_squeeze %dma_wait3A_2333 : memref<1x50x32xf32, #tpu.memory_space<hbm>> -> memref<50x32xf32, #tpu.memory_space<hbm>>
        %dma_wait3A_2335 = arith.constant 0 : i32
        %dma_wait3A_2336 = arith.constant 0 : i32
        %dma_wait3A_2337 = tpu.memref_slice %arg4[%dma_wait3A_2327, %dma_wait3A_2335, %dma_wait3A_2336] : memref<16384x56x128xf32, #tpu.memory_space<hbm>> -> memref<1x50x32xf32, #tpu.memory_space<hbm>>
        %dma_wait3A_2338 = tpu.memref_squeeze %dma_wait3A_2337 : memref<1x50x32xf32, #tpu.memory_space<hbm>> -> memref<50x32xf32, #tpu.memory_space<hbm>>
        %dma_wait3A_2339 = arith.constant 0 : i32
        %dma_wait3A_2340 = arith.constant 0 : i32
        %dma_wait3A_2341 = tpu.memref_slice %arg7[%dma_wait3A_2339, %dma_wait3A_2340] : memref<1600x32xf32, #tpu.memory_space<vmem>> -> memref<50x32xf32, #tpu.memory_space<vmem>>
        tpu.wait_dma2 semaphore(%arg13 : memref<!tpu.dma_semaphore, #tpu.memory_space<semaphore_mem>>) src(%dma_wait3A_2341 : memref<50x32xf32, #tpu.memory_space<vmem>>) dst(%dma_wait3A_2338 : memref<50x32xf32, #tpu.memory_space<hbm>>)
        %dma_wait3A_2342 = arith.constant 0 : i32
        %dma_wait3A_2343 = arith.constant 0 : i32
        %dma_wait3A_2344 = arith.constant 0 : i32
        %dma_wait3A_2345 = tpu.memref_slice %arg7[%dma_wait3A_2343, %dma_wait3A_2344] : memref<1600x32xf32, #tpu.memory_space<vmem>> -> memref<50x32xf32, #tpu.memory_space<vmem>>
        %dma_wait3A_2346 = arith.constant 0 : i32
        %dma_wait3A_2347 = arith.constant 0 : i32
        %dma_wait3A_2348 = tpu.memref_slice %arg4[%dma_wait3A_2342, %dma_wait3A_2346, %dma_wait3A_2347] : memref<16384x56x128xf32, #tpu.memory_space<hbm>> -> memref<1x50x32xf32, #tpu.memory_space<hbm>>
        %dma_wait3A_2349 = tpu.memref_squeeze %dma_wait3A_2348 : memref<1x50x32xf32, #tpu.memory_space<hbm>> -> memref<50x32xf32, #tpu.memory_space<hbm>>
        %dma_wait3A_2350 = arith.constant 0 : i32
        %dma_wait3A_2351 = arith.constant 0 : i32
        %dma_wait3A_2352 = tpu.memref_slice %arg4[%dma_wait3A_2342, %dma_wait3A_2350, %dma_wait3A_2351] : memref<16384x56x128xf32, #tpu.memory_space<hbm>> -> memref<1x50x32xf32, #tpu.memory_space<hbm>>
        %dma_wait3A_2353 = tpu.memref_squeeze %dma_wait3A_2352 : memref<1x50x32xf32, #tpu.memory_space<hbm>> -> memref<50x32xf32, #tpu.memory_space<hbm>>
        %dma_wait3A_2354 = arith.constant 0 : i32
        %dma_wait3A_2355 = arith.constant 0 : i32
        %dma_wait3A_2356 = tpu.memref_slice %arg7[%dma_wait3A_2354, %dma_wait3A_2355] : memref<1600x32xf32, #tpu.memory_space<vmem>> -> memref<50x32xf32, #tpu.memory_space<vmem>>
        tpu.wait_dma2 semaphore(%arg13 : memref<!tpu.dma_semaphore, #tpu.memory_space<semaphore_mem>>) src(%dma_wait3A_2356 : memref<50x32xf32, #tpu.memory_space<vmem>>) dst(%dma_wait3A_2353 : memref<50x32xf32, #tpu.memory_space<hbm>>)
        %dma_wait3A_2357 = arith.constant 0 : i32
        %dma_wait3A_2358 = arith.constant 0 : i32
        %dma_wait3A_2359 = arith.constant 0 : i32
        %dma_wait3A_2360 = tpu.memref_slice %arg7[%dma_wait3A_2358, %dma_wait3A_2359] : memref<1600x32xf32, #tpu.memory_space<vmem>> -> memref<50x32xf32, #tpu.memory_space<vmem>>
        %dma_wait3A_2361 = arith.constant 0 : i32
        %dma_wait3A_2362 = arith.constant 0 : i32
        %dma_wait3A_2363 = tpu.memref_slice %arg4[%dma_wait3A_2357, %dma_wait3A_2361, %dma_wait3A_2362] : memref<16384x56x128xf32, #tpu.memory_space<hbm>> -> memref<1x50x32xf32, #tpu.memory_space<hbm>>
        %dma_wait3A_2364 = tpu.memref_squeeze %dma_wait3A_2363 : memref<1x50x32xf32, #tpu.memory_space<hbm>> -> memref<50x32xf32, #tpu.memory_space<hbm>>
        %dma_wait3A_2365 = arith.constant 0 : i32
        %dma_wait3A_2366 = arith.constant 0 : i32
        %dma_wait3A_2367 = tpu.memref_slice %arg4[%dma_wait3A_2357, %dma_wait3A_2365, %dma_wait3A_2366] : memref<16384x56x128xf32, #tpu.memory_space<hbm>> -> memref<1x50x32xf32, #tpu.memory_space<hbm>>
        %dma_wait3A_2368 = tpu.memref_squeeze %dma_wait3A_2367 : memref<1x50x32xf32, #tpu.memory_space<hbm>> -> memref<50x32xf32, #tpu.memory_space<hbm>>
        %dma_wait3A_2369 = arith.constant 0 : i32
        %dma_wait3A_2370 = arith.constant 0 : i32
        %dma_wait3A_2371 = tpu.memref_slice %arg7[%dma_wait3A_2369, %dma_wait3A_2370] : memref<1600x32xf32, #tpu.memory_space<vmem>> -> memref<50x32xf32, #tpu.memory_space<vmem>>
        tpu.wait_dma2 semaphore(%arg13 : memref<!tpu.dma_semaphore, #tpu.memory_space<semaphore_mem>>) src(%dma_wait3A_2371 : memref<50x32xf32, #tpu.memory_space<vmem>>) dst(%dma_wait3A_2368 : memref<50x32xf32, #tpu.memory_space<hbm>>)
        %dma_wait3A_2372 = arith.constant 0 : i32
        %dma_wait3A_2373 = arith.constant 0 : i32
        %dma_wait3A_2374 = arith.constant 0 : i32
        %dma_wait3A_2375 = tpu.memref_slice %arg7[%dma_wait3A_2373, %dma_wait3A_2374] : memref<1600x32xf32, #tpu.memory_space<vmem>> -> memref<50x32xf32, #tpu.memory_space<vmem>>
        %dma_wait3A_2376 = arith.constant 0 : i32
        %dma_wait3A_2377 = arith.constant 0 : i32
        %dma_wait3A_2378 = tpu.memref_slice %arg4[%dma_wait3A_2372, %dma_wait3A_2376, %dma_wait3A_2377] : memref<16384x56x128xf32, #tpu.memory_space<hbm>> -> memref<1x50x32xf32, #tpu.memory_space<hbm>>
        %dma_wait3A_2379 = tpu.memref_squeeze %dma_wait3A_2378 : memref<1x50x32xf32, #tpu.memory_space<hbm>> -> memref<50x32xf32, #tpu.memory_space<hbm>>
        %dma_wait3A_2380 = arith.constant 0 : i32
        %dma_wait3A_2381 = arith.constant 0 : i32
        %dma_wait3A_2382 = tpu.memref_slice %arg4[%dma_wait3A_2372, %dma_wait3A_2380, %dma_wait3A_2381] : memref<16384x56x128xf32, #tpu.memory_space<hbm>> -> memref<1x50x32xf32, #tpu.memory_space<hbm>>
        %dma_wait3A_2383 = tpu.memref_squeeze %dma_wait3A_2382 : memref<1x50x32xf32, #tpu.memory_space<hbm>> -> memref<50x32xf32, #tpu.memory_space<hbm>>
        %dma_wait3A_2384 = arith.constant 0 : i32
        %dma_wait3A_2385 = arith.constant 0 : i32
        %dma_wait3A_2386 = tpu.memref_slice %arg7[%dma_wait3A_2384, %dma_wait3A_2385] : memref<1600x32xf32, #tpu.memory_space<vmem>> -> memref<50x32xf32, #tpu.memory_space<vmem>>
        tpu.wait_dma2 semaphore(%arg13 : memref<!tpu.dma_semaphore, #tpu.memory_space<semaphore_mem>>) src(%dma_wait3A_2386 : memref<50x32xf32, #tpu.memory_space<vmem>>) dst(%dma_wait3A_2383 : memref<50x32xf32, #tpu.memory_space<hbm>>)
        %dma_wait3A_2387 = arith.constant 0 : i32
        %dma_wait3A_2388 = arith.constant 0 : i32
        %dma_wait3A_2389 = arith.constant 0 : i32
        %dma_wait3A_2390 = tpu.memref_slice %arg7[%dma_wait3A_2388, %dma_wait3A_2389] : memref<1600x32xf32, #tpu.memory_space<vmem>> -> memref<50x32xf32, #tpu.memory_space<vmem>>
        %dma_wait3A_2391 = arith.constant 0 : i32
        %dma_wait3A_2392 = arith.constant 0 : i32
        %dma_wait3A_2393 = tpu.memref_slice %arg4[%dma_wait3A_2387, %dma_wait3A_2391, %dma_wait3A_2392] : memref<16384x56x128xf32, #tpu.memory_space<hbm>> -> memref<1x50x32xf32, #tpu.memory_space<hbm>>
        %dma_wait3A_2394 = tpu.memref_squeeze %dma_wait3A_2393 : memref<1x50x32xf32, #tpu.memory_space<hbm>> -> memref<50x32xf32, #tpu.memory_space<hbm>>
        %dma_wait3A_2395 = arith.constant 0 : i32
        %dma_wait3A_2396 = arith.constant 0 : i32
        %dma_wait3A_2397 = tpu.memref_slice %arg4[%dma_wait3A_2387, %dma_wait3A_2395, %dma_wait3A_2396] : memref<16384x56x128xf32, #tpu.memory_space<hbm>> -> memref<1x50x32xf32, #tpu.memory_space<hbm>>
        %dma_wait3A_2398 = tpu.memref_squeeze %dma_wait3A_2397 : memref<1x50x32xf32, #tpu.memory_space<hbm>> -> memref<50x32xf32, #tpu.memory_space<hbm>>
        %dma_wait3A_2399 = arith.constant 0 : i32
        %dma_wait3A_2400 = arith.constant 0 : i32
        %dma_wait3A_2401 = tpu.memref_slice %arg7[%dma_wait3A_2399, %dma_wait3A_2400] : memref<1600x32xf32, #tpu.memory_space<vmem>> -> memref<50x32xf32, #tpu.memory_space<vmem>>
        tpu.wait_dma2 semaphore(%arg13 : memref<!tpu.dma_semaphore, #tpu.memory_space<semaphore_mem>>) src(%dma_wait3A_2401 : memref<50x32xf32, #tpu.memory_space<vmem>>) dst(%dma_wait3A_2398 : memref<50x32xf32, #tpu.memory_space<hbm>>)
        %dma_wait3A_2402 = arith.constant 0 : i32
        %dma_wait3A_2403 = arith.constant 0 : i32
        %dma_wait3A_2404 = arith.constant 0 : i32
        %dma_wait3A_2405 = tpu.memref_slice %arg7[%dma_wait3A_2403, %dma_wait3A_2404] : memref<1600x32xf32, #tpu.memory_space<vmem>> -> memref<50x32xf32, #tpu.memory_space<vmem>>
        %dma_wait3A_2406 = arith.constant 0 : i32
        %dma_wait3A_2407 = arith.constant 0 : i32
        %dma_wait3A_2408 = tpu.memref_slice %arg4[%dma_wait3A_2402, %dma_wait3A_2406, %dma_wait3A_2407] : memref<16384x56x128xf32, #tpu.memory_space<hbm>> -> memref<1x50x32xf32, #tpu.memory_space<hbm>>
        %dma_wait3A_2409 = tpu.memref_squeeze %dma_wait3A_2408 : memref<1x50x32xf32, #tpu.memory_space<hbm>> -> memref<50x32xf32, #tpu.memory_space<hbm>>
        %dma_wait3A_2410 = arith.constant 0 : i32
        %dma_wait3A_2411 = arith.constant 0 : i32
        %dma_wait3A_2412 = tpu.memref_slice %arg4[%dma_wait3A_2402, %dma_wait3A_2410, %dma_wait3A_2411] : memref<16384x56x128xf32, #tpu.memory_space<hbm>> -> memref<1x50x32xf32, #tpu.memory_space<hbm>>
        %dma_wait3A_2413 = tpu.memref_squeeze %dma_wait3A_2412 : memref<1x50x32xf32, #tpu.memory_space<hbm>> -> memref<50x32xf32, #tpu.memory_space<hbm>>
        %dma_wait3A_2414 = arith.constant 0 : i32
        %dma_wait3A_2415 = arith.constant 0 : i32
        %dma_wait3A_2416 = tpu.memref_slice %arg7[%dma_wait3A_2414, %dma_wait3A_2415] : memref<1600x32xf32, #tpu.memory_space<vmem>> -> memref<50x32xf32, #tpu.memory_space<vmem>>
        tpu.wait_dma2 semaphore(%arg13 : memref<!tpu.dma_semaphore, #tpu.memory_space<semaphore_mem>>) src(%dma_wait3A_2416 : memref<50x32xf32, #tpu.memory_space<vmem>>) dst(%dma_wait3A_2413 : memref<50x32xf32, #tpu.memory_space<hbm>>)
        %dma_wait3A_2417 = arith.constant 0 : i32
        %dma_wait3A_2418 = arith.constant 0 : i32
        %dma_wait3A_2419 = arith.constant 0 : i32
        %dma_wait3A_2420 = tpu.memref_slice %arg7[%dma_wait3A_2418, %dma_wait3A_2419] : memref<1600x32xf32, #tpu.memory_space<vmem>> -> memref<50x32xf32, #tpu.memory_space<vmem>>
        %dma_wait3A_2421 = arith.constant 0 : i32
        %dma_wait3A_2422 = arith.constant 0 : i32
        %dma_wait3A_2423 = tpu.memref_slice %arg4[%dma_wait3A_2417, %dma_wait3A_2421, %dma_wait3A_2422] : memref<16384x56x128xf32, #tpu.memory_space<hbm>> -> memref<1x50x32xf32, #tpu.memory_space<hbm>>
        %dma_wait3A_2424 = tpu.memref_squeeze %dma_wait3A_2423 : memref<1x50x32xf32, #tpu.memory_space<hbm>> -> memref<50x32xf32, #tpu.memory_space<hbm>>
        %dma_wait3A_2425 = arith.constant 0 : i32
        %dma_wait3A_2426 = arith.constant 0 : i32
        %dma_wait3A_2427 = tpu.memref_slice %arg4[%dma_wait3A_2417, %dma_wait3A_2425, %dma_wait3A_2426] : memref<16384x56x128xf32, #tpu.memory_space<hbm>> -> memref<1x50x32xf32, #tpu.memory_space<hbm>>
        %dma_wait3A_2428 = tpu.memref_squeeze %dma_wait3A_2427 : memref<1x50x32xf32, #tpu.memory_space<hbm>> -> memref<50x32xf32, #tpu.memory_space<hbm>>
        %dma_wait3A_2429 = arith.constant 0 : i32
        %dma_wait3A_2430 = arith.constant 0 : i32
        %dma_wait3A_2431 = tpu.memref_slice %arg7[%dma_wait3A_2429, %dma_wait3A_2430] : memref<1600x32xf32, #tpu.memory_space<vmem>> -> memref<50x32xf32, #tpu.memory_space<vmem>>
        tpu.wait_dma2 semaphore(%arg13 : memref<!tpu.dma_semaphore, #tpu.memory_space<semaphore_mem>>) src(%dma_wait3A_2431 : memref<50x32xf32, #tpu.memory_space<vmem>>) dst(%dma_wait3A_2428 : memref<50x32xf32, #tpu.memory_space<hbm>>)
        %dma_wait3A_2432 = arith.constant 0 : i32
        %dma_wait3A_2433 = arith.constant 0 : i32
        %dma_wait3A_2434 = arith.constant 0 : i32
        %dma_wait3A_2435 = tpu.memref_slice %arg7[%dma_wait3A_2433, %dma_wait3A_2434] : memref<1600x32xf32, #tpu.memory_space<vmem>> -> memref<50x32xf32, #tpu.memory_space<vmem>>
        %dma_wait3A_2436 = arith.constant 0 : i32
        %dma_wait3A_2437 = arith.constant 0 : i32
        %dma_wait3A_2438 = tpu.memref_slice %arg4[%dma_wait3A_2432, %dma_wait3A_2436, %dma_wait3A_2437] : memref<16384x56x128xf32, #tpu.memory_space<hbm>> -> memref<1x50x32xf32, #tpu.memory_space<hbm>>
        %dma_wait3A_2439 = tpu.memref_squeeze %dma_wait3A_2438 : memref<1x50x32xf32, #tpu.memory_space<hbm>> -> memref<50x32xf32, #tpu.memory_space<hbm>>
        %dma_wait3A_2440 = arith.constant 0 : i32
        %dma_wait3A_2441 = arith.constant 0 : i32
        %dma_wait3A_2442 = tpu.memref_slice %arg4[%dma_wait3A_2432, %dma_wait3A_2440, %dma_wait3A_2441] : memref<16384x56x128xf32, #tpu.memory_space<hbm>> -> memref<1x50x32xf32, #tpu.memory_space<hbm>>
        %dma_wait3A_2443 = tpu.memref_squeeze %dma_wait3A_2442 : memref<1x50x32xf32, #tpu.memory_space<hbm>> -> memref<50x32xf32, #tpu.memory_space<hbm>>
        %dma_wait3A_2444 = arith.constant 0 : i32
        %dma_wait3A_2445 = arith.constant 0 : i32
        %dma_wait3A_2446 = tpu.memref_slice %arg7[%dma_wait3A_2444, %dma_wait3A_2445] : memref<1600x32xf32, #tpu.memory_space<vmem>> -> memref<50x32xf32, #tpu.memory_space<vmem>>
        tpu.wait_dma2 semaphore(%arg13 : memref<!tpu.dma_semaphore, #tpu.memory_space<semaphore_mem>>) src(%dma_wait3A_2446 : memref<50x32xf32, #tpu.memory_space<vmem>>) dst(%dma_wait3A_2443 : memref<50x32xf32, #tpu.memory_space<hbm>>)
        %dma_wait3A_2447 = arith.constant 0 : i32
        %dma_wait3A_2448 = arith.constant 0 : i32
        %dma_wait3A_2449 = arith.constant 0 : i32
        %dma_wait3A_2450 = tpu.memref_slice %arg7[%dma_wait3A_2448, %dma_wait3A_2449] : memref<1600x32xf32, #tpu.memory_space<vmem>> -> memref<50x32xf32, #tpu.memory_space<vmem>>
        %dma_wait3A_2451 = arith.constant 0 : i32
        %dma_wait3A_2452 = arith.constant 0 : i32
        %dma_wait3A_2453 = tpu.memref_slice %arg4[%dma_wait3A_2447, %dma_wait3A_2451, %dma_wait3A_2452] : memref<16384x56x128xf32, #tpu.memory_space<hbm>> -> memref<1x50x32xf32, #tpu.memory_space<hbm>>
        %dma_wait3A_2454 = tpu.memref_squeeze %dma_wait3A_2453 : memref<1x50x32xf32, #tpu.memory_space<hbm>> -> memref<50x32xf32, #tpu.memory_space<hbm>>
        %dma_wait3A_2455 = arith.constant 0 : i32
        %dma_wait3A_2456 = arith.constant 0 : i32
        %dma_wait3A_2457 = tpu.memref_slice %arg4[%dma_wait3A_2447, %dma_wait3A_2455, %dma_wait3A_2456] : memref<16384x56x128xf32, #tpu.memory_space<hbm>> -> memref<1x50x32xf32, #tpu.memory_space<hbm>>
        %dma_wait3A_2458 = tpu.memref_squeeze %dma_wait3A_2457 : memref<1x50x32xf32, #tpu.memory_space<hbm>> -> memref<50x32xf32, #tpu.memory_space<hbm>>
        %dma_wait3A_2459 = arith.constant 0 : i32
        %dma_wait3A_2460 = arith.constant 0 : i32
        %dma_wait3A_2461 = tpu.memref_slice %arg7[%dma_wait3A_2459, %dma_wait3A_2460] : memref<1600x32xf32, #tpu.memory_space<vmem>> -> memref<50x32xf32, #tpu.memory_space<vmem>>
        tpu.wait_dma2 semaphore(%arg13 : memref<!tpu.dma_semaphore, #tpu.memory_space<semaphore_mem>>) src(%dma_wait3A_2461 : memref<50x32xf32, #tpu.memory_space<vmem>>) dst(%dma_wait3A_2458 : memref<50x32xf32, #tpu.memory_space<hbm>>)
        %dma_wait3A_2462 = arith.constant 0 : i32
        %dma_wait3A_2463 = arith.constant 0 : i32
        %dma_wait3A_2464 = arith.constant 0 : i32
        %dma_wait3A_2465 = tpu.memref_slice %arg7[%dma_wait3A_2463, %dma_wait3A_2464] : memref<1600x32xf32, #tpu.memory_space<vmem>> -> memref<50x32xf32, #tpu.memory_space<vmem>>
        %dma_wait3A_2466 = arith.constant 0 : i32
        %dma_wait3A_2467 = arith.constant 0 : i32
        %dma_wait3A_2468 = tpu.memref_slice %arg4[%dma_wait3A_2462, %dma_wait3A_2466, %dma_wait3A_2467] : memref<16384x56x128xf32, #tpu.memory_space<hbm>> -> memref<1x50x32xf32, #tpu.memory_space<hbm>>
        %dma_wait3A_2469 = tpu.memref_squeeze %dma_wait3A_2468 : memref<1x50x32xf32, #tpu.memory_space<hbm>> -> memref<50x32xf32, #tpu.memory_space<hbm>>
        %dma_wait3A_2470 = arith.constant 0 : i32
        %dma_wait3A_2471 = arith.constant 0 : i32
        %dma_wait3A_2472 = tpu.memref_slice %arg4[%dma_wait3A_2462, %dma_wait3A_2470, %dma_wait3A_2471] : memref<16384x56x128xf32, #tpu.memory_space<hbm>> -> memref<1x50x32xf32, #tpu.memory_space<hbm>>
        %dma_wait3A_2473 = tpu.memref_squeeze %dma_wait3A_2472 : memref<1x50x32xf32, #tpu.memory_space<hbm>> -> memref<50x32xf32, #tpu.memory_space<hbm>>
        %dma_wait3A_2474 = arith.constant 0 : i32
        %dma_wait3A_2475 = arith.constant 0 : i32
        %dma_wait3A_2476 = tpu.memref_slice %arg7[%dma_wait3A_2474, %dma_wait3A_2475] : memref<1600x32xf32, #tpu.memory_space<vmem>> -> memref<50x32xf32, #tpu.memory_space<vmem>>
        tpu.wait_dma2 semaphore(%arg13 : memref<!tpu.dma_semaphore, #tpu.memory_space<semaphore_mem>>) src(%dma_wait3A_2476 : memref<50x32xf32, #tpu.memory_space<vmem>>) dst(%dma_wait3A_2473 : memref<50x32xf32, #tpu.memory_space<hbm>>)
        %dma_wait3A_2477 = arith.constant 0 : i32
        %dma_wait3A_2478 = arith.constant 0 : i32
        %dma_wait3A_2479 = arith.constant 0 : i32
        %dma_wait3A_2480 = tpu.memref_slice %arg7[%dma_wait3A_2478, %dma_wait3A_2479] : memref<1600x32xf32, #tpu.memory_space<vmem>> -> memref<50x32xf32, #tpu.memory_space<vmem>>
        %dma_wait3A_2481 = arith.constant 0 : i32
        %dma_wait3A_2482 = arith.constant 0 : i32
        %dma_wait3A_2483 = tpu.memref_slice %arg4[%dma_wait3A_2477, %dma_wait3A_2481, %dma_wait3A_2482] : memref<16384x56x128xf32, #tpu.memory_space<hbm>> -> memref<1x50x32xf32, #tpu.memory_space<hbm>>
        %dma_wait3A_2484 = tpu.memref_squeeze %dma_wait3A_2483 : memref<1x50x32xf32, #tpu.memory_space<hbm>> -> memref<50x32xf32, #tpu.memory_space<hbm>>
        %dma_wait3A_2485 = arith.constant 0 : i32
        %dma_wait3A_2486 = arith.constant 0 : i32
        %dma_wait3A_2487 = tpu.memref_slice %arg4[%dma_wait3A_2477, %dma_wait3A_2485, %dma_wait3A_2486] : memref<16384x56x128xf32, #tpu.memory_space<hbm>> -> memref<1x50x32xf32, #tpu.memory_space<hbm>>
        %dma_wait3A_2488 = tpu.memref_squeeze %dma_wait3A_2487 : memref<1x50x32xf32, #tpu.memory_space<hbm>> -> memref<50x32xf32, #tpu.memory_space<hbm>>
        %dma_wait3A_2489 = arith.constant 0 : i32
        %dma_wait3A_2490 = arith.constant 0 : i32
        %dma_wait3A_2491 = tpu.memref_slice %arg7[%dma_wait3A_2489, %dma_wait3A_2490] : memref<1600x32xf32, #tpu.memory_space<vmem>> -> memref<50x32xf32, #tpu.memory_space<vmem>>
        tpu.wait_dma2 semaphore(%arg13 : memref<!tpu.dma_semaphore, #tpu.memory_space<semaphore_mem>>) src(%dma_wait3A_2491 : memref<50x32xf32, #tpu.memory_space<vmem>>) dst(%dma_wait3A_2488 : memref<50x32xf32, #tpu.memory_space<hbm>>)
        %dma_wait3A_2492 = arith.constant 0 : i32
        %dma_wait3A_2493 = arith.constant 0 : i32
        %dma_wait3A_2494 = arith.constant 0 : i32
        %dma_wait3A_2495 = tpu.memref_slice %arg7[%dma_wait3A_2493, %dma_wait3A_2494] : memref<1600x32xf32, #tpu.memory_space<vmem>> -> memref<50x32xf32, #tpu.memory_space<vmem>>
        %dma_wait3A_2496 = arith.constant 0 : i32
        %dma_wait3A_2497 = arith.constant 0 : i32
        %dma_wait3A_2498 = tpu.memref_slice %arg4[%dma_wait3A_2492, %dma_wait3A_2496, %dma_wait3A_2497] : memref<16384x56x128xf32, #tpu.memory_space<hbm>> -> memref<1x50x32xf32, #tpu.memory_space<hbm>>
        %dma_wait3A_2499 = tpu.memref_squeeze %dma_wait3A_2498 : memref<1x50x32xf32, #tpu.memory_space<hbm>> -> memref<50x32xf32, #tpu.memory_space<hbm>>
        %dma_wait3A_2500 = arith.constant 0 : i32
        %dma_wait3A_2501 = arith.constant 0 : i32
        %dma_wait3A_2502 = tpu.memref_slice %arg4[%dma_wait3A_2492, %dma_wait3A_2500, %dma_wait3A_2501] : memref<16384x56x128xf32, #tpu.memory_space<hbm>> -> memref<1x50x32xf32, #tpu.memory_space<hbm>>
        %dma_wait3A_2503 = tpu.memref_squeeze %dma_wait3A_2502 : memref<1x50x32xf32, #tpu.memory_space<hbm>> -> memref<50x32xf32, #tpu.memory_space<hbm>>
        %dma_wait3A_2504 = arith.constant 0 : i32
        %dma_wait3A_2505 = arith.constant 0 : i32
        %dma_wait3A_2506 = tpu.memref_slice %arg7[%dma_wait3A_2504, %dma_wait3A_2505] : memref<1600x32xf32, #tpu.memory_space<vmem>> -> memref<50x32xf32, #tpu.memory_space<vmem>>
        tpu.wait_dma2 semaphore(%arg13 : memref<!tpu.dma_semaphore, #tpu.memory_space<semaphore_mem>>) src(%dma_wait3A_2506 : memref<50x32xf32, #tpu.memory_space<vmem>>) dst(%dma_wait3A_2503 : memref<50x32xf32, #tpu.memory_space<hbm>>)
        %dma_wait3A_2507 = arith.constant 0 : i32
        %dma_wait3A_2508 = arith.constant 0 : i32
        %dma_wait3A_2509 = arith.constant 0 : i32
        %dma_wait3A_2510 = tpu.memref_slice %arg7[%dma_wait3A_2508, %dma_wait3A_2509] : memref<1600x32xf32, #tpu.memory_space<vmem>> -> memref<50x32xf32, #tpu.memory_space<vmem>>
        %dma_wait3A_2511 = arith.constant 0 : i32
        %dma_wait3A_2512 = arith.constant 0 : i32
        %dma_wait3A_2513 = tpu.memref_slice %arg4[%dma_wait3A_2507, %dma_wait3A_2511, %dma_wait3A_2512] : memref<16384x56x128xf32, #tpu.memory_space<hbm>> -> memref<1x50x32xf32, #tpu.memory_space<hbm>>
        %dma_wait3A_2514 = tpu.memref_squeeze %dma_wait3A_2513 : memref<1x50x32xf32, #tpu.memory_space<hbm>> -> memref<50x32xf32, #tpu.memory_space<hbm>>
        %dma_wait3A_2515 = arith.constant 0 : i32
        %dma_wait3A_2516 = arith.constant 0 : i32
        %dma_wait3A_2517 = tpu.memref_slice %arg4[%dma_wait3A_2507, %dma_wait3A_2515, %dma_wait3A_2516] : memref<16384x56x128xf32, #tpu.memory_space<hbm>> -> memref<1x50x32xf32, #tpu.memory_space<hbm>>
        %dma_wait3A_2518 = tpu.memref_squeeze %dma_wait3A_2517 : memref<1x50x32xf32, #tpu.memory_space<hbm>> -> memref<50x32xf32, #tpu.memory_space<hbm>>
        %dma_wait3A_2519 = arith.constant 0 : i32
        %dma_wait3A_2520 = arith.constant 0 : i32
        %dma_wait3A_2521 = tpu.memref_slice %arg7[%dma_wait3A_2519, %dma_wait3A_2520] : memref<1600x32xf32, #tpu.memory_space<vmem>> -> memref<50x32xf32, #tpu.memory_space<vmem>>
        tpu.wait_dma2 semaphore(%arg13 : memref<!tpu.dma_semaphore, #tpu.memory_space<semaphore_mem>>) src(%dma_wait3A_2521 : memref<50x32xf32, #tpu.memory_space<vmem>>) dst(%dma_wait3A_2518 : memref<50x32xf32, #tpu.memory_space<hbm>>)
        %dma_wait3A_2522 = arith.constant 0 : i32
        %dma_wait3A_2523 = arith.constant 0 : i32
        %dma_wait3A_2524 = arith.constant 0 : i32
        %dma_wait3A_2525 = tpu.memref_slice %arg7[%dma_wait3A_2523, %dma_wait3A_2524] : memref<1600x32xf32, #tpu.memory_space<vmem>> -> memref<50x32xf32, #tpu.memory_space<vmem>>
        %dma_wait3A_2526 = arith.constant 0 : i32
        %dma_wait3A_2527 = arith.constant 0 : i32
        %dma_wait3A_2528 = tpu.memref_slice %arg4[%dma_wait3A_2522, %dma_wait3A_2526, %dma_wait3A_2527] : memref<16384x56x128xf32, #tpu.memory_space<hbm>> -> memref<1x50x32xf32, #tpu.memory_space<hbm>>
        %dma_wait3A_2529 = tpu.memref_squeeze %dma_wait3A_2528 : memref<1x50x32xf32, #tpu.memory_space<hbm>> -> memref<50x32xf32, #tpu.memory_space<hbm>>
        %dma_wait3A_2530 = arith.constant 0 : i32
        %dma_wait3A_2531 = arith.constant 0 : i32
        %dma_wait3A_2532 = tpu.memref_slice %arg4[%dma_wait3A_2522, %dma_wait3A_2530, %dma_wait3A_2531] : memref<16384x56x128xf32, #tpu.memory_space<hbm>> -> memref<1x50x32xf32, #tpu.memory_space<hbm>>
        %dma_wait3A_2533 = tpu.memref_squeeze %dma_wait3A_2532 : memref<1x50x32xf32, #tpu.memory_space<hbm>> -> memref<50x32xf32, #tpu.memory_space<hbm>>
        %dma_wait3A_2534 = arith.constant 0 : i32
        %dma_wait3A_2535 = arith.constant 0 : i32
        %dma_wait3A_2536 = tpu.memref_slice %arg7[%dma_wait3A_2534, %dma_wait3A_2535] : memref<1600x32xf32, #tpu.memory_space<vmem>> -> memref<50x32xf32, #tpu.memory_space<vmem>>
        tpu.wait_dma2 semaphore(%arg13 : memref<!tpu.dma_semaphore, #tpu.memory_space<semaphore_mem>>) src(%dma_wait3A_2536 : memref<50x32xf32, #tpu.memory_space<vmem>>) dst(%dma_wait3A_2533 : memref<50x32xf32, #tpu.memory_space<hbm>>)
      } else {
      }
      %dma_start3A_992 = arith.constant 0 : i32
      %dma_start3A_993 = arith.constant 0 : i32
      %dma_start3A_994 = tpu.memref_slice %arg3[%dma_start3A_992, %dma_start3A_993] : memref<1000000x32xf32, #tpu.memory_space<hbm>> -> memref<1000000x32xf32, #tpu.memory_space<hbm>>
      tpu.enqueue_indirect_dma source(%dma_start3A_994 : memref<1000000x32xf32, #tpu.memory_space<hbm>>) target(%arg7 : memref<1600x32xf32, #tpu.memory_space<vmem>>) offsets(%arg5 : memref<1600xi32, #tpu.memory_space<vmem>>) semaphore(%arg11 : memref<!tpu.dma_semaphore, #tpu.memory_space<semaphore_mem>>)
      %dma_wait3A_995 = arith.constant 0 : i32
      %dma_wait3A_996 = arith.constant 0 : i32
      %dma_wait3A_997 = tpu.memref_slice %arg3[%dma_wait3A_995, %dma_wait3A_996] : memref<1000000x32xf32, #tpu.memory_space<hbm>> -> memref<1000000x32xf32, #tpu.memory_space<hbm>>
      tpu.wait_indirect_dma semaphore(%arg11 : memref<!tpu.dma_semaphore, #tpu.memory_space<semaphore_mem>>) src(%dma_wait3A_997 : memref<1000000x32xf32, #tpu.memory_space<hbm>>) dst(%arg7 : memref<1600x32xf32, #tpu.memory_space<vmem>>)
      %add3A_998 = arith.constant 0 : i32
      %add3A_999 = arith.addi %add3A_985, %add3A_998 : i32
      %dma_start3A_1000 = arith.constant 0 : i32
      %dma_start3A_1001 = arith.constant 0 : i32
      %dma_start3A_1002 = tpu.memref_slice %arg7[%dma_start3A_1000, %dma_start3A_1001] : memref<1600x32xf32, #tpu.memory_space<vmem>> -> memref<50x32xf32, #tpu.memory_space<vmem>>
      %dma_start3A_1003 = arith.constant 0 : i32
      %dma_start3A_1004 = arith.constant 0 : i32
      %dma_start3A_1005 = tpu.memref_slice %arg4[%add3A_999, %dma_start3A_1003, %dma_start3A_1004] : memref<16384x56x128xf32, #tpu.memory_space<hbm>> -> memref<1x50x32xf32, #tpu.memory_space<hbm>>
      %dma_start3A_1006 = tpu.memref_squeeze %dma_start3A_1005 : memref<1x50x32xf32, #tpu.memory_space<hbm>> -> memref<50x32xf32, #tpu.memory_space<hbm>>
      %dma_start3A_1007 = arith.constant 0 : i32
      %dma_start3A_1008 = arith.constant 0 : i32
      %dma_start3A_1009 = tpu.memref_slice %arg4[%add3A_999, %dma_start3A_1007, %dma_start3A_1008] : memref<16384x56x128xf32, #tpu.memory_space<hbm>> -> memref<1x50x32xf32, #tpu.memory_space<hbm>>
      %dma_start3A_1010 = tpu.memref_squeeze %dma_start3A_1009 : memref<1x50x32xf32, #tpu.memory_space<hbm>> -> memref<50x32xf32, #tpu.memory_space<hbm>>
      %dma_start3A_1011 = arith.constant 0 : i32
      %dma_start3A_1012 = arith.constant 0 : i32
      %dma_start3A_1013 = tpu.memref_slice %arg7[%dma_start3A_1011, %dma_start3A_1012] : memref<1600x32xf32, #tpu.memory_space<vmem>> -> memref<50x32xf32, #tpu.memory_space<vmem>>
      tpu.enqueue_dma source(%dma_start3A_1013 : memref<50x32xf32, #tpu.memory_space<vmem>>) target(%dma_start3A_1010 : memref<50x32xf32, #tpu.memory_space<hbm>>) target_semaphore(%arg13 : memref<!tpu.dma_semaphore, #tpu.memory_space<semaphore_mem>>)
      %add3A_1014 = arith.constant 1 : i32
      %add3A_1015 = arith.addi %add3A_985, %add3A_1014 : i32
      %dma_start3A_1016 = arith.constant 50 : i32
      %dma_start3A_1017 = arith.constant 0 : i32
      %dma_start3A_1018 = tpu.memref_slice %arg7[%dma_start3A_1016, %dma_start3A_1017] : memref<1600x32xf32, #tpu.memory_space<vmem>> -> memref<50x32xf32, #tpu.memory_space<vmem>>
      %dma_start3A_1019 = arith.constant 0 : i32
      %dma_start3A_1020 = arith.constant 0 : i32
      %dma_start3A_1021 = tpu.memref_slice %arg4[%add3A_1015, %dma_start3A_1019, %dma_start3A_1020] : memref<16384x56x128xf32, #tpu.memory_space<hbm>> -> memref<1x50x32xf32, #tpu.memory_space<hbm>>
      %dma_start3A_1022 = tpu.memref_squeeze %dma_start3A_1021 : memref<1x50x32xf32, #tpu.memory_space<hbm>> -> memref<50x32xf32, #tpu.memory_space<hbm>>
      %dma_start3A_1023 = arith.constant 0 : i32
      %dma_start3A_1024 = arith.constant 0 : i32
      %dma_start3A_1025 = tpu.memref_slice %arg4[%add3A_1015, %dma_start3A_1023, %dma_start3A_1024] : memref<16384x56x128xf32, #tpu.memory_space<hbm>> -> memref<1x50x32xf32, #tpu.memory_space<hbm>>
      %dma_start3A_1026 = tpu.memref_squeeze %dma_start3A_1025 : memref<1x50x32xf32, #tpu.memory_space<hbm>> -> memref<50x32xf32, #tpu.memory_space<hbm>>
      %dma_start3A_1027 = arith.constant 50 : i32
      %dma_start3A_1028 = arith.constant 0 : i32
      %dma_start3A_1029 = tpu.memref_slice %arg7[%dma_start3A_1027, %dma_start3A_1028] : memref<1600x32xf32, #tpu.memory_space<vmem>> -> memref<50x32xf32, #tpu.memory_space<vmem>>
      tpu.enqueue_dma source(%dma_start3A_1029 : memref<50x32xf32, #tpu.memory_space<vmem>>) target(%dma_start3A_1026 : memref<50x32xf32, #tpu.memory_space<hbm>>) target_semaphore(%arg13 : memref<!tpu.dma_semaphore, #tpu.memory_space<semaphore_mem>>)
      %add3A_1030 = arith.constant 2 : i32
      %add3A_1031 = arith.addi %add3A_985, %add3A_1030 : i32
      %dma_start3A_1032 = arith.constant 100 : i32
      %dma_start3A_1033 = arith.constant 0 : i32
      %dma_start3A_1034 = tpu.memref_slice %arg7[%dma_start3A_1032, %dma_start3A_1033] : memref<1600x32xf32, #tpu.memory_space<vmem>> -> memref<50x32xf32, #tpu.memory_space<vmem>>
      %dma_start3A_1035 = arith.constant 0 : i32
      %dma_start3A_1036 = arith.constant 0 : i32
      %dma_start3A_1037 = tpu.memref_slice %arg4[%add3A_1031, %dma_start3A_1035, %dma_start3A_1036] : memref<16384x56x128xf32, #tpu.memory_space<hbm>> -> memref<1x50x32xf32, #tpu.memory_space<hbm>>
      %dma_start3A_1038 = tpu.memref_squeeze %dma_start3A_1037 : memref<1x50x32xf32, #tpu.memory_space<hbm>> -> memref<50x32xf32, #tpu.memory_space<hbm>>
      %dma_start3A_1039 = arith.constant 0 : i32
      %dma_start3A_1040 = arith.constant 0 : i32
      %dma_start3A_1041 = tpu.memref_slice %arg4[%add3A_1031, %dma_start3A_1039, %dma_start3A_1040] : memref<16384x56x128xf32, #tpu.memory_space<hbm>> -> memref<1x50x32xf32, #tpu.memory_space<hbm>>
      %dma_start3A_1042 = tpu.memref_squeeze %dma_start3A_1041 : memref<1x50x32xf32, #tpu.memory_space<hbm>> -> memref<50x32xf32, #tpu.memory_space<hbm>>
      %dma_start3A_1043 = arith.constant 100 : i32
      %dma_start3A_1044 = arith.constant 0 : i32
      %dma_start3A_1045 = tpu.memref_slice %arg7[%dma_start3A_1043, %dma_start3A_1044] : memref<1600x32xf32, #tpu.memory_space<vmem>> -> memref<50x32xf32, #tpu.memory_space<vmem>>
      tpu.enqueue_dma source(%dma_start3A_1045 : memref<50x32xf32, #tpu.memory_space<vmem>>) target(%dma_start3A_1042 : memref<50x32xf32, #tpu.memory_space<hbm>>) target_semaphore(%arg13 : memref<!tpu.dma_semaphore, #tpu.memory_space<semaphore_mem>>)
      %add3A_1046 = arith.constant 3 : i32
      %add3A_1047 = arith.addi %add3A_985, %add3A_1046 : i32
      %dma_start3A_1048 = arith.constant 150 : i32
      %dma_start3A_1049 = arith.constant 0 : i32
      %dma_start3A_1050 = tpu.memref_slice %arg7[%dma_start3A_1048, %dma_start3A_1049] : memref<1600x32xf32, #tpu.memory_space<vmem>> -> memref<50x32xf32, #tpu.memory_space<vmem>>
      %dma_start3A_1051 = arith.constant 0 : i32
      %dma_start3A_1052 = arith.constant 0 : i32
      %dma_start3A_1053 = tpu.memref_slice %arg4[%add3A_1047, %dma_start3A_1051, %dma_start3A_1052] : memref<16384x56x128xf32, #tpu.memory_space<hbm>> -> memref<1x50x32xf32, #tpu.memory_space<hbm>>
      %dma_start3A_1054 = tpu.memref_squeeze %dma_start3A_1053 : memref<1x50x32xf32, #tpu.memory_space<hbm>> -> memref<50x32xf32, #tpu.memory_space<hbm>>
      %dma_start3A_1055 = arith.constant 0 : i32
      %dma_start3A_1056 = arith.constant 0 : i32
      %dma_start3A_1057 = tpu.memref_slice %arg4[%add3A_1047, %dma_start3A_1055, %dma_start3A_1056] : memref<16384x56x128xf32, #tpu.memory_space<hbm>> -> memref<1x50x32xf32, #tpu.memory_space<hbm>>
      %dma_start3A_1058 = tpu.memref_squeeze %dma_start3A_1057 : memref<1x50x32xf32, #tpu.memory_space<hbm>> -> memref<50x32xf32, #tpu.memory_space<hbm>>
      %dma_start3A_1059 = arith.constant 150 : i32
      %dma_start3A_1060 = arith.constant 0 : i32
      %dma_start3A_1061 = tpu.memref_slice %arg7[%dma_start3A_1059, %dma_start3A_1060] : memref<1600x32xf32, #tpu.memory_space<vmem>> -> memref<50x32xf32, #tpu.memory_space<vmem>>
      tpu.enqueue_dma source(%dma_start3A_1061 : memref<50x32xf32, #tpu.memory_space<vmem>>) target(%dma_start3A_1058 : memref<50x32xf32, #tpu.memory_space<hbm>>) target_semaphore(%arg13 : memref<!tpu.dma_semaphore, #tpu.memory_space<semaphore_mem>>)
      %add3A_1062 = arith.constant 4 : i32
      %add3A_1063 = arith.addi %add3A_985, %add3A_1062 : i32
      %dma_start3A_1064 = arith.constant 200 : i32
      %dma_start3A_1065 = arith.constant 0 : i32
      %dma_start3A_1066 = tpu.memref_slice %arg7[%dma_start3A_1064, %dma_start3A_1065] : memref<1600x32xf32, #tpu.memory_space<vmem>> -> memref<50x32xf32, #tpu.memory_space<vmem>>
      %dma_start3A_1067 = arith.constant 0 : i32
      %dma_start3A_1068 = arith.constant 0 : i32
      %dma_start3A_1069 = tpu.memref_slice %arg4[%add3A_1063, %dma_start3A_1067, %dma_start3A_1068] : memref<16384x56x128xf32, #tpu.memory_space<hbm>> -> memref<1x50x32xf32, #tpu.memory_space<hbm>>
      %dma_start3A_1070 = tpu.memref_squeeze %dma_start3A_1069 : memref<1x50x32xf32, #tpu.memory_space<hbm>> -> memref<50x32xf32, #tpu.memory_space<hbm>>
      %dma_start3A_1071 = arith.constant 0 : i32
      %dma_start3A_1072 = arith.constant 0 : i32
      %dma_start3A_1073 = tpu.memref_slice %arg4[%add3A_1063, %dma_start3A_1071, %dma_start3A_1072] : memref<16384x56x128xf32, #tpu.memory_space<hbm>> -> memref<1x50x32xf32, #tpu.memory_space<hbm>>
      %dma_start3A_1074 = tpu.memref_squeeze %dma_start3A_1073 : memref<1x50x32xf32, #tpu.memory_space<hbm>> -> memref<50x32xf32, #tpu.memory_space<hbm>>
      %dma_start3A_1075 = arith.constant 200 : i32
      %dma_start3A_1076 = arith.constant 0 : i32
      %dma_start3A_1077 = tpu.memref_slice %arg7[%dma_start3A_1075, %dma_start3A_1076] : memref<1600x32xf32, #tpu.memory_space<vmem>> -> memref<50x32xf32, #tpu.memory_space<vmem>>
      tpu.enqueue_dma source(%dma_start3A_1077 : memref<50x32xf32, #tpu.memory_space<vmem>>) target(%dma_start3A_1074 : memref<50x32xf32, #tpu.memory_space<hbm>>) target_semaphore(%arg13 : memref<!tpu.dma_semaphore, #tpu.memory_space<semaphore_mem>>)
      %add3A_1078 = arith.constant 5 : i32
      %add3A_1079 = arith.addi %add3A_985, %add3A_1078 : i32
      %dma_start3A_1080 = arith.constant 250 : i32
      %dma_start3A_1081 = arith.constant 0 : i32
      %dma_start3A_1082 = tpu.memref_slice %arg7[%dma_start3A_1080, %dma_start3A_1081] : memref<1600x32xf32, #tpu.memory_space<vmem>> -> memref<50x32xf32, #tpu.memory_space<vmem>>
      %dma_start3A_1083 = arith.constant 0 : i32
      %dma_start3A_1084 = arith.constant 0 : i32
      %dma_start3A_1085 = tpu.memref_slice %arg4[%add3A_1079, %dma_start3A_1083, %dma_start3A_1084] : memref<16384x56x128xf32, #tpu.memory_space<hbm>> -> memref<1x50x32xf32, #tpu.memory_space<hbm>>
      %dma_start3A_1086 = tpu.memref_squeeze %dma_start3A_1085 : memref<1x50x32xf32, #tpu.memory_space<hbm>> -> memref<50x32xf32, #tpu.memory_space<hbm>>
      %dma_start3A_1087 = arith.constant 0 : i32
      %dma_start3A_1088 = arith.constant 0 : i32
      %dma_start3A_1089 = tpu.memref_slice %arg4[%add3A_1079, %dma_start3A_1087, %dma_start3A_1088] : memref<16384x56x128xf32, #tpu.memory_space<hbm>> -> memref<1x50x32xf32, #tpu.memory_space<hbm>>
      %dma_start3A_1090 = tpu.memref_squeeze %dma_start3A_1089 : memref<1x50x32xf32, #tpu.memory_space<hbm>> -> memref<50x32xf32, #tpu.memory_space<hbm>>
      %dma_start3A_1091 = arith.constant 250 : i32
      %dma_start3A_1092 = arith.constant 0 : i32
      %dma_start3A_1093 = tpu.memref_slice %arg7[%dma_start3A_1091, %dma_start3A_1092] : memref<1600x32xf32, #tpu.memory_space<vmem>> -> memref<50x32xf32, #tpu.memory_space<vmem>>
      tpu.enqueue_dma source(%dma_start3A_1093 : memref<50x32xf32, #tpu.memory_space<vmem>>) target(%dma_start3A_1090 : memref<50x32xf32, #tpu.memory_space<hbm>>) target_semaphore(%arg13 : memref<!tpu.dma_semaphore, #tpu.memory_space<semaphore_mem>>)
      %add3A_1094 = arith.constant 6 : i32
      %add3A_1095 = arith.addi %add3A_985, %add3A_1094 : i32
      %dma_start3A_1096 = arith.constant 300 : i32
      %dma_start3A_1097 = arith.constant 0 : i32
      %dma_start3A_1098 = tpu.memref_slice %arg7[%dma_start3A_1096, %dma_start3A_1097] : memref<1600x32xf32, #tpu.memory_space<vmem>> -> memref<50x32xf32, #tpu.memory_space<vmem>>
      %dma_start3A_1099 = arith.constant 0 : i32
      %dma_start3A_1100 = arith.constant 0 : i32
      %dma_start3A_1101 = tpu.memref_slice %arg4[%add3A_1095, %dma_start3A_1099, %dma_start3A_1100] : memref<16384x56x128xf32, #tpu.memory_space<hbm>> -> memref<1x50x32xf32, #tpu.memory_space<hbm>>
      %dma_start3A_1102 = tpu.memref_squeeze %dma_start3A_1101 : memref<1x50x32xf32, #tpu.memory_space<hbm>> -> memref<50x32xf32, #tpu.memory_space<hbm>>
      %dma_start3A_1103 = arith.constant 0 : i32
      %dma_start3A_1104 = arith.constant 0 : i32
      %dma_start3A_1105 = tpu.memref_slice %arg4[%add3A_1095, %dma_start3A_1103, %dma_start3A_1104] : memref<16384x56x128xf32, #tpu.memory_space<hbm>> -> memref<1x50x32xf32, #tpu.memory_space<hbm>>
      %dma_start3A_1106 = tpu.memref_squeeze %dma_start3A_1105 : memref<1x50x32xf32, #tpu.memory_space<hbm>> -> memref<50x32xf32, #tpu.memory_space<hbm>>
      %dma_start3A_1107 = arith.constant 300 : i32
      %dma_start3A_1108 = arith.constant 0 : i32
      %dma_start3A_1109 = tpu.memref_slice %arg7[%dma_start3A_1107, %dma_start3A_1108] : memref<1600x32xf32, #tpu.memory_space<vmem>> -> memref<50x32xf32, #tpu.memory_space<vmem>>
      tpu.enqueue_dma source(%dma_start3A_1109 : memref<50x32xf32, #tpu.memory_space<vmem>>) target(%dma_start3A_1106 : memref<50x32xf32, #tpu.memory_space<hbm>>) target_semaphore(%arg13 : memref<!tpu.dma_semaphore, #tpu.memory_space<semaphore_mem>>)
      %add3A_1110 = arith.constant 7 : i32
      %add3A_1111 = arith.addi %add3A_985, %add3A_1110 : i32
      %dma_start3A_1112 = arith.constant 350 : i32
      %dma_start3A_1113 = arith.constant 0 : i32
      %dma_start3A_1114 = tpu.memref_slice %arg7[%dma_start3A_1112, %dma_start3A_1113] : memref<1600x32xf32, #tpu.memory_space<vmem>> -> memref<50x32xf32, #tpu.memory_space<vmem>>
      %dma_start3A_1115 = arith.constant 0 : i32
      %dma_start3A_1116 = arith.constant 0 : i32
      %dma_start3A_1117 = tpu.memref_slice %arg4[%add3A_1111, %dma_start3A_1115, %dma_start3A_1116] : memref<16384x56x128xf32, #tpu.memory_space<hbm>> -> memref<1x50x32xf32, #tpu.memory_space<hbm>>
      %dma_start3A_1118 = tpu.memref_squeeze %dma_start3A_1117 : memref<1x50x32xf32, #tpu.memory_space<hbm>> -> memref<50x32xf32, #tpu.memory_space<hbm>>
      %dma_start3A_1119 = arith.constant 0 : i32
      %dma_start3A_1120 = arith.constant 0 : i32
      %dma_start3A_1121 = tpu.memref_slice %arg4[%add3A_1111, %dma_start3A_1119, %dma_start3A_1120] : memref<16384x56x128xf32, #tpu.memory_space<hbm>> -> memref<1x50x32xf32, #tpu.memory_space<hbm>>
      %dma_start3A_1122 = tpu.memref_squeeze %dma_start3A_1121 : memref<1x50x32xf32, #tpu.memory_space<hbm>> -> memref<50x32xf32, #tpu.memory_space<hbm>>
      %dma_start3A_1123 = arith.constant 350 : i32
      %dma_start3A_1124 = arith.constant 0 : i32
      %dma_start3A_1125 = tpu.memref_slice %arg7[%dma_start3A_1123, %dma_start3A_1124] : memref<1600x32xf32, #tpu.memory_space<vmem>> -> memref<50x32xf32, #tpu.memory_space<vmem>>
      tpu.enqueue_dma source(%dma_start3A_1125 : memref<50x32xf32, #tpu.memory_space<vmem>>) target(%dma_start3A_1122 : memref<50x32xf32, #tpu.memory_space<hbm>>) target_semaphore(%arg13 : memref<!tpu.dma_semaphore, #tpu.memory_space<semaphore_mem>>)
      %add3A_1126 = arith.constant 8 : i32
      %add3A_1127 = arith.addi %add3A_985, %add3A_1126 : i32
      %dma_start3A_1128 = arith.constant 400 : i32
      %dma_start3A_1129 = arith.constant 0 : i32
      %dma_start3A_1130 = tpu.memref_slice %arg7[%dma_start3A_1128, %dma_start3A_1129] : memref<1600x32xf32, #tpu.memory_space<vmem>> -> memref<50x32xf32, #tpu.memory_space<vmem>>
      %dma_start3A_1131 = arith.constant 0 : i32
      %dma_start3A_1132 = arith.constant 0 : i32
      %dma_start3A_1133 = tpu.memref_slice %arg4[%add3A_1127, %dma_start3A_1131, %dma_start3A_1132] : memref<16384x56x128xf32, #tpu.memory_space<hbm>> -> memref<1x50x32xf32, #tpu.memory_space<hbm>>
      %dma_start3A_1134 = tpu.memref_squeeze %dma_start3A_1133 : memref<1x50x32xf32, #tpu.memory_space<hbm>> -> memref<50x32xf32, #tpu.memory_space<hbm>>
      %dma_start3A_1135 = arith.constant 0 : i32
      %dma_start3A_1136 = arith.constant 0 : i32
      %dma_start3A_1137 = tpu.memref_slice %arg4[%add3A_1127, %dma_start3A_1135, %dma_start3A_1136] : memref<16384x56x128xf32, #tpu.memory_space<hbm>> -> memref<1x50x32xf32, #tpu.memory_space<hbm>>
      %dma_start3A_1138 = tpu.memref_squeeze %dma_start3A_1137 : memref<1x50x32xf32, #tpu.memory_space<hbm>> -> memref<50x32xf32, #tpu.memory_space<hbm>>
      %dma_start3A_1139 = arith.constant 400 : i32
      %dma_start3A_1140 = arith.constant 0 : i32
      %dma_start3A_1141 = tpu.memref_slice %arg7[%dma_start3A_1139, %dma_start3A_1140] : memref<1600x32xf32, #tpu.memory_space<vmem>> -> memref<50x32xf32, #tpu.memory_space<vmem>>
      tpu.enqueue_dma source(%dma_start3A_1141 : memref<50x32xf32, #tpu.memory_space<vmem>>) target(%dma_start3A_1138 : memref<50x32xf32, #tpu.memory_space<hbm>>) target_semaphore(%arg13 : memref<!tpu.dma_semaphore, #tpu.memory_space<semaphore_mem>>)
      %add3A_1142 = arith.constant 9 : i32
      %add3A_1143 = arith.addi %add3A_985, %add3A_1142 : i32
      %dma_start3A_1144 = arith.constant 450 : i32
      %dma_start3A_1145 = arith.constant 0 : i32
      %dma_start3A_1146 = tpu.memref_slice %arg7[%dma_start3A_1144, %dma_start3A_1145] : memref<1600x32xf32, #tpu.memory_space<vmem>> -> memref<50x32xf32, #tpu.memory_space<vmem>>
      %dma_start3A_1147 = arith.constant 0 : i32
      %dma_start3A_1148 = arith.constant 0 : i32
      %dma_start3A_1149 = tpu.memref_slice %arg4[%add3A_1143, %dma_start3A_1147, %dma_start3A_1148] : memref<16384x56x128xf32, #tpu.memory_space<hbm>> -> memref<1x50x32xf32, #tpu.memory_space<hbm>>
      %dma_start3A_1150 = tpu.memref_squeeze %dma_start3A_1149 : memref<1x50x32xf32, #tpu.memory_space<hbm>> -> memref<50x32xf32, #tpu.memory_space<hbm>>
      %dma_start3A_1151 = arith.constant 0 : i32
      %dma_start3A_1152 = arith.constant 0 : i32
      %dma_start3A_1153 = tpu.memref_slice %arg4[%add3A_1143, %dma_start3A_1151, %dma_start3A_1152] : memref<16384x56x128xf32, #tpu.memory_space<hbm>> -> memref<1x50x32xf32, #tpu.memory_space<hbm>>
      %dma_start3A_1154 = tpu.memref_squeeze %dma_start3A_1153 : memref<1x50x32xf32, #tpu.memory_space<hbm>> -> memref<50x32xf32, #tpu.memory_space<hbm>>
      %dma_start3A_1155 = arith.constant 450 : i32
      %dma_start3A_1156 = arith.constant 0 : i32
      %dma_start3A_1157 = tpu.memref_slice %arg7[%dma_start3A_1155, %dma_start3A_1156] : memref<1600x32xf32, #tpu.memory_space<vmem>> -> memref<50x32xf32, #tpu.memory_space<vmem>>
      tpu.enqueue_dma source(%dma_start3A_1157 : memref<50x32xf32, #tpu.memory_space<vmem>>) target(%dma_start3A_1154 : memref<50x32xf32, #tpu.memory_space<hbm>>) target_semaphore(%arg13 : memref<!tpu.dma_semaphore, #tpu.memory_space<semaphore_mem>>)
      %add3A_1158 = arith.constant 10 : i32
      %add3A_1159 = arith.addi %add3A_985, %add3A_1158 : i32
      %dma_start3A_1160 = arith.constant 500 : i32
      %dma_start3A_1161 = arith.constant 0 : i32
      %dma_start3A_1162 = tpu.memref_slice %arg7[%dma_start3A_1160, %dma_start3A_1161] : memref<1600x32xf32, #tpu.memory_space<vmem>> -> memref<50x32xf32, #tpu.memory_space<vmem>>
      %dma_start3A_1163 = arith.constant 0 : i32
      %dma_start3A_1164 = arith.constant 0 : i32
      %dma_start3A_1165 = tpu.memref_slice %arg4[%add3A_1159, %dma_start3A_1163, %dma_start3A_1164] : memref<16384x56x128xf32, #tpu.memory_space<hbm>> -> memref<1x50x32xf32, #tpu.memory_space<hbm>>
      %dma_start3A_1166 = tpu.memref_squeeze %dma_start3A_1165 : memref<1x50x32xf32, #tpu.memory_space<hbm>> -> memref<50x32xf32, #tpu.memory_space<hbm>>
      %dma_start3A_1167 = arith.constant 0 : i32
      %dma_start3A_1168 = arith.constant 0 : i32
      %dma_start3A_1169 = tpu.memref_slice %arg4[%add3A_1159, %dma_start3A_1167, %dma_start3A_1168] : memref<16384x56x128xf32, #tpu.memory_space<hbm>> -> memref<1x50x32xf32, #tpu.memory_space<hbm>>
      %dma_start3A_1170 = tpu.memref_squeeze %dma_start3A_1169 : memref<1x50x32xf32, #tpu.memory_space<hbm>> -> memref<50x32xf32, #tpu.memory_space<hbm>>
      %dma_start3A_1171 = arith.constant 500 : i32
      %dma_start3A_1172 = arith.constant 0 : i32
      %dma_start3A_1173 = tpu.memref_slice %arg7[%dma_start3A_1171, %dma_start3A_1172] : memref<1600x32xf32, #tpu.memory_space<vmem>> -> memref<50x32xf32, #tpu.memory_space<vmem>>
      tpu.enqueue_dma source(%dma_start3A_1173 : memref<50x32xf32, #tpu.memory_space<vmem>>) target(%dma_start3A_1170 : memref<50x32xf32, #tpu.memory_space<hbm>>) target_semaphore(%arg13 : memref<!tpu.dma_semaphore, #tpu.memory_space<semaphore_mem>>)
      %add3A_1174 = arith.constant 11 : i32
      %add3A_1175 = arith.addi %add3A_985, %add3A_1174 : i32
      %dma_start3A_1176 = arith.constant 550 : i32
      %dma_start3A_1177 = arith.constant 0 : i32
      %dma_start3A_1178 = tpu.memref_slice %arg7[%dma_start3A_1176, %dma_start3A_1177] : memref<1600x32xf32, #tpu.memory_space<vmem>> -> memref<50x32xf32, #tpu.memory_space<vmem>>
      %dma_start3A_1179 = arith.constant 0 : i32
      %dma_start3A_1180 = arith.constant 0 : i32
      %dma_start3A_1181 = tpu.memref_slice %arg4[%add3A_1175, %dma_start3A_1179, %dma_start3A_1180] : memref<16384x56x128xf32, #tpu.memory_space<hbm>> -> memref<1x50x32xf32, #tpu.memory_space<hbm>>
      %dma_start3A_1182 = tpu.memref_squeeze %dma_start3A_1181 : memref<1x50x32xf32, #tpu.memory_space<hbm>> -> memref<50x32xf32, #tpu.memory_space<hbm>>
      %dma_start3A_1183 = arith.constant 0 : i32
      %dma_start3A_1184 = arith.constant 0 : i32
      %dma_start3A_1185 = tpu.memref_slice %arg4[%add3A_1175, %dma_start3A_1183, %dma_start3A_1184] : memref<16384x56x128xf32, #tpu.memory_space<hbm>> -> memref<1x50x32xf32, #tpu.memory_space<hbm>>
      %dma_start3A_1186 = tpu.memref_squeeze %dma_start3A_1185 : memref<1x50x32xf32, #tpu.memory_space<hbm>> -> memref<50x32xf32, #tpu.memory_space<hbm>>
      %dma_start3A_1187 = arith.constant 550 : i32
      %dma_start3A_1188 = arith.constant 0 : i32
      %dma_start3A_1189 = tpu.memref_slice %arg7[%dma_start3A_1187, %dma_start3A_1188] : memref<1600x32xf32, #tpu.memory_space<vmem>> -> memref<50x32xf32, #tpu.memory_space<vmem>>
      tpu.enqueue_dma source(%dma_start3A_1189 : memref<50x32xf32, #tpu.memory_space<vmem>>) target(%dma_start3A_1186 : memref<50x32xf32, #tpu.memory_space<hbm>>) target_semaphore(%arg13 : memref<!tpu.dma_semaphore, #tpu.memory_space<semaphore_mem>>)
      %add3A_1190 = arith.constant 12 : i32
      %add3A_1191 = arith.addi %add3A_985, %add3A_1190 : i32
      %dma_start3A_1192 = arith.constant 600 : i32
      %dma_start3A_1193 = arith.constant 0 : i32
      %dma_start3A_1194 = tpu.memref_slice %arg7[%dma_start3A_1192, %dma_start3A_1193] : memref<1600x32xf32, #tpu.memory_space<vmem>> -> memref<50x32xf32, #tpu.memory_space<vmem>>
      %dma_start3A_1195 = arith.constant 0 : i32
      %dma_start3A_1196 = arith.constant 0 : i32
      %dma_start3A_1197 = tpu.memref_slice %arg4[%add3A_1191, %dma_start3A_1195, %dma_start3A_1196] : memref<16384x56x128xf32, #tpu.memory_space<hbm>> -> memref<1x50x32xf32, #tpu.memory_space<hbm>>
      %dma_start3A_1198 = tpu.memref_squeeze %dma_start3A_1197 : memref<1x50x32xf32, #tpu.memory_space<hbm>> -> memref<50x32xf32, #tpu.memory_space<hbm>>
      %dma_start3A_1199 = arith.constant 0 : i32
      %dma_start3A_1200 = arith.constant 0 : i32
      %dma_start3A_1201 = tpu.memref_slice %arg4[%add3A_1191, %dma_start3A_1199, %dma_start3A_1200] : memref<16384x56x128xf32, #tpu.memory_space<hbm>> -> memref<1x50x32xf32, #tpu.memory_space<hbm>>
      %dma_start3A_1202 = tpu.memref_squeeze %dma_start3A_1201 : memref<1x50x32xf32, #tpu.memory_space<hbm>> -> memref<50x32xf32, #tpu.memory_space<hbm>>
      %dma_start3A_1203 = arith.constant 600 : i32
      %dma_start3A_1204 = arith.constant 0 : i32
      %dma_start3A_1205 = tpu.memref_slice %arg7[%dma_start3A_1203, %dma_start3A_1204] : memref<1600x32xf32, #tpu.memory_space<vmem>> -> memref<50x32xf32, #tpu.memory_space<vmem>>
      tpu.enqueue_dma source(%dma_start3A_1205 : memref<50x32xf32, #tpu.memory_space<vmem>>) target(%dma_start3A_1202 : memref<50x32xf32, #tpu.memory_space<hbm>>) target_semaphore(%arg13 : memref<!tpu.dma_semaphore, #tpu.memory_space<semaphore_mem>>)
      %add3A_1206 = arith.constant 13 : i32
      %add3A_1207 = arith.addi %add3A_985, %add3A_1206 : i32
      %dma_start3A_1208 = arith.constant 650 : i32
      %dma_start3A_1209 = arith.constant 0 : i32
      %dma_start3A_1210 = tpu.memref_slice %arg7[%dma_start3A_1208, %dma_start3A_1209] : memref<1600x32xf32, #tpu.memory_space<vmem>> -> memref<50x32xf32, #tpu.memory_space<vmem>>
      %dma_start3A_1211 = arith.constant 0 : i32
      %dma_start3A_1212 = arith.constant 0 : i32
      %dma_start3A_1213 = tpu.memref_slice %arg4[%add3A_1207, %dma_start3A_1211, %dma_start3A_1212] : memref<16384x56x128xf32, #tpu.memory_space<hbm>> -> memref<1x50x32xf32, #tpu.memory_space<hbm>>
      %dma_start3A_1214 = tpu.memref_squeeze %dma_start3A_1213 : memref<1x50x32xf32, #tpu.memory_space<hbm>> -> memref<50x32xf32, #tpu.memory_space<hbm>>
      %dma_start3A_1215 = arith.constant 0 : i32
      %dma_start3A_1216 = arith.constant 0 : i32
      %dma_start3A_1217 = tpu.memref_slice %arg4[%add3A_1207, %dma_start3A_1215, %dma_start3A_1216] : memref<16384x56x128xf32, #tpu.memory_space<hbm>> -> memref<1x50x32xf32, #tpu.memory_space<hbm>>
      %dma_start3A_1218 = tpu.memref_squeeze %dma_start3A_1217 : memref<1x50x32xf32, #tpu.memory_space<hbm>> -> memref<50x32xf32, #tpu.memory_space<hbm>>
      %dma_start3A_1219 = arith.constant 650 : i32
      %dma_start3A_1220 = arith.constant 0 : i32
      %dma_start3A_1221 = tpu.memref_slice %arg7[%dma_start3A_1219, %dma_start3A_1220] : memref<1600x32xf32, #tpu.memory_space<vmem>> -> memref<50x32xf32, #tpu.memory_space<vmem>>
      tpu.enqueue_dma source(%dma_start3A_1221 : memref<50x32xf32, #tpu.memory_space<vmem>>) target(%dma_start3A_1218 : memref<50x32xf32, #tpu.memory_space<hbm>>) target_semaphore(%arg13 : memref<!tpu.dma_semaphore, #tpu.memory_space<semaphore_mem>>)
      %add3A_1222 = arith.constant 14 : i32
      %add3A_1223 = arith.addi %add3A_985, %add3A_1222 : i32
      %dma_start3A_1224 = arith.constant 700 : i32
      %dma_start3A_1225 = arith.constant 0 : i32
      %dma_start3A_1226 = tpu.memref_slice %arg7[%dma_start3A_1224, %dma_start3A_1225] : memref<1600x32xf32, #tpu.memory_space<vmem>> -> memref<50x32xf32, #tpu.memory_space<vmem>>
      %dma_start3A_1227 = arith.constant 0 : i32
      %dma_start3A_1228 = arith.constant 0 : i32
      %dma_start3A_1229 = tpu.memref_slice %arg4[%add3A_1223, %dma_start3A_1227, %dma_start3A_1228] : memref<16384x56x128xf32, #tpu.memory_space<hbm>> -> memref<1x50x32xf32, #tpu.memory_space<hbm>>
      %dma_start3A_1230 = tpu.memref_squeeze %dma_start3A_1229 : memref<1x50x32xf32, #tpu.memory_space<hbm>> -> memref<50x32xf32, #tpu.memory_space<hbm>>
      %dma_start3A_1231 = arith.constant 0 : i32
      %dma_start3A_1232 = arith.constant 0 : i32
      %dma_start3A_1233 = tpu.memref_slice %arg4[%add3A_1223, %dma_start3A_1231, %dma_start3A_1232] : memref<16384x56x128xf32, #tpu.memory_space<hbm>> -> memref<1x50x32xf32, #tpu.memory_space<hbm>>
      %dma_start3A_1234 = tpu.memref_squeeze %dma_start3A_1233 : memref<1x50x32xf32, #tpu.memory_space<hbm>> -> memref<50x32xf32, #tpu.memory_space<hbm>>
      %dma_start3A_1235 = arith.constant 700 : i32
      %dma_start3A_1236 = arith.constant 0 : i32
      %dma_start3A_1237 = tpu.memref_slice %arg7[%dma_start3A_1235, %dma_start3A_1236] : memref<1600x32xf32, #tpu.memory_space<vmem>> -> memref<50x32xf32, #tpu.memory_space<vmem>>
      tpu.enqueue_dma source(%dma_start3A_1237 : memref<50x32xf32, #tpu.memory_space<vmem>>) target(%dma_start3A_1234 : memref<50x32xf32, #tpu.memory_space<hbm>>) target_semaphore(%arg13 : memref<!tpu.dma_semaphore, #tpu.memory_space<semaphore_mem>>)
      %add3A_1238 = arith.constant 15 : i32
      %add3A_1239 = arith.addi %add3A_985, %add3A_1238 : i32
      %dma_start3A_1240 = arith.constant 750 : i32
      %dma_start3A_1241 = arith.constant 0 : i32
      %dma_start3A_1242 = tpu.memref_slice %arg7[%dma_start3A_1240, %dma_start3A_1241] : memref<1600x32xf32, #tpu.memory_space<vmem>> -> memref<50x32xf32, #tpu.memory_space<vmem>>
      %dma_start3A_1243 = arith.constant 0 : i32
      %dma_start3A_1244 = arith.constant 0 : i32
      %dma_start3A_1245 = tpu.memref_slice %arg4[%add3A_1239, %dma_start3A_1243, %dma_start3A_1244] : memref<16384x56x128xf32, #tpu.memory_space<hbm>> -> memref<1x50x32xf32, #tpu.memory_space<hbm>>
      %dma_start3A_1246 = tpu.memref_squeeze %dma_start3A_1245 : memref<1x50x32xf32, #tpu.memory_space<hbm>> -> memref<50x32xf32, #tpu.memory_space<hbm>>
      %dma_start3A_1247 = arith.constant 0 : i32
      %dma_start3A_1248 = arith.constant 0 : i32
      %dma_start3A_1249 = tpu.memref_slice %arg4[%add3A_1239, %dma_start3A_1247, %dma_start3A_1248] : memref<16384x56x128xf32, #tpu.memory_space<hbm>> -> memref<1x50x32xf32, #tpu.memory_space<hbm>>
      %dma_start3A_1250 = tpu.memref_squeeze %dma_start3A_1249 : memref<1x50x32xf32, #tpu.memory_space<hbm>> -> memref<50x32xf32, #tpu.memory_space<hbm>>
      %dma_start3A_1251 = arith.constant 750 : i32
      %dma_start3A_1252 = arith.constant 0 : i32
      %dma_start3A_1253 = tpu.memref_slice %arg7[%dma_start3A_1251, %dma_start3A_1252] : memref<1600x32xf32, #tpu.memory_space<vmem>> -> memref<50x32xf32, #tpu.memory_space<vmem>>
      tpu.enqueue_dma source(%dma_start3A_1253 : memref<50x32xf32, #tpu.memory_space<vmem>>) target(%dma_start3A_1250 : memref<50x32xf32, #tpu.memory_space<hbm>>) target_semaphore(%arg13 : memref<!tpu.dma_semaphore, #tpu.memory_space<semaphore_mem>>)
      %add3A_1254 = arith.constant 16 : i32
      %add3A_1255 = arith.addi %add3A_985, %add3A_1254 : i32
      %dma_start3A_1256 = arith.constant 800 : i32
      %dma_start3A_1257 = arith.constant 0 : i32
      %dma_start3A_1258 = tpu.memref_slice %arg7[%dma_start3A_1256, %dma_start3A_1257] : memref<1600x32xf32, #tpu.memory_space<vmem>> -> memref<50x32xf32, #tpu.memory_space<vmem>>
      %dma_start3A_1259 = arith.constant 0 : i32
      %dma_start3A_1260 = arith.constant 0 : i32
      %dma_start3A_1261 = tpu.memref_slice %arg4[%add3A_1255, %dma_start3A_1259, %dma_start3A_1260] : memref<16384x56x128xf32, #tpu.memory_space<hbm>> -> memref<1x50x32xf32, #tpu.memory_space<hbm>>
      %dma_start3A_1262 = tpu.memref_squeeze %dma_start3A_1261 : memref<1x50x32xf32, #tpu.memory_space<hbm>> -> memref<50x32xf32, #tpu.memory_space<hbm>>
      %dma_start3A_1263 = arith.constant 0 : i32
      %dma_start3A_1264 = arith.constant 0 : i32
      %dma_start3A_1265 = tpu.memref_slice %arg4[%add3A_1255, %dma_start3A_1263, %dma_start3A_1264] : memref<16384x56x128xf32, #tpu.memory_space<hbm>> -> memref<1x50x32xf32, #tpu.memory_space<hbm>>
      %dma_start3A_1266 = tpu.memref_squeeze %dma_start3A_1265 : memref<1x50x32xf32, #tpu.memory_space<hbm>> -> memref<50x32xf32, #tpu.memory_space<hbm>>
      %dma_start3A_1267 = arith.constant 800 : i32
      %dma_start3A_1268 = arith.constant 0 : i32
      %dma_start3A_1269 = tpu.memref_slice %arg7[%dma_start3A_1267, %dma_start3A_1268] : memref<1600x32xf32, #tpu.memory_space<vmem>> -> memref<50x32xf32, #tpu.memory_space<vmem>>
      tpu.enqueue_dma source(%dma_start3A_1269 : memref<50x32xf32, #tpu.memory_space<vmem>>) target(%dma_start3A_1266 : memref<50x32xf32, #tpu.memory_space<hbm>>) target_semaphore(%arg13 : memref<!tpu.dma_semaphore, #tpu.memory_space<semaphore_mem>>)
      %add3A_1270 = arith.constant 17 : i32
      %add3A_1271 = arith.addi %add3A_985, %add3A_1270 : i32
      %dma_start3A_1272 = arith.constant 850 : i32
      %dma_start3A_1273 = arith.constant 0 : i32
      %dma_start3A_1274 = tpu.memref_slice %arg7[%dma_start3A_1272, %dma_start3A_1273] : memref<1600x32xf32, #tpu.memory_space<vmem>> -> memref<50x32xf32, #tpu.memory_space<vmem>>
      %dma_start3A_1275 = arith.constant 0 : i32
      %dma_start3A_1276 = arith.constant 0 : i32
      %dma_start3A_1277 = tpu.memref_slice %arg4[%add3A_1271, %dma_start3A_1275, %dma_start3A_1276] : memref<16384x56x128xf32, #tpu.memory_space<hbm>> -> memref<1x50x32xf32, #tpu.memory_space<hbm>>
      %dma_start3A_1278 = tpu.memref_squeeze %dma_start3A_1277 : memref<1x50x32xf32, #tpu.memory_space<hbm>> -> memref<50x32xf32, #tpu.memory_space<hbm>>
      %dma_start3A_1279 = arith.constant 0 : i32
      %dma_start3A_1280 = arith.constant 0 : i32
      %dma_start3A_1281 = tpu.memref_slice %arg4[%add3A_1271, %dma_start3A_1279, %dma_start3A_1280] : memref<16384x56x128xf32, #tpu.memory_space<hbm>> -> memref<1x50x32xf32, #tpu.memory_space<hbm>>
      %dma_start3A_1282 = tpu.memref_squeeze %dma_start3A_1281 : memref<1x50x32xf32, #tpu.memory_space<hbm>> -> memref<50x32xf32, #tpu.memory_space<hbm>>
      %dma_start3A_1283 = arith.constant 850 : i32
      %dma_start3A_1284 = arith.constant 0 : i32
      %dma_start3A_1285 = tpu.memref_slice %arg7[%dma_start3A_1283, %dma_start3A_1284] : memref<1600x32xf32, #tpu.memory_space<vmem>> -> memref<50x32xf32, #tpu.memory_space<vmem>>
      tpu.enqueue_dma source(%dma_start3A_1285 : memref<50x32xf32, #tpu.memory_space<vmem>>) target(%dma_start3A_1282 : memref<50x32xf32, #tpu.memory_space<hbm>>) target_semaphore(%arg13 : memref<!tpu.dma_semaphore, #tpu.memory_space<semaphore_mem>>)
      %add3A_1286 = arith.constant 18 : i32
      %add3A_1287 = arith.addi %add3A_985, %add3A_1286 : i32
      %dma_start3A_1288 = arith.constant 900 : i32
      %dma_start3A_1289 = arith.constant 0 : i32
      %dma_start3A_1290 = tpu.memref_slice %arg7[%dma_start3A_1288, %dma_start3A_1289] : memref<1600x32xf32, #tpu.memory_space<vmem>> -> memref<50x32xf32, #tpu.memory_space<vmem>>
      %dma_start3A_1291 = arith.constant 0 : i32
      %dma_start3A_1292 = arith.constant 0 : i32
      %dma_start3A_1293 = tpu.memref_slice %arg4[%add3A_1287, %dma_start3A_1291, %dma_start3A_1292] : memref<16384x56x128xf32, #tpu.memory_space<hbm>> -> memref<1x50x32xf32, #tpu.memory_space<hbm>>
      %dma_start3A_1294 = tpu.memref_squeeze %dma_start3A_1293 : memref<1x50x32xf32, #tpu.memory_space<hbm>> -> memref<50x32xf32, #tpu.memory_space<hbm>>
      %dma_start3A_1295 = arith.constant 0 : i32
      %dma_start3A_1296 = arith.constant 0 : i32
      %dma_start3A_1297 = tpu.memref_slice %arg4[%add3A_1287, %dma_start3A_1295, %dma_start3A_1296] : memref<16384x56x128xf32, #tpu.memory_space<hbm>> -> memref<1x50x32xf32, #tpu.memory_space<hbm>>
      %dma_start3A_1298 = tpu.memref_squeeze %dma_start3A_1297 : memref<1x50x32xf32, #tpu.memory_space<hbm>> -> memref<50x32xf32, #tpu.memory_space<hbm>>
      %dma_start3A_1299 = arith.constant 900 : i32
      %dma_start3A_1300 = arith.constant 0 : i32
      %dma_start3A_1301 = tpu.memref_slice %arg7[%dma_start3A_1299, %dma_start3A_1300] : memref<1600x32xf32, #tpu.memory_space<vmem>> -> memref<50x32xf32, #tpu.memory_space<vmem>>
      tpu.enqueue_dma source(%dma_start3A_1301 : memref<50x32xf32, #tpu.memory_space<vmem>>) target(%dma_start3A_1298 : memref<50x32xf32, #tpu.memory_space<hbm>>) target_semaphore(%arg13 : memref<!tpu.dma_semaphore, #tpu.memory_space<semaphore_mem>>)
      %add3A_1302 = arith.constant 19 : i32
      %add3A_1303 = arith.addi %add3A_985, %add3A_1302 : i32
      %dma_start3A_1304 = arith.constant 950 : i32
      %dma_start3A_1305 = arith.constant 0 : i32
      %dma_start3A_1306 = tpu.memref_slice %arg7[%dma_start3A_1304, %dma_start3A_1305] : memref<1600x32xf32, #tpu.memory_space<vmem>> -> memref<50x32xf32, #tpu.memory_space<vmem>>
      %dma_start3A_1307 = arith.constant 0 : i32
      %dma_start3A_1308 = arith.constant 0 : i32
      %dma_start3A_1309 = tpu.memref_slice %arg4[%add3A_1303, %dma_start3A_1307, %dma_start3A_1308] : memref<16384x56x128xf32, #tpu.memory_space<hbm>> -> memref<1x50x32xf32, #tpu.memory_space<hbm>>
      %dma_start3A_1310 = tpu.memref_squeeze %dma_start3A_1309 : memref<1x50x32xf32, #tpu.memory_space<hbm>> -> memref<50x32xf32, #tpu.memory_space<hbm>>
      %dma_start3A_1311 = arith.constant 0 : i32
      %dma_start3A_1312 = arith.constant 0 : i32
      %dma_start3A_1313 = tpu.memref_slice %arg4[%add3A_1303, %dma_start3A_1311, %dma_start3A_1312] : memref<16384x56x128xf32, #tpu.memory_space<hbm>> -> memref<1x50x32xf32, #tpu.memory_space<hbm>>
      %dma_start3A_1314 = tpu.memref_squeeze %dma_start3A_1313 : memref<1x50x32xf32, #tpu.memory_space<hbm>> -> memref<50x32xf32, #tpu.memory_space<hbm>>
      %dma_start3A_1315 = arith.constant 950 : i32
      %dma_start3A_1316 = arith.constant 0 : i32
      %dma_start3A_1317 = tpu.memref_slice %arg7[%dma_start3A_1315, %dma_start3A_1316] : memref<1600x32xf32, #tpu.memory_space<vmem>> -> memref<50x32xf32, #tpu.memory_space<vmem>>
      tpu.enqueue_dma source(%dma_start3A_1317 : memref<50x32xf32, #tpu.memory_space<vmem>>) target(%dma_start3A_1314 : memref<50x32xf32, #tpu.memory_space<hbm>>) target_semaphore(%arg13 : memref<!tpu.dma_semaphore, #tpu.memory_space<semaphore_mem>>)
      %add3A_1318 = arith.constant 20 : i32
      %add3A_1319 = arith.addi %add3A_985, %add3A_1318 : i32
      %dma_start3A_1320 = arith.constant 1000 : i32
      %dma_start3A_1321 = arith.constant 0 : i32
      %dma_start3A_1322 = tpu.memref_slice %arg7[%dma_start3A_1320, %dma_start3A_1321] : memref<1600x32xf32, #tpu.memory_space<vmem>> -> memref<50x32xf32, #tpu.memory_space<vmem>>
      %dma_start3A_1323 = arith.constant 0 : i32
      %dma_start3A_1324 = arith.constant 0 : i32
      %dma_start3A_1325 = tpu.memref_slice %arg4[%add3A_1319, %dma_start3A_1323, %dma_start3A_1324] : memref<16384x56x128xf32, #tpu.memory_space<hbm>> -> memref<1x50x32xf32, #tpu.memory_space<hbm>>
      %dma_start3A_1326 = tpu.memref_squeeze %dma_start3A_1325 : memref<1x50x32xf32, #tpu.memory_space<hbm>> -> memref<50x32xf32, #tpu.memory_space<hbm>>
      %dma_start3A_1327 = arith.constant 0 : i32
      %dma_start3A_1328 = arith.constant 0 : i32
      %dma_start3A_1329 = tpu.memref_slice %arg4[%add3A_1319, %dma_start3A_1327, %dma_start3A_1328] : memref<16384x56x128xf32, #tpu.memory_space<hbm>> -> memref<1x50x32xf32, #tpu.memory_space<hbm>>
      %dma_start3A_1330 = tpu.memref_squeeze %dma_start3A_1329 : memref<1x50x32xf32, #tpu.memory_space<hbm>> -> memref<50x32xf32, #tpu.memory_space<hbm>>
      %dma_start3A_1331 = arith.constant 1000 : i32
      %dma_start3A_1332 = arith.constant 0 : i32
      %dma_start3A_1333 = tpu.memref_slice %arg7[%dma_start3A_1331, %dma_start3A_1332] : memref<1600x32xf32, #tpu.memory_space<vmem>> -> memref<50x32xf32, #tpu.memory_space<vmem>>
      tpu.enqueue_dma source(%dma_start3A_1333 : memref<50x32xf32, #tpu.memory_space<vmem>>) target(%dma_start3A_1330 : memref<50x32xf32, #tpu.memory_space<hbm>>) target_semaphore(%arg13 : memref<!tpu.dma_semaphore, #tpu.memory_space<semaphore_mem>>)
      %add3A_1334 = arith.constant 21 : i32
      %add3A_1335 = arith.addi %add3A_985, %add3A_1334 : i32
      %dma_start3A_1336 = arith.constant 1050 : i32
      %dma_start3A_1337 = arith.constant 0 : i32
      %dma_start3A_1338 = tpu.memref_slice %arg7[%dma_start3A_1336, %dma_start3A_1337] : memref<1600x32xf32, #tpu.memory_space<vmem>> -> memref<50x32xf32, #tpu.memory_space<vmem>>
      %dma_start3A_1339 = arith.constant 0 : i32
      %dma_start3A_1340 = arith.constant 0 : i32
      %dma_start3A_1341 = tpu.memref_slice %arg4[%add3A_1335, %dma_start3A_1339, %dma_start3A_1340] : memref<16384x56x128xf32, #tpu.memory_space<hbm>> -> memref<1x50x32xf32, #tpu.memory_space<hbm>>
      %dma_start3A_1342 = tpu.memref_squeeze %dma_start3A_1341 : memref<1x50x32xf32, #tpu.memory_space<hbm>> -> memref<50x32xf32, #tpu.memory_space<hbm>>
      %dma_start3A_1343 = arith.constant 0 : i32
      %dma_start3A_1344 = arith.constant 0 : i32
      %dma_start3A_1345 = tpu.memref_slice %arg4[%add3A_1335, %dma_start3A_1343, %dma_start3A_1344] : memref<16384x56x128xf32, #tpu.memory_space<hbm>> -> memref<1x50x32xf32, #tpu.memory_space<hbm>>
      %dma_start3A_1346 = tpu.memref_squeeze %dma_start3A_1345 : memref<1x50x32xf32, #tpu.memory_space<hbm>> -> memref<50x32xf32, #tpu.memory_space<hbm>>
      %dma_start3A_1347 = arith.constant 1050 : i32
      %dma_start3A_1348 = arith.constant 0 : i32
      %dma_start3A_1349 = tpu.memref_slice %arg7[%dma_start3A_1347, %dma_start3A_1348] : memref<1600x32xf32, #tpu.memory_space<vmem>> -> memref<50x32xf32, #tpu.memory_space<vmem>>
      tpu.enqueue_dma source(%dma_start3A_1349 : memref<50x32xf32, #tpu.memory_space<vmem>>) target(%dma_start3A_1346 : memref<50x32xf32, #tpu.memory_space<hbm>>) target_semaphore(%arg13 : memref<!tpu.dma_semaphore, #tpu.memory_space<semaphore_mem>>)
      %add3A_1350 = arith.constant 22 : i32
      %add3A_1351 = arith.addi %add3A_985, %add3A_1350 : i32
      %dma_start3A_1352 = arith.constant 1100 : i32
      %dma_start3A_1353 = arith.constant 0 : i32
      %dma_start3A_1354 = tpu.memref_slice %arg7[%dma_start3A_1352, %dma_start3A_1353] : memref<1600x32xf32, #tpu.memory_space<vmem>> -> memref<50x32xf32, #tpu.memory_space<vmem>>
      %dma_start3A_1355 = arith.constant 0 : i32
      %dma_start3A_1356 = arith.constant 0 : i32
      %dma_start3A_1357 = tpu.memref_slice %arg4[%add3A_1351, %dma_start3A_1355, %dma_start3A_1356] : memref<16384x56x128xf32, #tpu.memory_space<hbm>> -> memref<1x50x32xf32, #tpu.memory_space<hbm>>
      %dma_start3A_1358 = tpu.memref_squeeze %dma_start3A_1357 : memref<1x50x32xf32, #tpu.memory_space<hbm>> -> memref<50x32xf32, #tpu.memory_space<hbm>>
      %dma_start3A_1359 = arith.constant 0 : i32
      %dma_start3A_1360 = arith.constant 0 : i32
      %dma_start3A_1361 = tpu.memref_slice %arg4[%add3A_1351, %dma_start3A_1359, %dma_start3A_1360] : memref<16384x56x128xf32, #tpu.memory_space<hbm>> -> memref<1x50x32xf32, #tpu.memory_space<hbm>>
      %dma_start3A_1362 = tpu.memref_squeeze %dma_start3A_1361 : memref<1x50x32xf32, #tpu.memory_space<hbm>> -> memref<50x32xf32, #tpu.memory_space<hbm>>
      %dma_start3A_1363 = arith.constant 1100 : i32
      %dma_start3A_1364 = arith.constant 0 : i32
      %dma_start3A_1365 = tpu.memref_slice %arg7[%dma_start3A_1363, %dma_start3A_1364] : memref<1600x32xf32, #tpu.memory_space<vmem>> -> memref<50x32xf32, #tpu.memory_space<vmem>>
      tpu.enqueue_dma source(%dma_start3A_1365 : memref<50x32xf32, #tpu.memory_space<vmem>>) target(%dma_start3A_1362 : memref<50x32xf32, #tpu.memory_space<hbm>>) target_semaphore(%arg13 : memref<!tpu.dma_semaphore, #tpu.memory_space<semaphore_mem>>)
      %add3A_1366 = arith.constant 23 : i32
      %add3A_1367 = arith.addi %add3A_985, %add3A_1366 : i32
      %dma_start3A_1368 = arith.constant 1150 : i32
      %dma_start3A_1369 = arith.constant 0 : i32
      %dma_start3A_1370 = tpu.memref_slice %arg7[%dma_start3A_1368, %dma_start3A_1369] : memref<1600x32xf32, #tpu.memory_space<vmem>> -> memref<50x32xf32, #tpu.memory_space<vmem>>
      %dma_start3A_1371 = arith.constant 0 : i32
      %dma_start3A_1372 = arith.constant 0 : i32
      %dma_start3A_1373 = tpu.memref_slice %arg4[%add3A_1367, %dma_start3A_1371, %dma_start3A_1372] : memref<16384x56x128xf32, #tpu.memory_space<hbm>> -> memref<1x50x32xf32, #tpu.memory_space<hbm>>
      %dma_start3A_1374 = tpu.memref_squeeze %dma_start3A_1373 : memref<1x50x32xf32, #tpu.memory_space<hbm>> -> memref<50x32xf32, #tpu.memory_space<hbm>>
      %dma_start3A_1375 = arith.constant 0 : i32
      %dma_start3A_1376 = arith.constant 0 : i32
      %dma_start3A_1377 = tpu.memref_slice %arg4[%add3A_1367, %dma_start3A_1375, %dma_start3A_1376] : memref<16384x56x128xf32, #tpu.memory_space<hbm>> -> memref<1x50x32xf32, #tpu.memory_space<hbm>>
      %dma_start3A_1378 = tpu.memref_squeeze %dma_start3A_1377 : memref<1x50x32xf32, #tpu.memory_space<hbm>> -> memref<50x32xf32, #tpu.memory_space<hbm>>
      %dma_start3A_1379 = arith.constant 1150 : i32
      %dma_start3A_1380 = arith.constant 0 : i32
      %dma_start3A_1381 = tpu.memref_slice %arg7[%dma_start3A_1379, %dma_start3A_1380] : memref<1600x32xf32, #tpu.memory_space<vmem>> -> memref<50x32xf32, #tpu.memory_space<vmem>>
      tpu.enqueue_dma source(%dma_start3A_1381 : memref<50x32xf32, #tpu.memory_space<vmem>>) target(%dma_start3A_1378 : memref<50x32xf32, #tpu.memory_space<hbm>>) target_semaphore(%arg13 : memref<!tpu.dma_semaphore, #tpu.memory_space<semaphore_mem>>)
      %add3A_1382 = arith.constant 24 : i32
      %add3A_1383 = arith.addi %add3A_985, %add3A_1382 : i32
      %dma_start3A_1384 = arith.constant 1200 : i32
      %dma_start3A_1385 = arith.constant 0 : i32
      %dma_start3A_1386 = tpu.memref_slice %arg7[%dma_start3A_1384, %dma_start3A_1385] : memref<1600x32xf32, #tpu.memory_space<vmem>> -> memref<50x32xf32, #tpu.memory_space<vmem>>
      %dma_start3A_1387 = arith.constant 0 : i32
      %dma_start3A_1388 = arith.constant 0 : i32
      %dma_start3A_1389 = tpu.memref_slice %arg4[%add3A_1383, %dma_start3A_1387, %dma_start3A_1388] : memref<16384x56x128xf32, #tpu.memory_space<hbm>> -> memref<1x50x32xf32, #tpu.memory_space<hbm>>
      %dma_start3A_1390 = tpu.memref_squeeze %dma_start3A_1389 : memref<1x50x32xf32, #tpu.memory_space<hbm>> -> memref<50x32xf32, #tpu.memory_space<hbm>>
      %dma_start3A_1391 = arith.constant 0 : i32
      %dma_start3A_1392 = arith.constant 0 : i32
      %dma_start3A_1393 = tpu.memref_slice %arg4[%add3A_1383, %dma_start3A_1391, %dma_start3A_1392] : memref<16384x56x128xf32, #tpu.memory_space<hbm>> -> memref<1x50x32xf32, #tpu.memory_space<hbm>>
      %dma_start3A_1394 = tpu.memref_squeeze %dma_start3A_1393 : memref<1x50x32xf32, #tpu.memory_space<hbm>> -> memref<50x32xf32, #tpu.memory_space<hbm>>
      %dma_start3A_1395 = arith.constant 1200 : i32
      %dma_start3A_1396 = arith.constant 0 : i32
      %dma_start3A_1397 = tpu.memref_slice %arg7[%dma_start3A_1395, %dma_start3A_1396] : memref<1600x32xf32, #tpu.memory_space<vmem>> -> memref<50x32xf32, #tpu.memory_space<vmem>>
      tpu.enqueue_dma source(%dma_start3A_1397 : memref<50x32xf32, #tpu.memory_space<vmem>>) target(%dma_start3A_1394 : memref<50x32xf32, #tpu.memory_space<hbm>>) target_semaphore(%arg13 : memref<!tpu.dma_semaphore, #tpu.memory_space<semaphore_mem>>)
      %add3A_1398 = arith.constant 25 : i32
      %add3A_1399 = arith.addi %add3A_985, %add3A_1398 : i32
      %dma_start3A_1400 = arith.constant 1250 : i32
      %dma_start3A_1401 = arith.constant 0 : i32
      %dma_start3A_1402 = tpu.memref_slice %arg7[%dma_start3A_1400, %dma_start3A_1401] : memref<1600x32xf32, #tpu.memory_space<vmem>> -> memref<50x32xf32, #tpu.memory_space<vmem>>
      %dma_start3A_1403 = arith.constant 0 : i32
      %dma_start3A_1404 = arith.constant 0 : i32
      %dma_start3A_1405 = tpu.memref_slice %arg4[%add3A_1399, %dma_start3A_1403, %dma_start3A_1404] : memref<16384x56x128xf32, #tpu.memory_space<hbm>> -> memref<1x50x32xf32, #tpu.memory_space<hbm>>
      %dma_start3A_1406 = tpu.memref_squeeze %dma_start3A_1405 : memref<1x50x32xf32, #tpu.memory_space<hbm>> -> memref<50x32xf32, #tpu.memory_space<hbm>>
      %dma_start3A_1407 = arith.constant 0 : i32
      %dma_start3A_1408 = arith.constant 0 : i32
      %dma_start3A_1409 = tpu.memref_slice %arg4[%add3A_1399, %dma_start3A_1407, %dma_start3A_1408] : memref<16384x56x128xf32, #tpu.memory_space<hbm>> -> memref<1x50x32xf32, #tpu.memory_space<hbm>>
      %dma_start3A_1410 = tpu.memref_squeeze %dma_start3A_1409 : memref<1x50x32xf32, #tpu.memory_space<hbm>> -> memref<50x32xf32, #tpu.memory_space<hbm>>
      %dma_start3A_1411 = arith.constant 1250 : i32
      %dma_start3A_1412 = arith.constant 0 : i32
      %dma_start3A_1413 = tpu.memref_slice %arg7[%dma_start3A_1411, %dma_start3A_1412] : memref<1600x32xf32, #tpu.memory_space<vmem>> -> memref<50x32xf32, #tpu.memory_space<vmem>>
      tpu.enqueue_dma source(%dma_start3A_1413 : memref<50x32xf32, #tpu.memory_space<vmem>>) target(%dma_start3A_1410 : memref<50x32xf32, #tpu.memory_space<hbm>>) target_semaphore(%arg13 : memref<!tpu.dma_semaphore, #tpu.memory_space<semaphore_mem>>)
      %add3A_1414 = arith.constant 26 : i32
      %add3A_1415 = arith.addi %add3A_985, %add3A_1414 : i32
      %dma_start3A_1416 = arith.constant 1300 : i32
      %dma_start3A_1417 = arith.constant 0 : i32
      %dma_start3A_1418 = tpu.memref_slice %arg7[%dma_start3A_1416, %dma_start3A_1417] : memref<1600x32xf32, #tpu.memory_space<vmem>> -> memref<50x32xf32, #tpu.memory_space<vmem>>
      %dma_start3A_1419 = arith.constant 0 : i32
      %dma_start3A_1420 = arith.constant 0 : i32
      %dma_start3A_1421 = tpu.memref_slice %arg4[%add3A_1415, %dma_start3A_1419, %dma_start3A_1420] : memref<16384x56x128xf32, #tpu.memory_space<hbm>> -> memref<1x50x32xf32, #tpu.memory_space<hbm>>
      %dma_start3A_1422 = tpu.memref_squeeze %dma_start3A_1421 : memref<1x50x32xf32, #tpu.memory_space<hbm>> -> memref<50x32xf32, #tpu.memory_space<hbm>>
      %dma_start3A_1423 = arith.constant 0 : i32
      %dma_start3A_1424 = arith.constant 0 : i32
      %dma_start3A_1425 = tpu.memref_slice %arg4[%add3A_1415, %dma_start3A_1423, %dma_start3A_1424] : memref<16384x56x128xf32, #tpu.memory_space<hbm>> -> memref<1x50x32xf32, #tpu.memory_space<hbm>>
      %dma_start3A_1426 = tpu.memref_squeeze %dma_start3A_1425 : memref<1x50x32xf32, #tpu.memory_space<hbm>> -> memref<50x32xf32, #tpu.memory_space<hbm>>
      %dma_start3A_1427 = arith.constant 1300 : i32
      %dma_start3A_1428 = arith.constant 0 : i32
      %dma_start3A_1429 = tpu.memref_slice %arg7[%dma_start3A_1427, %dma_start3A_1428] : memref<1600x32xf32, #tpu.memory_space<vmem>> -> memref<50x32xf32, #tpu.memory_space<vmem>>
      tpu.enqueue_dma source(%dma_start3A_1429 : memref<50x32xf32, #tpu.memory_space<vmem>>) target(%dma_start3A_1426 : memref<50x32xf32, #tpu.memory_space<hbm>>) target_semaphore(%arg13 : memref<!tpu.dma_semaphore, #tpu.memory_space<semaphore_mem>>)
      %add3A_1430 = arith.constant 27 : i32
      %add3A_1431 = arith.addi %add3A_985, %add3A_1430 : i32
      %dma_start3A_1432 = arith.constant 1350 : i32
      %dma_start3A_1433 = arith.constant 0 : i32
      %dma_start3A_1434 = tpu.memref_slice %arg7[%dma_start3A_1432, %dma_start3A_1433] : memref<1600x32xf32, #tpu.memory_space<vmem>> -> memref<50x32xf32, #tpu.memory_space<vmem>>
      %dma_start3A_1435 = arith.constant 0 : i32
      %dma_start3A_1436 = arith.constant 0 : i32
      %dma_start3A_1437 = tpu.memref_slice %arg4[%add3A_1431, %dma_start3A_1435, %dma_start3A_1436] : memref<16384x56x128xf32, #tpu.memory_space<hbm>> -> memref<1x50x32xf32, #tpu.memory_space<hbm>>
      %dma_start3A_1438 = tpu.memref_squeeze %dma_start3A_1437 : memref<1x50x32xf32, #tpu.memory_space<hbm>> -> memref<50x32xf32, #tpu.memory_space<hbm>>
      %dma_start3A_1439 = arith.constant 0 : i32
      %dma_start3A_1440 = arith.constant 0 : i32
      %dma_start3A_1441 = tpu.memref_slice %arg4[%add3A_1431, %dma_start3A_1439, %dma_start3A_1440] : memref<16384x56x128xf32, #tpu.memory_space<hbm>> -> memref<1x50x32xf32, #tpu.memory_space<hbm>>
      %dma_start3A_1442 = tpu.memref_squeeze %dma_start3A_1441 : memref<1x50x32xf32, #tpu.memory_space<hbm>> -> memref<50x32xf32, #tpu.memory_space<hbm>>
      %dma_start3A_1443 = arith.constant 1350 : i32
      %dma_start3A_1444 = arith.constant 0 : i32
      %dma_start3A_1445 = tpu.memref_slice %arg7[%dma_start3A_1443, %dma_start3A_1444] : memref<1600x32xf32, #tpu.memory_space<vmem>> -> memref<50x32xf32, #tpu.memory_space<vmem>>
      tpu.enqueue_dma source(%dma_start3A_1445 : memref<50x32xf32, #tpu.memory_space<vmem>>) target(%dma_start3A_1442 : memref<50x32xf32, #tpu.memory_space<hbm>>) target_semaphore(%arg13 : memref<!tpu.dma_semaphore, #tpu.memory_space<semaphore_mem>>)
      %add3A_1446 = arith.constant 28 : i32
      %add3A_1447 = arith.addi %add3A_985, %add3A_1446 : i32
      %dma_start3A_1448 = arith.constant 1400 : i32
      %dma_start3A_1449 = arith.constant 0 : i32
      %dma_start3A_1450 = tpu.memref_slice %arg7[%dma_start3A_1448, %dma_start3A_1449] : memref<1600x32xf32, #tpu.memory_space<vmem>> -> memref<50x32xf32, #tpu.memory_space<vmem>>
      %dma_start3A_1451 = arith.constant 0 : i32
      %dma_start3A_1452 = arith.constant 0 : i32
      %dma_start3A_1453 = tpu.memref_slice %arg4[%add3A_1447, %dma_start3A_1451, %dma_start3A_1452] : memref<16384x56x128xf32, #tpu.memory_space<hbm>> -> memref<1x50x32xf32, #tpu.memory_space<hbm>>
      %dma_start3A_1454 = tpu.memref_squeeze %dma_start3A_1453 : memref<1x50x32xf32, #tpu.memory_space<hbm>> -> memref<50x32xf32, #tpu.memory_space<hbm>>
      %dma_start3A_1455 = arith.constant 0 : i32
      %dma_start3A_1456 = arith.constant 0 : i32
      %dma_start3A_1457 = tpu.memref_slice %arg4[%add3A_1447, %dma_start3A_1455, %dma_start3A_1456] : memref<16384x56x128xf32, #tpu.memory_space<hbm>> -> memref<1x50x32xf32, #tpu.memory_space<hbm>>
      %dma_start3A_1458 = tpu.memref_squeeze %dma_start3A_1457 : memref<1x50x32xf32, #tpu.memory_space<hbm>> -> memref<50x32xf32, #tpu.memory_space<hbm>>
      %dma_start3A_1459 = arith.constant 1400 : i32
      %dma_start3A_1460 = arith.constant 0 : i32
      %dma_start3A_1461 = tpu.memref_slice %arg7[%dma_start3A_1459, %dma_start3A_1460] : memref<1600x32xf32, #tpu.memory_space<vmem>> -> memref<50x32xf32, #tpu.memory_space<vmem>>
      tpu.enqueue_dma source(%dma_start3A_1461 : memref<50x32xf32, #tpu.memory_space<vmem>>) target(%dma_start3A_1458 : memref<50x32xf32, #tpu.memory_space<hbm>>) target_semaphore(%arg13 : memref<!tpu.dma_semaphore, #tpu.memory_space<semaphore_mem>>)
      %add3A_1462 = arith.constant 29 : i32
      %add3A_1463 = arith.addi %add3A_985, %add3A_1462 : i32
      %dma_start3A_1464 = arith.constant 1450 : i32
      %dma_start3A_1465 = arith.constant 0 : i32
      %dma_start3A_1466 = tpu.memref_slice %arg7[%dma_start3A_1464, %dma_start3A_1465] : memref<1600x32xf32, #tpu.memory_space<vmem>> -> memref<50x32xf32, #tpu.memory_space<vmem>>
      %dma_start3A_1467 = arith.constant 0 : i32
      %dma_start3A_1468 = arith.constant 0 : i32
      %dma_start3A_1469 = tpu.memref_slice %arg4[%add3A_1463, %dma_start3A_1467, %dma_start3A_1468] : memref<16384x56x128xf32, #tpu.memory_space<hbm>> -> memref<1x50x32xf32, #tpu.memory_space<hbm>>
      %dma_start3A_1470 = tpu.memref_squeeze %dma_start3A_1469 : memref<1x50x32xf32, #tpu.memory_space<hbm>> -> memref<50x32xf32, #tpu.memory_space<hbm>>
      %dma_start3A_1471 = arith.constant 0 : i32
      %dma_start3A_1472 = arith.constant 0 : i32
      %dma_start3A_1473 = tpu.memref_slice %arg4[%add3A_1463, %dma_start3A_1471, %dma_start3A_1472] : memref<16384x56x128xf32, #tpu.memory_space<hbm>> -> memref<1x50x32xf32, #tpu.memory_space<hbm>>
      %dma_start3A_1474 = tpu.memref_squeeze %dma_start3A_1473 : memref<1x50x32xf32, #tpu.memory_space<hbm>> -> memref<50x32xf32, #tpu.memory_space<hbm>>
      %dma_start3A_1475 = arith.constant 1450 : i32
      %dma_start3A_1476 = arith.constant 0 : i32
      %dma_start3A_1477 = tpu.memref_slice %arg7[%dma_start3A_1475, %dma_start3A_1476] : memref<1600x32xf32, #tpu.memory_space<vmem>> -> memref<50x32xf32, #tpu.memory_space<vmem>>
      tpu.enqueue_dma source(%dma_start3A_1477 : memref<50x32xf32, #tpu.memory_space<vmem>>) target(%dma_start3A_1474 : memref<50x32xf32, #tpu.memory_space<hbm>>) target_semaphore(%arg13 : memref<!tpu.dma_semaphore, #tpu.memory_space<semaphore_mem>>)
      %add3A_1478 = arith.constant 30 : i32
      %add3A_1479 = arith.addi %add3A_985, %add3A_1478 : i32
      %dma_start3A_1480 = arith.constant 1500 : i32
      %dma_start3A_1481 = arith.constant 0 : i32
      %dma_start3A_1482 = tpu.memref_slice %arg7[%dma_start3A_1480, %dma_start3A_1481] : memref<1600x32xf32, #tpu.memory_space<vmem>> -> memref<50x32xf32, #tpu.memory_space<vmem>>
      %dma_start3A_1483 = arith.constant 0 : i32
      %dma_start3A_1484 = arith.constant 0 : i32
      %dma_start3A_1485 = tpu.memref_slice %arg4[%add3A_1479, %dma_start3A_1483, %dma_start3A_1484] : memref<16384x56x128xf32, #tpu.memory_space<hbm>> -> memref<1x50x32xf32, #tpu.memory_space<hbm>>
      %dma_start3A_1486 = tpu.memref_squeeze %dma_start3A_1485 : memref<1x50x32xf32, #tpu.memory_space<hbm>> -> memref<50x32xf32, #tpu.memory_space<hbm>>
      %dma_start3A_1487 = arith.constant 0 : i32
      %dma_start3A_1488 = arith.constant 0 : i32
      %dma_start3A_1489 = tpu.memref_slice %arg4[%add3A_1479, %dma_start3A_1487, %dma_start3A_1488] : memref<16384x56x128xf32, #tpu.memory_space<hbm>> -> memref<1x50x32xf32, #tpu.memory_space<hbm>>
      %dma_start3A_1490 = tpu.memref_squeeze %dma_start3A_1489 : memref<1x50x32xf32, #tpu.memory_space<hbm>> -> memref<50x32xf32, #tpu.memory_space<hbm>>
      %dma_start3A_1491 = arith.constant 1500 : i32
      %dma_start3A_1492 = arith.constant 0 : i32
      %dma_start3A_1493 = tpu.memref_slice %arg7[%dma_start3A_1491, %dma_start3A_1492] : memref<1600x32xf32, #tpu.memory_space<vmem>> -> memref<50x32xf32, #tpu.memory_space<vmem>>
      tpu.enqueue_dma source(%dma_start3A_1493 : memref<50x32xf32, #tpu.memory_space<vmem>>) target(%dma_start3A_1490 : memref<50x32xf32, #tpu.memory_space<hbm>>) target_semaphore(%arg13 : memref<!tpu.dma_semaphore, #tpu.memory_space<semaphore_mem>>)
      %add3A_1494 = arith.constant 31 : i32
      %add3A_1495 = arith.addi %add3A_985, %add3A_1494 : i32
      %dma_start3A_1496 = arith.constant 1550 : i32
      %dma_start3A_1497 = arith.constant 0 : i32
      %dma_start3A_1498 = tpu.memref_slice %arg7[%dma_start3A_1496, %dma_start3A_1497] : memref<1600x32xf32, #tpu.memory_space<vmem>> -> memref<50x32xf32, #tpu.memory_space<vmem>>
      %dma_start3A_1499 = arith.constant 0 : i32
      %dma_start3A_1500 = arith.constant 0 : i32
      %dma_start3A_1501 = tpu.memref_slice %arg4[%add3A_1495, %dma_start3A_1499, %dma_start3A_1500] : memref<16384x56x128xf32, #tpu.memory_space<hbm>> -> memref<1x50x32xf32, #tpu.memory_space<hbm>>
      %dma_start3A_1502 = tpu.memref_squeeze %dma_start3A_1501 : memref<1x50x32xf32, #tpu.memory_space<hbm>> -> memref<50x32xf32, #tpu.memory_space<hbm>>
      %dma_start3A_1503 = arith.constant 0 : i32
      %dma_start3A_1504 = arith.constant 0 : i32
      %dma_start3A_1505 = tpu.memref_slice %arg4[%add3A_1495, %dma_start3A_1503, %dma_start3A_1504] : memref<16384x56x128xf32, #tpu.memory_space<hbm>> -> memref<1x50x32xf32, #tpu.memory_space<hbm>>
      %dma_start3A_1506 = tpu.memref_squeeze %dma_start3A_1505 : memref<1x50x32xf32, #tpu.memory_space<hbm>> -> memref<50x32xf32, #tpu.memory_space<hbm>>
      %dma_start3A_1507 = arith.constant 1550 : i32
      %dma_start3A_1508 = arith.constant 0 : i32
      %dma_start3A_1509 = tpu.memref_slice %arg7[%dma_start3A_1507, %dma_start3A_1508] : memref<1600x32xf32, #tpu.memory_space<vmem>> -> memref<50x32xf32, #tpu.memory_space<vmem>>
      tpu.enqueue_dma source(%dma_start3A_1509 : memref<50x32xf32, #tpu.memory_space<vmem>>) target(%dma_start3A_1506 : memref<50x32xf32, #tpu.memory_space<hbm>>) target_semaphore(%arg13 : memref<!tpu.dma_semaphore, #tpu.memory_space<semaphore_mem>>)
      %add3A_1510 = arith.constant 2 : i32
      %add3A_1511 = arith.addi %add3A_982, %add3A_1510 : i32
      %lt3A = arith.constant 16 : i32
      %lt3A_1512 = arith.cmpi slt, %add3A_1511, %lt3A : i32
      %convert_element_type3A_1513 = arith.extui %lt3A_1512 : i1 to i32
      %cond3A_1514 = arith.constant 0 : i32
      %cond3A_1515 = arith.cmpi ne, %convert_element_type3A_1513, %cond3A_1514 : i32
      scf.if %cond3A_1515 {
        %add3A_2057 = arith.constant 2 : i32
        %add3A_2058 = arith.addi %add3A_982, %add3A_2057 : i32
        %mul3A_2059 = arith.constant 32 : i32
        %mul3A_2060 = arith.muli %add3A_2058, %mul3A_2059 : i32
        %add3A_2061 = arith.addi %mul3A_2, %mul3A_2060 : i32
        %mul3A_2062 = arith.constant 50 : i32
        %mul3A_2063 = arith.muli %add3A_2061, %mul3A_2062 : i32
        %dma_start3A_2064 = tpu.memref_slice %arg2[%mul3A_2063] : memref<819200xi32, #tpu.memory_space<hbm>> -> memref<1600xi32, #tpu.memory_space<hbm>>
        %dma_start3A_2065 = tpu.memref_slice %arg2[%mul3A_2063] : memref<819200xi32, #tpu.memory_space<hbm>> -> memref<1600xi32, #tpu.memory_space<hbm>>
        tpu.enqueue_dma source(%dma_start3A_2065 : memref<1600xi32, #tpu.memory_space<hbm>>) target(%arg5 : memref<1600xi32, #tpu.memory_space<vmem>>) target_semaphore(%arg9 : memref<!tpu.dma_semaphore, #tpu.memory_space<semaphore_mem>>)
      } else {
      }
      %mul3A_1516 = arith.constant 2 : i32
      %mul3A_1517 = arith.muli %scan3A_978, %mul3A_1516 : i32
      %add3A_1518 = arith.constant 1 : i32
      %add3A_1519 = arith.addi %mul3A_1517, %add3A_1518 : i32
      %mul3A_1520 = arith.constant 32 : i32
      %mul3A_1521 = arith.muli %add3A_1519, %mul3A_1520 : i32
      %add3A_1522 = arith.addi %mul3A_2, %mul3A_1521 : i32
      %dma_wait3A_1523 = arith.constant 0 : i32
      %dma_wait3A_1524 = tpu.memref_slice %arg2[%dma_wait3A_1523] : memref<819200xi32, #tpu.memory_space<hbm>> -> memref<1600xi32, #tpu.memory_space<hbm>>
      %dma_wait3A_1525 = arith.constant 0 : i32
      %dma_wait3A_1526 = tpu.memref_slice %arg2[%dma_wait3A_1525] : memref<819200xi32, #tpu.memory_space<hbm>> -> memref<1600xi32, #tpu.memory_space<hbm>>
      tpu.wait_dma2 semaphore(%arg10 : memref<!tpu.dma_semaphore, #tpu.memory_space<semaphore_mem>>) src(%dma_wait3A_1526 : memref<1600xi32, #tpu.memory_space<hbm>>) dst(%arg6 : memref<1600xi32, #tpu.memory_space<vmem>>)
      %gt3A_1527 = arith.constant 0 : i32
      %gt3A_1528 = arith.cmpi sgt, %scan3A_978, %gt3A_1527 : i32
      %convert_element_type3A_1529 = arith.extui %gt3A_1528 : i1 to i32
      %cond3A_1530 = arith.constant 0 : i32
      %cond3A_1531 = arith.cmpi ne, %convert_element_type3A_1529, %cond3A_1530 : i32
      scf.if %cond3A_1531 {
        %dma_wait3A_2057 = arith.constant 0 : i32
        %dma_wait3A_2058 = arith.constant 0 : i32
        %dma_wait3A_2059 = arith.constant 0 : i32
        %dma_wait3A_2060 = tpu.memref_slice %arg8[%dma_wait3A_2058, %dma_wait3A_2059] : memref<1600x32xf32, #tpu.memory_space<vmem>> -> memref<50x32xf32, #tpu.memory_space<vmem>>
        %dma_wait3A_2061 = arith.constant 0 : i32
        %dma_wait3A_2062 = arith.constant 0 : i32
        %dma_wait3A_2063 = tpu.memref_slice %arg4[%dma_wait3A_2057, %dma_wait3A_2061, %dma_wait3A_2062] : memref<16384x56x128xf32, #tpu.memory_space<hbm>> -> memref<1x50x32xf32, #tpu.memory_space<hbm>>
        %dma_wait3A_2064 = tpu.memref_squeeze %dma_wait3A_2063 : memref<1x50x32xf32, #tpu.memory_space<hbm>> -> memref<50x32xf32, #tpu.memory_space<hbm>>
        %dma_wait3A_2065 = arith.constant 0 : i32
        %dma_wait3A_2066 = arith.constant 0 : i32
        %dma_wait3A_2067 = tpu.memref_slice %arg4[%dma_wait3A_2057, %dma_wait3A_2065, %dma_wait3A_2066] : memref<16384x56x128xf32, #tpu.memory_space<hbm>> -> memref<1x50x32xf32, #tpu.memory_space<hbm>>
        %dma_wait3A_2068 = tpu.memref_squeeze %dma_wait3A_2067 : memref<1x50x32xf32, #tpu.memory_space<hbm>> -> memref<50x32xf32, #tpu.memory_space<hbm>>
        %dma_wait3A_2069 = arith.constant 0 : i32
        %dma_wait3A_2070 = arith.constant 0 : i32
        %dma_wait3A_2071 = tpu.memref_slice %arg8[%dma_wait3A_2069, %dma_wait3A_2070] : memref<1600x32xf32, #tpu.memory_space<vmem>> -> memref<50x32xf32, #tpu.memory_space<vmem>>
        tpu.wait_dma2 semaphore(%arg14 : memref<!tpu.dma_semaphore, #tpu.memory_space<semaphore_mem>>) src(%dma_wait3A_2071 : memref<50x32xf32, #tpu.memory_space<vmem>>) dst(%dma_wait3A_2068 : memref<50x32xf32, #tpu.memory_space<hbm>>)
        %dma_wait3A_2072 = arith.constant 0 : i32
        %dma_wait3A_2073 = arith.constant 0 : i32
        %dma_wait3A_2074 = arith.constant 0 : i32
        %dma_wait3A_2075 = tpu.memref_slice %arg8[%dma_wait3A_2073, %dma_wait3A_2074] : memref<1600x32xf32, #tpu.memory_space<vmem>> -> memref<50x32xf32, #tpu.memory_space<vmem>>
        %dma_wait3A_2076 = arith.constant 0 : i32
        %dma_wait3A_2077 = arith.constant 0 : i32
        %dma_wait3A_2078 = tpu.memref_slice %arg4[%dma_wait3A_2072, %dma_wait3A_2076, %dma_wait3A_2077] : memref<16384x56x128xf32, #tpu.memory_space<hbm>> -> memref<1x50x32xf32, #tpu.memory_space<hbm>>
        %dma_wait3A_2079 = tpu.memref_squeeze %dma_wait3A_2078 : memref<1x50x32xf32, #tpu.memory_space<hbm>> -> memref<50x32xf32, #tpu.memory_space<hbm>>
        %dma_wait3A_2080 = arith.constant 0 : i32
        %dma_wait3A_2081 = arith.constant 0 : i32
        %dma_wait3A_2082 = tpu.memref_slice %arg4[%dma_wait3A_2072, %dma_wait3A_2080, %dma_wait3A_2081] : memref<16384x56x128xf32, #tpu.memory_space<hbm>> -> memref<1x50x32xf32, #tpu.memory_space<hbm>>
        %dma_wait3A_2083 = tpu.memref_squeeze %dma_wait3A_2082 : memref<1x50x32xf32, #tpu.memory_space<hbm>> -> memref<50x32xf32, #tpu.memory_space<hbm>>
        %dma_wait3A_2084 = arith.constant 0 : i32
        %dma_wait3A_2085 = arith.constant 0 : i32
        %dma_wait3A_2086 = tpu.memref_slice %arg8[%dma_wait3A_2084, %dma_wait3A_2085] : memref<1600x32xf32, #tpu.memory_space<vmem>> -> memref<50x32xf32, #tpu.memory_space<vmem>>
        tpu.wait_dma2 semaphore(%arg14 : memref<!tpu.dma_semaphore, #tpu.memory_space<semaphore_mem>>) src(%dma_wait3A_2086 : memref<50x32xf32, #tpu.memory_space<vmem>>) dst(%dma_wait3A_2083 : memref<50x32xf32, #tpu.memory_space<hbm>>)
        %dma_wait3A_2087 = arith.constant 0 : i32
        %dma_wait3A_2088 = arith.constant 0 : i32
        %dma_wait3A_2089 = arith.constant 0 : i32
        %dma_wait3A_2090 = tpu.memref_slice %arg8[%dma_wait3A_2088, %dma_wait3A_2089] : memref<1600x32xf32, #tpu.memory_space<vmem>> -> memref<50x32xf32, #tpu.memory_space<vmem>>
        %dma_wait3A_2091 = arith.constant 0 : i32
        %dma_wait3A_2092 = arith.constant 0 : i32
        %dma_wait3A_2093 = tpu.memref_slice %arg4[%dma_wait3A_2087, %dma_wait3A_2091, %dma_wait3A_2092] : memref<16384x56x128xf32, #tpu.memory_space<hbm>> -> memref<1x50x32xf32, #tpu.memory_space<hbm>>
        %dma_wait3A_2094 = tpu.memref_squeeze %dma_wait3A_2093 : memref<1x50x32xf32, #tpu.memory_space<hbm>> -> memref<50x32xf32, #tpu.memory_space<hbm>>
        %dma_wait3A_2095 = arith.constant 0 : i32
        %dma_wait3A_2096 = arith.constant 0 : i32
        %dma_wait3A_2097 = tpu.memref_slice %arg4[%dma_wait3A_2087, %dma_wait3A_2095, %dma_wait3A_2096] : memref<16384x56x128xf32, #tpu.memory_space<hbm>> -> memref<1x50x32xf32, #tpu.memory_space<hbm>>
        %dma_wait3A_2098 = tpu.memref_squeeze %dma_wait3A_2097 : memref<1x50x32xf32, #tpu.memory_space<hbm>> -> memref<50x32xf32, #tpu.memory_space<hbm>>
        %dma_wait3A_2099 = arith.constant 0 : i32
        %dma_wait3A_2100 = arith.constant 0 : i32
        %dma_wait3A_2101 = tpu.memref_slice %arg8[%dma_wait3A_2099, %dma_wait3A_2100] : memref<1600x32xf32, #tpu.memory_space<vmem>> -> memref<50x32xf32, #tpu.memory_space<vmem>>
        tpu.wait_dma2 semaphore(%arg14 : memref<!tpu.dma_semaphore, #tpu.memory_space<semaphore_mem>>) src(%dma_wait3A_2101 : memref<50x32xf32, #tpu.memory_space<vmem>>) dst(%dma_wait3A_2098 : memref<50x32xf32, #tpu.memory_space<hbm>>)
        %dma_wait3A_2102 = arith.constant 0 : i32
        %dma_wait3A_2103 = arith.constant 0 : i32
        %dma_wait3A_2104 = arith.constant 0 : i32
        %dma_wait3A_2105 = tpu.memref_slice %arg8[%dma_wait3A_2103, %dma_wait3A_2104] : memref<1600x32xf32, #tpu.memory_space<vmem>> -> memref<50x32xf32, #tpu.memory_space<vmem>>
        %dma_wait3A_2106 = arith.constant 0 : i32
        %dma_wait3A_2107 = arith.constant 0 : i32
        %dma_wait3A_2108 = tpu.memref_slice %arg4[%dma_wait3A_2102, %dma_wait3A_2106, %dma_wait3A_2107] : memref<16384x56x128xf32, #tpu.memory_space<hbm>> -> memref<1x50x32xf32, #tpu.memory_space<hbm>>
        %dma_wait3A_2109 = tpu.memref_squeeze %dma_wait3A_2108 : memref<1x50x32xf32, #tpu.memory_space<hbm>> -> memref<50x32xf32, #tpu.memory_space<hbm>>
        %dma_wait3A_2110 = arith.constant 0 : i32
        %dma_wait3A_2111 = arith.constant 0 : i32
        %dma_wait3A_2112 = tpu.memref_slice %arg4[%dma_wait3A_2102, %dma_wait3A_2110, %dma_wait3A_2111] : memref<16384x56x128xf32, #tpu.memory_space<hbm>> -> memref<1x50x32xf32, #tpu.memory_space<hbm>>
        %dma_wait3A_2113 = tpu.memref_squeeze %dma_wait3A_2112 : memref<1x50x32xf32, #tpu.memory_space<hbm>> -> memref<50x32xf32, #tpu.memory_space<hbm>>
        %dma_wait3A_2114 = arith.constant 0 : i32
        %dma_wait3A_2115 = arith.constant 0 : i32
        %dma_wait3A_2116 = tpu.memref_slice %arg8[%dma_wait3A_2114, %dma_wait3A_2115] : memref<1600x32xf32, #tpu.memory_space<vmem>> -> memref<50x32xf32, #tpu.memory_space<vmem>>
        tpu.wait_dma2 semaphore(%arg14 : memref<!tpu.dma_semaphore, #tpu.memory_space<semaphore_mem>>) src(%dma_wait3A_2116 : memref<50x32xf32, #tpu.memory_space<vmem>>) dst(%dma_wait3A_2113 : memref<50x32xf32, #tpu.memory_space<hbm>>)
        %dma_wait3A_2117 = arith.constant 0 : i32
        %dma_wait3A_2118 = arith.constant 0 : i32
        %dma_wait3A_2119 = arith.constant 0 : i32
        %dma_wait3A_2120 = tpu.memref_slice %arg8[%dma_wait3A_2118, %dma_wait3A_2119] : memref<1600x32xf32, #tpu.memory_space<vmem>> -> memref<50x32xf32, #tpu.memory_space<vmem>>
        %dma_wait3A_2121 = arith.constant 0 : i32
        %dma_wait3A_2122 = arith.constant 0 : i32
        %dma_wait3A_2123 = tpu.memref_slice %arg4[%dma_wait3A_2117, %dma_wait3A_2121, %dma_wait3A_2122] : memref<16384x56x128xf32, #tpu.memory_space<hbm>> -> memref<1x50x32xf32, #tpu.memory_space<hbm>>
        %dma_wait3A_2124 = tpu.memref_squeeze %dma_wait3A_2123 : memref<1x50x32xf32, #tpu.memory_space<hbm>> -> memref<50x32xf32, #tpu.memory_space<hbm>>
        %dma_wait3A_2125 = arith.constant 0 : i32
        %dma_wait3A_2126 = arith.constant 0 : i32
        %dma_wait3A_2127 = tpu.memref_slice %arg4[%dma_wait3A_2117, %dma_wait3A_2125, %dma_wait3A_2126] : memref<16384x56x128xf32, #tpu.memory_space<hbm>> -> memref<1x50x32xf32, #tpu.memory_space<hbm>>
        %dma_wait3A_2128 = tpu.memref_squeeze %dma_wait3A_2127 : memref<1x50x32xf32, #tpu.memory_space<hbm>> -> memref<50x32xf32, #tpu.memory_space<hbm>>
        %dma_wait3A_2129 = arith.constant 0 : i32
        %dma_wait3A_2130 = arith.constant 0 : i32
        %dma_wait3A_2131 = tpu.memref_slice %arg8[%dma_wait3A_2129, %dma_wait3A_2130] : memref<1600x32xf32, #tpu.memory_space<vmem>> -> memref<50x32xf32, #tpu.memory_space<vmem>>
        tpu.wait_dma2 semaphore(%arg14 : memref<!tpu.dma_semaphore, #tpu.memory_space<semaphore_mem>>) src(%dma_wait3A_2131 : memref<50x32xf32, #tpu.memory_space<vmem>>) dst(%dma_wait3A_2128 : memref<50x32xf32, #tpu.memory_space<hbm>>)
        %dma_wait3A_2132 = arith.constant 0 : i32
        %dma_wait3A_2133 = arith.constant 0 : i32
        %dma_wait3A_2134 = arith.constant 0 : i32
        %dma_wait3A_2135 = tpu.memref_slice %arg8[%dma_wait3A_2133, %dma_wait3A_2134] : memref<1600x32xf32, #tpu.memory_space<vmem>> -> memref<50x32xf32, #tpu.memory_space<vmem>>
        %dma_wait3A_2136 = arith.constant 0 : i32
        %dma_wait3A_2137 = arith.constant 0 : i32
        %dma_wait3A_2138 = tpu.memref_slice %arg4[%dma_wait3A_2132, %dma_wait3A_2136, %dma_wait3A_2137] : memref<16384x56x128xf32, #tpu.memory_space<hbm>> -> memref<1x50x32xf32, #tpu.memory_space<hbm>>
        %dma_wait3A_2139 = tpu.memref_squeeze %dma_wait3A_2138 : memref<1x50x32xf32, #tpu.memory_space<hbm>> -> memref<50x32xf32, #tpu.memory_space<hbm>>
        %dma_wait3A_2140 = arith.constant 0 : i32
        %dma_wait3A_2141 = arith.constant 0 : i32
        %dma_wait3A_2142 = tpu.memref_slice %arg4[%dma_wait3A_2132, %dma_wait3A_2140, %dma_wait3A_2141] : memref<16384x56x128xf32, #tpu.memory_space<hbm>> -> memref<1x50x32xf32, #tpu.memory_space<hbm>>
        %dma_wait3A_2143 = tpu.memref_squeeze %dma_wait3A_2142 : memref<1x50x32xf32, #tpu.memory_space<hbm>> -> memref<50x32xf32, #tpu.memory_space<hbm>>
        %dma_wait3A_2144 = arith.constant 0 : i32
        %dma_wait3A_2145 = arith.constant 0 : i32
        %dma_wait3A_2146 = tpu.memref_slice %arg8[%dma_wait3A_2144, %dma_wait3A_2145] : memref<1600x32xf32, #tpu.memory_space<vmem>> -> memref<50x32xf32, #tpu.memory_space<vmem>>
        tpu.wait_dma2 semaphore(%arg14 : memref<!tpu.dma_semaphore, #tpu.memory_space<semaphore_mem>>) src(%dma_wait3A_2146 : memref<50x32xf32, #tpu.memory_space<vmem>>) dst(%dma_wait3A_2143 : memref<50x32xf32, #tpu.memory_space<hbm>>)
        %dma_wait3A_2147 = arith.constant 0 : i32
        %dma_wait3A_2148 = arith.constant 0 : i32
        %dma_wait3A_2149 = arith.constant 0 : i32
        %dma_wait3A_2150 = tpu.memref_slice %arg8[%dma_wait3A_2148, %dma_wait3A_2149] : memref<1600x32xf32, #tpu.memory_space<vmem>> -> memref<50x32xf32, #tpu.memory_space<vmem>>
        %dma_wait3A_2151 = arith.constant 0 : i32
        %dma_wait3A_2152 = arith.constant 0 : i32
        %dma_wait3A_2153 = tpu.memref_slice %arg4[%dma_wait3A_2147, %dma_wait3A_2151, %dma_wait3A_2152] : memref<16384x56x128xf32, #tpu.memory_space<hbm>> -> memref<1x50x32xf32, #tpu.memory_space<hbm>>
        %dma_wait3A_2154 = tpu.memref_squeeze %dma_wait3A_2153 : memref<1x50x32xf32, #tpu.memory_space<hbm>> -> memref<50x32xf32, #tpu.memory_space<hbm>>
        %dma_wait3A_2155 = arith.constant 0 : i32
        %dma_wait3A_2156 = arith.constant 0 : i32
        %dma_wait3A_2157 = tpu.memref_slice %arg4[%dma_wait3A_2147, %dma_wait3A_2155, %dma_wait3A_2156] : memref<16384x56x128xf32, #tpu.memory_space<hbm>> -> memref<1x50x32xf32, #tpu.memory_space<hbm>>
        %dma_wait3A_2158 = tpu.memref_squeeze %dma_wait3A_2157 : memref<1x50x32xf32, #tpu.memory_space<hbm>> -> memref<50x32xf32, #tpu.memory_space<hbm>>
        %dma_wait3A_2159 = arith.constant 0 : i32
        %dma_wait3A_2160 = arith.constant 0 : i32
        %dma_wait3A_2161 = tpu.memref_slice %arg8[%dma_wait3A_2159, %dma_wait3A_2160] : memref<1600x32xf32, #tpu.memory_space<vmem>> -> memref<50x32xf32, #tpu.memory_space<vmem>>
        tpu.wait_dma2 semaphore(%arg14 : memref<!tpu.dma_semaphore, #tpu.memory_space<semaphore_mem>>) src(%dma_wait3A_2161 : memref<50x32xf32, #tpu.memory_space<vmem>>) dst(%dma_wait3A_2158 : memref<50x32xf32, #tpu.memory_space<hbm>>)
        %dma_wait3A_2162 = arith.constant 0 : i32
        %dma_wait3A_2163 = arith.constant 0 : i32
        %dma_wait3A_2164 = arith.constant 0 : i32
        %dma_wait3A_2165 = tpu.memref_slice %arg8[%dma_wait3A_2163, %dma_wait3A_2164] : memref<1600x32xf32, #tpu.memory_space<vmem>> -> memref<50x32xf32, #tpu.memory_space<vmem>>
        %dma_wait3A_2166 = arith.constant 0 : i32
        %dma_wait3A_2167 = arith.constant 0 : i32
        %dma_wait3A_2168 = tpu.memref_slice %arg4[%dma_wait3A_2162, %dma_wait3A_2166, %dma_wait3A_2167] : memref<16384x56x128xf32, #tpu.memory_space<hbm>> -> memref<1x50x32xf32, #tpu.memory_space<hbm>>
        %dma_wait3A_2169 = tpu.memref_squeeze %dma_wait3A_2168 : memref<1x50x32xf32, #tpu.memory_space<hbm>> -> memref<50x32xf32, #tpu.memory_space<hbm>>
        %dma_wait3A_2170 = arith.constant 0 : i32
        %dma_wait3A_2171 = arith.constant 0 : i32
        %dma_wait3A_2172 = tpu.memref_slice %arg4[%dma_wait3A_2162, %dma_wait3A_2170, %dma_wait3A_2171] : memref<16384x56x128xf32, #tpu.memory_space<hbm>> -> memref<1x50x32xf32, #tpu.memory_space<hbm>>
        %dma_wait3A_2173 = tpu.memref_squeeze %dma_wait3A_2172 : memref<1x50x32xf32, #tpu.memory_space<hbm>> -> memref<50x32xf32, #tpu.memory_space<hbm>>
        %dma_wait3A_2174 = arith.constant 0 : i32
        %dma_wait3A_2175 = arith.constant 0 : i32
        %dma_wait3A_2176 = tpu.memref_slice %arg8[%dma_wait3A_2174, %dma_wait3A_2175] : memref<1600x32xf32, #tpu.memory_space<vmem>> -> memref<50x32xf32, #tpu.memory_space<vmem>>
        tpu.wait_dma2 semaphore(%arg14 : memref<!tpu.dma_semaphore, #tpu.memory_space<semaphore_mem>>) src(%dma_wait3A_2176 : memref<50x32xf32, #tpu.memory_space<vmem>>) dst(%dma_wait3A_2173 : memref<50x32xf32, #tpu.memory_space<hbm>>)
        %dma_wait3A_2177 = arith.constant 0 : i32
        %dma_wait3A_2178 = arith.constant 0 : i32
        %dma_wait3A_2179 = arith.constant 0 : i32
        %dma_wait3A_2180 = tpu.memref_slice %arg8[%dma_wait3A_2178, %dma_wait3A_2179] : memref<1600x32xf32, #tpu.memory_space<vmem>> -> memref<50x32xf32, #tpu.memory_space<vmem>>
        %dma_wait3A_2181 = arith.constant 0 : i32
        %dma_wait3A_2182 = arith.constant 0 : i32
        %dma_wait3A_2183 = tpu.memref_slice %arg4[%dma_wait3A_2177, %dma_wait3A_2181, %dma_wait3A_2182] : memref<16384x56x128xf32, #tpu.memory_space<hbm>> -> memref<1x50x32xf32, #tpu.memory_space<hbm>>
        %dma_wait3A_2184 = tpu.memref_squeeze %dma_wait3A_2183 : memref<1x50x32xf32, #tpu.memory_space<hbm>> -> memref<50x32xf32, #tpu.memory_space<hbm>>
        %dma_wait3A_2185 = arith.constant 0 : i32
        %dma_wait3A_2186 = arith.constant 0 : i32
        %dma_wait3A_2187 = tpu.memref_slice %arg4[%dma_wait3A_2177, %dma_wait3A_2185, %dma_wait3A_2186] : memref<16384x56x128xf32, #tpu.memory_space<hbm>> -> memref<1x50x32xf32, #tpu.memory_space<hbm>>
        %dma_wait3A_2188 = tpu.memref_squeeze %dma_wait3A_2187 : memref<1x50x32xf32, #tpu.memory_space<hbm>> -> memref<50x32xf32, #tpu.memory_space<hbm>>
        %dma_wait3A_2189 = arith.constant 0 : i32
        %dma_wait3A_2190 = arith.constant 0 : i32
        %dma_wait3A_2191 = tpu.memref_slice %arg8[%dma_wait3A_2189, %dma_wait3A_2190] : memref<1600x32xf32, #tpu.memory_space<vmem>> -> memref<50x32xf32, #tpu.memory_space<vmem>>
        tpu.wait_dma2 semaphore(%arg14 : memref<!tpu.dma_semaphore, #tpu.memory_space<semaphore_mem>>) src(%dma_wait3A_2191 : memref<50x32xf32, #tpu.memory_space<vmem>>) dst(%dma_wait3A_2188 : memref<50x32xf32, #tpu.memory_space<hbm>>)
        %dma_wait3A_2192 = arith.constant 0 : i32
        %dma_wait3A_2193 = arith.constant 0 : i32
        %dma_wait3A_2194 = arith.constant 0 : i32
        %dma_wait3A_2195 = tpu.memref_slice %arg8[%dma_wait3A_2193, %dma_wait3A_2194] : memref<1600x32xf32, #tpu.memory_space<vmem>> -> memref<50x32xf32, #tpu.memory_space<vmem>>
        %dma_wait3A_2196 = arith.constant 0 : i32
        %dma_wait3A_2197 = arith.constant 0 : i32
        %dma_wait3A_2198 = tpu.memref_slice %arg4[%dma_wait3A_2192, %dma_wait3A_2196, %dma_wait3A_2197] : memref<16384x56x128xf32, #tpu.memory_space<hbm>> -> memref<1x50x32xf32, #tpu.memory_space<hbm>>
        %dma_wait3A_2199 = tpu.memref_squeeze %dma_wait3A_2198 : memref<1x50x32xf32, #tpu.memory_space<hbm>> -> memref<50x32xf32, #tpu.memory_space<hbm>>
        %dma_wait3A_2200 = arith.constant 0 : i32
        %dma_wait3A_2201 = arith.constant 0 : i32
        %dma_wait3A_2202 = tpu.memref_slice %arg4[%dma_wait3A_2192, %dma_wait3A_2200, %dma_wait3A_2201] : memref<16384x56x128xf32, #tpu.memory_space<hbm>> -> memref<1x50x32xf32, #tpu.memory_space<hbm>>
        %dma_wait3A_2203 = tpu.memref_squeeze %dma_wait3A_2202 : memref<1x50x32xf32, #tpu.memory_space<hbm>> -> memref<50x32xf32, #tpu.memory_space<hbm>>
        %dma_wait3A_2204 = arith.constant 0 : i32
        %dma_wait3A_2205 = arith.constant 0 : i32
        %dma_wait3A_2206 = tpu.memref_slice %arg8[%dma_wait3A_2204, %dma_wait3A_2205] : memref<1600x32xf32, #tpu.memory_space<vmem>> -> memref<50x32xf32, #tpu.memory_space<vmem>>
        tpu.wait_dma2 semaphore(%arg14 : memref<!tpu.dma_semaphore, #tpu.memory_space<semaphore_mem>>) src(%dma_wait3A_2206 : memref<50x32xf32, #tpu.memory_space<vmem>>) dst(%dma_wait3A_2203 : memref<50x32xf32, #tpu.memory_space<hbm>>)
        %dma_wait3A_2207 = arith.constant 0 : i32
        %dma_wait3A_2208 = arith.constant 0 : i32
        %dma_wait3A_2209 = arith.constant 0 : i32
        %dma_wait3A_2210 = tpu.memref_slice %arg8[%dma_wait3A_2208, %dma_wait3A_2209] : memref<1600x32xf32, #tpu.memory_space<vmem>> -> memref<50x32xf32, #tpu.memory_space<vmem>>
        %dma_wait3A_2211 = arith.constant 0 : i32
        %dma_wait3A_2212 = arith.constant 0 : i32
        %dma_wait3A_2213 = tpu.memref_slice %arg4[%dma_wait3A_2207, %dma_wait3A_2211, %dma_wait3A_2212] : memref<16384x56x128xf32, #tpu.memory_space<hbm>> -> memref<1x50x32xf32, #tpu.memory_space<hbm>>
        %dma_wait3A_2214 = tpu.memref_squeeze %dma_wait3A_2213 : memref<1x50x32xf32, #tpu.memory_space<hbm>> -> memref<50x32xf32, #tpu.memory_space<hbm>>
        %dma_wait3A_2215 = arith.constant 0 : i32
        %dma_wait3A_2216 = arith.constant 0 : i32
        %dma_wait3A_2217 = tpu.memref_slice %arg4[%dma_wait3A_2207, %dma_wait3A_2215, %dma_wait3A_2216] : memref<16384x56x128xf32, #tpu.memory_space<hbm>> -> memref<1x50x32xf32, #tpu.memory_space<hbm>>
        %dma_wait3A_2218 = tpu.memref_squeeze %dma_wait3A_2217 : memref<1x50x32xf32, #tpu.memory_space<hbm>> -> memref<50x32xf32, #tpu.memory_space<hbm>>
        %dma_wait3A_2219 = arith.constant 0 : i32
        %dma_wait3A_2220 = arith.constant 0 : i32
        %dma_wait3A_2221 = tpu.memref_slice %arg8[%dma_wait3A_2219, %dma_wait3A_2220] : memref<1600x32xf32, #tpu.memory_space<vmem>> -> memref<50x32xf32, #tpu.memory_space<vmem>>
        tpu.wait_dma2 semaphore(%arg14 : memref<!tpu.dma_semaphore, #tpu.memory_space<semaphore_mem>>) src(%dma_wait3A_2221 : memref<50x32xf32, #tpu.memory_space<vmem>>) dst(%dma_wait3A_2218 : memref<50x32xf32, #tpu.memory_space<hbm>>)
        %dma_wait3A_2222 = arith.constant 0 : i32
        %dma_wait3A_2223 = arith.constant 0 : i32
        %dma_wait3A_2224 = arith.constant 0 : i32
        %dma_wait3A_2225 = tpu.memref_slice %arg8[%dma_wait3A_2223, %dma_wait3A_2224] : memref<1600x32xf32, #tpu.memory_space<vmem>> -> memref<50x32xf32, #tpu.memory_space<vmem>>
        %dma_wait3A_2226 = arith.constant 0 : i32
        %dma_wait3A_2227 = arith.constant 0 : i32
        %dma_wait3A_2228 = tpu.memref_slice %arg4[%dma_wait3A_2222, %dma_wait3A_2226, %dma_wait3A_2227] : memref<16384x56x128xf32, #tpu.memory_space<hbm>> -> memref<1x50x32xf32, #tpu.memory_space<hbm>>
        %dma_wait3A_2229 = tpu.memref_squeeze %dma_wait3A_2228 : memref<1x50x32xf32, #tpu.memory_space<hbm>> -> memref<50x32xf32, #tpu.memory_space<hbm>>
        %dma_wait3A_2230 = arith.constant 0 : i32
        %dma_wait3A_2231 = arith.constant 0 : i32
        %dma_wait3A_2232 = tpu.memref_slice %arg4[%dma_wait3A_2222, %dma_wait3A_2230, %dma_wait3A_2231] : memref<16384x56x128xf32, #tpu.memory_space<hbm>> -> memref<1x50x32xf32, #tpu.memory_space<hbm>>
        %dma_wait3A_2233 = tpu.memref_squeeze %dma_wait3A_2232 : memref<1x50x32xf32, #tpu.memory_space<hbm>> -> memref<50x32xf32, #tpu.memory_space<hbm>>
        %dma_wait3A_2234 = arith.constant 0 : i32
        %dma_wait3A_2235 = arith.constant 0 : i32
        %dma_wait3A_2236 = tpu.memref_slice %arg8[%dma_wait3A_2234, %dma_wait3A_2235] : memref<1600x32xf32, #tpu.memory_space<vmem>> -> memref<50x32xf32, #tpu.memory_space<vmem>>
        tpu.wait_dma2 semaphore(%arg14 : memref<!tpu.dma_semaphore, #tpu.memory_space<semaphore_mem>>) src(%dma_wait3A_2236 : memref<50x32xf32, #tpu.memory_space<vmem>>) dst(%dma_wait3A_2233 : memref<50x32xf32, #tpu.memory_space<hbm>>)
        %dma_wait3A_2237 = arith.constant 0 : i32
        %dma_wait3A_2238 = arith.constant 0 : i32
        %dma_wait3A_2239 = arith.constant 0 : i32
        %dma_wait3A_2240 = tpu.memref_slice %arg8[%dma_wait3A_2238, %dma_wait3A_2239] : memref<1600x32xf32, #tpu.memory_space<vmem>> -> memref<50x32xf32, #tpu.memory_space<vmem>>
        %dma_wait3A_2241 = arith.constant 0 : i32
        %dma_wait3A_2242 = arith.constant 0 : i32
        %dma_wait3A_2243 = tpu.memref_slice %arg4[%dma_wait3A_2237, %dma_wait3A_2241, %dma_wait3A_2242] : memref<16384x56x128xf32, #tpu.memory_space<hbm>> -> memref<1x50x32xf32, #tpu.memory_space<hbm>>
        %dma_wait3A_2244 = tpu.memref_squeeze %dma_wait3A_2243 : memref<1x50x32xf32, #tpu.memory_space<hbm>> -> memref<50x32xf32, #tpu.memory_space<hbm>>
        %dma_wait3A_2245 = arith.constant 0 : i32
        %dma_wait3A_2246 = arith.constant 0 : i32
        %dma_wait3A_2247 = tpu.memref_slice %arg4[%dma_wait3A_2237, %dma_wait3A_2245, %dma_wait3A_2246] : memref<16384x56x128xf32, #tpu.memory_space<hbm>> -> memref<1x50x32xf32, #tpu.memory_space<hbm>>
        %dma_wait3A_2248 = tpu.memref_squeeze %dma_wait3A_2247 : memref<1x50x32xf32, #tpu.memory_space<hbm>> -> memref<50x32xf32, #tpu.memory_space<hbm>>
        %dma_wait3A_2249 = arith.constant 0 : i32
        %dma_wait3A_2250 = arith.constant 0 : i32
        %dma_wait3A_2251 = tpu.memref_slice %arg8[%dma_wait3A_2249, %dma_wait3A_2250] : memref<1600x32xf32, #tpu.memory_space<vmem>> -> memref<50x32xf32, #tpu.memory_space<vmem>>
        tpu.wait_dma2 semaphore(%arg14 : memref<!tpu.dma_semaphore, #tpu.memory_space<semaphore_mem>>) src(%dma_wait3A_2251 : memref<50x32xf32, #tpu.memory_space<vmem>>) dst(%dma_wait3A_2248 : memref<50x32xf32, #tpu.memory_space<hbm>>)
        %dma_wait3A_2252 = arith.constant 0 : i32
        %dma_wait3A_2253 = arith.constant 0 : i32
        %dma_wait3A_2254 = arith.constant 0 : i32
        %dma_wait3A_2255 = tpu.memref_slice %arg8[%dma_wait3A_2253, %dma_wait3A_2254] : memref<1600x32xf32, #tpu.memory_space<vmem>> -> memref<50x32xf32, #tpu.memory_space<vmem>>
        %dma_wait3A_2256 = arith.constant 0 : i32
        %dma_wait3A_2257 = arith.constant 0 : i32
        %dma_wait3A_2258 = tpu.memref_slice %arg4[%dma_wait3A_2252, %dma_wait3A_2256, %dma_wait3A_2257] : memref<16384x56x128xf32, #tpu.memory_space<hbm>> -> memref<1x50x32xf32, #tpu.memory_space<hbm>>
        %dma_wait3A_2259 = tpu.memref_squeeze %dma_wait3A_2258 : memref<1x50x32xf32, #tpu.memory_space<hbm>> -> memref<50x32xf32, #tpu.memory_space<hbm>>
        %dma_wait3A_2260 = arith.constant 0 : i32
        %dma_wait3A_2261 = arith.constant 0 : i32
        %dma_wait3A_2262 = tpu.memref_slice %arg4[%dma_wait3A_2252, %dma_wait3A_2260, %dma_wait3A_2261] : memref<16384x56x128xf32, #tpu.memory_space<hbm>> -> memref<1x50x32xf32, #tpu.memory_space<hbm>>
        %dma_wait3A_2263 = tpu.memref_squeeze %dma_wait3A_2262 : memref<1x50x32xf32, #tpu.memory_space<hbm>> -> memref<50x32xf32, #tpu.memory_space<hbm>>
        %dma_wait3A_2264 = arith.constant 0 : i32
        %dma_wait3A_2265 = arith.constant 0 : i32
        %dma_wait3A_2266 = tpu.memref_slice %arg8[%dma_wait3A_2264, %dma_wait3A_2265] : memref<1600x32xf32, #tpu.memory_space<vmem>> -> memref<50x32xf32, #tpu.memory_space<vmem>>
        tpu.wait_dma2 semaphore(%arg14 : memref<!tpu.dma_semaphore, #tpu.memory_space<semaphore_mem>>) src(%dma_wait3A_2266 : memref<50x32xf32, #tpu.memory_space<vmem>>) dst(%dma_wait3A_2263 : memref<50x32xf32, #tpu.memory_space<hbm>>)
        %dma_wait3A_2267 = arith.constant 0 : i32
        %dma_wait3A_2268 = arith.constant 0 : i32
        %dma_wait3A_2269 = arith.constant 0 : i32
        %dma_wait3A_2270 = tpu.memref_slice %arg8[%dma_wait3A_2268, %dma_wait3A_2269] : memref<1600x32xf32, #tpu.memory_space<vmem>> -> memref<50x32xf32, #tpu.memory_space<vmem>>
        %dma_wait3A_2271 = arith.constant 0 : i32
        %dma_wait3A_2272 = arith.constant 0 : i32
        %dma_wait3A_2273 = tpu.memref_slice %arg4[%dma_wait3A_2267, %dma_wait3A_2271, %dma_wait3A_2272] : memref<16384x56x128xf32, #tpu.memory_space<hbm>> -> memref<1x50x32xf32, #tpu.memory_space<hbm>>
        %dma_wait3A_2274 = tpu.memref_squeeze %dma_wait3A_2273 : memref<1x50x32xf32, #tpu.memory_space<hbm>> -> memref<50x32xf32, #tpu.memory_space<hbm>>
        %dma_wait3A_2275 = arith.constant 0 : i32
        %dma_wait3A_2276 = arith.constant 0 : i32
        %dma_wait3A_2277 = tpu.memref_slice %arg4[%dma_wait3A_2267, %dma_wait3A_2275, %dma_wait3A_2276] : memref<16384x56x128xf32, #tpu.memory_space<hbm>> -> memref<1x50x32xf32, #tpu.memory_space<hbm>>
        %dma_wait3A_2278 = tpu.memref_squeeze %dma_wait3A_2277 : memref<1x50x32xf32, #tpu.memory_space<hbm>> -> memref<50x32xf32, #tpu.memory_space<hbm>>
        %dma_wait3A_2279 = arith.constant 0 : i32
        %dma_wait3A_2280 = arith.constant 0 : i32
        %dma_wait3A_2281 = tpu.memref_slice %arg8[%dma_wait3A_2279, %dma_wait3A_2280] : memref<1600x32xf32, #tpu.memory_space<vmem>> -> memref<50x32xf32, #tpu.memory_space<vmem>>
        tpu.wait_dma2 semaphore(%arg14 : memref<!tpu.dma_semaphore, #tpu.memory_space<semaphore_mem>>) src(%dma_wait3A_2281 : memref<50x32xf32, #tpu.memory_space<vmem>>) dst(%dma_wait3A_2278 : memref<50x32xf32, #tpu.memory_space<hbm>>)
        %dma_wait3A_2282 = arith.constant 0 : i32
        %dma_wait3A_2283 = arith.constant 0 : i32
        %dma_wait3A_2284 = arith.constant 0 : i32
        %dma_wait3A_2285 = tpu.memref_slice %arg8[%dma_wait3A_2283, %dma_wait3A_2284] : memref<1600x32xf32, #tpu.memory_space<vmem>> -> memref<50x32xf32, #tpu.memory_space<vmem>>
        %dma_wait3A_2286 = arith.constant 0 : i32
        %dma_wait3A_2287 = arith.constant 0 : i32
        %dma_wait3A_2288 = tpu.memref_slice %arg4[%dma_wait3A_2282, %dma_wait3A_2286, %dma_wait3A_2287] : memref<16384x56x128xf32, #tpu.memory_space<hbm>> -> memref<1x50x32xf32, #tpu.memory_space<hbm>>
        %dma_wait3A_2289 = tpu.memref_squeeze %dma_wait3A_2288 : memref<1x50x32xf32, #tpu.memory_space<hbm>> -> memref<50x32xf32, #tpu.memory_space<hbm>>
        %dma_wait3A_2290 = arith.constant 0 : i32
        %dma_wait3A_2291 = arith.constant 0 : i32
        %dma_wait3A_2292 = tpu.memref_slice %arg4[%dma_wait3A_2282, %dma_wait3A_2290, %dma_wait3A_2291] : memref<16384x56x128xf32, #tpu.memory_space<hbm>> -> memref<1x50x32xf32, #tpu.memory_space<hbm>>
        %dma_wait3A_2293 = tpu.memref_squeeze %dma_wait3A_2292 : memref<1x50x32xf32, #tpu.memory_space<hbm>> -> memref<50x32xf32, #tpu.memory_space<hbm>>
        %dma_wait3A_2294 = arith.constant 0 : i32
        %dma_wait3A_2295 = arith.constant 0 : i32
        %dma_wait3A_2296 = tpu.memref_slice %arg8[%dma_wait3A_2294, %dma_wait3A_2295] : memref<1600x32xf32, #tpu.memory_space<vmem>> -> memref<50x32xf32, #tpu.memory_space<vmem>>
        tpu.wait_dma2 semaphore(%arg14 : memref<!tpu.dma_semaphore, #tpu.memory_space<semaphore_mem>>) src(%dma_wait3A_2296 : memref<50x32xf32, #tpu.memory_space<vmem>>) dst(%dma_wait3A_2293 : memref<50x32xf32, #tpu.memory_space<hbm>>)
        %dma_wait3A_2297 = arith.constant 0 : i32
        %dma_wait3A_2298 = arith.constant 0 : i32
        %dma_wait3A_2299 = arith.constant 0 : i32
        %dma_wait3A_2300 = tpu.memref_slice %arg8[%dma_wait3A_2298, %dma_wait3A_2299] : memref<1600x32xf32, #tpu.memory_space<vmem>> -> memref<50x32xf32, #tpu.memory_space<vmem>>
        %dma_wait3A_2301 = arith.constant 0 : i32
        %dma_wait3A_2302 = arith.constant 0 : i32
        %dma_wait3A_2303 = tpu.memref_slice %arg4[%dma_wait3A_2297, %dma_wait3A_2301, %dma_wait3A_2302] : memref<16384x56x128xf32, #tpu.memory_space<hbm>> -> memref<1x50x32xf32, #tpu.memory_space<hbm>>
        %dma_wait3A_2304 = tpu.memref_squeeze %dma_wait3A_2303 : memref<1x50x32xf32, #tpu.memory_space<hbm>> -> memref<50x32xf32, #tpu.memory_space<hbm>>
        %dma_wait3A_2305 = arith.constant 0 : i32
        %dma_wait3A_2306 = arith.constant 0 : i32
        %dma_wait3A_2307 = tpu.memref_slice %arg4[%dma_wait3A_2297, %dma_wait3A_2305, %dma_wait3A_2306] : memref<16384x56x128xf32, #tpu.memory_space<hbm>> -> memref<1x50x32xf32, #tpu.memory_space<hbm>>
        %dma_wait3A_2308 = tpu.memref_squeeze %dma_wait3A_2307 : memref<1x50x32xf32, #tpu.memory_space<hbm>> -> memref<50x32xf32, #tpu.memory_space<hbm>>
        %dma_wait3A_2309 = arith.constant 0 : i32
        %dma_wait3A_2310 = arith.constant 0 : i32
        %dma_wait3A_2311 = tpu.memref_slice %arg8[%dma_wait3A_2309, %dma_wait3A_2310] : memref<1600x32xf32, #tpu.memory_space<vmem>> -> memref<50x32xf32, #tpu.memory_space<vmem>>
        tpu.wait_dma2 semaphore(%arg14 : memref<!tpu.dma_semaphore, #tpu.memory_space<semaphore_mem>>) src(%dma_wait3A_2311 : memref<50x32xf32, #tpu.memory_space<vmem>>) dst(%dma_wait3A_2308 : memref<50x32xf32, #tpu.memory_space<hbm>>)
        %dma_wait3A_2312 = arith.constant 0 : i32
        %dma_wait3A_2313 = arith.constant 0 : i32
        %dma_wait3A_2314 = arith.constant 0 : i32
        %dma_wait3A_2315 = tpu.memref_slice %arg8[%dma_wait3A_2313, %dma_wait3A_2314] : memref<1600x32xf32, #tpu.memory_space<vmem>> -> memref<50x32xf32, #tpu.memory_space<vmem>>
        %dma_wait3A_2316 = arith.constant 0 : i32
        %dma_wait3A_2317 = arith.constant 0 : i32
        %dma_wait3A_2318 = tpu.memref_slice %arg4[%dma_wait3A_2312, %dma_wait3A_2316, %dma_wait3A_2317] : memref<16384x56x128xf32, #tpu.memory_space<hbm>> -> memref<1x50x32xf32, #tpu.memory_space<hbm>>
        %dma_wait3A_2319 = tpu.memref_squeeze %dma_wait3A_2318 : memref<1x50x32xf32, #tpu.memory_space<hbm>> -> memref<50x32xf32, #tpu.memory_space<hbm>>
        %dma_wait3A_2320 = arith.constant 0 : i32
        %dma_wait3A_2321 = arith.constant 0 : i32
        %dma_wait3A_2322 = tpu.memref_slice %arg4[%dma_wait3A_2312, %dma_wait3A_2320, %dma_wait3A_2321] : memref<16384x56x128xf32, #tpu.memory_space<hbm>> -> memref<1x50x32xf32, #tpu.memory_space<hbm>>
        %dma_wait3A_2323 = tpu.memref_squeeze %dma_wait3A_2322 : memref<1x50x32xf32, #tpu.memory_space<hbm>> -> memref<50x32xf32, #tpu.memory_space<hbm>>
        %dma_wait3A_2324 = arith.constant 0 : i32
        %dma_wait3A_2325 = arith.constant 0 : i32
        %dma_wait3A_2326 = tpu.memref_slice %arg8[%dma_wait3A_2324, %dma_wait3A_2325] : memref<1600x32xf32, #tpu.memory_space<vmem>> -> memref<50x32xf32, #tpu.memory_space<vmem>>
        tpu.wait_dma2 semaphore(%arg14 : memref<!tpu.dma_semaphore, #tpu.memory_space<semaphore_mem>>) src(%dma_wait3A_2326 : memref<50x32xf32, #tpu.memory_space<vmem>>) dst(%dma_wait3A_2323 : memref<50x32xf32, #tpu.memory_space<hbm>>)
        %dma_wait3A_2327 = arith.constant 0 : i32
        %dma_wait3A_2328 = arith.constant 0 : i32
        %dma_wait3A_2329 = arith.constant 0 : i32
        %dma_wait3A_2330 = tpu.memref_slice %arg8[%dma_wait3A_2328, %dma_wait3A_2329] : memref<1600x32xf32, #tpu.memory_space<vmem>> -> memref<50x32xf32, #tpu.memory_space<vmem>>
        %dma_wait3A_2331 = arith.constant 0 : i32
        %dma_wait3A_2332 = arith.constant 0 : i32
        %dma_wait3A_2333 = tpu.memref_slice %arg4[%dma_wait3A_2327, %dma_wait3A_2331, %dma_wait3A_2332] : memref<16384x56x128xf32, #tpu.memory_space<hbm>> -> memref<1x50x32xf32, #tpu.memory_space<hbm>>
        %dma_wait3A_2334 = tpu.memref_squeeze %dma_wait3A_2333 : memref<1x50x32xf32, #tpu.memory_space<hbm>> -> memref<50x32xf32, #tpu.memory_space<hbm>>
        %dma_wait3A_2335 = arith.constant 0 : i32
        %dma_wait3A_2336 = arith.constant 0 : i32
        %dma_wait3A_2337 = tpu.memref_slice %arg4[%dma_wait3A_2327, %dma_wait3A_2335, %dma_wait3A_2336] : memref<16384x56x128xf32, #tpu.memory_space<hbm>> -> memref<1x50x32xf32, #tpu.memory_space<hbm>>
        %dma_wait3A_2338 = tpu.memref_squeeze %dma_wait3A_2337 : memref<1x50x32xf32, #tpu.memory_space<hbm>> -> memref<50x32xf32, #tpu.memory_space<hbm>>
        %dma_wait3A_2339 = arith.constant 0 : i32
        %dma_wait3A_2340 = arith.constant 0 : i32
        %dma_wait3A_2341 = tpu.memref_slice %arg8[%dma_wait3A_2339, %dma_wait3A_2340] : memref<1600x32xf32, #tpu.memory_space<vmem>> -> memref<50x32xf32, #tpu.memory_space<vmem>>
        tpu.wait_dma2 semaphore(%arg14 : memref<!tpu.dma_semaphore, #tpu.memory_space<semaphore_mem>>) src(%dma_wait3A_2341 : memref<50x32xf32, #tpu.memory_space<vmem>>) dst(%dma_wait3A_2338 : memref<50x32xf32, #tpu.memory_space<hbm>>)
        %dma_wait3A_2342 = arith.constant 0 : i32
        %dma_wait3A_2343 = arith.constant 0 : i32
        %dma_wait3A_2344 = arith.constant 0 : i32
        %dma_wait3A_2345 = tpu.memref_slice %arg8[%dma_wait3A_2343, %dma_wait3A_2344] : memref<1600x32xf32, #tpu.memory_space<vmem>> -> memref<50x32xf32, #tpu.memory_space<vmem>>
        %dma_wait3A_2346 = arith.constant 0 : i32
        %dma_wait3A_2347 = arith.constant 0 : i32
        %dma_wait3A_2348 = tpu.memref_slice %arg4[%dma_wait3A_2342, %dma_wait3A_2346, %dma_wait3A_2347] : memref<16384x56x128xf32, #tpu.memory_space<hbm>> -> memref<1x50x32xf32, #tpu.memory_space<hbm>>
        %dma_wait3A_2349 = tpu.memref_squeeze %dma_wait3A_2348 : memref<1x50x32xf32, #tpu.memory_space<hbm>> -> memref<50x32xf32, #tpu.memory_space<hbm>>
        %dma_wait3A_2350 = arith.constant 0 : i32
        %dma_wait3A_2351 = arith.constant 0 : i32
        %dma_wait3A_2352 = tpu.memref_slice %arg4[%dma_wait3A_2342, %dma_wait3A_2350, %dma_wait3A_2351] : memref<16384x56x128xf32, #tpu.memory_space<hbm>> -> memref<1x50x32xf32, #tpu.memory_space<hbm>>
        %dma_wait3A_2353 = tpu.memref_squeeze %dma_wait3A_2352 : memref<1x50x32xf32, #tpu.memory_space<hbm>> -> memref<50x32xf32, #tpu.memory_space<hbm>>
        %dma_wait3A_2354 = arith.constant 0 : i32
        %dma_wait3A_2355 = arith.constant 0 : i32
        %dma_wait3A_2356 = tpu.memref_slice %arg8[%dma_wait3A_2354, %dma_wait3A_2355] : memref<1600x32xf32, #tpu.memory_space<vmem>> -> memref<50x32xf32, #tpu.memory_space<vmem>>
        tpu.wait_dma2 semaphore(%arg14 : memref<!tpu.dma_semaphore, #tpu.memory_space<semaphore_mem>>) src(%dma_wait3A_2356 : memref<50x32xf32, #tpu.memory_space<vmem>>) dst(%dma_wait3A_2353 : memref<50x32xf32, #tpu.memory_space<hbm>>)
        %dma_wait3A_2357 = arith.constant 0 : i32
        %dma_wait3A_2358 = arith.constant 0 : i32
        %dma_wait3A_2359 = arith.constant 0 : i32
        %dma_wait3A_2360 = tpu.memref_slice %arg8[%dma_wait3A_2358, %dma_wait3A_2359] : memref<1600x32xf32, #tpu.memory_space<vmem>> -> memref<50x32xf32, #tpu.memory_space<vmem>>
        %dma_wait3A_2361 = arith.constant 0 : i32
        %dma_wait3A_2362 = arith.constant 0 : i32
        %dma_wait3A_2363 = tpu.memref_slice %arg4[%dma_wait3A_2357, %dma_wait3A_2361, %dma_wait3A_2362] : memref<16384x56x128xf32, #tpu.memory_space<hbm>> -> memref<1x50x32xf32, #tpu.memory_space<hbm>>
        %dma_wait3A_2364 = tpu.memref_squeeze %dma_wait3A_2363 : memref<1x50x32xf32, #tpu.memory_space<hbm>> -> memref<50x32xf32, #tpu.memory_space<hbm>>
        %dma_wait3A_2365 = arith.constant 0 : i32
        %dma_wait3A_2366 = arith.constant 0 : i32
        %dma_wait3A_2367 = tpu.memref_slice %arg4[%dma_wait3A_2357, %dma_wait3A_2365, %dma_wait3A_2366] : memref<16384x56x128xf32, #tpu.memory_space<hbm>> -> memref<1x50x32xf32, #tpu.memory_space<hbm>>
        %dma_wait3A_2368 = tpu.memref_squeeze %dma_wait3A_2367 : memref<1x50x32xf32, #tpu.memory_space<hbm>> -> memref<50x32xf32, #tpu.memory_space<hbm>>
        %dma_wait3A_2369 = arith.constant 0 : i32
        %dma_wait3A_2370 = arith.constant 0 : i32
        %dma_wait3A_2371 = tpu.memref_slice %arg8[%dma_wait3A_2369, %dma_wait3A_2370] : memref<1600x32xf32, #tpu.memory_space<vmem>> -> memref<50x32xf32, #tpu.memory_space<vmem>>
        tpu.wait_dma2 semaphore(%arg14 : memref<!tpu.dma_semaphore, #tpu.memory_space<semaphore_mem>>) src(%dma_wait3A_2371 : memref<50x32xf32, #tpu.memory_space<vmem>>) dst(%dma_wait3A_2368 : memref<50x32xf32, #tpu.memory_space<hbm>>)
        %dma_wait3A_2372 = arith.constant 0 : i32
        %dma_wait3A_2373 = arith.constant 0 : i32
        %dma_wait3A_2374 = arith.constant 0 : i32
        %dma_wait3A_2375 = tpu.memref_slice %arg8[%dma_wait3A_2373, %dma_wait3A_2374] : memref<1600x32xf32, #tpu.memory_space<vmem>> -> memref<50x32xf32, #tpu.memory_space<vmem>>
        %dma_wait3A_2376 = arith.constant 0 : i32
        %dma_wait3A_2377 = arith.constant 0 : i32
        %dma_wait3A_2378 = tpu.memref_slice %arg4[%dma_wait3A_2372, %dma_wait3A_2376, %dma_wait3A_2377] : memref<16384x56x128xf32, #tpu.memory_space<hbm>> -> memref<1x50x32xf32, #tpu.memory_space<hbm>>
        %dma_wait3A_2379 = tpu.memref_squeeze %dma_wait3A_2378 : memref<1x50x32xf32, #tpu.memory_space<hbm>> -> memref<50x32xf32, #tpu.memory_space<hbm>>
        %dma_wait3A_2380 = arith.constant 0 : i32
        %dma_wait3A_2381 = arith.constant 0 : i32
        %dma_wait3A_2382 = tpu.memref_slice %arg4[%dma_wait3A_2372, %dma_wait3A_2380, %dma_wait3A_2381] : memref<16384x56x128xf32, #tpu.memory_space<hbm>> -> memref<1x50x32xf32, #tpu.memory_space<hbm>>
        %dma_wait3A_2383 = tpu.memref_squeeze %dma_wait3A_2382 : memref<1x50x32xf32, #tpu.memory_space<hbm>> -> memref<50x32xf32, #tpu.memory_space<hbm>>
        %dma_wait3A_2384 = arith.constant 0 : i32
        %dma_wait3A_2385 = arith.constant 0 : i32
        %dma_wait3A_2386 = tpu.memref_slice %arg8[%dma_wait3A_2384, %dma_wait3A_2385] : memref<1600x32xf32, #tpu.memory_space<vmem>> -> memref<50x32xf32, #tpu.memory_space<vmem>>
        tpu.wait_dma2 semaphore(%arg14 : memref<!tpu.dma_semaphore, #tpu.memory_space<semaphore_mem>>) src(%dma_wait3A_2386 : memref<50x32xf32, #tpu.memory_space<vmem>>) dst(%dma_wait3A_2383 : memref<50x32xf32, #tpu.memory_space<hbm>>)
        %dma_wait3A_2387 = arith.constant 0 : i32
        %dma_wait3A_2388 = arith.constant 0 : i32
        %dma_wait3A_2389 = arith.constant 0 : i32
        %dma_wait3A_2390 = tpu.memref_slice %arg8[%dma_wait3A_2388, %dma_wait3A_2389] : memref<1600x32xf32, #tpu.memory_space<vmem>> -> memref<50x32xf32, #tpu.memory_space<vmem>>
        %dma_wait3A_2391 = arith.constant 0 : i32
        %dma_wait3A_2392 = arith.constant 0 : i32
        %dma_wait3A_2393 = tpu.memref_slice %arg4[%dma_wait3A_2387, %dma_wait3A_2391, %dma_wait3A_2392] : memref<16384x56x128xf32, #tpu.memory_space<hbm>> -> memref<1x50x32xf32, #tpu.memory_space<hbm>>
        %dma_wait3A_2394 = tpu.memref_squeeze %dma_wait3A_2393 : memref<1x50x32xf32, #tpu.memory_space<hbm>> -> memref<50x32xf32, #tpu.memory_space<hbm>>
        %dma_wait3A_2395 = arith.constant 0 : i32
        %dma_wait3A_2396 = arith.constant 0 : i32
        %dma_wait3A_2397 = tpu.memref_slice %arg4[%dma_wait3A_2387, %dma_wait3A_2395, %dma_wait3A_2396] : memref<16384x56x128xf32, #tpu.memory_space<hbm>> -> memref<1x50x32xf32, #tpu.memory_space<hbm>>
        %dma_wait3A_2398 = tpu.memref_squeeze %dma_wait3A_2397 : memref<1x50x32xf32, #tpu.memory_space<hbm>> -> memref<50x32xf32, #tpu.memory_space<hbm>>
        %dma_wait3A_2399 = arith.constant 0 : i32
        %dma_wait3A_2400 = arith.constant 0 : i32
        %dma_wait3A_2401 = tpu.memref_slice %arg8[%dma_wait3A_2399, %dma_wait3A_2400] : memref<1600x32xf32, #tpu.memory_space<vmem>> -> memref<50x32xf32, #tpu.memory_space<vmem>>
        tpu.wait_dma2 semaphore(%arg14 : memref<!tpu.dma_semaphore, #tpu.memory_space<semaphore_mem>>) src(%dma_wait3A_2401 : memref<50x32xf32, #tpu.memory_space<vmem>>) dst(%dma_wait3A_2398 : memref<50x32xf32, #tpu.memory_space<hbm>>)
        %dma_wait3A_2402 = arith.constant 0 : i32
        %dma_wait3A_2403 = arith.constant 0 : i32
        %dma_wait3A_2404 = arith.constant 0 : i32
        %dma_wait3A_2405 = tpu.memref_slice %arg8[%dma_wait3A_2403, %dma_wait3A_2404] : memref<1600x32xf32, #tpu.memory_space<vmem>> -> memref<50x32xf32, #tpu.memory_space<vmem>>
        %dma_wait3A_2406 = arith.constant 0 : i32
        %dma_wait3A_2407 = arith.constant 0 : i32
        %dma_wait3A_2408 = tpu.memref_slice %arg4[%dma_wait3A_2402, %dma_wait3A_2406, %dma_wait3A_2407] : memref<16384x56x128xf32, #tpu.memory_space<hbm>> -> memref<1x50x32xf32, #tpu.memory_space<hbm>>
        %dma_wait3A_2409 = tpu.memref_squeeze %dma_wait3A_2408 : memref<1x50x32xf32, #tpu.memory_space<hbm>> -> memref<50x32xf32, #tpu.memory_space<hbm>>
        %dma_wait3A_2410 = arith.constant 0 : i32
        %dma_wait3A_2411 = arith.constant 0 : i32
        %dma_wait3A_2412 = tpu.memref_slice %arg4[%dma_wait3A_2402, %dma_wait3A_2410, %dma_wait3A_2411] : memref<16384x56x128xf32, #tpu.memory_space<hbm>> -> memref<1x50x32xf32, #tpu.memory_space<hbm>>
        %dma_wait3A_2413 = tpu.memref_squeeze %dma_wait3A_2412 : memref<1x50x32xf32, #tpu.memory_space<hbm>> -> memref<50x32xf32, #tpu.memory_space<hbm>>
        %dma_wait3A_2414 = arith.constant 0 : i32
        %dma_wait3A_2415 = arith.constant 0 : i32
        %dma_wait3A_2416 = tpu.memref_slice %arg8[%dma_wait3A_2414, %dma_wait3A_2415] : memref<1600x32xf32, #tpu.memory_space<vmem>> -> memref<50x32xf32, #tpu.memory_space<vmem>>
        tpu.wait_dma2 semaphore(%arg14 : memref<!tpu.dma_semaphore, #tpu.memory_space<semaphore_mem>>) src(%dma_wait3A_2416 : memref<50x32xf32, #tpu.memory_space<vmem>>) dst(%dma_wait3A_2413 : memref<50x32xf32, #tpu.memory_space<hbm>>)
        %dma_wait3A_2417 = arith.constant 0 : i32
        %dma_wait3A_2418 = arith.constant 0 : i32
        %dma_wait3A_2419 = arith.constant 0 : i32
        %dma_wait3A_2420 = tpu.memref_slice %arg8[%dma_wait3A_2418, %dma_wait3A_2419] : memref<1600x32xf32, #tpu.memory_space<vmem>> -> memref<50x32xf32, #tpu.memory_space<vmem>>
        %dma_wait3A_2421 = arith.constant 0 : i32
        %dma_wait3A_2422 = arith.constant 0 : i32
        %dma_wait3A_2423 = tpu.memref_slice %arg4[%dma_wait3A_2417, %dma_wait3A_2421, %dma_wait3A_2422] : memref<16384x56x128xf32, #tpu.memory_space<hbm>> -> memref<1x50x32xf32, #tpu.memory_space<hbm>>
        %dma_wait3A_2424 = tpu.memref_squeeze %dma_wait3A_2423 : memref<1x50x32xf32, #tpu.memory_space<hbm>> -> memref<50x32xf32, #tpu.memory_space<hbm>>
        %dma_wait3A_2425 = arith.constant 0 : i32
        %dma_wait3A_2426 = arith.constant 0 : i32
        %dma_wait3A_2427 = tpu.memref_slice %arg4[%dma_wait3A_2417, %dma_wait3A_2425, %dma_wait3A_2426] : memref<16384x56x128xf32, #tpu.memory_space<hbm>> -> memref<1x50x32xf32, #tpu.memory_space<hbm>>
        %dma_wait3A_2428 = tpu.memref_squeeze %dma_wait3A_2427 : memref<1x50x32xf32, #tpu.memory_space<hbm>> -> memref<50x32xf32, #tpu.memory_space<hbm>>
        %dma_wait3A_2429 = arith.constant 0 : i32
        %dma_wait3A_2430 = arith.constant 0 : i32
        %dma_wait3A_2431 = tpu.memref_slice %arg8[%dma_wait3A_2429, %dma_wait3A_2430] : memref<1600x32xf32, #tpu.memory_space<vmem>> -> memref<50x32xf32, #tpu.memory_space<vmem>>
        tpu.wait_dma2 semaphore(%arg14 : memref<!tpu.dma_semaphore, #tpu.memory_space<semaphore_mem>>) src(%dma_wait3A_2431 : memref<50x32xf32, #tpu.memory_space<vmem>>) dst(%dma_wait3A_2428 : memref<50x32xf32, #tpu.memory_space<hbm>>)
        %dma_wait3A_2432 = arith.constant 0 : i32
        %dma_wait3A_2433 = arith.constant 0 : i32
        %dma_wait3A_2434 = arith.constant 0 : i32
        %dma_wait3A_2435 = tpu.memref_slice %arg8[%dma_wait3A_2433, %dma_wait3A_2434] : memref<1600x32xf32, #tpu.memory_space<vmem>> -> memref<50x32xf32, #tpu.memory_space<vmem>>
        %dma_wait3A_2436 = arith.constant 0 : i32
        %dma_wait3A_2437 = arith.constant 0 : i32
        %dma_wait3A_2438 = tpu.memref_slice %arg4[%dma_wait3A_2432, %dma_wait3A_2436, %dma_wait3A_2437] : memref<16384x56x128xf32, #tpu.memory_space<hbm>> -> memref<1x50x32xf32, #tpu.memory_space<hbm>>
        %dma_wait3A_2439 = tpu.memref_squeeze %dma_wait3A_2438 : memref<1x50x32xf32, #tpu.memory_space<hbm>> -> memref<50x32xf32, #tpu.memory_space<hbm>>
        %dma_wait3A_2440 = arith.constant 0 : i32
        %dma_wait3A_2441 = arith.constant 0 : i32
        %dma_wait3A_2442 = tpu.memref_slice %arg4[%dma_wait3A_2432, %dma_wait3A_2440, %dma_wait3A_2441] : memref<16384x56x128xf32, #tpu.memory_space<hbm>> -> memref<1x50x32xf32, #tpu.memory_space<hbm>>
        %dma_wait3A_2443 = tpu.memref_squeeze %dma_wait3A_2442 : memref<1x50x32xf32, #tpu.memory_space<hbm>> -> memref<50x32xf32, #tpu.memory_space<hbm>>
        %dma_wait3A_2444 = arith.constant 0 : i32
        %dma_wait3A_2445 = arith.constant 0 : i32
        %dma_wait3A_2446 = tpu.memref_slice %arg8[%dma_wait3A_2444, %dma_wait3A_2445] : memref<1600x32xf32, #tpu.memory_space<vmem>> -> memref<50x32xf32, #tpu.memory_space<vmem>>
        tpu.wait_dma2 semaphore(%arg14 : memref<!tpu.dma_semaphore, #tpu.memory_space<semaphore_mem>>) src(%dma_wait3A_2446 : memref<50x32xf32, #tpu.memory_space<vmem>>) dst(%dma_wait3A_2443 : memref<50x32xf32, #tpu.memory_space<hbm>>)
        %dma_wait3A_2447 = arith.constant 0 : i32
        %dma_wait3A_2448 = arith.constant 0 : i32
        %dma_wait3A_2449 = arith.constant 0 : i32
        %dma_wait3A_2450 = tpu.memref_slice %arg8[%dma_wait3A_2448, %dma_wait3A_2449] : memref<1600x32xf32, #tpu.memory_space<vmem>> -> memref<50x32xf32, #tpu.memory_space<vmem>>
        %dma_wait3A_2451 = arith.constant 0 : i32
        %dma_wait3A_2452 = arith.constant 0 : i32
        %dma_wait3A_2453 = tpu.memref_slice %arg4[%dma_wait3A_2447, %dma_wait3A_2451, %dma_wait3A_2452] : memref<16384x56x128xf32, #tpu.memory_space<hbm>> -> memref<1x50x32xf32, #tpu.memory_space<hbm>>
        %dma_wait3A_2454 = tpu.memref_squeeze %dma_wait3A_2453 : memref<1x50x32xf32, #tpu.memory_space<hbm>> -> memref<50x32xf32, #tpu.memory_space<hbm>>
        %dma_wait3A_2455 = arith.constant 0 : i32
        %dma_wait3A_2456 = arith.constant 0 : i32
        %dma_wait3A_2457 = tpu.memref_slice %arg4[%dma_wait3A_2447, %dma_wait3A_2455, %dma_wait3A_2456] : memref<16384x56x128xf32, #tpu.memory_space<hbm>> -> memref<1x50x32xf32, #tpu.memory_space<hbm>>
        %dma_wait3A_2458 = tpu.memref_squeeze %dma_wait3A_2457 : memref<1x50x32xf32, #tpu.memory_space<hbm>> -> memref<50x32xf32, #tpu.memory_space<hbm>>
        %dma_wait3A_2459 = arith.constant 0 : i32
        %dma_wait3A_2460 = arith.constant 0 : i32
        %dma_wait3A_2461 = tpu.memref_slice %arg8[%dma_wait3A_2459, %dma_wait3A_2460] : memref<1600x32xf32, #tpu.memory_space<vmem>> -> memref<50x32xf32, #tpu.memory_space<vmem>>
        tpu.wait_dma2 semaphore(%arg14 : memref<!tpu.dma_semaphore, #tpu.memory_space<semaphore_mem>>) src(%dma_wait3A_2461 : memref<50x32xf32, #tpu.memory_space<vmem>>) dst(%dma_wait3A_2458 : memref<50x32xf32, #tpu.memory_space<hbm>>)
        %dma_wait3A_2462 = arith.constant 0 : i32
        %dma_wait3A_2463 = arith.constant 0 : i32
        %dma_wait3A_2464 = arith.constant 0 : i32
        %dma_wait3A_2465 = tpu.memref_slice %arg8[%dma_wait3A_2463, %dma_wait3A_2464] : memref<1600x32xf32, #tpu.memory_space<vmem>> -> memref<50x32xf32, #tpu.memory_space<vmem>>
        %dma_wait3A_2466 = arith.constant 0 : i32
        %dma_wait3A_2467 = arith.constant 0 : i32
        %dma_wait3A_2468 = tpu.memref_slice %arg4[%dma_wait3A_2462, %dma_wait3A_2466, %dma_wait3A_2467] : memref<16384x56x128xf32, #tpu.memory_space<hbm>> -> memref<1x50x32xf32, #tpu.memory_space<hbm>>
        %dma_wait3A_2469 = tpu.memref_squeeze %dma_wait3A_2468 : memref<1x50x32xf32, #tpu.memory_space<hbm>> -> memref<50x32xf32, #tpu.memory_space<hbm>>
        %dma_wait3A_2470 = arith.constant 0 : i32
        %dma_wait3A_2471 = arith.constant 0 : i32
        %dma_wait3A_2472 = tpu.memref_slice %arg4[%dma_wait3A_2462, %dma_wait3A_2470, %dma_wait3A_2471] : memref<16384x56x128xf32, #tpu.memory_space<hbm>> -> memref<1x50x32xf32, #tpu.memory_space<hbm>>
        %dma_wait3A_2473 = tpu.memref_squeeze %dma_wait3A_2472 : memref<1x50x32xf32, #tpu.memory_space<hbm>> -> memref<50x32xf32, #tpu.memory_space<hbm>>
        %dma_wait3A_2474 = arith.constant 0 : i32
        %dma_wait3A_2475 = arith.constant 0 : i32
        %dma_wait3A_2476 = tpu.memref_slice %arg8[%dma_wait3A_2474, %dma_wait3A_2475] : memref<1600x32xf32, #tpu.memory_space<vmem>> -> memref<50x32xf32, #tpu.memory_space<vmem>>
        tpu.wait_dma2 semaphore(%arg14 : memref<!tpu.dma_semaphore, #tpu.memory_space<semaphore_mem>>) src(%dma_wait3A_2476 : memref<50x32xf32, #tpu.memory_space<vmem>>) dst(%dma_wait3A_2473 : memref<50x32xf32, #tpu.memory_space<hbm>>)
        %dma_wait3A_2477 = arith.constant 0 : i32
        %dma_wait3A_2478 = arith.constant 0 : i32
        %dma_wait3A_2479 = arith.constant 0 : i32
        %dma_wait3A_2480 = tpu.memref_slice %arg8[%dma_wait3A_2478, %dma_wait3A_2479] : memref<1600x32xf32, #tpu.memory_space<vmem>> -> memref<50x32xf32, #tpu.memory_space<vmem>>
        %dma_wait3A_2481 = arith.constant 0 : i32
        %dma_wait3A_2482 = arith.constant 0 : i32
        %dma_wait3A_2483 = tpu.memref_slice %arg4[%dma_wait3A_2477, %dma_wait3A_2481, %dma_wait3A_2482] : memref<16384x56x128xf32, #tpu.memory_space<hbm>> -> memref<1x50x32xf32, #tpu.memory_space<hbm>>
        %dma_wait3A_2484 = tpu.memref_squeeze %dma_wait3A_2483 : memref<1x50x32xf32, #tpu.memory_space<hbm>> -> memref<50x32xf32, #tpu.memory_space<hbm>>
        %dma_wait3A_2485 = arith.constant 0 : i32
        %dma_wait3A_2486 = arith.constant 0 : i32
        %dma_wait3A_2487 = tpu.memref_slice %arg4[%dma_wait3A_2477, %dma_wait3A_2485, %dma_wait3A_2486] : memref<16384x56x128xf32, #tpu.memory_space<hbm>> -> memref<1x50x32xf32, #tpu.memory_space<hbm>>
        %dma_wait3A_2488 = tpu.memref_squeeze %dma_wait3A_2487 : memref<1x50x32xf32, #tpu.memory_space<hbm>> -> memref<50x32xf32, #tpu.memory_space<hbm>>
        %dma_wait3A_2489 = arith.constant 0 : i32
        %dma_wait3A_2490 = arith.constant 0 : i32
        %dma_wait3A_2491 = tpu.memref_slice %arg8[%dma_wait3A_2489, %dma_wait3A_2490] : memref<1600x32xf32, #tpu.memory_space<vmem>> -> memref<50x32xf32, #tpu.memory_space<vmem>>
        tpu.wait_dma2 semaphore(%arg14 : memref<!tpu.dma_semaphore, #tpu.memory_space<semaphore_mem>>) src(%dma_wait3A_2491 : memref<50x32xf32, #tpu.memory_space<vmem>>) dst(%dma_wait3A_2488 : memref<50x32xf32, #tpu.memory_space<hbm>>)
        %dma_wait3A_2492 = arith.constant 0 : i32
        %dma_wait3A_2493 = arith.constant 0 : i32
        %dma_wait3A_2494 = arith.constant 0 : i32
        %dma_wait3A_2495 = tpu.memref_slice %arg8[%dma_wait3A_2493, %dma_wait3A_2494] : memref<1600x32xf32, #tpu.memory_space<vmem>> -> memref<50x32xf32, #tpu.memory_space<vmem>>
        %dma_wait3A_2496 = arith.constant 0 : i32
        %dma_wait3A_2497 = arith.constant 0 : i32
        %dma_wait3A_2498 = tpu.memref_slice %arg4[%dma_wait3A_2492, %dma_wait3A_2496, %dma_wait3A_2497] : memref<16384x56x128xf32, #tpu.memory_space<hbm>> -> memref<1x50x32xf32, #tpu.memory_space<hbm>>
        %dma_wait3A_2499 = tpu.memref_squeeze %dma_wait3A_2498 : memref<1x50x32xf32, #tpu.memory_space<hbm>> -> memref<50x32xf32, #tpu.memory_space<hbm>>
        %dma_wait3A_2500 = arith.constant 0 : i32
        %dma_wait3A_2501 = arith.constant 0 : i32
        %dma_wait3A_2502 = tpu.memref_slice %arg4[%dma_wait3A_2492, %dma_wait3A_2500, %dma_wait3A_2501] : memref<16384x56x128xf32, #tpu.memory_space<hbm>> -> memref<1x50x32xf32, #tpu.memory_space<hbm>>
        %dma_wait3A_2503 = tpu.memref_squeeze %dma_wait3A_2502 : memref<1x50x32xf32, #tpu.memory_space<hbm>> -> memref<50x32xf32, #tpu.memory_space<hbm>>
        %dma_wait3A_2504 = arith.constant 0 : i32
        %dma_wait3A_2505 = arith.constant 0 : i32
        %dma_wait3A_2506 = tpu.memref_slice %arg8[%dma_wait3A_2504, %dma_wait3A_2505] : memref<1600x32xf32, #tpu.memory_space<vmem>> -> memref<50x32xf32, #tpu.memory_space<vmem>>
        tpu.wait_dma2 semaphore(%arg14 : memref<!tpu.dma_semaphore, #tpu.memory_space<semaphore_mem>>) src(%dma_wait3A_2506 : memref<50x32xf32, #tpu.memory_space<vmem>>) dst(%dma_wait3A_2503 : memref<50x32xf32, #tpu.memory_space<hbm>>)
        %dma_wait3A_2507 = arith.constant 0 : i32
        %dma_wait3A_2508 = arith.constant 0 : i32
        %dma_wait3A_2509 = arith.constant 0 : i32
        %dma_wait3A_2510 = tpu.memref_slice %arg8[%dma_wait3A_2508, %dma_wait3A_2509] : memref<1600x32xf32, #tpu.memory_space<vmem>> -> memref<50x32xf32, #tpu.memory_space<vmem>>
        %dma_wait3A_2511 = arith.constant 0 : i32
        %dma_wait3A_2512 = arith.constant 0 : i32
        %dma_wait3A_2513 = tpu.memref_slice %arg4[%dma_wait3A_2507, %dma_wait3A_2511, %dma_wait3A_2512] : memref<16384x56x128xf32, #tpu.memory_space<hbm>> -> memref<1x50x32xf32, #tpu.memory_space<hbm>>
        %dma_wait3A_2514 = tpu.memref_squeeze %dma_wait3A_2513 : memref<1x50x32xf32, #tpu.memory_space<hbm>> -> memref<50x32xf32, #tpu.memory_space<hbm>>
        %dma_wait3A_2515 = arith.constant 0 : i32
        %dma_wait3A_2516 = arith.constant 0 : i32
        %dma_wait3A_2517 = tpu.memref_slice %arg4[%dma_wait3A_2507, %dma_wait3A_2515, %dma_wait3A_2516] : memref<16384x56x128xf32, #tpu.memory_space<hbm>> -> memref<1x50x32xf32, #tpu.memory_space<hbm>>
        %dma_wait3A_2518 = tpu.memref_squeeze %dma_wait3A_2517 : memref<1x50x32xf32, #tpu.memory_space<hbm>> -> memref<50x32xf32, #tpu.memory_space<hbm>>
        %dma_wait3A_2519 = arith.constant 0 : i32
        %dma_wait3A_2520 = arith.constant 0 : i32
        %dma_wait3A_2521 = tpu.memref_slice %arg8[%dma_wait3A_2519, %dma_wait3A_2520] : memref<1600x32xf32, #tpu.memory_space<vmem>> -> memref<50x32xf32, #tpu.memory_space<vmem>>
        tpu.wait_dma2 semaphore(%arg14 : memref<!tpu.dma_semaphore, #tpu.memory_space<semaphore_mem>>) src(%dma_wait3A_2521 : memref<50x32xf32, #tpu.memory_space<vmem>>) dst(%dma_wait3A_2518 : memref<50x32xf32, #tpu.memory_space<hbm>>)
        %dma_wait3A_2522 = arith.constant 0 : i32
        %dma_wait3A_2523 = arith.constant 0 : i32
        %dma_wait3A_2524 = arith.constant 0 : i32
        %dma_wait3A_2525 = tpu.memref_slice %arg8[%dma_wait3A_2523, %dma_wait3A_2524] : memref<1600x32xf32, #tpu.memory_space<vmem>> -> memref<50x32xf32, #tpu.memory_space<vmem>>
        %dma_wait3A_2526 = arith.constant 0 : i32
        %dma_wait3A_2527 = arith.constant 0 : i32
        %dma_wait3A_2528 = tpu.memref_slice %arg4[%dma_wait3A_2522, %dma_wait3A_2526, %dma_wait3A_2527] : memref<16384x56x128xf32, #tpu.memory_space<hbm>> -> memref<1x50x32xf32, #tpu.memory_space<hbm>>
        %dma_wait3A_2529 = tpu.memref_squeeze %dma_wait3A_2528 : memref<1x50x32xf32, #tpu.memory_space<hbm>> -> memref<50x32xf32, #tpu.memory_space<hbm>>
        %dma_wait3A_2530 = arith.constant 0 : i32
        %dma_wait3A_2531 = arith.constant 0 : i32
        %dma_wait3A_2532 = tpu.memref_slice %arg4[%dma_wait3A_2522, %dma_wait3A_2530, %dma_wait3A_2531] : memref<16384x56x128xf32, #tpu.memory_space<hbm>> -> memref<1x50x32xf32, #tpu.memory_space<hbm>>
        %dma_wait3A_2533 = tpu.memref_squeeze %dma_wait3A_2532 : memref<1x50x32xf32, #tpu.memory_space<hbm>> -> memref<50x32xf32, #tpu.memory_space<hbm>>
        %dma_wait3A_2534 = arith.constant 0 : i32
        %dma_wait3A_2535 = arith.constant 0 : i32
        %dma_wait3A_2536 = tpu.memref_slice %arg8[%dma_wait3A_2534, %dma_wait3A_2535] : memref<1600x32xf32, #tpu.memory_space<vmem>> -> memref<50x32xf32, #tpu.memory_space<vmem>>
        tpu.wait_dma2 semaphore(%arg14 : memref<!tpu.dma_semaphore, #tpu.memory_space<semaphore_mem>>) src(%dma_wait3A_2536 : memref<50x32xf32, #tpu.memory_space<vmem>>) dst(%dma_wait3A_2533 : memref<50x32xf32, #tpu.memory_space<hbm>>)
      } else {
      }
      %dma_start3A_1532 = arith.constant 0 : i32
      %dma_start3A_1533 = arith.constant 0 : i32
      %dma_start3A_1534 = tpu.memref_slice %arg3[%dma_start3A_1532, %dma_start3A_1533] : memref<1000000x32xf32, #tpu.memory_space<hbm>> -> memref<1000000x32xf32, #tpu.memory_space<hbm>>
      tpu.enqueue_indirect_dma source(%dma_start3A_1534 : memref<1000000x32xf32, #tpu.memory_space<hbm>>) target(%arg8 : memref<1600x32xf32, #tpu.memory_space<vmem>>) offsets(%arg6 : memref<1600xi32, #tpu.memory_space<vmem>>) semaphore(%arg12 : memref<!tpu.dma_semaphore, #tpu.memory_space<semaphore_mem>>)
      %dma_wait3A_1535 = arith.constant 0 : i32
      %dma_wait3A_1536 = arith.constant 0 : i32
      %dma_wait3A_1537 = tpu.memref_slice %arg3[%dma_wait3A_1535, %dma_wait3A_1536] : memref<1000000x32xf32, #tpu.memory_space<hbm>> -> memref<1000000x32xf32, #tpu.memory_space<hbm>>
      tpu.wait_indirect_dma semaphore(%arg12 : memref<!tpu.dma_semaphore, #tpu.memory_space<semaphore_mem>>) src(%dma_wait3A_1537 : memref<1000000x32xf32, #tpu.memory_space<hbm>>) dst(%arg8 : memref<1600x32xf32, #tpu.memory_space<vmem>>)
      %add3A_1538 = arith.constant 0 : i32
      %add3A_1539 = arith.addi %add3A_1522, %add3A_1538 : i32
      %dma_start3A_1540 = arith.constant 0 : i32
      %dma_start3A_1541 = arith.constant 0 : i32
      %dma_start3A_1542 = tpu.memref_slice %arg8[%dma_start3A_1540, %dma_start3A_1541] : memref<1600x32xf32, #tpu.memory_space<vmem>> -> memref<50x32xf32, #tpu.memory_space<vmem>>
      %dma_start3A_1543 = arith.constant 0 : i32
      %dma_start3A_1544 = arith.constant 0 : i32
      %dma_start3A_1545 = tpu.memref_slice %arg4[%add3A_1539, %dma_start3A_1543, %dma_start3A_1544] : memref<16384x56x128xf32, #tpu.memory_space<hbm>> -> memref<1x50x32xf32, #tpu.memory_space<hbm>>
      %dma_start3A_1546 = tpu.memref_squeeze %dma_start3A_1545 : memref<1x50x32xf32, #tpu.memory_space<hbm>> -> memref<50x32xf32, #tpu.memory_space<hbm>>
      %dma_start3A_1547 = arith.constant 0 : i32
      %dma_start3A_1548 = arith.constant 0 : i32
      %dma_start3A_1549 = tpu.memref_slice %arg4[%add3A_1539, %dma_start3A_1547, %dma_start3A_1548] : memref<16384x56x128xf32, #tpu.memory_space<hbm>> -> memref<1x50x32xf32, #tpu.memory_space<hbm>>
      %dma_start3A_1550 = tpu.memref_squeeze %dma_start3A_1549 : memref<1x50x32xf32, #tpu.memory_space<hbm>> -> memref<50x32xf32, #tpu.memory_space<hbm>>
      %dma_start3A_1551 = arith.constant 0 : i32
      %dma_start3A_1552 = arith.constant 0 : i32
      %dma_start3A_1553 = tpu.memref_slice %arg8[%dma_start3A_1551, %dma_start3A_1552] : memref<1600x32xf32, #tpu.memory_space<vmem>> -> memref<50x32xf32, #tpu.memory_space<vmem>>
      tpu.enqueue_dma source(%dma_start3A_1553 : memref<50x32xf32, #tpu.memory_space<vmem>>) target(%dma_start3A_1550 : memref<50x32xf32, #tpu.memory_space<hbm>>) target_semaphore(%arg14 : memref<!tpu.dma_semaphore, #tpu.memory_space<semaphore_mem>>)
      %add3A_1554 = arith.constant 1 : i32
      %add3A_1555 = arith.addi %add3A_1522, %add3A_1554 : i32
      %dma_start3A_1556 = arith.constant 50 : i32
      %dma_start3A_1557 = arith.constant 0 : i32
      %dma_start3A_1558 = tpu.memref_slice %arg8[%dma_start3A_1556, %dma_start3A_1557] : memref<1600x32xf32, #tpu.memory_space<vmem>> -> memref<50x32xf32, #tpu.memory_space<vmem>>
      %dma_start3A_1559 = arith.constant 0 : i32
      %dma_start3A_1560 = arith.constant 0 : i32
      %dma_start3A_1561 = tpu.memref_slice %arg4[%add3A_1555, %dma_start3A_1559, %dma_start3A_1560] : memref<16384x56x128xf32, #tpu.memory_space<hbm>> -> memref<1x50x32xf32, #tpu.memory_space<hbm>>
      %dma_start3A_1562 = tpu.memref_squeeze %dma_start3A_1561 : memref<1x50x32xf32, #tpu.memory_space<hbm>> -> memref<50x32xf32, #tpu.memory_space<hbm>>
      %dma_start3A_1563 = arith.constant 0 : i32
      %dma_start3A_1564 = arith.constant 0 : i32
      %dma_start3A_1565 = tpu.memref_slice %arg4[%add3A_1555, %dma_start3A_1563, %dma_start3A_1564] : memref<16384x56x128xf32, #tpu.memory_space<hbm>> -> memref<1x50x32xf32, #tpu.memory_space<hbm>>
      %dma_start3A_1566 = tpu.memref_squeeze %dma_start3A_1565 : memref<1x50x32xf32, #tpu.memory_space<hbm>> -> memref<50x32xf32, #tpu.memory_space<hbm>>
      %dma_start3A_1567 = arith.constant 50 : i32
      %dma_start3A_1568 = arith.constant 0 : i32
      %dma_start3A_1569 = tpu.memref_slice %arg8[%dma_start3A_1567, %dma_start3A_1568] : memref<1600x32xf32, #tpu.memory_space<vmem>> -> memref<50x32xf32, #tpu.memory_space<vmem>>
      tpu.enqueue_dma source(%dma_start3A_1569 : memref<50x32xf32, #tpu.memory_space<vmem>>) target(%dma_start3A_1566 : memref<50x32xf32, #tpu.memory_space<hbm>>) target_semaphore(%arg14 : memref<!tpu.dma_semaphore, #tpu.memory_space<semaphore_mem>>)
      %add3A_1570 = arith.constant 2 : i32
      %add3A_1571 = arith.addi %add3A_1522, %add3A_1570 : i32
      %dma_start3A_1572 = arith.constant 100 : i32
      %dma_start3A_1573 = arith.constant 0 : i32
      %dma_start3A_1574 = tpu.memref_slice %arg8[%dma_start3A_1572, %dma_start3A_1573] : memref<1600x32xf32, #tpu.memory_space<vmem>> -> memref<50x32xf32, #tpu.memory_space<vmem>>
      %dma_start3A_1575 = arith.constant 0 : i32
      %dma_start3A_1576 = arith.constant 0 : i32
      %dma_start3A_1577 = tpu.memref_slice %arg4[%add3A_1571, %dma_start3A_1575, %dma_start3A_1576] : memref<16384x56x128xf32, #tpu.memory_space<hbm>> -> memref<1x50x32xf32, #tpu.memory_space<hbm>>
      %dma_start3A_1578 = tpu.memref_squeeze %dma_start3A_1577 : memref<1x50x32xf32, #tpu.memory_space<hbm>> -> memref<50x32xf32, #tpu.memory_space<hbm>>
      %dma_start3A_1579 = arith.constant 0 : i32
      %dma_start3A_1580 = arith.constant 0 : i32
      %dma_start3A_1581 = tpu.memref_slice %arg4[%add3A_1571, %dma_start3A_1579, %dma_start3A_1580] : memref<16384x56x128xf32, #tpu.memory_space<hbm>> -> memref<1x50x32xf32, #tpu.memory_space<hbm>>
      %dma_start3A_1582 = tpu.memref_squeeze %dma_start3A_1581 : memref<1x50x32xf32, #tpu.memory_space<hbm>> -> memref<50x32xf32, #tpu.memory_space<hbm>>
      %dma_start3A_1583 = arith.constant 100 : i32
      %dma_start3A_1584 = arith.constant 0 : i32
      %dma_start3A_1585 = tpu.memref_slice %arg8[%dma_start3A_1583, %dma_start3A_1584] : memref<1600x32xf32, #tpu.memory_space<vmem>> -> memref<50x32xf32, #tpu.memory_space<vmem>>
      tpu.enqueue_dma source(%dma_start3A_1585 : memref<50x32xf32, #tpu.memory_space<vmem>>) target(%dma_start3A_1582 : memref<50x32xf32, #tpu.memory_space<hbm>>) target_semaphore(%arg14 : memref<!tpu.dma_semaphore, #tpu.memory_space<semaphore_mem>>)
      %add3A_1586 = arith.constant 3 : i32
      %add3A_1587 = arith.addi %add3A_1522, %add3A_1586 : i32
      %dma_start3A_1588 = arith.constant 150 : i32
      %dma_start3A_1589 = arith.constant 0 : i32
      %dma_start3A_1590 = tpu.memref_slice %arg8[%dma_start3A_1588, %dma_start3A_1589] : memref<1600x32xf32, #tpu.memory_space<vmem>> -> memref<50x32xf32, #tpu.memory_space<vmem>>
      %dma_start3A_1591 = arith.constant 0 : i32
      %dma_start3A_1592 = arith.constant 0 : i32
      %dma_start3A_1593 = tpu.memref_slice %arg4[%add3A_1587, %dma_start3A_1591, %dma_start3A_1592] : memref<16384x56x128xf32, #tpu.memory_space<hbm>> -> memref<1x50x32xf32, #tpu.memory_space<hbm>>
      %dma_start3A_1594 = tpu.memref_squeeze %dma_start3A_1593 : memref<1x50x32xf32, #tpu.memory_space<hbm>> -> memref<50x32xf32, #tpu.memory_space<hbm>>
      %dma_start3A_1595 = arith.constant 0 : i32
      %dma_start3A_1596 = arith.constant 0 : i32
      %dma_start3A_1597 = tpu.memref_slice %arg4[%add3A_1587, %dma_start3A_1595, %dma_start3A_1596] : memref<16384x56x128xf32, #tpu.memory_space<hbm>> -> memref<1x50x32xf32, #tpu.memory_space<hbm>>
      %dma_start3A_1598 = tpu.memref_squeeze %dma_start3A_1597 : memref<1x50x32xf32, #tpu.memory_space<hbm>> -> memref<50x32xf32, #tpu.memory_space<hbm>>
      %dma_start3A_1599 = arith.constant 150 : i32
      %dma_start3A_1600 = arith.constant 0 : i32
      %dma_start3A_1601 = tpu.memref_slice %arg8[%dma_start3A_1599, %dma_start3A_1600] : memref<1600x32xf32, #tpu.memory_space<vmem>> -> memref<50x32xf32, #tpu.memory_space<vmem>>
      tpu.enqueue_dma source(%dma_start3A_1601 : memref<50x32xf32, #tpu.memory_space<vmem>>) target(%dma_start3A_1598 : memref<50x32xf32, #tpu.memory_space<hbm>>) target_semaphore(%arg14 : memref<!tpu.dma_semaphore, #tpu.memory_space<semaphore_mem>>)
      %add3A_1602 = arith.constant 4 : i32
      %add3A_1603 = arith.addi %add3A_1522, %add3A_1602 : i32
      %dma_start3A_1604 = arith.constant 200 : i32
      %dma_start3A_1605 = arith.constant 0 : i32
      %dma_start3A_1606 = tpu.memref_slice %arg8[%dma_start3A_1604, %dma_start3A_1605] : memref<1600x32xf32, #tpu.memory_space<vmem>> -> memref<50x32xf32, #tpu.memory_space<vmem>>
      %dma_start3A_1607 = arith.constant 0 : i32
      %dma_start3A_1608 = arith.constant 0 : i32
      %dma_start3A_1609 = tpu.memref_slice %arg4[%add3A_1603, %dma_start3A_1607, %dma_start3A_1608] : memref<16384x56x128xf32, #tpu.memory_space<hbm>> -> memref<1x50x32xf32, #tpu.memory_space<hbm>>
      %dma_start3A_1610 = tpu.memref_squeeze %dma_start3A_1609 : memref<1x50x32xf32, #tpu.memory_space<hbm>> -> memref<50x32xf32, #tpu.memory_space<hbm>>
      %dma_start3A_1611 = arith.constant 0 : i32
      %dma_start3A_1612 = arith.constant 0 : i32
      %dma_start3A_1613 = tpu.memref_slice %arg4[%add3A_1603, %dma_start3A_1611, %dma_start3A_1612] : memref<16384x56x128xf32, #tpu.memory_space<hbm>> -> memref<1x50x32xf32, #tpu.memory_space<hbm>>
      %dma_start3A_1614 = tpu.memref_squeeze %dma_start3A_1613 : memref<1x50x32xf32, #tpu.memory_space<hbm>> -> memref<50x32xf32, #tpu.memory_space<hbm>>
      %dma_start3A_1615 = arith.constant 200 : i32
      %dma_start3A_1616 = arith.constant 0 : i32
      %dma_start3A_1617 = tpu.memref_slice %arg8[%dma_start3A_1615, %dma_start3A_1616] : memref<1600x32xf32, #tpu.memory_space<vmem>> -> memref<50x32xf32, #tpu.memory_space<vmem>>
      tpu.enqueue_dma source(%dma_start3A_1617 : memref<50x32xf32, #tpu.memory_space<vmem>>) target(%dma_start3A_1614 : memref<50x32xf32, #tpu.memory_space<hbm>>) target_semaphore(%arg14 : memref<!tpu.dma_semaphore, #tpu.memory_space<semaphore_mem>>)
      %add3A_1618 = arith.constant 5 : i32
      %add3A_1619 = arith.addi %add3A_1522, %add3A_1618 : i32
      %dma_start3A_1620 = arith.constant 250 : i32
      %dma_start3A_1621 = arith.constant 0 : i32
      %dma_start3A_1622 = tpu.memref_slice %arg8[%dma_start3A_1620, %dma_start3A_1621] : memref<1600x32xf32, #tpu.memory_space<vmem>> -> memref<50x32xf32, #tpu.memory_space<vmem>>
      %dma_start3A_1623 = arith.constant 0 : i32
      %dma_start3A_1624 = arith.constant 0 : i32
      %dma_start3A_1625 = tpu.memref_slice %arg4[%add3A_1619, %dma_start3A_1623, %dma_start3A_1624] : memref<16384x56x128xf32, #tpu.memory_space<hbm>> -> memref<1x50x32xf32, #tpu.memory_space<hbm>>
      %dma_start3A_1626 = tpu.memref_squeeze %dma_start3A_1625 : memref<1x50x32xf32, #tpu.memory_space<hbm>> -> memref<50x32xf32, #tpu.memory_space<hbm>>
      %dma_start3A_1627 = arith.constant 0 : i32
      %dma_start3A_1628 = arith.constant 0 : i32
      %dma_start3A_1629 = tpu.memref_slice %arg4[%add3A_1619, %dma_start3A_1627, %dma_start3A_1628] : memref<16384x56x128xf32, #tpu.memory_space<hbm>> -> memref<1x50x32xf32, #tpu.memory_space<hbm>>
      %dma_start3A_1630 = tpu.memref_squeeze %dma_start3A_1629 : memref<1x50x32xf32, #tpu.memory_space<hbm>> -> memref<50x32xf32, #tpu.memory_space<hbm>>
      %dma_start3A_1631 = arith.constant 250 : i32
      %dma_start3A_1632 = arith.constant 0 : i32
      %dma_start3A_1633 = tpu.memref_slice %arg8[%dma_start3A_1631, %dma_start3A_1632] : memref<1600x32xf32, #tpu.memory_space<vmem>> -> memref<50x32xf32, #tpu.memory_space<vmem>>
      tpu.enqueue_dma source(%dma_start3A_1633 : memref<50x32xf32, #tpu.memory_space<vmem>>) target(%dma_start3A_1630 : memref<50x32xf32, #tpu.memory_space<hbm>>) target_semaphore(%arg14 : memref<!tpu.dma_semaphore, #tpu.memory_space<semaphore_mem>>)
      %add3A_1634 = arith.constant 6 : i32
      %add3A_1635 = arith.addi %add3A_1522, %add3A_1634 : i32
      %dma_start3A_1636 = arith.constant 300 : i32
      %dma_start3A_1637 = arith.constant 0 : i32
      %dma_start3A_1638 = tpu.memref_slice %arg8[%dma_start3A_1636, %dma_start3A_1637] : memref<1600x32xf32, #tpu.memory_space<vmem>> -> memref<50x32xf32, #tpu.memory_space<vmem>>
      %dma_start3A_1639 = arith.constant 0 : i32
      %dma_start3A_1640 = arith.constant 0 : i32
      %dma_start3A_1641 = tpu.memref_slice %arg4[%add3A_1635, %dma_start3A_1639, %dma_start3A_1640] : memref<16384x56x128xf32, #tpu.memory_space<hbm>> -> memref<1x50x32xf32, #tpu.memory_space<hbm>>
      %dma_start3A_1642 = tpu.memref_squeeze %dma_start3A_1641 : memref<1x50x32xf32, #tpu.memory_space<hbm>> -> memref<50x32xf32, #tpu.memory_space<hbm>>
      %dma_start3A_1643 = arith.constant 0 : i32
      %dma_start3A_1644 = arith.constant 0 : i32
      %dma_start3A_1645 = tpu.memref_slice %arg4[%add3A_1635, %dma_start3A_1643, %dma_start3A_1644] : memref<16384x56x128xf32, #tpu.memory_space<hbm>> -> memref<1x50x32xf32, #tpu.memory_space<hbm>>
      %dma_start3A_1646 = tpu.memref_squeeze %dma_start3A_1645 : memref<1x50x32xf32, #tpu.memory_space<hbm>> -> memref<50x32xf32, #tpu.memory_space<hbm>>
      %dma_start3A_1647 = arith.constant 300 : i32
      %dma_start3A_1648 = arith.constant 0 : i32
      %dma_start3A_1649 = tpu.memref_slice %arg8[%dma_start3A_1647, %dma_start3A_1648] : memref<1600x32xf32, #tpu.memory_space<vmem>> -> memref<50x32xf32, #tpu.memory_space<vmem>>
      tpu.enqueue_dma source(%dma_start3A_1649 : memref<50x32xf32, #tpu.memory_space<vmem>>) target(%dma_start3A_1646 : memref<50x32xf32, #tpu.memory_space<hbm>>) target_semaphore(%arg14 : memref<!tpu.dma_semaphore, #tpu.memory_space<semaphore_mem>>)
      %add3A_1650 = arith.constant 7 : i32
      %add3A_1651 = arith.addi %add3A_1522, %add3A_1650 : i32
      %dma_start3A_1652 = arith.constant 350 : i32
      %dma_start3A_1653 = arith.constant 0 : i32
      %dma_start3A_1654 = tpu.memref_slice %arg8[%dma_start3A_1652, %dma_start3A_1653] : memref<1600x32xf32, #tpu.memory_space<vmem>> -> memref<50x32xf32, #tpu.memory_space<vmem>>
      %dma_start3A_1655 = arith.constant 0 : i32
      %dma_start3A_1656 = arith.constant 0 : i32
      %dma_start3A_1657 = tpu.memref_slice %arg4[%add3A_1651, %dma_start3A_1655, %dma_start3A_1656] : memref<16384x56x128xf32, #tpu.memory_space<hbm>> -> memref<1x50x32xf32, #tpu.memory_space<hbm>>
      %dma_start3A_1658 = tpu.memref_squeeze %dma_start3A_1657 : memref<1x50x32xf32, #tpu.memory_space<hbm>> -> memref<50x32xf32, #tpu.memory_space<hbm>>
      %dma_start3A_1659 = arith.constant 0 : i32
      %dma_start3A_1660 = arith.constant 0 : i32
      %dma_start3A_1661 = tpu.memref_slice %arg4[%add3A_1651, %dma_start3A_1659, %dma_start3A_1660] : memref<16384x56x128xf32, #tpu.memory_space<hbm>> -> memref<1x50x32xf32, #tpu.memory_space<hbm>>
      %dma_start3A_1662 = tpu.memref_squeeze %dma_start3A_1661 : memref<1x50x32xf32, #tpu.memory_space<hbm>> -> memref<50x32xf32, #tpu.memory_space<hbm>>
      %dma_start3A_1663 = arith.constant 350 : i32
      %dma_start3A_1664 = arith.constant 0 : i32
      %dma_start3A_1665 = tpu.memref_slice %arg8[%dma_start3A_1663, %dma_start3A_1664] : memref<1600x32xf32, #tpu.memory_space<vmem>> -> memref<50x32xf32, #tpu.memory_space<vmem>>
      tpu.enqueue_dma source(%dma_start3A_1665 : memref<50x32xf32, #tpu.memory_space<vmem>>) target(%dma_start3A_1662 : memref<50x32xf32, #tpu.memory_space<hbm>>) target_semaphore(%arg14 : memref<!tpu.dma_semaphore, #tpu.memory_space<semaphore_mem>>)
      %add3A_1666 = arith.constant 8 : i32
      %add3A_1667 = arith.addi %add3A_1522, %add3A_1666 : i32
      %dma_start3A_1668 = arith.constant 400 : i32
      %dma_start3A_1669 = arith.constant 0 : i32
      %dma_start3A_1670 = tpu.memref_slice %arg8[%dma_start3A_1668, %dma_start3A_1669] : memref<1600x32xf32, #tpu.memory_space<vmem>> -> memref<50x32xf32, #tpu.memory_space<vmem>>
      %dma_start3A_1671 = arith.constant 0 : i32
      %dma_start3A_1672 = arith.constant 0 : i32
      %dma_start3A_1673 = tpu.memref_slice %arg4[%add3A_1667, %dma_start3A_1671, %dma_start3A_1672] : memref<16384x56x128xf32, #tpu.memory_space<hbm>> -> memref<1x50x32xf32, #tpu.memory_space<hbm>>
      %dma_start3A_1674 = tpu.memref_squeeze %dma_start3A_1673 : memref<1x50x32xf32, #tpu.memory_space<hbm>> -> memref<50x32xf32, #tpu.memory_space<hbm>>
      %dma_start3A_1675 = arith.constant 0 : i32
      %dma_start3A_1676 = arith.constant 0 : i32
      %dma_start3A_1677 = tpu.memref_slice %arg4[%add3A_1667, %dma_start3A_1675, %dma_start3A_1676] : memref<16384x56x128xf32, #tpu.memory_space<hbm>> -> memref<1x50x32xf32, #tpu.memory_space<hbm>>
      %dma_start3A_1678 = tpu.memref_squeeze %dma_start3A_1677 : memref<1x50x32xf32, #tpu.memory_space<hbm>> -> memref<50x32xf32, #tpu.memory_space<hbm>>
      %dma_start3A_1679 = arith.constant 400 : i32
      %dma_start3A_1680 = arith.constant 0 : i32
      %dma_start3A_1681 = tpu.memref_slice %arg8[%dma_start3A_1679, %dma_start3A_1680] : memref<1600x32xf32, #tpu.memory_space<vmem>> -> memref<50x32xf32, #tpu.memory_space<vmem>>
      tpu.enqueue_dma source(%dma_start3A_1681 : memref<50x32xf32, #tpu.memory_space<vmem>>) target(%dma_start3A_1678 : memref<50x32xf32, #tpu.memory_space<hbm>>) target_semaphore(%arg14 : memref<!tpu.dma_semaphore, #tpu.memory_space<semaphore_mem>>)
      %add3A_1682 = arith.constant 9 : i32
      %add3A_1683 = arith.addi %add3A_1522, %add3A_1682 : i32
      %dma_start3A_1684 = arith.constant 450 : i32
      %dma_start3A_1685 = arith.constant 0 : i32
      %dma_start3A_1686 = tpu.memref_slice %arg8[%dma_start3A_1684, %dma_start3A_1685] : memref<1600x32xf32, #tpu.memory_space<vmem>> -> memref<50x32xf32, #tpu.memory_space<vmem>>
      %dma_start3A_1687 = arith.constant 0 : i32
      %dma_start3A_1688 = arith.constant 0 : i32
      %dma_start3A_1689 = tpu.memref_slice %arg4[%add3A_1683, %dma_start3A_1687, %dma_start3A_1688] : memref<16384x56x128xf32, #tpu.memory_space<hbm>> -> memref<1x50x32xf32, #tpu.memory_space<hbm>>
      %dma_start3A_1690 = tpu.memref_squeeze %dma_start3A_1689 : memref<1x50x32xf32, #tpu.memory_space<hbm>> -> memref<50x32xf32, #tpu.memory_space<hbm>>
      %dma_start3A_1691 = arith.constant 0 : i32
      %dma_start3A_1692 = arith.constant 0 : i32
      %dma_start3A_1693 = tpu.memref_slice %arg4[%add3A_1683, %dma_start3A_1691, %dma_start3A_1692] : memref<16384x56x128xf32, #tpu.memory_space<hbm>> -> memref<1x50x32xf32, #tpu.memory_space<hbm>>
      %dma_start3A_1694 = tpu.memref_squeeze %dma_start3A_1693 : memref<1x50x32xf32, #tpu.memory_space<hbm>> -> memref<50x32xf32, #tpu.memory_space<hbm>>
      %dma_start3A_1695 = arith.constant 450 : i32
      %dma_start3A_1696 = arith.constant 0 : i32
      %dma_start3A_1697 = tpu.memref_slice %arg8[%dma_start3A_1695, %dma_start3A_1696] : memref<1600x32xf32, #tpu.memory_space<vmem>> -> memref<50x32xf32, #tpu.memory_space<vmem>>
      tpu.enqueue_dma source(%dma_start3A_1697 : memref<50x32xf32, #tpu.memory_space<vmem>>) target(%dma_start3A_1694 : memref<50x32xf32, #tpu.memory_space<hbm>>) target_semaphore(%arg14 : memref<!tpu.dma_semaphore, #tpu.memory_space<semaphore_mem>>)
      %add3A_1698 = arith.constant 10 : i32
      %add3A_1699 = arith.addi %add3A_1522, %add3A_1698 : i32
      %dma_start3A_1700 = arith.constant 500 : i32
      %dma_start3A_1701 = arith.constant 0 : i32
      %dma_start3A_1702 = tpu.memref_slice %arg8[%dma_start3A_1700, %dma_start3A_1701] : memref<1600x32xf32, #tpu.memory_space<vmem>> -> memref<50x32xf32, #tpu.memory_space<vmem>>
      %dma_start3A_1703 = arith.constant 0 : i32
      %dma_start3A_1704 = arith.constant 0 : i32
      %dma_start3A_1705 = tpu.memref_slice %arg4[%add3A_1699, %dma_start3A_1703, %dma_start3A_1704] : memref<16384x56x128xf32, #tpu.memory_space<hbm>> -> memref<1x50x32xf32, #tpu.memory_space<hbm>>
      %dma_start3A_1706 = tpu.memref_squeeze %dma_start3A_1705 : memref<1x50x32xf32, #tpu.memory_space<hbm>> -> memref<50x32xf32, #tpu.memory_space<hbm>>
      %dma_start3A_1707 = arith.constant 0 : i32
      %dma_start3A_1708 = arith.constant 0 : i32
      %dma_start3A_1709 = tpu.memref_slice %arg4[%add3A_1699, %dma_start3A_1707, %dma_start3A_1708] : memref<16384x56x128xf32, #tpu.memory_space<hbm>> -> memref<1x50x32xf32, #tpu.memory_space<hbm>>
      %dma_start3A_1710 = tpu.memref_squeeze %dma_start3A_1709 : memref<1x50x32xf32, #tpu.memory_space<hbm>> -> memref<50x32xf32, #tpu.memory_space<hbm>>
      %dma_start3A_1711 = arith.constant 500 : i32
      %dma_start3A_1712 = arith.constant 0 : i32
      %dma_start3A_1713 = tpu.memref_slice %arg8[%dma_start3A_1711, %dma_start3A_1712] : memref<1600x32xf32, #tpu.memory_space<vmem>> -> memref<50x32xf32, #tpu.memory_space<vmem>>
      tpu.enqueue_dma source(%dma_start3A_1713 : memref<50x32xf32, #tpu.memory_space<vmem>>) target(%dma_start3A_1710 : memref<50x32xf32, #tpu.memory_space<hbm>>) target_semaphore(%arg14 : memref<!tpu.dma_semaphore, #tpu.memory_space<semaphore_mem>>)
      %add3A_1714 = arith.constant 11 : i32
      %add3A_1715 = arith.addi %add3A_1522, %add3A_1714 : i32
      %dma_start3A_1716 = arith.constant 550 : i32
      %dma_start3A_1717 = arith.constant 0 : i32
      %dma_start3A_1718 = tpu.memref_slice %arg8[%dma_start3A_1716, %dma_start3A_1717] : memref<1600x32xf32, #tpu.memory_space<vmem>> -> memref<50x32xf32, #tpu.memory_space<vmem>>
      %dma_start3A_1719 = arith.constant 0 : i32
      %dma_start3A_1720 = arith.constant 0 : i32
      %dma_start3A_1721 = tpu.memref_slice %arg4[%add3A_1715, %dma_start3A_1719, %dma_start3A_1720] : memref<16384x56x128xf32, #tpu.memory_space<hbm>> -> memref<1x50x32xf32, #tpu.memory_space<hbm>>
      %dma_start3A_1722 = tpu.memref_squeeze %dma_start3A_1721 : memref<1x50x32xf32, #tpu.memory_space<hbm>> -> memref<50x32xf32, #tpu.memory_space<hbm>>
      %dma_start3A_1723 = arith.constant 0 : i32
      %dma_start3A_1724 = arith.constant 0 : i32
      %dma_start3A_1725 = tpu.memref_slice %arg4[%add3A_1715, %dma_start3A_1723, %dma_start3A_1724] : memref<16384x56x128xf32, #tpu.memory_space<hbm>> -> memref<1x50x32xf32, #tpu.memory_space<hbm>>
      %dma_start3A_1726 = tpu.memref_squeeze %dma_start3A_1725 : memref<1x50x32xf32, #tpu.memory_space<hbm>> -> memref<50x32xf32, #tpu.memory_space<hbm>>
      %dma_start3A_1727 = arith.constant 550 : i32
      %dma_start3A_1728 = arith.constant 0 : i32
      %dma_start3A_1729 = tpu.memref_slice %arg8[%dma_start3A_1727, %dma_start3A_1728] : memref<1600x32xf32, #tpu.memory_space<vmem>> -> memref<50x32xf32, #tpu.memory_space<vmem>>
      tpu.enqueue_dma source(%dma_start3A_1729 : memref<50x32xf32, #tpu.memory_space<vmem>>) target(%dma_start3A_1726 : memref<50x32xf32, #tpu.memory_space<hbm>>) target_semaphore(%arg14 : memref<!tpu.dma_semaphore, #tpu.memory_space<semaphore_mem>>)
      %add3A_1730 = arith.constant 12 : i32
      %add3A_1731 = arith.addi %add3A_1522, %add3A_1730 : i32
      %dma_start3A_1732 = arith.constant 600 : i32
      %dma_start3A_1733 = arith.constant 0 : i32
      %dma_start3A_1734 = tpu.memref_slice %arg8[%dma_start3A_1732, %dma_start3A_1733] : memref<1600x32xf32, #tpu.memory_space<vmem>> -> memref<50x32xf32, #tpu.memory_space<vmem>>
      %dma_start3A_1735 = arith.constant 0 : i32
      %dma_start3A_1736 = arith.constant 0 : i32
      %dma_start3A_1737 = tpu.memref_slice %arg4[%add3A_1731, %dma_start3A_1735, %dma_start3A_1736] : memref<16384x56x128xf32, #tpu.memory_space<hbm>> -> memref<1x50x32xf32, #tpu.memory_space<hbm>>
      %dma_start3A_1738 = tpu.memref_squeeze %dma_start3A_1737 : memref<1x50x32xf32, #tpu.memory_space<hbm>> -> memref<50x32xf32, #tpu.memory_space<hbm>>
      %dma_start3A_1739 = arith.constant 0 : i32
      %dma_start3A_1740 = arith.constant 0 : i32
      %dma_start3A_1741 = tpu.memref_slice %arg4[%add3A_1731, %dma_start3A_1739, %dma_start3A_1740] : memref<16384x56x128xf32, #tpu.memory_space<hbm>> -> memref<1x50x32xf32, #tpu.memory_space<hbm>>
      %dma_start3A_1742 = tpu.memref_squeeze %dma_start3A_1741 : memref<1x50x32xf32, #tpu.memory_space<hbm>> -> memref<50x32xf32, #tpu.memory_space<hbm>>
      %dma_start3A_1743 = arith.constant 600 : i32
      %dma_start3A_1744 = arith.constant 0 : i32
      %dma_start3A_1745 = tpu.memref_slice %arg8[%dma_start3A_1743, %dma_start3A_1744] : memref<1600x32xf32, #tpu.memory_space<vmem>> -> memref<50x32xf32, #tpu.memory_space<vmem>>
      tpu.enqueue_dma source(%dma_start3A_1745 : memref<50x32xf32, #tpu.memory_space<vmem>>) target(%dma_start3A_1742 : memref<50x32xf32, #tpu.memory_space<hbm>>) target_semaphore(%arg14 : memref<!tpu.dma_semaphore, #tpu.memory_space<semaphore_mem>>)
      %add3A_1746 = arith.constant 13 : i32
      %add3A_1747 = arith.addi %add3A_1522, %add3A_1746 : i32
      %dma_start3A_1748 = arith.constant 650 : i32
      %dma_start3A_1749 = arith.constant 0 : i32
      %dma_start3A_1750 = tpu.memref_slice %arg8[%dma_start3A_1748, %dma_start3A_1749] : memref<1600x32xf32, #tpu.memory_space<vmem>> -> memref<50x32xf32, #tpu.memory_space<vmem>>
      %dma_start3A_1751 = arith.constant 0 : i32
      %dma_start3A_1752 = arith.constant 0 : i32
      %dma_start3A_1753 = tpu.memref_slice %arg4[%add3A_1747, %dma_start3A_1751, %dma_start3A_1752] : memref<16384x56x128xf32, #tpu.memory_space<hbm>> -> memref<1x50x32xf32, #tpu.memory_space<hbm>>
      %dma_start3A_1754 = tpu.memref_squeeze %dma_start3A_1753 : memref<1x50x32xf32, #tpu.memory_space<hbm>> -> memref<50x32xf32, #tpu.memory_space<hbm>>
      %dma_start3A_1755 = arith.constant 0 : i32
      %dma_start3A_1756 = arith.constant 0 : i32
      %dma_start3A_1757 = tpu.memref_slice %arg4[%add3A_1747, %dma_start3A_1755, %dma_start3A_1756] : memref<16384x56x128xf32, #tpu.memory_space<hbm>> -> memref<1x50x32xf32, #tpu.memory_space<hbm>>
      %dma_start3A_1758 = tpu.memref_squeeze %dma_start3A_1757 : memref<1x50x32xf32, #tpu.memory_space<hbm>> -> memref<50x32xf32, #tpu.memory_space<hbm>>
      %dma_start3A_1759 = arith.constant 650 : i32
      %dma_start3A_1760 = arith.constant 0 : i32
      %dma_start3A_1761 = tpu.memref_slice %arg8[%dma_start3A_1759, %dma_start3A_1760] : memref<1600x32xf32, #tpu.memory_space<vmem>> -> memref<50x32xf32, #tpu.memory_space<vmem>>
      tpu.enqueue_dma source(%dma_start3A_1761 : memref<50x32xf32, #tpu.memory_space<vmem>>) target(%dma_start3A_1758 : memref<50x32xf32, #tpu.memory_space<hbm>>) target_semaphore(%arg14 : memref<!tpu.dma_semaphore, #tpu.memory_space<semaphore_mem>>)
      %add3A_1762 = arith.constant 14 : i32
      %add3A_1763 = arith.addi %add3A_1522, %add3A_1762 : i32
      %dma_start3A_1764 = arith.constant 700 : i32
      %dma_start3A_1765 = arith.constant 0 : i32
      %dma_start3A_1766 = tpu.memref_slice %arg8[%dma_start3A_1764, %dma_start3A_1765] : memref<1600x32xf32, #tpu.memory_space<vmem>> -> memref<50x32xf32, #tpu.memory_space<vmem>>
      %dma_start3A_1767 = arith.constant 0 : i32
      %dma_start3A_1768 = arith.constant 0 : i32
      %dma_start3A_1769 = tpu.memref_slice %arg4[%add3A_1763, %dma_start3A_1767, %dma_start3A_1768] : memref<16384x56x128xf32, #tpu.memory_space<hbm>> -> memref<1x50x32xf32, #tpu.memory_space<hbm>>
      %dma_start3A_1770 = tpu.memref_squeeze %dma_start3A_1769 : memref<1x50x32xf32, #tpu.memory_space<hbm>> -> memref<50x32xf32, #tpu.memory_space<hbm>>
      %dma_start3A_1771 = arith.constant 0 : i32
      %dma_start3A_1772 = arith.constant 0 : i32
      %dma_start3A_1773 = tpu.memref_slice %arg4[%add3A_1763, %dma_start3A_1771, %dma_start3A_1772] : memref<16384x56x128xf32, #tpu.memory_space<hbm>> -> memref<1x50x32xf32, #tpu.memory_space<hbm>>
      %dma_start3A_1774 = tpu.memref_squeeze %dma_start3A_1773 : memref<1x50x32xf32, #tpu.memory_space<hbm>> -> memref<50x32xf32, #tpu.memory_space<hbm>>
      %dma_start3A_1775 = arith.constant 700 : i32
      %dma_start3A_1776 = arith.constant 0 : i32
      %dma_start3A_1777 = tpu.memref_slice %arg8[%dma_start3A_1775, %dma_start3A_1776] : memref<1600x32xf32, #tpu.memory_space<vmem>> -> memref<50x32xf32, #tpu.memory_space<vmem>>
      tpu.enqueue_dma source(%dma_start3A_1777 : memref<50x32xf32, #tpu.memory_space<vmem>>) target(%dma_start3A_1774 : memref<50x32xf32, #tpu.memory_space<hbm>>) target_semaphore(%arg14 : memref<!tpu.dma_semaphore, #tpu.memory_space<semaphore_mem>>)
      %add3A_1778 = arith.constant 15 : i32
      %add3A_1779 = arith.addi %add3A_1522, %add3A_1778 : i32
      %dma_start3A_1780 = arith.constant 750 : i32
      %dma_start3A_1781 = arith.constant 0 : i32
      %dma_start3A_1782 = tpu.memref_slice %arg8[%dma_start3A_1780, %dma_start3A_1781] : memref<1600x32xf32, #tpu.memory_space<vmem>> -> memref<50x32xf32, #tpu.memory_space<vmem>>
      %dma_start3A_1783 = arith.constant 0 : i32
      %dma_start3A_1784 = arith.constant 0 : i32
      %dma_start3A_1785 = tpu.memref_slice %arg4[%add3A_1779, %dma_start3A_1783, %dma_start3A_1784] : memref<16384x56x128xf32, #tpu.memory_space<hbm>> -> memref<1x50x32xf32, #tpu.memory_space<hbm>>
      %dma_start3A_1786 = tpu.memref_squeeze %dma_start3A_1785 : memref<1x50x32xf32, #tpu.memory_space<hbm>> -> memref<50x32xf32, #tpu.memory_space<hbm>>
      %dma_start3A_1787 = arith.constant 0 : i32
      %dma_start3A_1788 = arith.constant 0 : i32
      %dma_start3A_1789 = tpu.memref_slice %arg4[%add3A_1779, %dma_start3A_1787, %dma_start3A_1788] : memref<16384x56x128xf32, #tpu.memory_space<hbm>> -> memref<1x50x32xf32, #tpu.memory_space<hbm>>
      %dma_start3A_1790 = tpu.memref_squeeze %dma_start3A_1789 : memref<1x50x32xf32, #tpu.memory_space<hbm>> -> memref<50x32xf32, #tpu.memory_space<hbm>>
      %dma_start3A_1791 = arith.constant 750 : i32
      %dma_start3A_1792 = arith.constant 0 : i32
      %dma_start3A_1793 = tpu.memref_slice %arg8[%dma_start3A_1791, %dma_start3A_1792] : memref<1600x32xf32, #tpu.memory_space<vmem>> -> memref<50x32xf32, #tpu.memory_space<vmem>>
      tpu.enqueue_dma source(%dma_start3A_1793 : memref<50x32xf32, #tpu.memory_space<vmem>>) target(%dma_start3A_1790 : memref<50x32xf32, #tpu.memory_space<hbm>>) target_semaphore(%arg14 : memref<!tpu.dma_semaphore, #tpu.memory_space<semaphore_mem>>)
      %add3A_1794 = arith.constant 16 : i32
      %add3A_1795 = arith.addi %add3A_1522, %add3A_1794 : i32
      %dma_start3A_1796 = arith.constant 800 : i32
      %dma_start3A_1797 = arith.constant 0 : i32
      %dma_start3A_1798 = tpu.memref_slice %arg8[%dma_start3A_1796, %dma_start3A_1797] : memref<1600x32xf32, #tpu.memory_space<vmem>> -> memref<50x32xf32, #tpu.memory_space<vmem>>
      %dma_start3A_1799 = arith.constant 0 : i32
      %dma_start3A_1800 = arith.constant 0 : i32
      %dma_start3A_1801 = tpu.memref_slice %arg4[%add3A_1795, %dma_start3A_1799, %dma_start3A_1800] : memref<16384x56x128xf32, #tpu.memory_space<hbm>> -> memref<1x50x32xf32, #tpu.memory_space<hbm>>
      %dma_start3A_1802 = tpu.memref_squeeze %dma_start3A_1801 : memref<1x50x32xf32, #tpu.memory_space<hbm>> -> memref<50x32xf32, #tpu.memory_space<hbm>>
      %dma_start3A_1803 = arith.constant 0 : i32
      %dma_start3A_1804 = arith.constant 0 : i32
      %dma_start3A_1805 = tpu.memref_slice %arg4[%add3A_1795, %dma_start3A_1803, %dma_start3A_1804] : memref<16384x56x128xf32, #tpu.memory_space<hbm>> -> memref<1x50x32xf32, #tpu.memory_space<hbm>>
      %dma_start3A_1806 = tpu.memref_squeeze %dma_start3A_1805 : memref<1x50x32xf32, #tpu.memory_space<hbm>> -> memref<50x32xf32, #tpu.memory_space<hbm>>
      %dma_start3A_1807 = arith.constant 800 : i32
      %dma_start3A_1808 = arith.constant 0 : i32
      %dma_start3A_1809 = tpu.memref_slice %arg8[%dma_start3A_1807, %dma_start3A_1808] : memref<1600x32xf32, #tpu.memory_space<vmem>> -> memref<50x32xf32, #tpu.memory_space<vmem>>
      tpu.enqueue_dma source(%dma_start3A_1809 : memref<50x32xf32, #tpu.memory_space<vmem>>) target(%dma_start3A_1806 : memref<50x32xf32, #tpu.memory_space<hbm>>) target_semaphore(%arg14 : memref<!tpu.dma_semaphore, #tpu.memory_space<semaphore_mem>>)
      %add3A_1810 = arith.constant 17 : i32
      %add3A_1811 = arith.addi %add3A_1522, %add3A_1810 : i32
      %dma_start3A_1812 = arith.constant 850 : i32
      %dma_start3A_1813 = arith.constant 0 : i32
      %dma_start3A_1814 = tpu.memref_slice %arg8[%dma_start3A_1812, %dma_start3A_1813] : memref<1600x32xf32, #tpu.memory_space<vmem>> -> memref<50x32xf32, #tpu.memory_space<vmem>>
      %dma_start3A_1815 = arith.constant 0 : i32
      %dma_start3A_1816 = arith.constant 0 : i32
      %dma_start3A_1817 = tpu.memref_slice %arg4[%add3A_1811, %dma_start3A_1815, %dma_start3A_1816] : memref<16384x56x128xf32, #tpu.memory_space<hbm>> -> memref<1x50x32xf32, #tpu.memory_space<hbm>>
      %dma_start3A_1818 = tpu.memref_squeeze %dma_start3A_1817 : memref<1x50x32xf32, #tpu.memory_space<hbm>> -> memref<50x32xf32, #tpu.memory_space<hbm>>
      %dma_start3A_1819 = arith.constant 0 : i32
      %dma_start3A_1820 = arith.constant 0 : i32
      %dma_start3A_1821 = tpu.memref_slice %arg4[%add3A_1811, %dma_start3A_1819, %dma_start3A_1820] : memref<16384x56x128xf32, #tpu.memory_space<hbm>> -> memref<1x50x32xf32, #tpu.memory_space<hbm>>
      %dma_start3A_1822 = tpu.memref_squeeze %dma_start3A_1821 : memref<1x50x32xf32, #tpu.memory_space<hbm>> -> memref<50x32xf32, #tpu.memory_space<hbm>>
      %dma_start3A_1823 = arith.constant 850 : i32
      %dma_start3A_1824 = arith.constant 0 : i32
      %dma_start3A_1825 = tpu.memref_slice %arg8[%dma_start3A_1823, %dma_start3A_1824] : memref<1600x32xf32, #tpu.memory_space<vmem>> -> memref<50x32xf32, #tpu.memory_space<vmem>>
      tpu.enqueue_dma source(%dma_start3A_1825 : memref<50x32xf32, #tpu.memory_space<vmem>>) target(%dma_start3A_1822 : memref<50x32xf32, #tpu.memory_space<hbm>>) target_semaphore(%arg14 : memref<!tpu.dma_semaphore, #tpu.memory_space<semaphore_mem>>)
      %add3A_1826 = arith.constant 18 : i32
      %add3A_1827 = arith.addi %add3A_1522, %add3A_1826 : i32
      %dma_start3A_1828 = arith.constant 900 : i32
      %dma_start3A_1829 = arith.constant 0 : i32
      %dma_start3A_1830 = tpu.memref_slice %arg8[%dma_start3A_1828, %dma_start3A_1829] : memref<1600x32xf32, #tpu.memory_space<vmem>> -> memref<50x32xf32, #tpu.memory_space<vmem>>
      %dma_start3A_1831 = arith.constant 0 : i32
      %dma_start3A_1832 = arith.constant 0 : i32
      %dma_start3A_1833 = tpu.memref_slice %arg4[%add3A_1827, %dma_start3A_1831, %dma_start3A_1832] : memref<16384x56x128xf32, #tpu.memory_space<hbm>> -> memref<1x50x32xf32, #tpu.memory_space<hbm>>
      %dma_start3A_1834 = tpu.memref_squeeze %dma_start3A_1833 : memref<1x50x32xf32, #tpu.memory_space<hbm>> -> memref<50x32xf32, #tpu.memory_space<hbm>>
      %dma_start3A_1835 = arith.constant 0 : i32
      %dma_start3A_1836 = arith.constant 0 : i32
      %dma_start3A_1837 = tpu.memref_slice %arg4[%add3A_1827, %dma_start3A_1835, %dma_start3A_1836] : memref<16384x56x128xf32, #tpu.memory_space<hbm>> -> memref<1x50x32xf32, #tpu.memory_space<hbm>>
      %dma_start3A_1838 = tpu.memref_squeeze %dma_start3A_1837 : memref<1x50x32xf32, #tpu.memory_space<hbm>> -> memref<50x32xf32, #tpu.memory_space<hbm>>
      %dma_start3A_1839 = arith.constant 900 : i32
      %dma_start3A_1840 = arith.constant 0 : i32
      %dma_start3A_1841 = tpu.memref_slice %arg8[%dma_start3A_1839, %dma_start3A_1840] : memref<1600x32xf32, #tpu.memory_space<vmem>> -> memref<50x32xf32, #tpu.memory_space<vmem>>
      tpu.enqueue_dma source(%dma_start3A_1841 : memref<50x32xf32, #tpu.memory_space<vmem>>) target(%dma_start3A_1838 : memref<50x32xf32, #tpu.memory_space<hbm>>) target_semaphore(%arg14 : memref<!tpu.dma_semaphore, #tpu.memory_space<semaphore_mem>>)
      %add3A_1842 = arith.constant 19 : i32
      %add3A_1843 = arith.addi %add3A_1522, %add3A_1842 : i32
      %dma_start3A_1844 = arith.constant 950 : i32
      %dma_start3A_1845 = arith.constant 0 : i32
      %dma_start3A_1846 = tpu.memref_slice %arg8[%dma_start3A_1844, %dma_start3A_1845] : memref<1600x32xf32, #tpu.memory_space<vmem>> -> memref<50x32xf32, #tpu.memory_space<vmem>>
      %dma_start3A_1847 = arith.constant 0 : i32
      %dma_start3A_1848 = arith.constant 0 : i32
      %dma_start3A_1849 = tpu.memref_slice %arg4[%add3A_1843, %dma_start3A_1847, %dma_start3A_1848] : memref<16384x56x128xf32, #tpu.memory_space<hbm>> -> memref<1x50x32xf32, #tpu.memory_space<hbm>>
      %dma_start3A_1850 = tpu.memref_squeeze %dma_start3A_1849 : memref<1x50x32xf32, #tpu.memory_space<hbm>> -> memref<50x32xf32, #tpu.memory_space<hbm>>
      %dma_start3A_1851 = arith.constant 0 : i32
      %dma_start3A_1852 = arith.constant 0 : i32
      %dma_start3A_1853 = tpu.memref_slice %arg4[%add3A_1843, %dma_start3A_1851, %dma_start3A_1852] : memref<16384x56x128xf32, #tpu.memory_space<hbm>> -> memref<1x50x32xf32, #tpu.memory_space<hbm>>
      %dma_start3A_1854 = tpu.memref_squeeze %dma_start3A_1853 : memref<1x50x32xf32, #tpu.memory_space<hbm>> -> memref<50x32xf32, #tpu.memory_space<hbm>>
      %dma_start3A_1855 = arith.constant 950 : i32
      %dma_start3A_1856 = arith.constant 0 : i32
      %dma_start3A_1857 = tpu.memref_slice %arg8[%dma_start3A_1855, %dma_start3A_1856] : memref<1600x32xf32, #tpu.memory_space<vmem>> -> memref<50x32xf32, #tpu.memory_space<vmem>>
      tpu.enqueue_dma source(%dma_start3A_1857 : memref<50x32xf32, #tpu.memory_space<vmem>>) target(%dma_start3A_1854 : memref<50x32xf32, #tpu.memory_space<hbm>>) target_semaphore(%arg14 : memref<!tpu.dma_semaphore, #tpu.memory_space<semaphore_mem>>)
      %add3A_1858 = arith.constant 20 : i32
      %add3A_1859 = arith.addi %add3A_1522, %add3A_1858 : i32
      %dma_start3A_1860 = arith.constant 1000 : i32
      %dma_start3A_1861 = arith.constant 0 : i32
      %dma_start3A_1862 = tpu.memref_slice %arg8[%dma_start3A_1860, %dma_start3A_1861] : memref<1600x32xf32, #tpu.memory_space<vmem>> -> memref<50x32xf32, #tpu.memory_space<vmem>>
      %dma_start3A_1863 = arith.constant 0 : i32
      %dma_start3A_1864 = arith.constant 0 : i32
      %dma_start3A_1865 = tpu.memref_slice %arg4[%add3A_1859, %dma_start3A_1863, %dma_start3A_1864] : memref<16384x56x128xf32, #tpu.memory_space<hbm>> -> memref<1x50x32xf32, #tpu.memory_space<hbm>>
      %dma_start3A_1866 = tpu.memref_squeeze %dma_start3A_1865 : memref<1x50x32xf32, #tpu.memory_space<hbm>> -> memref<50x32xf32, #tpu.memory_space<hbm>>
      %dma_start3A_1867 = arith.constant 0 : i32
      %dma_start3A_1868 = arith.constant 0 : i32
      %dma_start3A_1869 = tpu.memref_slice %arg4[%add3A_1859, %dma_start3A_1867, %dma_start3A_1868] : memref<16384x56x128xf32, #tpu.memory_space<hbm>> -> memref<1x50x32xf32, #tpu.memory_space<hbm>>
      %dma_start3A_1870 = tpu.memref_squeeze %dma_start3A_1869 : memref<1x50x32xf32, #tpu.memory_space<hbm>> -> memref<50x32xf32, #tpu.memory_space<hbm>>
      %dma_start3A_1871 = arith.constant 1000 : i32
      %dma_start3A_1872 = arith.constant 0 : i32
      %dma_start3A_1873 = tpu.memref_slice %arg8[%dma_start3A_1871, %dma_start3A_1872] : memref<1600x32xf32, #tpu.memory_space<vmem>> -> memref<50x32xf32, #tpu.memory_space<vmem>>
      tpu.enqueue_dma source(%dma_start3A_1873 : memref<50x32xf32, #tpu.memory_space<vmem>>) target(%dma_start3A_1870 : memref<50x32xf32, #tpu.memory_space<hbm>>) target_semaphore(%arg14 : memref<!tpu.dma_semaphore, #tpu.memory_space<semaphore_mem>>)
      %add3A_1874 = arith.constant 21 : i32
      %add3A_1875 = arith.addi %add3A_1522, %add3A_1874 : i32
      %dma_start3A_1876 = arith.constant 1050 : i32
      %dma_start3A_1877 = arith.constant 0 : i32
      %dma_start3A_1878 = tpu.memref_slice %arg8[%dma_start3A_1876, %dma_start3A_1877] : memref<1600x32xf32, #tpu.memory_space<vmem>> -> memref<50x32xf32, #tpu.memory_space<vmem>>
      %dma_start3A_1879 = arith.constant 0 : i32
      %dma_start3A_1880 = arith.constant 0 : i32
      %dma_start3A_1881 = tpu.memref_slice %arg4[%add3A_1875, %dma_start3A_1879, %dma_start3A_1880] : memref<16384x56x128xf32, #tpu.memory_space<hbm>> -> memref<1x50x32xf32, #tpu.memory_space<hbm>>
      %dma_start3A_1882 = tpu.memref_squeeze %dma_start3A_1881 : memref<1x50x32xf32, #tpu.memory_space<hbm>> -> memref<50x32xf32, #tpu.memory_space<hbm>>
      %dma_start3A_1883 = arith.constant 0 : i32
      %dma_start3A_1884 = arith.constant 0 : i32
      %dma_start3A_1885 = tpu.memref_slice %arg4[%add3A_1875, %dma_start3A_1883, %dma_start3A_1884] : memref<16384x56x128xf32, #tpu.memory_space<hbm>> -> memref<1x50x32xf32, #tpu.memory_space<hbm>>
      %dma_start3A_1886 = tpu.memref_squeeze %dma_start3A_1885 : memref<1x50x32xf32, #tpu.memory_space<hbm>> -> memref<50x32xf32, #tpu.memory_space<hbm>>
      %dma_start3A_1887 = arith.constant 1050 : i32
      %dma_start3A_1888 = arith.constant 0 : i32
      %dma_start3A_1889 = tpu.memref_slice %arg8[%dma_start3A_1887, %dma_start3A_1888] : memref<1600x32xf32, #tpu.memory_space<vmem>> -> memref<50x32xf32, #tpu.memory_space<vmem>>
      tpu.enqueue_dma source(%dma_start3A_1889 : memref<50x32xf32, #tpu.memory_space<vmem>>) target(%dma_start3A_1886 : memref<50x32xf32, #tpu.memory_space<hbm>>) target_semaphore(%arg14 : memref<!tpu.dma_semaphore, #tpu.memory_space<semaphore_mem>>)
      %add3A_1890 = arith.constant 22 : i32
      %add3A_1891 = arith.addi %add3A_1522, %add3A_1890 : i32
      %dma_start3A_1892 = arith.constant 1100 : i32
      %dma_start3A_1893 = arith.constant 0 : i32
      %dma_start3A_1894 = tpu.memref_slice %arg8[%dma_start3A_1892, %dma_start3A_1893] : memref<1600x32xf32, #tpu.memory_space<vmem>> -> memref<50x32xf32, #tpu.memory_space<vmem>>
      %dma_start3A_1895 = arith.constant 0 : i32
      %dma_start3A_1896 = arith.constant 0 : i32
      %dma_start3A_1897 = tpu.memref_slice %arg4[%add3A_1891, %dma_start3A_1895, %dma_start3A_1896] : memref<16384x56x128xf32, #tpu.memory_space<hbm>> -> memref<1x50x32xf32, #tpu.memory_space<hbm>>
      %dma_start3A_1898 = tpu.memref_squeeze %dma_start3A_1897 : memref<1x50x32xf32, #tpu.memory_space<hbm>> -> memref<50x32xf32, #tpu.memory_space<hbm>>
      %dma_start3A_1899 = arith.constant 0 : i32
      %dma_start3A_1900 = arith.constant 0 : i32
      %dma_start3A_1901 = tpu.memref_slice %arg4[%add3A_1891, %dma_start3A_1899, %dma_start3A_1900] : memref<16384x56x128xf32, #tpu.memory_space<hbm>> -> memref<1x50x32xf32, #tpu.memory_space<hbm>>
      %dma_start3A_1902 = tpu.memref_squeeze %dma_start3A_1901 : memref<1x50x32xf32, #tpu.memory_space<hbm>> -> memref<50x32xf32, #tpu.memory_space<hbm>>
      %dma_start3A_1903 = arith.constant 1100 : i32
      %dma_start3A_1904 = arith.constant 0 : i32
      %dma_start3A_1905 = tpu.memref_slice %arg8[%dma_start3A_1903, %dma_start3A_1904] : memref<1600x32xf32, #tpu.memory_space<vmem>> -> memref<50x32xf32, #tpu.memory_space<vmem>>
      tpu.enqueue_dma source(%dma_start3A_1905 : memref<50x32xf32, #tpu.memory_space<vmem>>) target(%dma_start3A_1902 : memref<50x32xf32, #tpu.memory_space<hbm>>) target_semaphore(%arg14 : memref<!tpu.dma_semaphore, #tpu.memory_space<semaphore_mem>>)
      %add3A_1906 = arith.constant 23 : i32
      %add3A_1907 = arith.addi %add3A_1522, %add3A_1906 : i32
      %dma_start3A_1908 = arith.constant 1150 : i32
      %dma_start3A_1909 = arith.constant 0 : i32
      %dma_start3A_1910 = tpu.memref_slice %arg8[%dma_start3A_1908, %dma_start3A_1909] : memref<1600x32xf32, #tpu.memory_space<vmem>> -> memref<50x32xf32, #tpu.memory_space<vmem>>
      %dma_start3A_1911 = arith.constant 0 : i32
      %dma_start3A_1912 = arith.constant 0 : i32
      %dma_start3A_1913 = tpu.memref_slice %arg4[%add3A_1907, %dma_start3A_1911, %dma_start3A_1912] : memref<16384x56x128xf32, #tpu.memory_space<hbm>> -> memref<1x50x32xf32, #tpu.memory_space<hbm>>
      %dma_start3A_1914 = tpu.memref_squeeze %dma_start3A_1913 : memref<1x50x32xf32, #tpu.memory_space<hbm>> -> memref<50x32xf32, #tpu.memory_space<hbm>>
      %dma_start3A_1915 = arith.constant 0 : i32
      %dma_start3A_1916 = arith.constant 0 : i32
      %dma_start3A_1917 = tpu.memref_slice %arg4[%add3A_1907, %dma_start3A_1915, %dma_start3A_1916] : memref<16384x56x128xf32, #tpu.memory_space<hbm>> -> memref<1x50x32xf32, #tpu.memory_space<hbm>>
      %dma_start3A_1918 = tpu.memref_squeeze %dma_start3A_1917 : memref<1x50x32xf32, #tpu.memory_space<hbm>> -> memref<50x32xf32, #tpu.memory_space<hbm>>
      %dma_start3A_1919 = arith.constant 1150 : i32
      %dma_start3A_1920 = arith.constant 0 : i32
      %dma_start3A_1921 = tpu.memref_slice %arg8[%dma_start3A_1919, %dma_start3A_1920] : memref<1600x32xf32, #tpu.memory_space<vmem>> -> memref<50x32xf32, #tpu.memory_space<vmem>>
      tpu.enqueue_dma source(%dma_start3A_1921 : memref<50x32xf32, #tpu.memory_space<vmem>>) target(%dma_start3A_1918 : memref<50x32xf32, #tpu.memory_space<hbm>>) target_semaphore(%arg14 : memref<!tpu.dma_semaphore, #tpu.memory_space<semaphore_mem>>)
      %add3A_1922 = arith.constant 24 : i32
      %add3A_1923 = arith.addi %add3A_1522, %add3A_1922 : i32
      %dma_start3A_1924 = arith.constant 1200 : i32
      %dma_start3A_1925 = arith.constant 0 : i32
      %dma_start3A_1926 = tpu.memref_slice %arg8[%dma_start3A_1924, %dma_start3A_1925] : memref<1600x32xf32, #tpu.memory_space<vmem>> -> memref<50x32xf32, #tpu.memory_space<vmem>>
      %dma_start3A_1927 = arith.constant 0 : i32
      %dma_start3A_1928 = arith.constant 0 : i32
      %dma_start3A_1929 = tpu.memref_slice %arg4[%add3A_1923, %dma_start3A_1927, %dma_start3A_1928] : memref<16384x56x128xf32, #tpu.memory_space<hbm>> -> memref<1x50x32xf32, #tpu.memory_space<hbm>>
      %dma_start3A_1930 = tpu.memref_squeeze %dma_start3A_1929 : memref<1x50x32xf32, #tpu.memory_space<hbm>> -> memref<50x32xf32, #tpu.memory_space<hbm>>
      %dma_start3A_1931 = arith.constant 0 : i32
      %dma_start3A_1932 = arith.constant 0 : i32
      %dma_start3A_1933 = tpu.memref_slice %arg4[%add3A_1923, %dma_start3A_1931, %dma_start3A_1932] : memref<16384x56x128xf32, #tpu.memory_space<hbm>> -> memref<1x50x32xf32, #tpu.memory_space<hbm>>
      %dma_start3A_1934 = tpu.memref_squeeze %dma_start3A_1933 : memref<1x50x32xf32, #tpu.memory_space<hbm>> -> memref<50x32xf32, #tpu.memory_space<hbm>>
      %dma_start3A_1935 = arith.constant 1200 : i32
      %dma_start3A_1936 = arith.constant 0 : i32
      %dma_start3A_1937 = tpu.memref_slice %arg8[%dma_start3A_1935, %dma_start3A_1936] : memref<1600x32xf32, #tpu.memory_space<vmem>> -> memref<50x32xf32, #tpu.memory_space<vmem>>
      tpu.enqueue_dma source(%dma_start3A_1937 : memref<50x32xf32, #tpu.memory_space<vmem>>) target(%dma_start3A_1934 : memref<50x32xf32, #tpu.memory_space<hbm>>) target_semaphore(%arg14 : memref<!tpu.dma_semaphore, #tpu.memory_space<semaphore_mem>>)
      %add3A_1938 = arith.constant 25 : i32
      %add3A_1939 = arith.addi %add3A_1522, %add3A_1938 : i32
      %dma_start3A_1940 = arith.constant 1250 : i32
      %dma_start3A_1941 = arith.constant 0 : i32
      %dma_start3A_1942 = tpu.memref_slice %arg8[%dma_start3A_1940, %dma_start3A_1941] : memref<1600x32xf32, #tpu.memory_space<vmem>> -> memref<50x32xf32, #tpu.memory_space<vmem>>
      %dma_start3A_1943 = arith.constant 0 : i32
      %dma_start3A_1944 = arith.constant 0 : i32
      %dma_start3A_1945 = tpu.memref_slice %arg4[%add3A_1939, %dma_start3A_1943, %dma_start3A_1944] : memref<16384x56x128xf32, #tpu.memory_space<hbm>> -> memref<1x50x32xf32, #tpu.memory_space<hbm>>
      %dma_start3A_1946 = tpu.memref_squeeze %dma_start3A_1945 : memref<1x50x32xf32, #tpu.memory_space<hbm>> -> memref<50x32xf32, #tpu.memory_space<hbm>>
      %dma_start3A_1947 = arith.constant 0 : i32
      %dma_start3A_1948 = arith.constant 0 : i32
      %dma_start3A_1949 = tpu.memref_slice %arg4[%add3A_1939, %dma_start3A_1947, %dma_start3A_1948] : memref<16384x56x128xf32, #tpu.memory_space<hbm>> -> memref<1x50x32xf32, #tpu.memory_space<hbm>>
      %dma_start3A_1950 = tpu.memref_squeeze %dma_start3A_1949 : memref<1x50x32xf32, #tpu.memory_space<hbm>> -> memref<50x32xf32, #tpu.memory_space<hbm>>
      %dma_start3A_1951 = arith.constant 1250 : i32
      %dma_start3A_1952 = arith.constant 0 : i32
      %dma_start3A_1953 = tpu.memref_slice %arg8[%dma_start3A_1951, %dma_start3A_1952] : memref<1600x32xf32, #tpu.memory_space<vmem>> -> memref<50x32xf32, #tpu.memory_space<vmem>>
      tpu.enqueue_dma source(%dma_start3A_1953 : memref<50x32xf32, #tpu.memory_space<vmem>>) target(%dma_start3A_1950 : memref<50x32xf32, #tpu.memory_space<hbm>>) target_semaphore(%arg14 : memref<!tpu.dma_semaphore, #tpu.memory_space<semaphore_mem>>)
      %add3A_1954 = arith.constant 26 : i32
      %add3A_1955 = arith.addi %add3A_1522, %add3A_1954 : i32
      %dma_start3A_1956 = arith.constant 1300 : i32
      %dma_start3A_1957 = arith.constant 0 : i32
      %dma_start3A_1958 = tpu.memref_slice %arg8[%dma_start3A_1956, %dma_start3A_1957] : memref<1600x32xf32, #tpu.memory_space<vmem>> -> memref<50x32xf32, #tpu.memory_space<vmem>>
      %dma_start3A_1959 = arith.constant 0 : i32
      %dma_start3A_1960 = arith.constant 0 : i32
      %dma_start3A_1961 = tpu.memref_slice %arg4[%add3A_1955, %dma_start3A_1959, %dma_start3A_1960] : memref<16384x56x128xf32, #tpu.memory_space<hbm>> -> memref<1x50x32xf32, #tpu.memory_space<hbm>>
      %dma_start3A_1962 = tpu.memref_squeeze %dma_start3A_1961 : memref<1x50x32xf32, #tpu.memory_space<hbm>> -> memref<50x32xf32, #tpu.memory_space<hbm>>
      %dma_start3A_1963 = arith.constant 0 : i32
      %dma_start3A_1964 = arith.constant 0 : i32
      %dma_start3A_1965 = tpu.memref_slice %arg4[%add3A_1955, %dma_start3A_1963, %dma_start3A_1964] : memref<16384x56x128xf32, #tpu.memory_space<hbm>> -> memref<1x50x32xf32, #tpu.memory_space<hbm>>
      %dma_start3A_1966 = tpu.memref_squeeze %dma_start3A_1965 : memref<1x50x32xf32, #tpu.memory_space<hbm>> -> memref<50x32xf32, #tpu.memory_space<hbm>>
      %dma_start3A_1967 = arith.constant 1300 : i32
      %dma_start3A_1968 = arith.constant 0 : i32
      %dma_start3A_1969 = tpu.memref_slice %arg8[%dma_start3A_1967, %dma_start3A_1968] : memref<1600x32xf32, #tpu.memory_space<vmem>> -> memref<50x32xf32, #tpu.memory_space<vmem>>
      tpu.enqueue_dma source(%dma_start3A_1969 : memref<50x32xf32, #tpu.memory_space<vmem>>) target(%dma_start3A_1966 : memref<50x32xf32, #tpu.memory_space<hbm>>) target_semaphore(%arg14 : memref<!tpu.dma_semaphore, #tpu.memory_space<semaphore_mem>>)
      %add3A_1970 = arith.constant 27 : i32
      %add3A_1971 = arith.addi %add3A_1522, %add3A_1970 : i32
      %dma_start3A_1972 = arith.constant 1350 : i32
      %dma_start3A_1973 = arith.constant 0 : i32
      %dma_start3A_1974 = tpu.memref_slice %arg8[%dma_start3A_1972, %dma_start3A_1973] : memref<1600x32xf32, #tpu.memory_space<vmem>> -> memref<50x32xf32, #tpu.memory_space<vmem>>
      %dma_start3A_1975 = arith.constant 0 : i32
      %dma_start3A_1976 = arith.constant 0 : i32
      %dma_start3A_1977 = tpu.memref_slice %arg4[%add3A_1971, %dma_start3A_1975, %dma_start3A_1976] : memref<16384x56x128xf32, #tpu.memory_space<hbm>> -> memref<1x50x32xf32, #tpu.memory_space<hbm>>
      %dma_start3A_1978 = tpu.memref_squeeze %dma_start3A_1977 : memref<1x50x32xf32, #tpu.memory_space<hbm>> -> memref<50x32xf32, #tpu.memory_space<hbm>>
      %dma_start3A_1979 = arith.constant 0 : i32
      %dma_start3A_1980 = arith.constant 0 : i32
      %dma_start3A_1981 = tpu.memref_slice %arg4[%add3A_1971, %dma_start3A_1979, %dma_start3A_1980] : memref<16384x56x128xf32, #tpu.memory_space<hbm>> -> memref<1x50x32xf32, #tpu.memory_space<hbm>>
      %dma_start3A_1982 = tpu.memref_squeeze %dma_start3A_1981 : memref<1x50x32xf32, #tpu.memory_space<hbm>> -> memref<50x32xf32, #tpu.memory_space<hbm>>
      %dma_start3A_1983 = arith.constant 1350 : i32
      %dma_start3A_1984 = arith.constant 0 : i32
      %dma_start3A_1985 = tpu.memref_slice %arg8[%dma_start3A_1983, %dma_start3A_1984] : memref<1600x32xf32, #tpu.memory_space<vmem>> -> memref<50x32xf32, #tpu.memory_space<vmem>>
      tpu.enqueue_dma source(%dma_start3A_1985 : memref<50x32xf32, #tpu.memory_space<vmem>>) target(%dma_start3A_1982 : memref<50x32xf32, #tpu.memory_space<hbm>>) target_semaphore(%arg14 : memref<!tpu.dma_semaphore, #tpu.memory_space<semaphore_mem>>)
      %add3A_1986 = arith.constant 28 : i32
      %add3A_1987 = arith.addi %add3A_1522, %add3A_1986 : i32
      %dma_start3A_1988 = arith.constant 1400 : i32
      %dma_start3A_1989 = arith.constant 0 : i32
      %dma_start3A_1990 = tpu.memref_slice %arg8[%dma_start3A_1988, %dma_start3A_1989] : memref<1600x32xf32, #tpu.memory_space<vmem>> -> memref<50x32xf32, #tpu.memory_space<vmem>>
      %dma_start3A_1991 = arith.constant 0 : i32
      %dma_start3A_1992 = arith.constant 0 : i32
      %dma_start3A_1993 = tpu.memref_slice %arg4[%add3A_1987, %dma_start3A_1991, %dma_start3A_1992] : memref<16384x56x128xf32, #tpu.memory_space<hbm>> -> memref<1x50x32xf32, #tpu.memory_space<hbm>>
      %dma_start3A_1994 = tpu.memref_squeeze %dma_start3A_1993 : memref<1x50x32xf32, #tpu.memory_space<hbm>> -> memref<50x32xf32, #tpu.memory_space<hbm>>
      %dma_start3A_1995 = arith.constant 0 : i32
      %dma_start3A_1996 = arith.constant 0 : i32
      %dma_start3A_1997 = tpu.memref_slice %arg4[%add3A_1987, %dma_start3A_1995, %dma_start3A_1996] : memref<16384x56x128xf32, #tpu.memory_space<hbm>> -> memref<1x50x32xf32, #tpu.memory_space<hbm>>
      %dma_start3A_1998 = tpu.memref_squeeze %dma_start3A_1997 : memref<1x50x32xf32, #tpu.memory_space<hbm>> -> memref<50x32xf32, #tpu.memory_space<hbm>>
      %dma_start3A_1999 = arith.constant 1400 : i32
      %dma_start3A_2000 = arith.constant 0 : i32
      %dma_start3A_2001 = tpu.memref_slice %arg8[%dma_start3A_1999, %dma_start3A_2000] : memref<1600x32xf32, #tpu.memory_space<vmem>> -> memref<50x32xf32, #tpu.memory_space<vmem>>
      tpu.enqueue_dma source(%dma_start3A_2001 : memref<50x32xf32, #tpu.memory_space<vmem>>) target(%dma_start3A_1998 : memref<50x32xf32, #tpu.memory_space<hbm>>) target_semaphore(%arg14 : memref<!tpu.dma_semaphore, #tpu.memory_space<semaphore_mem>>)
      %add3A_2002 = arith.constant 29 : i32
      %add3A_2003 = arith.addi %add3A_1522, %add3A_2002 : i32
      %dma_start3A_2004 = arith.constant 1450 : i32
      %dma_start3A_2005 = arith.constant 0 : i32
      %dma_start3A_2006 = tpu.memref_slice %arg8[%dma_start3A_2004, %dma_start3A_2005] : memref<1600x32xf32, #tpu.memory_space<vmem>> -> memref<50x32xf32, #tpu.memory_space<vmem>>
      %dma_start3A_2007 = arith.constant 0 : i32
      %dma_start3A_2008 = arith.constant 0 : i32
      %dma_start3A_2009 = tpu.memref_slice %arg4[%add3A_2003, %dma_start3A_2007, %dma_start3A_2008] : memref<16384x56x128xf32, #tpu.memory_space<hbm>> -> memref<1x50x32xf32, #tpu.memory_space<hbm>>
      %dma_start3A_2010 = tpu.memref_squeeze %dma_start3A_2009 : memref<1x50x32xf32, #tpu.memory_space<hbm>> -> memref<50x32xf32, #tpu.memory_space<hbm>>
      %dma_start3A_2011 = arith.constant 0 : i32
      %dma_start3A_2012 = arith.constant 0 : i32
      %dma_start3A_2013 = tpu.memref_slice %arg4[%add3A_2003, %dma_start3A_2011, %dma_start3A_2012] : memref<16384x56x128xf32, #tpu.memory_space<hbm>> -> memref<1x50x32xf32, #tpu.memory_space<hbm>>
      %dma_start3A_2014 = tpu.memref_squeeze %dma_start3A_2013 : memref<1x50x32xf32, #tpu.memory_space<hbm>> -> memref<50x32xf32, #tpu.memory_space<hbm>>
      %dma_start3A_2015 = arith.constant 1450 : i32
      %dma_start3A_2016 = arith.constant 0 : i32
      %dma_start3A_2017 = tpu.memref_slice %arg8[%dma_start3A_2015, %dma_start3A_2016] : memref<1600x32xf32, #tpu.memory_space<vmem>> -> memref<50x32xf32, #tpu.memory_space<vmem>>
      tpu.enqueue_dma source(%dma_start3A_2017 : memref<50x32xf32, #tpu.memory_space<vmem>>) target(%dma_start3A_2014 : memref<50x32xf32, #tpu.memory_space<hbm>>) target_semaphore(%arg14 : memref<!tpu.dma_semaphore, #tpu.memory_space<semaphore_mem>>)
      %add3A_2018 = arith.constant 30 : i32
      %add3A_2019 = arith.addi %add3A_1522, %add3A_2018 : i32
      %dma_start3A_2020 = arith.constant 1500 : i32
      %dma_start3A_2021 = arith.constant 0 : i32
      %dma_start3A_2022 = tpu.memref_slice %arg8[%dma_start3A_2020, %dma_start3A_2021] : memref<1600x32xf32, #tpu.memory_space<vmem>> -> memref<50x32xf32, #tpu.memory_space<vmem>>
      %dma_start3A_2023 = arith.constant 0 : i32
      %dma_start3A_2024 = arith.constant 0 : i32
      %dma_start3A_2025 = tpu.memref_slice %arg4[%add3A_2019, %dma_start3A_2023, %dma_start3A_2024] : memref<16384x56x128xf32, #tpu.memory_space<hbm>> -> memref<1x50x32xf32, #tpu.memory_space<hbm>>
      %dma_start3A_2026 = tpu.memref_squeeze %dma_start3A_2025 : memref<1x50x32xf32, #tpu.memory_space<hbm>> -> memref<50x32xf32, #tpu.memory_space<hbm>>
      %dma_start3A_2027 = arith.constant 0 : i32
      %dma_start3A_2028 = arith.constant 0 : i32
      %dma_start3A_2029 = tpu.memref_slice %arg4[%add3A_2019, %dma_start3A_2027, %dma_start3A_2028] : memref<16384x56x128xf32, #tpu.memory_space<hbm>> -> memref<1x50x32xf32, #tpu.memory_space<hbm>>
      %dma_start3A_2030 = tpu.memref_squeeze %dma_start3A_2029 : memref<1x50x32xf32, #tpu.memory_space<hbm>> -> memref<50x32xf32, #tpu.memory_space<hbm>>
      %dma_start3A_2031 = arith.constant 1500 : i32
      %dma_start3A_2032 = arith.constant 0 : i32
      %dma_start3A_2033 = tpu.memref_slice %arg8[%dma_start3A_2031, %dma_start3A_2032] : memref<1600x32xf32, #tpu.memory_space<vmem>> -> memref<50x32xf32, #tpu.memory_space<vmem>>
      tpu.enqueue_dma source(%dma_start3A_2033 : memref<50x32xf32, #tpu.memory_space<vmem>>) target(%dma_start3A_2030 : memref<50x32xf32, #tpu.memory_space<hbm>>) target_semaphore(%arg14 : memref<!tpu.dma_semaphore, #tpu.memory_space<semaphore_mem>>)
      %add3A_2034 = arith.constant 31 : i32
      %add3A_2035 = arith.addi %add3A_1522, %add3A_2034 : i32
      %dma_start3A_2036 = arith.constant 1550 : i32
      %dma_start3A_2037 = arith.constant 0 : i32
      %dma_start3A_2038 = tpu.memref_slice %arg8[%dma_start3A_2036, %dma_start3A_2037] : memref<1600x32xf32, #tpu.memory_space<vmem>> -> memref<50x32xf32, #tpu.memory_space<vmem>>
      %dma_start3A_2039 = arith.constant 0 : i32
      %dma_start3A_2040 = arith.constant 0 : i32
      %dma_start3A_2041 = tpu.memref_slice %arg4[%add3A_2035, %dma_start3A_2039, %dma_start3A_2040] : memref<16384x56x128xf32, #tpu.memory_space<hbm>> -> memref<1x50x32xf32, #tpu.memory_space<hbm>>
      %dma_start3A_2042 = tpu.memref_squeeze %dma_start3A_2041 : memref<1x50x32xf32, #tpu.memory_space<hbm>> -> memref<50x32xf32, #tpu.memory_space<hbm>>
      %dma_start3A_2043 = arith.constant 0 : i32
      %dma_start3A_2044 = arith.constant 0 : i32
      %dma_start3A_2045 = tpu.memref_slice %arg4[%add3A_2035, %dma_start3A_2043, %dma_start3A_2044] : memref<16384x56x128xf32, #tpu.memory_space<hbm>> -> memref<1x50x32xf32, #tpu.memory_space<hbm>>
      %dma_start3A_2046 = tpu.memref_squeeze %dma_start3A_2045 : memref<1x50x32xf32, #tpu.memory_space<hbm>> -> memref<50x32xf32, #tpu.memory_space<hbm>>
      %dma_start3A_2047 = arith.constant 1550 : i32
      %dma_start3A_2048 = arith.constant 0 : i32
      %dma_start3A_2049 = tpu.memref_slice %arg8[%dma_start3A_2047, %dma_start3A_2048] : memref<1600x32xf32, #tpu.memory_space<vmem>> -> memref<50x32xf32, #tpu.memory_space<vmem>>
      tpu.enqueue_dma source(%dma_start3A_2049 : memref<50x32xf32, #tpu.memory_space<vmem>>) target(%dma_start3A_2046 : memref<50x32xf32, #tpu.memory_space<hbm>>) target_semaphore(%arg14 : memref<!tpu.dma_semaphore, #tpu.memory_space<semaphore_mem>>)
      %add3A_2050 = arith.constant 2 : i32
      %add3A_2051 = arith.addi %add3A_1519, %add3A_2050 : i32
      %lt3A_2052 = arith.constant 16 : i32
      %lt3A_2053 = arith.cmpi slt, %add3A_2051, %lt3A_2052 : i32
      %convert_element_type3A_2054 = arith.extui %lt3A_2053 : i1 to i32
      %cond3A_2055 = arith.constant 0 : i32
      %cond3A_2056 = arith.cmpi ne, %convert_element_type3A_2054, %cond3A_2055 : i32
      scf.if %cond3A_2056 {
        %add3A_2057 = arith.constant 2 : i32
        %add3A_2058 = arith.addi %add3A_1519, %add3A_2057 : i32
        %mul3A_2059 = arith.constant 32 : i32
        %mul3A_2060 = arith.muli %add3A_2058, %mul3A_2059 : i32
        %add3A_2061 = arith.addi %mul3A_2, %mul3A_2060 : i32
        %mul3A_2062 = arith.constant 50 : i32
        %mul3A_2063 = arith.muli %add3A_2061, %mul3A_2062 : i32
        %dma_start3A_2064 = tpu.memref_slice %arg2[%mul3A_2063] : memref<819200xi32, #tpu.memory_space<hbm>> -> memref<1600xi32, #tpu.memory_space<hbm>>
        %dma_start3A_2065 = tpu.memref_slice %arg2[%mul3A_2063] : memref<819200xi32, #tpu.memory_space<hbm>> -> memref<1600xi32, #tpu.memory_space<hbm>>
        tpu.enqueue_dma source(%dma_start3A_2065 : memref<1600xi32, #tpu.memory_space<hbm>>) target(%arg6 : memref<1600xi32, #tpu.memory_space<vmem>>) target_semaphore(%arg10 : memref<!tpu.dma_semaphore, #tpu.memory_space<semaphore_mem>>)
      } else {
      }
    }
    %scan3A_18 = arith.constant 8 : i32
    %dma_wait3A = arith.constant 0 : i32
    %dma_wait3A_19 = arith.constant 0 : i32
    %dma_wait3A_20 = arith.constant 0 : i32
    %dma_wait3A_21 = tpu.memref_slice %arg7[%dma_wait3A_19, %dma_wait3A_20] : memref<1600x32xf32, #tpu.memory_space<vmem>> -> memref<50x32xf32, #tpu.memory_space<vmem>>
    %dma_wait3A_22 = arith.constant 0 : i32
    %dma_wait3A_23 = arith.constant 0 : i32
    %dma_wait3A_24 = tpu.memref_slice %arg4[%dma_wait3A, %dma_wait3A_22, %dma_wait3A_23] : memref<16384x56x128xf32, #tpu.memory_space<hbm>> -> memref<1x50x32xf32, #tpu.memory_space<hbm>>
    %dma_wait3A_25 = tpu.memref_squeeze %dma_wait3A_24 : memref<1x50x32xf32, #tpu.memory_space<hbm>> -> memref<50x32xf32, #tpu.memory_space<hbm>>
    %dma_wait3A_26 = arith.constant 0 : i32
    %dma_wait3A_27 = arith.constant 0 : i32
    %dma_wait3A_28 = tpu.memref_slice %arg4[%dma_wait3A, %dma_wait3A_26, %dma_wait3A_27] : memref<16384x56x128xf32, #tpu.memory_space<hbm>> -> memref<1x50x32xf32, #tpu.memory_space<hbm>>
    %dma_wait3A_29 = tpu.memref_squeeze %dma_wait3A_28 : memref<1x50x32xf32, #tpu.memory_space<hbm>> -> memref<50x32xf32, #tpu.memory_space<hbm>>
    %dma_wait3A_30 = arith.constant 0 : i32
    %dma_wait3A_31 = arith.constant 0 : i32
    %dma_wait3A_32 = tpu.memref_slice %arg7[%dma_wait3A_30, %dma_wait3A_31] : memref<1600x32xf32, #tpu.memory_space<vmem>> -> memref<50x32xf32, #tpu.memory_space<vmem>>
    tpu.wait_dma2 semaphore(%arg13 : memref<!tpu.dma_semaphore, #tpu.memory_space<semaphore_mem>>) src(%dma_wait3A_32 : memref<50x32xf32, #tpu.memory_space<vmem>>) dst(%dma_wait3A_29 : memref<50x32xf32, #tpu.memory_space<hbm>>)
    %dma_wait3A_33 = arith.constant 0 : i32
    %dma_wait3A_34 = arith.constant 0 : i32
    %dma_wait3A_35 = arith.constant 0 : i32
    %dma_wait3A_36 = tpu.memref_slice %arg7[%dma_wait3A_34, %dma_wait3A_35] : memref<1600x32xf32, #tpu.memory_space<vmem>> -> memref<50x32xf32, #tpu.memory_space<vmem>>
    %dma_wait3A_37 = arith.constant 0 : i32
    %dma_wait3A_38 = arith.constant 0 : i32
    %dma_wait3A_39 = tpu.memref_slice %arg4[%dma_wait3A_33, %dma_wait3A_37, %dma_wait3A_38] : memref<16384x56x128xf32, #tpu.memory_space<hbm>> -> memref<1x50x32xf32, #tpu.memory_space<hbm>>
    %dma_wait3A_40 = tpu.memref_squeeze %dma_wait3A_39 : memref<1x50x32xf32, #tpu.memory_space<hbm>> -> memref<50x32xf32, #tpu.memory_space<hbm>>
    %dma_wait3A_41 = arith.constant 0 : i32
    %dma_wait3A_42 = arith.constant 0 : i32
    %dma_wait3A_43 = tpu.memref_slice %arg4[%dma_wait3A_33, %dma_wait3A_41, %dma_wait3A_42] : memref<16384x56x128xf32, #tpu.memory_space<hbm>> -> memref<1x50x32xf32, #tpu.memory_space<hbm>>
    %dma_wait3A_44 = tpu.memref_squeeze %dma_wait3A_43 : memref<1x50x32xf32, #tpu.memory_space<hbm>> -> memref<50x32xf32, #tpu.memory_space<hbm>>
    %dma_wait3A_45 = arith.constant 0 : i32
    %dma_wait3A_46 = arith.constant 0 : i32
    %dma_wait3A_47 = tpu.memref_slice %arg7[%dma_wait3A_45, %dma_wait3A_46] : memref<1600x32xf32, #tpu.memory_space<vmem>> -> memref<50x32xf32, #tpu.memory_space<vmem>>
    tpu.wait_dma2 semaphore(%arg13 : memref<!tpu.dma_semaphore, #tpu.memory_space<semaphore_mem>>) src(%dma_wait3A_47 : memref<50x32xf32, #tpu.memory_space<vmem>>) dst(%dma_wait3A_44 : memref<50x32xf32, #tpu.memory_space<hbm>>)
    %dma_wait3A_48 = arith.constant 0 : i32
    %dma_wait3A_49 = arith.constant 0 : i32
    %dma_wait3A_50 = arith.constant 0 : i32
    %dma_wait3A_51 = tpu.memref_slice %arg7[%dma_wait3A_49, %dma_wait3A_50] : memref<1600x32xf32, #tpu.memory_space<vmem>> -> memref<50x32xf32, #tpu.memory_space<vmem>>
    %dma_wait3A_52 = arith.constant 0 : i32
    %dma_wait3A_53 = arith.constant 0 : i32
    %dma_wait3A_54 = tpu.memref_slice %arg4[%dma_wait3A_48, %dma_wait3A_52, %dma_wait3A_53] : memref<16384x56x128xf32, #tpu.memory_space<hbm>> -> memref<1x50x32xf32, #tpu.memory_space<hbm>>
    %dma_wait3A_55 = tpu.memref_squeeze %dma_wait3A_54 : memref<1x50x32xf32, #tpu.memory_space<hbm>> -> memref<50x32xf32, #tpu.memory_space<hbm>>
    %dma_wait3A_56 = arith.constant 0 : i32
    %dma_wait3A_57 = arith.constant 0 : i32
    %dma_wait3A_58 = tpu.memref_slice %arg4[%dma_wait3A_48, %dma_wait3A_56, %dma_wait3A_57] : memref<16384x56x128xf32, #tpu.memory_space<hbm>> -> memref<1x50x32xf32, #tpu.memory_space<hbm>>
    %dma_wait3A_59 = tpu.memref_squeeze %dma_wait3A_58 : memref<1x50x32xf32, #tpu.memory_space<hbm>> -> memref<50x32xf32, #tpu.memory_space<hbm>>
    %dma_wait3A_60 = arith.constant 0 : i32
    %dma_wait3A_61 = arith.constant 0 : i32
    %dma_wait3A_62 = tpu.memref_slice %arg7[%dma_wait3A_60, %dma_wait3A_61] : memref<1600x32xf32, #tpu.memory_space<vmem>> -> memref<50x32xf32, #tpu.memory_space<vmem>>
    tpu.wait_dma2 semaphore(%arg13 : memref<!tpu.dma_semaphore, #tpu.memory_space<semaphore_mem>>) src(%dma_wait3A_62 : memref<50x32xf32, #tpu.memory_space<vmem>>) dst(%dma_wait3A_59 : memref<50x32xf32, #tpu.memory_space<hbm>>)
    %dma_wait3A_63 = arith.constant 0 : i32
    %dma_wait3A_64 = arith.constant 0 : i32
    %dma_wait3A_65 = arith.constant 0 : i32
    %dma_wait3A_66 = tpu.memref_slice %arg7[%dma_wait3A_64, %dma_wait3A_65] : memref<1600x32xf32, #tpu.memory_space<vmem>> -> memref<50x32xf32, #tpu.memory_space<vmem>>
    %dma_wait3A_67 = arith.constant 0 : i32
    %dma_wait3A_68 = arith.constant 0 : i32
    %dma_wait3A_69 = tpu.memref_slice %arg4[%dma_wait3A_63, %dma_wait3A_67, %dma_wait3A_68] : memref<16384x56x128xf32, #tpu.memory_space<hbm>> -> memref<1x50x32xf32, #tpu.memory_space<hbm>>
    %dma_wait3A_70 = tpu.memref_squeeze %dma_wait3A_69 : memref<1x50x32xf32, #tpu.memory_space<hbm>> -> memref<50x32xf32, #tpu.memory_space<hbm>>
    %dma_wait3A_71 = arith.constant 0 : i32
    %dma_wait3A_72 = arith.constant 0 : i32
    %dma_wait3A_73 = tpu.memref_slice %arg4[%dma_wait3A_63, %dma_wait3A_71, %dma_wait3A_72] : memref<16384x56x128xf32, #tpu.memory_space<hbm>> -> memref<1x50x32xf32, #tpu.memory_space<hbm>>
    %dma_wait3A_74 = tpu.memref_squeeze %dma_wait3A_73 : memref<1x50x32xf32, #tpu.memory_space<hbm>> -> memref<50x32xf32, #tpu.memory_space<hbm>>
    %dma_wait3A_75 = arith.constant 0 : i32
    %dma_wait3A_76 = arith.constant 0 : i32
    %dma_wait3A_77 = tpu.memref_slice %arg7[%dma_wait3A_75, %dma_wait3A_76] : memref<1600x32xf32, #tpu.memory_space<vmem>> -> memref<50x32xf32, #tpu.memory_space<vmem>>
    tpu.wait_dma2 semaphore(%arg13 : memref<!tpu.dma_semaphore, #tpu.memory_space<semaphore_mem>>) src(%dma_wait3A_77 : memref<50x32xf32, #tpu.memory_space<vmem>>) dst(%dma_wait3A_74 : memref<50x32xf32, #tpu.memory_space<hbm>>)
    %dma_wait3A_78 = arith.constant 0 : i32
    %dma_wait3A_79 = arith.constant 0 : i32
    %dma_wait3A_80 = arith.constant 0 : i32
    %dma_wait3A_81 = tpu.memref_slice %arg7[%dma_wait3A_79, %dma_wait3A_80] : memref<1600x32xf32, #tpu.memory_space<vmem>> -> memref<50x32xf32, #tpu.memory_space<vmem>>
    %dma_wait3A_82 = arith.constant 0 : i32
    %dma_wait3A_83 = arith.constant 0 : i32
    %dma_wait3A_84 = tpu.memref_slice %arg4[%dma_wait3A_78, %dma_wait3A_82, %dma_wait3A_83] : memref<16384x56x128xf32, #tpu.memory_space<hbm>> -> memref<1x50x32xf32, #tpu.memory_space<hbm>>
    %dma_wait3A_85 = tpu.memref_squeeze %dma_wait3A_84 : memref<1x50x32xf32, #tpu.memory_space<hbm>> -> memref<50x32xf32, #tpu.memory_space<hbm>>
    %dma_wait3A_86 = arith.constant 0 : i32
    %dma_wait3A_87 = arith.constant 0 : i32
    %dma_wait3A_88 = tpu.memref_slice %arg4[%dma_wait3A_78, %dma_wait3A_86, %dma_wait3A_87] : memref<16384x56x128xf32, #tpu.memory_space<hbm>> -> memref<1x50x32xf32, #tpu.memory_space<hbm>>
    %dma_wait3A_89 = tpu.memref_squeeze %dma_wait3A_88 : memref<1x50x32xf32, #tpu.memory_space<hbm>> -> memref<50x32xf32, #tpu.memory_space<hbm>>
    %dma_wait3A_90 = arith.constant 0 : i32
    %dma_wait3A_91 = arith.constant 0 : i32
    %dma_wait3A_92 = tpu.memref_slice %arg7[%dma_wait3A_90, %dma_wait3A_91] : memref<1600x32xf32, #tpu.memory_space<vmem>> -> memref<50x32xf32, #tpu.memory_space<vmem>>
    tpu.wait_dma2 semaphore(%arg13 : memref<!tpu.dma_semaphore, #tpu.memory_space<semaphore_mem>>) src(%dma_wait3A_92 : memref<50x32xf32, #tpu.memory_space<vmem>>) dst(%dma_wait3A_89 : memref<50x32xf32, #tpu.memory_space<hbm>>)
    %dma_wait3A_93 = arith.constant 0 : i32
    %dma_wait3A_94 = arith.constant 0 : i32
    %dma_wait3A_95 = arith.constant 0 : i32
    %dma_wait3A_96 = tpu.memref_slice %arg7[%dma_wait3A_94, %dma_wait3A_95] : memref<1600x32xf32, #tpu.memory_space<vmem>> -> memref<50x32xf32, #tpu.memory_space<vmem>>
    %dma_wait3A_97 = arith.constant 0 : i32
    %dma_wait3A_98 = arith.constant 0 : i32
    %dma_wait3A_99 = tpu.memref_slice %arg4[%dma_wait3A_93, %dma_wait3A_97, %dma_wait3A_98] : memref<16384x56x128xf32, #tpu.memory_space<hbm>> -> memref<1x50x32xf32, #tpu.memory_space<hbm>>
    %dma_wait3A_100 = tpu.memref_squeeze %dma_wait3A_99 : memref<1x50x32xf32, #tpu.memory_space<hbm>> -> memref<50x32xf32, #tpu.memory_space<hbm>>
    %dma_wait3A_101 = arith.constant 0 : i32
    %dma_wait3A_102 = arith.constant 0 : i32
    %dma_wait3A_103 = tpu.memref_slice %arg4[%dma_wait3A_93, %dma_wait3A_101, %dma_wait3A_102] : memref<16384x56x128xf32, #tpu.memory_space<hbm>> -> memref<1x50x32xf32, #tpu.memory_space<hbm>>
    %dma_wait3A_104 = tpu.memref_squeeze %dma_wait3A_103 : memref<1x50x32xf32, #tpu.memory_space<hbm>> -> memref<50x32xf32, #tpu.memory_space<hbm>>
    %dma_wait3A_105 = arith.constant 0 : i32
    %dma_wait3A_106 = arith.constant 0 : i32
    %dma_wait3A_107 = tpu.memref_slice %arg7[%dma_wait3A_105, %dma_wait3A_106] : memref<1600x32xf32, #tpu.memory_space<vmem>> -> memref<50x32xf32, #tpu.memory_space<vmem>>
    tpu.wait_dma2 semaphore(%arg13 : memref<!tpu.dma_semaphore, #tpu.memory_space<semaphore_mem>>) src(%dma_wait3A_107 : memref<50x32xf32, #tpu.memory_space<vmem>>) dst(%dma_wait3A_104 : memref<50x32xf32, #tpu.memory_space<hbm>>)
    %dma_wait3A_108 = arith.constant 0 : i32
    %dma_wait3A_109 = arith.constant 0 : i32
    %dma_wait3A_110 = arith.constant 0 : i32
    %dma_wait3A_111 = tpu.memref_slice %arg7[%dma_wait3A_109, %dma_wait3A_110] : memref<1600x32xf32, #tpu.memory_space<vmem>> -> memref<50x32xf32, #tpu.memory_space<vmem>>
    %dma_wait3A_112 = arith.constant 0 : i32
    %dma_wait3A_113 = arith.constant 0 : i32
    %dma_wait3A_114 = tpu.memref_slice %arg4[%dma_wait3A_108, %dma_wait3A_112, %dma_wait3A_113] : memref<16384x56x128xf32, #tpu.memory_space<hbm>> -> memref<1x50x32xf32, #tpu.memory_space<hbm>>
    %dma_wait3A_115 = tpu.memref_squeeze %dma_wait3A_114 : memref<1x50x32xf32, #tpu.memory_space<hbm>> -> memref<50x32xf32, #tpu.memory_space<hbm>>
    %dma_wait3A_116 = arith.constant 0 : i32
    %dma_wait3A_117 = arith.constant 0 : i32
    %dma_wait3A_118 = tpu.memref_slice %arg4[%dma_wait3A_108, %dma_wait3A_116, %dma_wait3A_117] : memref<16384x56x128xf32, #tpu.memory_space<hbm>> -> memref<1x50x32xf32, #tpu.memory_space<hbm>>
    %dma_wait3A_119 = tpu.memref_squeeze %dma_wait3A_118 : memref<1x50x32xf32, #tpu.memory_space<hbm>> -> memref<50x32xf32, #tpu.memory_space<hbm>>
    %dma_wait3A_120 = arith.constant 0 : i32
    %dma_wait3A_121 = arith.constant 0 : i32
    %dma_wait3A_122 = tpu.memref_slice %arg7[%dma_wait3A_120, %dma_wait3A_121] : memref<1600x32xf32, #tpu.memory_space<vmem>> -> memref<50x32xf32, #tpu.memory_space<vmem>>
    tpu.wait_dma2 semaphore(%arg13 : memref<!tpu.dma_semaphore, #tpu.memory_space<semaphore_mem>>) src(%dma_wait3A_122 : memref<50x32xf32, #tpu.memory_space<vmem>>) dst(%dma_wait3A_119 : memref<50x32xf32, #tpu.memory_space<hbm>>)
    %dma_wait3A_123 = arith.constant 0 : i32
    %dma_wait3A_124 = arith.constant 0 : i32
    %dma_wait3A_125 = arith.constant 0 : i32
    %dma_wait3A_126 = tpu.memref_slice %arg7[%dma_wait3A_124, %dma_wait3A_125] : memref<1600x32xf32, #tpu.memory_space<vmem>> -> memref<50x32xf32, #tpu.memory_space<vmem>>
    %dma_wait3A_127 = arith.constant 0 : i32
    %dma_wait3A_128 = arith.constant 0 : i32
    %dma_wait3A_129 = tpu.memref_slice %arg4[%dma_wait3A_123, %dma_wait3A_127, %dma_wait3A_128] : memref<16384x56x128xf32, #tpu.memory_space<hbm>> -> memref<1x50x32xf32, #tpu.memory_space<hbm>>
    %dma_wait3A_130 = tpu.memref_squeeze %dma_wait3A_129 : memref<1x50x32xf32, #tpu.memory_space<hbm>> -> memref<50x32xf32, #tpu.memory_space<hbm>>
    %dma_wait3A_131 = arith.constant 0 : i32
    %dma_wait3A_132 = arith.constant 0 : i32
    %dma_wait3A_133 = tpu.memref_slice %arg4[%dma_wait3A_123, %dma_wait3A_131, %dma_wait3A_132] : memref<16384x56x128xf32, #tpu.memory_space<hbm>> -> memref<1x50x32xf32, #tpu.memory_space<hbm>>
    %dma_wait3A_134 = tpu.memref_squeeze %dma_wait3A_133 : memref<1x50x32xf32, #tpu.memory_space<hbm>> -> memref<50x32xf32, #tpu.memory_space<hbm>>
    %dma_wait3A_135 = arith.constant 0 : i32
    %dma_wait3A_136 = arith.constant 0 : i32
    %dma_wait3A_137 = tpu.memref_slice %arg7[%dma_wait3A_135, %dma_wait3A_136] : memref<1600x32xf32, #tpu.memory_space<vmem>> -> memref<50x32xf32, #tpu.memory_space<vmem>>
    tpu.wait_dma2 semaphore(%arg13 : memref<!tpu.dma_semaphore, #tpu.memory_space<semaphore_mem>>) src(%dma_wait3A_137 : memref<50x32xf32, #tpu.memory_space<vmem>>) dst(%dma_wait3A_134 : memref<50x32xf32, #tpu.memory_space<hbm>>)
    %dma_wait3A_138 = arith.constant 0 : i32
    %dma_wait3A_139 = arith.constant 0 : i32
    %dma_wait3A_140 = arith.constant 0 : i32
    %dma_wait3A_141 = tpu.memref_slice %arg7[%dma_wait3A_139, %dma_wait3A_140] : memref<1600x32xf32, #tpu.memory_space<vmem>> -> memref<50x32xf32, #tpu.memory_space<vmem>>
    %dma_wait3A_142 = arith.constant 0 : i32
    %dma_wait3A_143 = arith.constant 0 : i32
    %dma_wait3A_144 = tpu.memref_slice %arg4[%dma_wait3A_138, %dma_wait3A_142, %dma_wait3A_143] : memref<16384x56x128xf32, #tpu.memory_space<hbm>> -> memref<1x50x32xf32, #tpu.memory_space<hbm>>
    %dma_wait3A_145 = tpu.memref_squeeze %dma_wait3A_144 : memref<1x50x32xf32, #tpu.memory_space<hbm>> -> memref<50x32xf32, #tpu.memory_space<hbm>>
    %dma_wait3A_146 = arith.constant 0 : i32
    %dma_wait3A_147 = arith.constant 0 : i32
    %dma_wait3A_148 = tpu.memref_slice %arg4[%dma_wait3A_138, %dma_wait3A_146, %dma_wait3A_147] : memref<16384x56x128xf32, #tpu.memory_space<hbm>> -> memref<1x50x32xf32, #tpu.memory_space<hbm>>
    %dma_wait3A_149 = tpu.memref_squeeze %dma_wait3A_148 : memref<1x50x32xf32, #tpu.memory_space<hbm>> -> memref<50x32xf32, #tpu.memory_space<hbm>>
    %dma_wait3A_150 = arith.constant 0 : i32
    %dma_wait3A_151 = arith.constant 0 : i32
    %dma_wait3A_152 = tpu.memref_slice %arg7[%dma_wait3A_150, %dma_wait3A_151] : memref<1600x32xf32, #tpu.memory_space<vmem>> -> memref<50x32xf32, #tpu.memory_space<vmem>>
    tpu.wait_dma2 semaphore(%arg13 : memref<!tpu.dma_semaphore, #tpu.memory_space<semaphore_mem>>) src(%dma_wait3A_152 : memref<50x32xf32, #tpu.memory_space<vmem>>) dst(%dma_wait3A_149 : memref<50x32xf32, #tpu.memory_space<hbm>>)
    %dma_wait3A_153 = arith.constant 0 : i32
    %dma_wait3A_154 = arith.constant 0 : i32
    %dma_wait3A_155 = arith.constant 0 : i32
    %dma_wait3A_156 = tpu.memref_slice %arg7[%dma_wait3A_154, %dma_wait3A_155] : memref<1600x32xf32, #tpu.memory_space<vmem>> -> memref<50x32xf32, #tpu.memory_space<vmem>>
    %dma_wait3A_157 = arith.constant 0 : i32
    %dma_wait3A_158 = arith.constant 0 : i32
    %dma_wait3A_159 = tpu.memref_slice %arg4[%dma_wait3A_153, %dma_wait3A_157, %dma_wait3A_158] : memref<16384x56x128xf32, #tpu.memory_space<hbm>> -> memref<1x50x32xf32, #tpu.memory_space<hbm>>
    %dma_wait3A_160 = tpu.memref_squeeze %dma_wait3A_159 : memref<1x50x32xf32, #tpu.memory_space<hbm>> -> memref<50x32xf32, #tpu.memory_space<hbm>>
    %dma_wait3A_161 = arith.constant 0 : i32
    %dma_wait3A_162 = arith.constant 0 : i32
    %dma_wait3A_163 = tpu.memref_slice %arg4[%dma_wait3A_153, %dma_wait3A_161, %dma_wait3A_162] : memref<16384x56x128xf32, #tpu.memory_space<hbm>> -> memref<1x50x32xf32, #tpu.memory_space<hbm>>
    %dma_wait3A_164 = tpu.memref_squeeze %dma_wait3A_163 : memref<1x50x32xf32, #tpu.memory_space<hbm>> -> memref<50x32xf32, #tpu.memory_space<hbm>>
    %dma_wait3A_165 = arith.constant 0 : i32
    %dma_wait3A_166 = arith.constant 0 : i32
    %dma_wait3A_167 = tpu.memref_slice %arg7[%dma_wait3A_165, %dma_wait3A_166] : memref<1600x32xf32, #tpu.memory_space<vmem>> -> memref<50x32xf32, #tpu.memory_space<vmem>>
    tpu.wait_dma2 semaphore(%arg13 : memref<!tpu.dma_semaphore, #tpu.memory_space<semaphore_mem>>) src(%dma_wait3A_167 : memref<50x32xf32, #tpu.memory_space<vmem>>) dst(%dma_wait3A_164 : memref<50x32xf32, #tpu.memory_space<hbm>>)
    %dma_wait3A_168 = arith.constant 0 : i32
    %dma_wait3A_169 = arith.constant 0 : i32
    %dma_wait3A_170 = arith.constant 0 : i32
    %dma_wait3A_171 = tpu.memref_slice %arg7[%dma_wait3A_169, %dma_wait3A_170] : memref<1600x32xf32, #tpu.memory_space<vmem>> -> memref<50x32xf32, #tpu.memory_space<vmem>>
    %dma_wait3A_172 = arith.constant 0 : i32
    %dma_wait3A_173 = arith.constant 0 : i32
    %dma_wait3A_174 = tpu.memref_slice %arg4[%dma_wait3A_168, %dma_wait3A_172, %dma_wait3A_173] : memref<16384x56x128xf32, #tpu.memory_space<hbm>> -> memref<1x50x32xf32, #tpu.memory_space<hbm>>
    %dma_wait3A_175 = tpu.memref_squeeze %dma_wait3A_174 : memref<1x50x32xf32, #tpu.memory_space<hbm>> -> memref<50x32xf32, #tpu.memory_space<hbm>>
    %dma_wait3A_176 = arith.constant 0 : i32
    %dma_wait3A_177 = arith.constant 0 : i32
    %dma_wait3A_178 = tpu.memref_slice %arg4[%dma_wait3A_168, %dma_wait3A_176, %dma_wait3A_177] : memref<16384x56x128xf32, #tpu.memory_space<hbm>> -> memref<1x50x32xf32, #tpu.memory_space<hbm>>
    %dma_wait3A_179 = tpu.memref_squeeze %dma_wait3A_178 : memref<1x50x32xf32, #tpu.memory_space<hbm>> -> memref<50x32xf32, #tpu.memory_space<hbm>>
    %dma_wait3A_180 = arith.constant 0 : i32
    %dma_wait3A_181 = arith.constant 0 : i32
    %dma_wait3A_182 = tpu.memref_slice %arg7[%dma_wait3A_180, %dma_wait3A_181] : memref<1600x32xf32, #tpu.memory_space<vmem>> -> memref<50x32xf32, #tpu.memory_space<vmem>>
    tpu.wait_dma2 semaphore(%arg13 : memref<!tpu.dma_semaphore, #tpu.memory_space<semaphore_mem>>) src(%dma_wait3A_182 : memref<50x32xf32, #tpu.memory_space<vmem>>) dst(%dma_wait3A_179 : memref<50x32xf32, #tpu.memory_space<hbm>>)
    %dma_wait3A_183 = arith.constant 0 : i32
    %dma_wait3A_184 = arith.constant 0 : i32
    %dma_wait3A_185 = arith.constant 0 : i32
    %dma_wait3A_186 = tpu.memref_slice %arg7[%dma_wait3A_184, %dma_wait3A_185] : memref<1600x32xf32, #tpu.memory_space<vmem>> -> memref<50x32xf32, #tpu.memory_space<vmem>>
    %dma_wait3A_187 = arith.constant 0 : i32
    %dma_wait3A_188 = arith.constant 0 : i32
    %dma_wait3A_189 = tpu.memref_slice %arg4[%dma_wait3A_183, %dma_wait3A_187, %dma_wait3A_188] : memref<16384x56x128xf32, #tpu.memory_space<hbm>> -> memref<1x50x32xf32, #tpu.memory_space<hbm>>
    %dma_wait3A_190 = tpu.memref_squeeze %dma_wait3A_189 : memref<1x50x32xf32, #tpu.memory_space<hbm>> -> memref<50x32xf32, #tpu.memory_space<hbm>>
    %dma_wait3A_191 = arith.constant 0 : i32
    %dma_wait3A_192 = arith.constant 0 : i32
    %dma_wait3A_193 = tpu.memref_slice %arg4[%dma_wait3A_183, %dma_wait3A_191, %dma_wait3A_192] : memref<16384x56x128xf32, #tpu.memory_space<hbm>> -> memref<1x50x32xf32, #tpu.memory_space<hbm>>
    %dma_wait3A_194 = tpu.memref_squeeze %dma_wait3A_193 : memref<1x50x32xf32, #tpu.memory_space<hbm>> -> memref<50x32xf32, #tpu.memory_space<hbm>>
    %dma_wait3A_195 = arith.constant 0 : i32
    %dma_wait3A_196 = arith.constant 0 : i32
    %dma_wait3A_197 = tpu.memref_slice %arg7[%dma_wait3A_195, %dma_wait3A_196] : memref<1600x32xf32, #tpu.memory_space<vmem>> -> memref<50x32xf32, #tpu.memory_space<vmem>>
    tpu.wait_dma2 semaphore(%arg13 : memref<!tpu.dma_semaphore, #tpu.memory_space<semaphore_mem>>) src(%dma_wait3A_197 : memref<50x32xf32, #tpu.memory_space<vmem>>) dst(%dma_wait3A_194 : memref<50x32xf32, #tpu.memory_space<hbm>>)
    %dma_wait3A_198 = arith.constant 0 : i32
    %dma_wait3A_199 = arith.constant 0 : i32
    %dma_wait3A_200 = arith.constant 0 : i32
    %dma_wait3A_201 = tpu.memref_slice %arg7[%dma_wait3A_199, %dma_wait3A_200] : memref<1600x32xf32, #tpu.memory_space<vmem>> -> memref<50x32xf32, #tpu.memory_space<vmem>>
    %dma_wait3A_202 = arith.constant 0 : i32
    %dma_wait3A_203 = arith.constant 0 : i32
    %dma_wait3A_204 = tpu.memref_slice %arg4[%dma_wait3A_198, %dma_wait3A_202, %dma_wait3A_203] : memref<16384x56x128xf32, #tpu.memory_space<hbm>> -> memref<1x50x32xf32, #tpu.memory_space<hbm>>
    %dma_wait3A_205 = tpu.memref_squeeze %dma_wait3A_204 : memref<1x50x32xf32, #tpu.memory_space<hbm>> -> memref<50x32xf32, #tpu.memory_space<hbm>>
    %dma_wait3A_206 = arith.constant 0 : i32
    %dma_wait3A_207 = arith.constant 0 : i32
    %dma_wait3A_208 = tpu.memref_slice %arg4[%dma_wait3A_198, %dma_wait3A_206, %dma_wait3A_207] : memref<16384x56x128xf32, #tpu.memory_space<hbm>> -> memref<1x50x32xf32, #tpu.memory_space<hbm>>
    %dma_wait3A_209 = tpu.memref_squeeze %dma_wait3A_208 : memref<1x50x32xf32, #tpu.memory_space<hbm>> -> memref<50x32xf32, #tpu.memory_space<hbm>>
    %dma_wait3A_210 = arith.constant 0 : i32
    %dma_wait3A_211 = arith.constant 0 : i32
    %dma_wait3A_212 = tpu.memref_slice %arg7[%dma_wait3A_210, %dma_wait3A_211] : memref<1600x32xf32, #tpu.memory_space<vmem>> -> memref<50x32xf32, #tpu.memory_space<vmem>>
    tpu.wait_dma2 semaphore(%arg13 : memref<!tpu.dma_semaphore, #tpu.memory_space<semaphore_mem>>) src(%dma_wait3A_212 : memref<50x32xf32, #tpu.memory_space<vmem>>) dst(%dma_wait3A_209 : memref<50x32xf32, #tpu.memory_space<hbm>>)
    %dma_wait3A_213 = arith.constant 0 : i32
    %dma_wait3A_214 = arith.constant 0 : i32
    %dma_wait3A_215 = arith.constant 0 : i32
    %dma_wait3A_216 = tpu.memref_slice %arg7[%dma_wait3A_214, %dma_wait3A_215] : memref<1600x32xf32, #tpu.memory_space<vmem>> -> memref<50x32xf32, #tpu.memory_space<vmem>>
    %dma_wait3A_217 = arith.constant 0 : i32
    %dma_wait3A_218 = arith.constant 0 : i32
    %dma_wait3A_219 = tpu.memref_slice %arg4[%dma_wait3A_213, %dma_wait3A_217, %dma_wait3A_218] : memref<16384x56x128xf32, #tpu.memory_space<hbm>> -> memref<1x50x32xf32, #tpu.memory_space<hbm>>
    %dma_wait3A_220 = tpu.memref_squeeze %dma_wait3A_219 : memref<1x50x32xf32, #tpu.memory_space<hbm>> -> memref<50x32xf32, #tpu.memory_space<hbm>>
    %dma_wait3A_221 = arith.constant 0 : i32
    %dma_wait3A_222 = arith.constant 0 : i32
    %dma_wait3A_223 = tpu.memref_slice %arg4[%dma_wait3A_213, %dma_wait3A_221, %dma_wait3A_222] : memref<16384x56x128xf32, #tpu.memory_space<hbm>> -> memref<1x50x32xf32, #tpu.memory_space<hbm>>
    %dma_wait3A_224 = tpu.memref_squeeze %dma_wait3A_223 : memref<1x50x32xf32, #tpu.memory_space<hbm>> -> memref<50x32xf32, #tpu.memory_space<hbm>>
    %dma_wait3A_225 = arith.constant 0 : i32
    %dma_wait3A_226 = arith.constant 0 : i32
    %dma_wait3A_227 = tpu.memref_slice %arg7[%dma_wait3A_225, %dma_wait3A_226] : memref<1600x32xf32, #tpu.memory_space<vmem>> -> memref<50x32xf32, #tpu.memory_space<vmem>>
    tpu.wait_dma2 semaphore(%arg13 : memref<!tpu.dma_semaphore, #tpu.memory_space<semaphore_mem>>) src(%dma_wait3A_227 : memref<50x32xf32, #tpu.memory_space<vmem>>) dst(%dma_wait3A_224 : memref<50x32xf32, #tpu.memory_space<hbm>>)
    %dma_wait3A_228 = arith.constant 0 : i32
    %dma_wait3A_229 = arith.constant 0 : i32
    %dma_wait3A_230 = arith.constant 0 : i32
    %dma_wait3A_231 = tpu.memref_slice %arg7[%dma_wait3A_229, %dma_wait3A_230] : memref<1600x32xf32, #tpu.memory_space<vmem>> -> memref<50x32xf32, #tpu.memory_space<vmem>>
    %dma_wait3A_232 = arith.constant 0 : i32
    %dma_wait3A_233 = arith.constant 0 : i32
    %dma_wait3A_234 = tpu.memref_slice %arg4[%dma_wait3A_228, %dma_wait3A_232, %dma_wait3A_233] : memref<16384x56x128xf32, #tpu.memory_space<hbm>> -> memref<1x50x32xf32, #tpu.memory_space<hbm>>
    %dma_wait3A_235 = tpu.memref_squeeze %dma_wait3A_234 : memref<1x50x32xf32, #tpu.memory_space<hbm>> -> memref<50x32xf32, #tpu.memory_space<hbm>>
    %dma_wait3A_236 = arith.constant 0 : i32
    %dma_wait3A_237 = arith.constant 0 : i32
    %dma_wait3A_238 = tpu.memref_slice %arg4[%dma_wait3A_228, %dma_wait3A_236, %dma_wait3A_237] : memref<16384x56x128xf32, #tpu.memory_space<hbm>> -> memref<1x50x32xf32, #tpu.memory_space<hbm>>
    %dma_wait3A_239 = tpu.memref_squeeze %dma_wait3A_238 : memref<1x50x32xf32, #tpu.memory_space<hbm>> -> memref<50x32xf32, #tpu.memory_space<hbm>>
    %dma_wait3A_240 = arith.constant 0 : i32
    %dma_wait3A_241 = arith.constant 0 : i32
    %dma_wait3A_242 = tpu.memref_slice %arg7[%dma_wait3A_240, %dma_wait3A_241] : memref<1600x32xf32, #tpu.memory_space<vmem>> -> memref<50x32xf32, #tpu.memory_space<vmem>>
    tpu.wait_dma2 semaphore(%arg13 : memref<!tpu.dma_semaphore, #tpu.memory_space<semaphore_mem>>) src(%dma_wait3A_242 : memref<50x32xf32, #tpu.memory_space<vmem>>) dst(%dma_wait3A_239 : memref<50x32xf32, #tpu.memory_space<hbm>>)
    %dma_wait3A_243 = arith.constant 0 : i32
    %dma_wait3A_244 = arith.constant 0 : i32
    %dma_wait3A_245 = arith.constant 0 : i32
    %dma_wait3A_246 = tpu.memref_slice %arg7[%dma_wait3A_244, %dma_wait3A_245] : memref<1600x32xf32, #tpu.memory_space<vmem>> -> memref<50x32xf32, #tpu.memory_space<vmem>>
    %dma_wait3A_247 = arith.constant 0 : i32
    %dma_wait3A_248 = arith.constant 0 : i32
    %dma_wait3A_249 = tpu.memref_slice %arg4[%dma_wait3A_243, %dma_wait3A_247, %dma_wait3A_248] : memref<16384x56x128xf32, #tpu.memory_space<hbm>> -> memref<1x50x32xf32, #tpu.memory_space<hbm>>
    %dma_wait3A_250 = tpu.memref_squeeze %dma_wait3A_249 : memref<1x50x32xf32, #tpu.memory_space<hbm>> -> memref<50x32xf32, #tpu.memory_space<hbm>>
    %dma_wait3A_251 = arith.constant 0 : i32
    %dma_wait3A_252 = arith.constant 0 : i32
    %dma_wait3A_253 = tpu.memref_slice %arg4[%dma_wait3A_243, %dma_wait3A_251, %dma_wait3A_252] : memref<16384x56x128xf32, #tpu.memory_space<hbm>> -> memref<1x50x32xf32, #tpu.memory_space<hbm>>
    %dma_wait3A_254 = tpu.memref_squeeze %dma_wait3A_253 : memref<1x50x32xf32, #tpu.memory_space<hbm>> -> memref<50x32xf32, #tpu.memory_space<hbm>>
    %dma_wait3A_255 = arith.constant 0 : i32
    %dma_wait3A_256 = arith.constant 0 : i32
    %dma_wait3A_257 = tpu.memref_slice %arg7[%dma_wait3A_255, %dma_wait3A_256] : memref<1600x32xf32, #tpu.memory_space<vmem>> -> memref<50x32xf32, #tpu.memory_space<vmem>>
    tpu.wait_dma2 semaphore(%arg13 : memref<!tpu.dma_semaphore, #tpu.memory_space<semaphore_mem>>) src(%dma_wait3A_257 : memref<50x32xf32, #tpu.memory_space<vmem>>) dst(%dma_wait3A_254 : memref<50x32xf32, #tpu.memory_space<hbm>>)
    %dma_wait3A_258 = arith.constant 0 : i32
    %dma_wait3A_259 = arith.constant 0 : i32
    %dma_wait3A_260 = arith.constant 0 : i32
    %dma_wait3A_261 = tpu.memref_slice %arg7[%dma_wait3A_259, %dma_wait3A_260] : memref<1600x32xf32, #tpu.memory_space<vmem>> -> memref<50x32xf32, #tpu.memory_space<vmem>>
    %dma_wait3A_262 = arith.constant 0 : i32
    %dma_wait3A_263 = arith.constant 0 : i32
    %dma_wait3A_264 = tpu.memref_slice %arg4[%dma_wait3A_258, %dma_wait3A_262, %dma_wait3A_263] : memref<16384x56x128xf32, #tpu.memory_space<hbm>> -> memref<1x50x32xf32, #tpu.memory_space<hbm>>
    %dma_wait3A_265 = tpu.memref_squeeze %dma_wait3A_264 : memref<1x50x32xf32, #tpu.memory_space<hbm>> -> memref<50x32xf32, #tpu.memory_space<hbm>>
    %dma_wait3A_266 = arith.constant 0 : i32
    %dma_wait3A_267 = arith.constant 0 : i32
    %dma_wait3A_268 = tpu.memref_slice %arg4[%dma_wait3A_258, %dma_wait3A_266, %dma_wait3A_267] : memref<16384x56x128xf32, #tpu.memory_space<hbm>> -> memref<1x50x32xf32, #tpu.memory_space<hbm>>
    %dma_wait3A_269 = tpu.memref_squeeze %dma_wait3A_268 : memref<1x50x32xf32, #tpu.memory_space<hbm>> -> memref<50x32xf32, #tpu.memory_space<hbm>>
    %dma_wait3A_270 = arith.constant 0 : i32
    %dma_wait3A_271 = arith.constant 0 : i32
    %dma_wait3A_272 = tpu.memref_slice %arg7[%dma_wait3A_270, %dma_wait3A_271] : memref<1600x32xf32, #tpu.memory_space<vmem>> -> memref<50x32xf32, #tpu.memory_space<vmem>>
    tpu.wait_dma2 semaphore(%arg13 : memref<!tpu.dma_semaphore, #tpu.memory_space<semaphore_mem>>) src(%dma_wait3A_272 : memref<50x32xf32, #tpu.memory_space<vmem>>) dst(%dma_wait3A_269 : memref<50x32xf32, #tpu.memory_space<hbm>>)
    %dma_wait3A_273 = arith.constant 0 : i32
    %dma_wait3A_274 = arith.constant 0 : i32
    %dma_wait3A_275 = arith.constant 0 : i32
    %dma_wait3A_276 = tpu.memref_slice %arg7[%dma_wait3A_274, %dma_wait3A_275] : memref<1600x32xf32, #tpu.memory_space<vmem>> -> memref<50x32xf32, #tpu.memory_space<vmem>>
    %dma_wait3A_277 = arith.constant 0 : i32
    %dma_wait3A_278 = arith.constant 0 : i32
    %dma_wait3A_279 = tpu.memref_slice %arg4[%dma_wait3A_273, %dma_wait3A_277, %dma_wait3A_278] : memref<16384x56x128xf32, #tpu.memory_space<hbm>> -> memref<1x50x32xf32, #tpu.memory_space<hbm>>
    %dma_wait3A_280 = tpu.memref_squeeze %dma_wait3A_279 : memref<1x50x32xf32, #tpu.memory_space<hbm>> -> memref<50x32xf32, #tpu.memory_space<hbm>>
    %dma_wait3A_281 = arith.constant 0 : i32
    %dma_wait3A_282 = arith.constant 0 : i32
    %dma_wait3A_283 = tpu.memref_slice %arg4[%dma_wait3A_273, %dma_wait3A_281, %dma_wait3A_282] : memref<16384x56x128xf32, #tpu.memory_space<hbm>> -> memref<1x50x32xf32, #tpu.memory_space<hbm>>
    %dma_wait3A_284 = tpu.memref_squeeze %dma_wait3A_283 : memref<1x50x32xf32, #tpu.memory_space<hbm>> -> memref<50x32xf32, #tpu.memory_space<hbm>>
    %dma_wait3A_285 = arith.constant 0 : i32
    %dma_wait3A_286 = arith.constant 0 : i32
    %dma_wait3A_287 = tpu.memref_slice %arg7[%dma_wait3A_285, %dma_wait3A_286] : memref<1600x32xf32, #tpu.memory_space<vmem>> -> memref<50x32xf32, #tpu.memory_space<vmem>>
    tpu.wait_dma2 semaphore(%arg13 : memref<!tpu.dma_semaphore, #tpu.memory_space<semaphore_mem>>) src(%dma_wait3A_287 : memref<50x32xf32, #tpu.memory_space<vmem>>) dst(%dma_wait3A_284 : memref<50x32xf32, #tpu.memory_space<hbm>>)
    %dma_wait3A_288 = arith.constant 0 : i32
    %dma_wait3A_289 = arith.constant 0 : i32
    %dma_wait3A_290 = arith.constant 0 : i32
    %dma_wait3A_291 = tpu.memref_slice %arg7[%dma_wait3A_289, %dma_wait3A_290] : memref<1600x32xf32, #tpu.memory_space<vmem>> -> memref<50x32xf32, #tpu.memory_space<vmem>>
    %dma_wait3A_292 = arith.constant 0 : i32
    %dma_wait3A_293 = arith.constant 0 : i32
    %dma_wait3A_294 = tpu.memref_slice %arg4[%dma_wait3A_288, %dma_wait3A_292, %dma_wait3A_293] : memref<16384x56x128xf32, #tpu.memory_space<hbm>> -> memref<1x50x32xf32, #tpu.memory_space<hbm>>
    %dma_wait3A_295 = tpu.memref_squeeze %dma_wait3A_294 : memref<1x50x32xf32, #tpu.memory_space<hbm>> -> memref<50x32xf32, #tpu.memory_space<hbm>>
    %dma_wait3A_296 = arith.constant 0 : i32
    %dma_wait3A_297 = arith.constant 0 : i32
    %dma_wait3A_298 = tpu.memref_slice %arg4[%dma_wait3A_288, %dma_wait3A_296, %dma_wait3A_297] : memref<16384x56x128xf32, #tpu.memory_space<hbm>> -> memref<1x50x32xf32, #tpu.memory_space<hbm>>
    %dma_wait3A_299 = tpu.memref_squeeze %dma_wait3A_298 : memref<1x50x32xf32, #tpu.memory_space<hbm>> -> memref<50x32xf32, #tpu.memory_space<hbm>>
    %dma_wait3A_300 = arith.constant 0 : i32
    %dma_wait3A_301 = arith.constant 0 : i32
    %dma_wait3A_302 = tpu.memref_slice %arg7[%dma_wait3A_300, %dma_wait3A_301] : memref<1600x32xf32, #tpu.memory_space<vmem>> -> memref<50x32xf32, #tpu.memory_space<vmem>>
    tpu.wait_dma2 semaphore(%arg13 : memref<!tpu.dma_semaphore, #tpu.memory_space<semaphore_mem>>) src(%dma_wait3A_302 : memref<50x32xf32, #tpu.memory_space<vmem>>) dst(%dma_wait3A_299 : memref<50x32xf32, #tpu.memory_space<hbm>>)
    %dma_wait3A_303 = arith.constant 0 : i32
    %dma_wait3A_304 = arith.constant 0 : i32
    %dma_wait3A_305 = arith.constant 0 : i32
    %dma_wait3A_306 = tpu.memref_slice %arg7[%dma_wait3A_304, %dma_wait3A_305] : memref<1600x32xf32, #tpu.memory_space<vmem>> -> memref<50x32xf32, #tpu.memory_space<vmem>>
    %dma_wait3A_307 = arith.constant 0 : i32
    %dma_wait3A_308 = arith.constant 0 : i32
    %dma_wait3A_309 = tpu.memref_slice %arg4[%dma_wait3A_303, %dma_wait3A_307, %dma_wait3A_308] : memref<16384x56x128xf32, #tpu.memory_space<hbm>> -> memref<1x50x32xf32, #tpu.memory_space<hbm>>
    %dma_wait3A_310 = tpu.memref_squeeze %dma_wait3A_309 : memref<1x50x32xf32, #tpu.memory_space<hbm>> -> memref<50x32xf32, #tpu.memory_space<hbm>>
    %dma_wait3A_311 = arith.constant 0 : i32
    %dma_wait3A_312 = arith.constant 0 : i32
    %dma_wait3A_313 = tpu.memref_slice %arg4[%dma_wait3A_303, %dma_wait3A_311, %dma_wait3A_312] : memref<16384x56x128xf32, #tpu.memory_space<hbm>> -> memref<1x50x32xf32, #tpu.memory_space<hbm>>
    %dma_wait3A_314 = tpu.memref_squeeze %dma_wait3A_313 : memref<1x50x32xf32, #tpu.memory_space<hbm>> -> memref<50x32xf32, #tpu.memory_space<hbm>>
    %dma_wait3A_315 = arith.constant 0 : i32
    %dma_wait3A_316 = arith.constant 0 : i32
    %dma_wait3A_317 = tpu.memref_slice %arg7[%dma_wait3A_315, %dma_wait3A_316] : memref<1600x32xf32, #tpu.memory_space<vmem>> -> memref<50x32xf32, #tpu.memory_space<vmem>>
    tpu.wait_dma2 semaphore(%arg13 : memref<!tpu.dma_semaphore, #tpu.memory_space<semaphore_mem>>) src(%dma_wait3A_317 : memref<50x32xf32, #tpu.memory_space<vmem>>) dst(%dma_wait3A_314 : memref<50x32xf32, #tpu.memory_space<hbm>>)
    %dma_wait3A_318 = arith.constant 0 : i32
    %dma_wait3A_319 = arith.constant 0 : i32
    %dma_wait3A_320 = arith.constant 0 : i32
    %dma_wait3A_321 = tpu.memref_slice %arg7[%dma_wait3A_319, %dma_wait3A_320] : memref<1600x32xf32, #tpu.memory_space<vmem>> -> memref<50x32xf32, #tpu.memory_space<vmem>>
    %dma_wait3A_322 = arith.constant 0 : i32
    %dma_wait3A_323 = arith.constant 0 : i32
    %dma_wait3A_324 = tpu.memref_slice %arg4[%dma_wait3A_318, %dma_wait3A_322, %dma_wait3A_323] : memref<16384x56x128xf32, #tpu.memory_space<hbm>> -> memref<1x50x32xf32, #tpu.memory_space<hbm>>
    %dma_wait3A_325 = tpu.memref_squeeze %dma_wait3A_324 : memref<1x50x32xf32, #tpu.memory_space<hbm>> -> memref<50x32xf32, #tpu.memory_space<hbm>>
    %dma_wait3A_326 = arith.constant 0 : i32
    %dma_wait3A_327 = arith.constant 0 : i32
    %dma_wait3A_328 = tpu.memref_slice %arg4[%dma_wait3A_318, %dma_wait3A_326, %dma_wait3A_327] : memref<16384x56x128xf32, #tpu.memory_space<hbm>> -> memref<1x50x32xf32, #tpu.memory_space<hbm>>
    %dma_wait3A_329 = tpu.memref_squeeze %dma_wait3A_328 : memref<1x50x32xf32, #tpu.memory_space<hbm>> -> memref<50x32xf32, #tpu.memory_space<hbm>>
    %dma_wait3A_330 = arith.constant 0 : i32
    %dma_wait3A_331 = arith.constant 0 : i32
    %dma_wait3A_332 = tpu.memref_slice %arg7[%dma_wait3A_330, %dma_wait3A_331] : memref<1600x32xf32, #tpu.memory_space<vmem>> -> memref<50x32xf32, #tpu.memory_space<vmem>>
    tpu.wait_dma2 semaphore(%arg13 : memref<!tpu.dma_semaphore, #tpu.memory_space<semaphore_mem>>) src(%dma_wait3A_332 : memref<50x32xf32, #tpu.memory_space<vmem>>) dst(%dma_wait3A_329 : memref<50x32xf32, #tpu.memory_space<hbm>>)
    %dma_wait3A_333 = arith.constant 0 : i32
    %dma_wait3A_334 = arith.constant 0 : i32
    %dma_wait3A_335 = arith.constant 0 : i32
    %dma_wait3A_336 = tpu.memref_slice %arg7[%dma_wait3A_334, %dma_wait3A_335] : memref<1600x32xf32, #tpu.memory_space<vmem>> -> memref<50x32xf32, #tpu.memory_space<vmem>>
    %dma_wait3A_337 = arith.constant 0 : i32
    %dma_wait3A_338 = arith.constant 0 : i32
    %dma_wait3A_339 = tpu.memref_slice %arg4[%dma_wait3A_333, %dma_wait3A_337, %dma_wait3A_338] : memref<16384x56x128xf32, #tpu.memory_space<hbm>> -> memref<1x50x32xf32, #tpu.memory_space<hbm>>
    %dma_wait3A_340 = tpu.memref_squeeze %dma_wait3A_339 : memref<1x50x32xf32, #tpu.memory_space<hbm>> -> memref<50x32xf32, #tpu.memory_space<hbm>>
    %dma_wait3A_341 = arith.constant 0 : i32
    %dma_wait3A_342 = arith.constant 0 : i32
    %dma_wait3A_343 = tpu.memref_slice %arg4[%dma_wait3A_333, %dma_wait3A_341, %dma_wait3A_342] : memref<16384x56x128xf32, #tpu.memory_space<hbm>> -> memref<1x50x32xf32, #tpu.memory_space<hbm>>
    %dma_wait3A_344 = tpu.memref_squeeze %dma_wait3A_343 : memref<1x50x32xf32, #tpu.memory_space<hbm>> -> memref<50x32xf32, #tpu.memory_space<hbm>>
    %dma_wait3A_345 = arith.constant 0 : i32
    %dma_wait3A_346 = arith.constant 0 : i32
    %dma_wait3A_347 = tpu.memref_slice %arg7[%dma_wait3A_345, %dma_wait3A_346] : memref<1600x32xf32, #tpu.memory_space<vmem>> -> memref<50x32xf32, #tpu.memory_space<vmem>>
    tpu.wait_dma2 semaphore(%arg13 : memref<!tpu.dma_semaphore, #tpu.memory_space<semaphore_mem>>) src(%dma_wait3A_347 : memref<50x32xf32, #tpu.memory_space<vmem>>) dst(%dma_wait3A_344 : memref<50x32xf32, #tpu.memory_space<hbm>>)
    %dma_wait3A_348 = arith.constant 0 : i32
    %dma_wait3A_349 = arith.constant 0 : i32
    %dma_wait3A_350 = arith.constant 0 : i32
    %dma_wait3A_351 = tpu.memref_slice %arg7[%dma_wait3A_349, %dma_wait3A_350] : memref<1600x32xf32, #tpu.memory_space<vmem>> -> memref<50x32xf32, #tpu.memory_space<vmem>>
    %dma_wait3A_352 = arith.constant 0 : i32
    %dma_wait3A_353 = arith.constant 0 : i32
    %dma_wait3A_354 = tpu.memref_slice %arg4[%dma_wait3A_348, %dma_wait3A_352, %dma_wait3A_353] : memref<16384x56x128xf32, #tpu.memory_space<hbm>> -> memref<1x50x32xf32, #tpu.memory_space<hbm>>
    %dma_wait3A_355 = tpu.memref_squeeze %dma_wait3A_354 : memref<1x50x32xf32, #tpu.memory_space<hbm>> -> memref<50x32xf32, #tpu.memory_space<hbm>>
    %dma_wait3A_356 = arith.constant 0 : i32
    %dma_wait3A_357 = arith.constant 0 : i32
    %dma_wait3A_358 = tpu.memref_slice %arg4[%dma_wait3A_348, %dma_wait3A_356, %dma_wait3A_357] : memref<16384x56x128xf32, #tpu.memory_space<hbm>> -> memref<1x50x32xf32, #tpu.memory_space<hbm>>
    %dma_wait3A_359 = tpu.memref_squeeze %dma_wait3A_358 : memref<1x50x32xf32, #tpu.memory_space<hbm>> -> memref<50x32xf32, #tpu.memory_space<hbm>>
    %dma_wait3A_360 = arith.constant 0 : i32
    %dma_wait3A_361 = arith.constant 0 : i32
    %dma_wait3A_362 = tpu.memref_slice %arg7[%dma_wait3A_360, %dma_wait3A_361] : memref<1600x32xf32, #tpu.memory_space<vmem>> -> memref<50x32xf32, #tpu.memory_space<vmem>>
    tpu.wait_dma2 semaphore(%arg13 : memref<!tpu.dma_semaphore, #tpu.memory_space<semaphore_mem>>) src(%dma_wait3A_362 : memref<50x32xf32, #tpu.memory_space<vmem>>) dst(%dma_wait3A_359 : memref<50x32xf32, #tpu.memory_space<hbm>>)
    %dma_wait3A_363 = arith.constant 0 : i32
    %dma_wait3A_364 = arith.constant 0 : i32
    %dma_wait3A_365 = arith.constant 0 : i32
    %dma_wait3A_366 = tpu.memref_slice %arg7[%dma_wait3A_364, %dma_wait3A_365] : memref<1600x32xf32, #tpu.memory_space<vmem>> -> memref<50x32xf32, #tpu.memory_space<vmem>>
    %dma_wait3A_367 = arith.constant 0 : i32
    %dma_wait3A_368 = arith.constant 0 : i32
    %dma_wait3A_369 = tpu.memref_slice %arg4[%dma_wait3A_363, %dma_wait3A_367, %dma_wait3A_368] : memref<16384x56x128xf32, #tpu.memory_space<hbm>> -> memref<1x50x32xf32, #tpu.memory_space<hbm>>
    %dma_wait3A_370 = tpu.memref_squeeze %dma_wait3A_369 : memref<1x50x32xf32, #tpu.memory_space<hbm>> -> memref<50x32xf32, #tpu.memory_space<hbm>>
    %dma_wait3A_371 = arith.constant 0 : i32
    %dma_wait3A_372 = arith.constant 0 : i32
    %dma_wait3A_373 = tpu.memref_slice %arg4[%dma_wait3A_363, %dma_wait3A_371, %dma_wait3A_372] : memref<16384x56x128xf32, #tpu.memory_space<hbm>> -> memref<1x50x32xf32, #tpu.memory_space<hbm>>
    %dma_wait3A_374 = tpu.memref_squeeze %dma_wait3A_373 : memref<1x50x32xf32, #tpu.memory_space<hbm>> -> memref<50x32xf32, #tpu.memory_space<hbm>>
    %dma_wait3A_375 = arith.constant 0 : i32
    %dma_wait3A_376 = arith.constant 0 : i32
    %dma_wait3A_377 = tpu.memref_slice %arg7[%dma_wait3A_375, %dma_wait3A_376] : memref<1600x32xf32, #tpu.memory_space<vmem>> -> memref<50x32xf32, #tpu.memory_space<vmem>>
    tpu.wait_dma2 semaphore(%arg13 : memref<!tpu.dma_semaphore, #tpu.memory_space<semaphore_mem>>) src(%dma_wait3A_377 : memref<50x32xf32, #tpu.memory_space<vmem>>) dst(%dma_wait3A_374 : memref<50x32xf32, #tpu.memory_space<hbm>>)
    %dma_wait3A_378 = arith.constant 0 : i32
    %dma_wait3A_379 = arith.constant 0 : i32
    %dma_wait3A_380 = arith.constant 0 : i32
    %dma_wait3A_381 = tpu.memref_slice %arg7[%dma_wait3A_379, %dma_wait3A_380] : memref<1600x32xf32, #tpu.memory_space<vmem>> -> memref<50x32xf32, #tpu.memory_space<vmem>>
    %dma_wait3A_382 = arith.constant 0 : i32
    %dma_wait3A_383 = arith.constant 0 : i32
    %dma_wait3A_384 = tpu.memref_slice %arg4[%dma_wait3A_378, %dma_wait3A_382, %dma_wait3A_383] : memref<16384x56x128xf32, #tpu.memory_space<hbm>> -> memref<1x50x32xf32, #tpu.memory_space<hbm>>
    %dma_wait3A_385 = tpu.memref_squeeze %dma_wait3A_384 : memref<1x50x32xf32, #tpu.memory_space<hbm>> -> memref<50x32xf32, #tpu.memory_space<hbm>>
    %dma_wait3A_386 = arith.constant 0 : i32
    %dma_wait3A_387 = arith.constant 0 : i32
    %dma_wait3A_388 = tpu.memref_slice %arg4[%dma_wait3A_378, %dma_wait3A_386, %dma_wait3A_387] : memref<16384x56x128xf32, #tpu.memory_space<hbm>> -> memref<1x50x32xf32, #tpu.memory_space<hbm>>
    %dma_wait3A_389 = tpu.memref_squeeze %dma_wait3A_388 : memref<1x50x32xf32, #tpu.memory_space<hbm>> -> memref<50x32xf32, #tpu.memory_space<hbm>>
    %dma_wait3A_390 = arith.constant 0 : i32
    %dma_wait3A_391 = arith.constant 0 : i32
    %dma_wait3A_392 = tpu.memref_slice %arg7[%dma_wait3A_390, %dma_wait3A_391] : memref<1600x32xf32, #tpu.memory_space<vmem>> -> memref<50x32xf32, #tpu.memory_space<vmem>>
    tpu.wait_dma2 semaphore(%arg13 : memref<!tpu.dma_semaphore, #tpu.memory_space<semaphore_mem>>) src(%dma_wait3A_392 : memref<50x32xf32, #tpu.memory_space<vmem>>) dst(%dma_wait3A_389 : memref<50x32xf32, #tpu.memory_space<hbm>>)
    %dma_wait3A_393 = arith.constant 0 : i32
    %dma_wait3A_394 = arith.constant 0 : i32
    %dma_wait3A_395 = arith.constant 0 : i32
    %dma_wait3A_396 = tpu.memref_slice %arg7[%dma_wait3A_394, %dma_wait3A_395] : memref<1600x32xf32, #tpu.memory_space<vmem>> -> memref<50x32xf32, #tpu.memory_space<vmem>>
    %dma_wait3A_397 = arith.constant 0 : i32
    %dma_wait3A_398 = arith.constant 0 : i32
    %dma_wait3A_399 = tpu.memref_slice %arg4[%dma_wait3A_393, %dma_wait3A_397, %dma_wait3A_398] : memref<16384x56x128xf32, #tpu.memory_space<hbm>> -> memref<1x50x32xf32, #tpu.memory_space<hbm>>
    %dma_wait3A_400 = tpu.memref_squeeze %dma_wait3A_399 : memref<1x50x32xf32, #tpu.memory_space<hbm>> -> memref<50x32xf32, #tpu.memory_space<hbm>>
    %dma_wait3A_401 = arith.constant 0 : i32
    %dma_wait3A_402 = arith.constant 0 : i32
    %dma_wait3A_403 = tpu.memref_slice %arg4[%dma_wait3A_393, %dma_wait3A_401, %dma_wait3A_402] : memref<16384x56x128xf32, #tpu.memory_space<hbm>> -> memref<1x50x32xf32, #tpu.memory_space<hbm>>
    %dma_wait3A_404 = tpu.memref_squeeze %dma_wait3A_403 : memref<1x50x32xf32, #tpu.memory_space<hbm>> -> memref<50x32xf32, #tpu.memory_space<hbm>>
    %dma_wait3A_405 = arith.constant 0 : i32
    %dma_wait3A_406 = arith.constant 0 : i32
    %dma_wait3A_407 = tpu.memref_slice %arg7[%dma_wait3A_405, %dma_wait3A_406] : memref<1600x32xf32, #tpu.memory_space<vmem>> -> memref<50x32xf32, #tpu.memory_space<vmem>>
    tpu.wait_dma2 semaphore(%arg13 : memref<!tpu.dma_semaphore, #tpu.memory_space<semaphore_mem>>) src(%dma_wait3A_407 : memref<50x32xf32, #tpu.memory_space<vmem>>) dst(%dma_wait3A_404 : memref<50x32xf32, #tpu.memory_space<hbm>>)
    %dma_wait3A_408 = arith.constant 0 : i32
    %dma_wait3A_409 = arith.constant 0 : i32
    %dma_wait3A_410 = arith.constant 0 : i32
    %dma_wait3A_411 = tpu.memref_slice %arg7[%dma_wait3A_409, %dma_wait3A_410] : memref<1600x32xf32, #tpu.memory_space<vmem>> -> memref<50x32xf32, #tpu.memory_space<vmem>>
    %dma_wait3A_412 = arith.constant 0 : i32
    %dma_wait3A_413 = arith.constant 0 : i32
    %dma_wait3A_414 = tpu.memref_slice %arg4[%dma_wait3A_408, %dma_wait3A_412, %dma_wait3A_413] : memref<16384x56x128xf32, #tpu.memory_space<hbm>> -> memref<1x50x32xf32, #tpu.memory_space<hbm>>
    %dma_wait3A_415 = tpu.memref_squeeze %dma_wait3A_414 : memref<1x50x32xf32, #tpu.memory_space<hbm>> -> memref<50x32xf32, #tpu.memory_space<hbm>>
    %dma_wait3A_416 = arith.constant 0 : i32
    %dma_wait3A_417 = arith.constant 0 : i32
    %dma_wait3A_418 = tpu.memref_slice %arg4[%dma_wait3A_408, %dma_wait3A_416, %dma_wait3A_417] : memref<16384x56x128xf32, #tpu.memory_space<hbm>> -> memref<1x50x32xf32, #tpu.memory_space<hbm>>
    %dma_wait3A_419 = tpu.memref_squeeze %dma_wait3A_418 : memref<1x50x32xf32, #tpu.memory_space<hbm>> -> memref<50x32xf32, #tpu.memory_space<hbm>>
    %dma_wait3A_420 = arith.constant 0 : i32
    %dma_wait3A_421 = arith.constant 0 : i32
    %dma_wait3A_422 = tpu.memref_slice %arg7[%dma_wait3A_420, %dma_wait3A_421] : memref<1600x32xf32, #tpu.memory_space<vmem>> -> memref<50x32xf32, #tpu.memory_space<vmem>>
    tpu.wait_dma2 semaphore(%arg13 : memref<!tpu.dma_semaphore, #tpu.memory_space<semaphore_mem>>) src(%dma_wait3A_422 : memref<50x32xf32, #tpu.memory_space<vmem>>) dst(%dma_wait3A_419 : memref<50x32xf32, #tpu.memory_space<hbm>>)
    %dma_wait3A_423 = arith.constant 0 : i32
    %dma_wait3A_424 = arith.constant 0 : i32
    %dma_wait3A_425 = arith.constant 0 : i32
    %dma_wait3A_426 = tpu.memref_slice %arg7[%dma_wait3A_424, %dma_wait3A_425] : memref<1600x32xf32, #tpu.memory_space<vmem>> -> memref<50x32xf32, #tpu.memory_space<vmem>>
    %dma_wait3A_427 = arith.constant 0 : i32
    %dma_wait3A_428 = arith.constant 0 : i32
    %dma_wait3A_429 = tpu.memref_slice %arg4[%dma_wait3A_423, %dma_wait3A_427, %dma_wait3A_428] : memref<16384x56x128xf32, #tpu.memory_space<hbm>> -> memref<1x50x32xf32, #tpu.memory_space<hbm>>
    %dma_wait3A_430 = tpu.memref_squeeze %dma_wait3A_429 : memref<1x50x32xf32, #tpu.memory_space<hbm>> -> memref<50x32xf32, #tpu.memory_space<hbm>>
    %dma_wait3A_431 = arith.constant 0 : i32
    %dma_wait3A_432 = arith.constant 0 : i32
    %dma_wait3A_433 = tpu.memref_slice %arg4[%dma_wait3A_423, %dma_wait3A_431, %dma_wait3A_432] : memref<16384x56x128xf32, #tpu.memory_space<hbm>> -> memref<1x50x32xf32, #tpu.memory_space<hbm>>
    %dma_wait3A_434 = tpu.memref_squeeze %dma_wait3A_433 : memref<1x50x32xf32, #tpu.memory_space<hbm>> -> memref<50x32xf32, #tpu.memory_space<hbm>>
    %dma_wait3A_435 = arith.constant 0 : i32
    %dma_wait3A_436 = arith.constant 0 : i32
    %dma_wait3A_437 = tpu.memref_slice %arg7[%dma_wait3A_435, %dma_wait3A_436] : memref<1600x32xf32, #tpu.memory_space<vmem>> -> memref<50x32xf32, #tpu.memory_space<vmem>>
    tpu.wait_dma2 semaphore(%arg13 : memref<!tpu.dma_semaphore, #tpu.memory_space<semaphore_mem>>) src(%dma_wait3A_437 : memref<50x32xf32, #tpu.memory_space<vmem>>) dst(%dma_wait3A_434 : memref<50x32xf32, #tpu.memory_space<hbm>>)
    %dma_wait3A_438 = arith.constant 0 : i32
    %dma_wait3A_439 = arith.constant 0 : i32
    %dma_wait3A_440 = arith.constant 0 : i32
    %dma_wait3A_441 = tpu.memref_slice %arg7[%dma_wait3A_439, %dma_wait3A_440] : memref<1600x32xf32, #tpu.memory_space<vmem>> -> memref<50x32xf32, #tpu.memory_space<vmem>>
    %dma_wait3A_442 = arith.constant 0 : i32
    %dma_wait3A_443 = arith.constant 0 : i32
    %dma_wait3A_444 = tpu.memref_slice %arg4[%dma_wait3A_438, %dma_wait3A_442, %dma_wait3A_443] : memref<16384x56x128xf32, #tpu.memory_space<hbm>> -> memref<1x50x32xf32, #tpu.memory_space<hbm>>
    %dma_wait3A_445 = tpu.memref_squeeze %dma_wait3A_444 : memref<1x50x32xf32, #tpu.memory_space<hbm>> -> memref<50x32xf32, #tpu.memory_space<hbm>>
    %dma_wait3A_446 = arith.constant 0 : i32
    %dma_wait3A_447 = arith.constant 0 : i32
    %dma_wait3A_448 = tpu.memref_slice %arg4[%dma_wait3A_438, %dma_wait3A_446, %dma_wait3A_447] : memref<16384x56x128xf32, #tpu.memory_space<hbm>> -> memref<1x50x32xf32, #tpu.memory_space<hbm>>
    %dma_wait3A_449 = tpu.memref_squeeze %dma_wait3A_448 : memref<1x50x32xf32, #tpu.memory_space<hbm>> -> memref<50x32xf32, #tpu.memory_space<hbm>>
    %dma_wait3A_450 = arith.constant 0 : i32
    %dma_wait3A_451 = arith.constant 0 : i32
    %dma_wait3A_452 = tpu.memref_slice %arg7[%dma_wait3A_450, %dma_wait3A_451] : memref<1600x32xf32, #tpu.memory_space<vmem>> -> memref<50x32xf32, #tpu.memory_space<vmem>>
    tpu.wait_dma2 semaphore(%arg13 : memref<!tpu.dma_semaphore, #tpu.memory_space<semaphore_mem>>) src(%dma_wait3A_452 : memref<50x32xf32, #tpu.memory_space<vmem>>) dst(%dma_wait3A_449 : memref<50x32xf32, #tpu.memory_space<hbm>>)
    %dma_wait3A_453 = arith.constant 0 : i32
    %dma_wait3A_454 = arith.constant 0 : i32
    %dma_wait3A_455 = arith.constant 0 : i32
    %dma_wait3A_456 = tpu.memref_slice %arg7[%dma_wait3A_454, %dma_wait3A_455] : memref<1600x32xf32, #tpu.memory_space<vmem>> -> memref<50x32xf32, #tpu.memory_space<vmem>>
    %dma_wait3A_457 = arith.constant 0 : i32
    %dma_wait3A_458 = arith.constant 0 : i32
    %dma_wait3A_459 = tpu.memref_slice %arg4[%dma_wait3A_453, %dma_wait3A_457, %dma_wait3A_458] : memref<16384x56x128xf32, #tpu.memory_space<hbm>> -> memref<1x50x32xf32, #tpu.memory_space<hbm>>
    %dma_wait3A_460 = tpu.memref_squeeze %dma_wait3A_459 : memref<1x50x32xf32, #tpu.memory_space<hbm>> -> memref<50x32xf32, #tpu.memory_space<hbm>>
    %dma_wait3A_461 = arith.constant 0 : i32
    %dma_wait3A_462 = arith.constant 0 : i32
    %dma_wait3A_463 = tpu.memref_slice %arg4[%dma_wait3A_453, %dma_wait3A_461, %dma_wait3A_462] : memref<16384x56x128xf32, #tpu.memory_space<hbm>> -> memref<1x50x32xf32, #tpu.memory_space<hbm>>
    %dma_wait3A_464 = tpu.memref_squeeze %dma_wait3A_463 : memref<1x50x32xf32, #tpu.memory_space<hbm>> -> memref<50x32xf32, #tpu.memory_space<hbm>>
    %dma_wait3A_465 = arith.constant 0 : i32
    %dma_wait3A_466 = arith.constant 0 : i32
    %dma_wait3A_467 = tpu.memref_slice %arg7[%dma_wait3A_465, %dma_wait3A_466] : memref<1600x32xf32, #tpu.memory_space<vmem>> -> memref<50x32xf32, #tpu.memory_space<vmem>>
    tpu.wait_dma2 semaphore(%arg13 : memref<!tpu.dma_semaphore, #tpu.memory_space<semaphore_mem>>) src(%dma_wait3A_467 : memref<50x32xf32, #tpu.memory_space<vmem>>) dst(%dma_wait3A_464 : memref<50x32xf32, #tpu.memory_space<hbm>>)
    %dma_wait3A_468 = arith.constant 0 : i32
    %dma_wait3A_469 = arith.constant 0 : i32
    %dma_wait3A_470 = arith.constant 0 : i32
    %dma_wait3A_471 = tpu.memref_slice %arg7[%dma_wait3A_469, %dma_wait3A_470] : memref<1600x32xf32, #tpu.memory_space<vmem>> -> memref<50x32xf32, #tpu.memory_space<vmem>>
    %dma_wait3A_472 = arith.constant 0 : i32
    %dma_wait3A_473 = arith.constant 0 : i32
    %dma_wait3A_474 = tpu.memref_slice %arg4[%dma_wait3A_468, %dma_wait3A_472, %dma_wait3A_473] : memref<16384x56x128xf32, #tpu.memory_space<hbm>> -> memref<1x50x32xf32, #tpu.memory_space<hbm>>
    %dma_wait3A_475 = tpu.memref_squeeze %dma_wait3A_474 : memref<1x50x32xf32, #tpu.memory_space<hbm>> -> memref<50x32xf32, #tpu.memory_space<hbm>>
    %dma_wait3A_476 = arith.constant 0 : i32
    %dma_wait3A_477 = arith.constant 0 : i32
    %dma_wait3A_478 = tpu.memref_slice %arg4[%dma_wait3A_468, %dma_wait3A_476, %dma_wait3A_477] : memref<16384x56x128xf32, #tpu.memory_space<hbm>> -> memref<1x50x32xf32, #tpu.memory_space<hbm>>
    %dma_wait3A_479 = tpu.memref_squeeze %dma_wait3A_478 : memref<1x50x32xf32, #tpu.memory_space<hbm>> -> memref<50x32xf32, #tpu.memory_space<hbm>>
    %dma_wait3A_480 = arith.constant 0 : i32
    %dma_wait3A_481 = arith.constant 0 : i32
    %dma_wait3A_482 = tpu.memref_slice %arg7[%dma_wait3A_480, %dma_wait3A_481] : memref<1600x32xf32, #tpu.memory_space<vmem>> -> memref<50x32xf32, #tpu.memory_space<vmem>>
    tpu.wait_dma2 semaphore(%arg13 : memref<!tpu.dma_semaphore, #tpu.memory_space<semaphore_mem>>) src(%dma_wait3A_482 : memref<50x32xf32, #tpu.memory_space<vmem>>) dst(%dma_wait3A_479 : memref<50x32xf32, #tpu.memory_space<hbm>>)
    %dma_wait3A_483 = arith.constant 0 : i32
    %dma_wait3A_484 = arith.constant 0 : i32
    %dma_wait3A_485 = arith.constant 0 : i32
    %dma_wait3A_486 = tpu.memref_slice %arg7[%dma_wait3A_484, %dma_wait3A_485] : memref<1600x32xf32, #tpu.memory_space<vmem>> -> memref<50x32xf32, #tpu.memory_space<vmem>>
    %dma_wait3A_487 = arith.constant 0 : i32
    %dma_wait3A_488 = arith.constant 0 : i32
    %dma_wait3A_489 = tpu.memref_slice %arg4[%dma_wait3A_483, %dma_wait3A_487, %dma_wait3A_488] : memref<16384x56x128xf32, #tpu.memory_space<hbm>> -> memref<1x50x32xf32, #tpu.memory_space<hbm>>
    %dma_wait3A_490 = tpu.memref_squeeze %dma_wait3A_489 : memref<1x50x32xf32, #tpu.memory_space<hbm>> -> memref<50x32xf32, #tpu.memory_space<hbm>>
    %dma_wait3A_491 = arith.constant 0 : i32
    %dma_wait3A_492 = arith.constant 0 : i32
    %dma_wait3A_493 = tpu.memref_slice %arg4[%dma_wait3A_483, %dma_wait3A_491, %dma_wait3A_492] : memref<16384x56x128xf32, #tpu.memory_space<hbm>> -> memref<1x50x32xf32, #tpu.memory_space<hbm>>
    %dma_wait3A_494 = tpu.memref_squeeze %dma_wait3A_493 : memref<1x50x32xf32, #tpu.memory_space<hbm>> -> memref<50x32xf32, #tpu.memory_space<hbm>>
    %dma_wait3A_495 = arith.constant 0 : i32
    %dma_wait3A_496 = arith.constant 0 : i32
    %dma_wait3A_497 = tpu.memref_slice %arg7[%dma_wait3A_495, %dma_wait3A_496] : memref<1600x32xf32, #tpu.memory_space<vmem>> -> memref<50x32xf32, #tpu.memory_space<vmem>>
    tpu.wait_dma2 semaphore(%arg13 : memref<!tpu.dma_semaphore, #tpu.memory_space<semaphore_mem>>) src(%dma_wait3A_497 : memref<50x32xf32, #tpu.memory_space<vmem>>) dst(%dma_wait3A_494 : memref<50x32xf32, #tpu.memory_space<hbm>>)
    %dma_wait3A_498 = arith.constant 0 : i32
    %dma_wait3A_499 = arith.constant 0 : i32
    %dma_wait3A_500 = arith.constant 0 : i32
    %dma_wait3A_501 = tpu.memref_slice %arg8[%dma_wait3A_499, %dma_wait3A_500] : memref<1600x32xf32, #tpu.memory_space<vmem>> -> memref<50x32xf32, #tpu.memory_space<vmem>>
    %dma_wait3A_502 = arith.constant 0 : i32
    %dma_wait3A_503 = arith.constant 0 : i32
    %dma_wait3A_504 = tpu.memref_slice %arg4[%dma_wait3A_498, %dma_wait3A_502, %dma_wait3A_503] : memref<16384x56x128xf32, #tpu.memory_space<hbm>> -> memref<1x50x32xf32, #tpu.memory_space<hbm>>
    %dma_wait3A_505 = tpu.memref_squeeze %dma_wait3A_504 : memref<1x50x32xf32, #tpu.memory_space<hbm>> -> memref<50x32xf32, #tpu.memory_space<hbm>>
    %dma_wait3A_506 = arith.constant 0 : i32
    %dma_wait3A_507 = arith.constant 0 : i32
    %dma_wait3A_508 = tpu.memref_slice %arg4[%dma_wait3A_498, %dma_wait3A_506, %dma_wait3A_507] : memref<16384x56x128xf32, #tpu.memory_space<hbm>> -> memref<1x50x32xf32, #tpu.memory_space<hbm>>
    %dma_wait3A_509 = tpu.memref_squeeze %dma_wait3A_508 : memref<1x50x32xf32, #tpu.memory_space<hbm>> -> memref<50x32xf32, #tpu.memory_space<hbm>>
    %dma_wait3A_510 = arith.constant 0 : i32
    %dma_wait3A_511 = arith.constant 0 : i32
    %dma_wait3A_512 = tpu.memref_slice %arg8[%dma_wait3A_510, %dma_wait3A_511] : memref<1600x32xf32, #tpu.memory_space<vmem>> -> memref<50x32xf32, #tpu.memory_space<vmem>>
    tpu.wait_dma2 semaphore(%arg14 : memref<!tpu.dma_semaphore, #tpu.memory_space<semaphore_mem>>) src(%dma_wait3A_512 : memref<50x32xf32, #tpu.memory_space<vmem>>) dst(%dma_wait3A_509 : memref<50x32xf32, #tpu.memory_space<hbm>>)
    %dma_wait3A_513 = arith.constant 0 : i32
    %dma_wait3A_514 = arith.constant 0 : i32
    %dma_wait3A_515 = arith.constant 0 : i32
    %dma_wait3A_516 = tpu.memref_slice %arg8[%dma_wait3A_514, %dma_wait3A_515] : memref<1600x32xf32, #tpu.memory_space<vmem>> -> memref<50x32xf32, #tpu.memory_space<vmem>>
    %dma_wait3A_517 = arith.constant 0 : i32
    %dma_wait3A_518 = arith.constant 0 : i32
    %dma_wait3A_519 = tpu.memref_slice %arg4[%dma_wait3A_513, %dma_wait3A_517, %dma_wait3A_518] : memref<16384x56x128xf32, #tpu.memory_space<hbm>> -> memref<1x50x32xf32, #tpu.memory_space<hbm>>
    %dma_wait3A_520 = tpu.memref_squeeze %dma_wait3A_519 : memref<1x50x32xf32, #tpu.memory_space<hbm>> -> memref<50x32xf32, #tpu.memory_space<hbm>>
    %dma_wait3A_521 = arith.constant 0 : i32
    %dma_wait3A_522 = arith.constant 0 : i32
    %dma_wait3A_523 = tpu.memref_slice %arg4[%dma_wait3A_513, %dma_wait3A_521, %dma_wait3A_522] : memref<16384x56x128xf32, #tpu.memory_space<hbm>> -> memref<1x50x32xf32, #tpu.memory_space<hbm>>
    %dma_wait3A_524 = tpu.memref_squeeze %dma_wait3A_523 : memref<1x50x32xf32, #tpu.memory_space<hbm>> -> memref<50x32xf32, #tpu.memory_space<hbm>>
    %dma_wait3A_525 = arith.constant 0 : i32
    %dma_wait3A_526 = arith.constant 0 : i32
    %dma_wait3A_527 = tpu.memref_slice %arg8[%dma_wait3A_525, %dma_wait3A_526] : memref<1600x32xf32, #tpu.memory_space<vmem>> -> memref<50x32xf32, #tpu.memory_space<vmem>>
    tpu.wait_dma2 semaphore(%arg14 : memref<!tpu.dma_semaphore, #tpu.memory_space<semaphore_mem>>) src(%dma_wait3A_527 : memref<50x32xf32, #tpu.memory_space<vmem>>) dst(%dma_wait3A_524 : memref<50x32xf32, #tpu.memory_space<hbm>>)
    %dma_wait3A_528 = arith.constant 0 : i32
    %dma_wait3A_529 = arith.constant 0 : i32
    %dma_wait3A_530 = arith.constant 0 : i32
    %dma_wait3A_531 = tpu.memref_slice %arg8[%dma_wait3A_529, %dma_wait3A_530] : memref<1600x32xf32, #tpu.memory_space<vmem>> -> memref<50x32xf32, #tpu.memory_space<vmem>>
    %dma_wait3A_532 = arith.constant 0 : i32
    %dma_wait3A_533 = arith.constant 0 : i32
    %dma_wait3A_534 = tpu.memref_slice %arg4[%dma_wait3A_528, %dma_wait3A_532, %dma_wait3A_533] : memref<16384x56x128xf32, #tpu.memory_space<hbm>> -> memref<1x50x32xf32, #tpu.memory_space<hbm>>
    %dma_wait3A_535 = tpu.memref_squeeze %dma_wait3A_534 : memref<1x50x32xf32, #tpu.memory_space<hbm>> -> memref<50x32xf32, #tpu.memory_space<hbm>>
    %dma_wait3A_536 = arith.constant 0 : i32
    %dma_wait3A_537 = arith.constant 0 : i32
    %dma_wait3A_538 = tpu.memref_slice %arg4[%dma_wait3A_528, %dma_wait3A_536, %dma_wait3A_537] : memref<16384x56x128xf32, #tpu.memory_space<hbm>> -> memref<1x50x32xf32, #tpu.memory_space<hbm>>
    %dma_wait3A_539 = tpu.memref_squeeze %dma_wait3A_538 : memref<1x50x32xf32, #tpu.memory_space<hbm>> -> memref<50x32xf32, #tpu.memory_space<hbm>>
    %dma_wait3A_540 = arith.constant 0 : i32
    %dma_wait3A_541 = arith.constant 0 : i32
    %dma_wait3A_542 = tpu.memref_slice %arg8[%dma_wait3A_540, %dma_wait3A_541] : memref<1600x32xf32, #tpu.memory_space<vmem>> -> memref<50x32xf32, #tpu.memory_space<vmem>>
    tpu.wait_dma2 semaphore(%arg14 : memref<!tpu.dma_semaphore, #tpu.memory_space<semaphore_mem>>) src(%dma_wait3A_542 : memref<50x32xf32, #tpu.memory_space<vmem>>) dst(%dma_wait3A_539 : memref<50x32xf32, #tpu.memory_space<hbm>>)
    %dma_wait3A_543 = arith.constant 0 : i32
    %dma_wait3A_544 = arith.constant 0 : i32
    %dma_wait3A_545 = arith.constant 0 : i32
    %dma_wait3A_546 = tpu.memref_slice %arg8[%dma_wait3A_544, %dma_wait3A_545] : memref<1600x32xf32, #tpu.memory_space<vmem>> -> memref<50x32xf32, #tpu.memory_space<vmem>>
    %dma_wait3A_547 = arith.constant 0 : i32
    %dma_wait3A_548 = arith.constant 0 : i32
    %dma_wait3A_549 = tpu.memref_slice %arg4[%dma_wait3A_543, %dma_wait3A_547, %dma_wait3A_548] : memref<16384x56x128xf32, #tpu.memory_space<hbm>> -> memref<1x50x32xf32, #tpu.memory_space<hbm>>
    %dma_wait3A_550 = tpu.memref_squeeze %dma_wait3A_549 : memref<1x50x32xf32, #tpu.memory_space<hbm>> -> memref<50x32xf32, #tpu.memory_space<hbm>>
    %dma_wait3A_551 = arith.constant 0 : i32
    %dma_wait3A_552 = arith.constant 0 : i32
    %dma_wait3A_553 = tpu.memref_slice %arg4[%dma_wait3A_543, %dma_wait3A_551, %dma_wait3A_552] : memref<16384x56x128xf32, #tpu.memory_space<hbm>> -> memref<1x50x32xf32, #tpu.memory_space<hbm>>
    %dma_wait3A_554 = tpu.memref_squeeze %dma_wait3A_553 : memref<1x50x32xf32, #tpu.memory_space<hbm>> -> memref<50x32xf32, #tpu.memory_space<hbm>>
    %dma_wait3A_555 = arith.constant 0 : i32
    %dma_wait3A_556 = arith.constant 0 : i32
    %dma_wait3A_557 = tpu.memref_slice %arg8[%dma_wait3A_555, %dma_wait3A_556] : memref<1600x32xf32, #tpu.memory_space<vmem>> -> memref<50x32xf32, #tpu.memory_space<vmem>>
    tpu.wait_dma2 semaphore(%arg14 : memref<!tpu.dma_semaphore, #tpu.memory_space<semaphore_mem>>) src(%dma_wait3A_557 : memref<50x32xf32, #tpu.memory_space<vmem>>) dst(%dma_wait3A_554 : memref<50x32xf32, #tpu.memory_space<hbm>>)
    %dma_wait3A_558 = arith.constant 0 : i32
    %dma_wait3A_559 = arith.constant 0 : i32
    %dma_wait3A_560 = arith.constant 0 : i32
    %dma_wait3A_561 = tpu.memref_slice %arg8[%dma_wait3A_559, %dma_wait3A_560] : memref<1600x32xf32, #tpu.memory_space<vmem>> -> memref<50x32xf32, #tpu.memory_space<vmem>>
    %dma_wait3A_562 = arith.constant 0 : i32
    %dma_wait3A_563 = arith.constant 0 : i32
    %dma_wait3A_564 = tpu.memref_slice %arg4[%dma_wait3A_558, %dma_wait3A_562, %dma_wait3A_563] : memref<16384x56x128xf32, #tpu.memory_space<hbm>> -> memref<1x50x32xf32, #tpu.memory_space<hbm>>
    %dma_wait3A_565 = tpu.memref_squeeze %dma_wait3A_564 : memref<1x50x32xf32, #tpu.memory_space<hbm>> -> memref<50x32xf32, #tpu.memory_space<hbm>>
    %dma_wait3A_566 = arith.constant 0 : i32
    %dma_wait3A_567 = arith.constant 0 : i32
    %dma_wait3A_568 = tpu.memref_slice %arg4[%dma_wait3A_558, %dma_wait3A_566, %dma_wait3A_567] : memref<16384x56x128xf32, #tpu.memory_space<hbm>> -> memref<1x50x32xf32, #tpu.memory_space<hbm>>
    %dma_wait3A_569 = tpu.memref_squeeze %dma_wait3A_568 : memref<1x50x32xf32, #tpu.memory_space<hbm>> -> memref<50x32xf32, #tpu.memory_space<hbm>>
    %dma_wait3A_570 = arith.constant 0 : i32
    %dma_wait3A_571 = arith.constant 0 : i32
    %dma_wait3A_572 = tpu.memref_slice %arg8[%dma_wait3A_570, %dma_wait3A_571] : memref<1600x32xf32, #tpu.memory_space<vmem>> -> memref<50x32xf32, #tpu.memory_space<vmem>>
    tpu.wait_dma2 semaphore(%arg14 : memref<!tpu.dma_semaphore, #tpu.memory_space<semaphore_mem>>) src(%dma_wait3A_572 : memref<50x32xf32, #tpu.memory_space<vmem>>) dst(%dma_wait3A_569 : memref<50x32xf32, #tpu.memory_space<hbm>>)
    %dma_wait3A_573 = arith.constant 0 : i32
    %dma_wait3A_574 = arith.constant 0 : i32
    %dma_wait3A_575 = arith.constant 0 : i32
    %dma_wait3A_576 = tpu.memref_slice %arg8[%dma_wait3A_574, %dma_wait3A_575] : memref<1600x32xf32, #tpu.memory_space<vmem>> -> memref<50x32xf32, #tpu.memory_space<vmem>>
    %dma_wait3A_577 = arith.constant 0 : i32
    %dma_wait3A_578 = arith.constant 0 : i32
    %dma_wait3A_579 = tpu.memref_slice %arg4[%dma_wait3A_573, %dma_wait3A_577, %dma_wait3A_578] : memref<16384x56x128xf32, #tpu.memory_space<hbm>> -> memref<1x50x32xf32, #tpu.memory_space<hbm>>
    %dma_wait3A_580 = tpu.memref_squeeze %dma_wait3A_579 : memref<1x50x32xf32, #tpu.memory_space<hbm>> -> memref<50x32xf32, #tpu.memory_space<hbm>>
    %dma_wait3A_581 = arith.constant 0 : i32
    %dma_wait3A_582 = arith.constant 0 : i32
    %dma_wait3A_583 = tpu.memref_slice %arg4[%dma_wait3A_573, %dma_wait3A_581, %dma_wait3A_582] : memref<16384x56x128xf32, #tpu.memory_space<hbm>> -> memref<1x50x32xf32, #tpu.memory_space<hbm>>
    %dma_wait3A_584 = tpu.memref_squeeze %dma_wait3A_583 : memref<1x50x32xf32, #tpu.memory_space<hbm>> -> memref<50x32xf32, #tpu.memory_space<hbm>>
    %dma_wait3A_585 = arith.constant 0 : i32
    %dma_wait3A_586 = arith.constant 0 : i32
    %dma_wait3A_587 = tpu.memref_slice %arg8[%dma_wait3A_585, %dma_wait3A_586] : memref<1600x32xf32, #tpu.memory_space<vmem>> -> memref<50x32xf32, #tpu.memory_space<vmem>>
    tpu.wait_dma2 semaphore(%arg14 : memref<!tpu.dma_semaphore, #tpu.memory_space<semaphore_mem>>) src(%dma_wait3A_587 : memref<50x32xf32, #tpu.memory_space<vmem>>) dst(%dma_wait3A_584 : memref<50x32xf32, #tpu.memory_space<hbm>>)
    %dma_wait3A_588 = arith.constant 0 : i32
    %dma_wait3A_589 = arith.constant 0 : i32
    %dma_wait3A_590 = arith.constant 0 : i32
    %dma_wait3A_591 = tpu.memref_slice %arg8[%dma_wait3A_589, %dma_wait3A_590] : memref<1600x32xf32, #tpu.memory_space<vmem>> -> memref<50x32xf32, #tpu.memory_space<vmem>>
    %dma_wait3A_592 = arith.constant 0 : i32
    %dma_wait3A_593 = arith.constant 0 : i32
    %dma_wait3A_594 = tpu.memref_slice %arg4[%dma_wait3A_588, %dma_wait3A_592, %dma_wait3A_593] : memref<16384x56x128xf32, #tpu.memory_space<hbm>> -> memref<1x50x32xf32, #tpu.memory_space<hbm>>
    %dma_wait3A_595 = tpu.memref_squeeze %dma_wait3A_594 : memref<1x50x32xf32, #tpu.memory_space<hbm>> -> memref<50x32xf32, #tpu.memory_space<hbm>>
    %dma_wait3A_596 = arith.constant 0 : i32
    %dma_wait3A_597 = arith.constant 0 : i32
    %dma_wait3A_598 = tpu.memref_slice %arg4[%dma_wait3A_588, %dma_wait3A_596, %dma_wait3A_597] : memref<16384x56x128xf32, #tpu.memory_space<hbm>> -> memref<1x50x32xf32, #tpu.memory_space<hbm>>
    %dma_wait3A_599 = tpu.memref_squeeze %dma_wait3A_598 : memref<1x50x32xf32, #tpu.memory_space<hbm>> -> memref<50x32xf32, #tpu.memory_space<hbm>>
    %dma_wait3A_600 = arith.constant 0 : i32
    %dma_wait3A_601 = arith.constant 0 : i32
    %dma_wait3A_602 = tpu.memref_slice %arg8[%dma_wait3A_600, %dma_wait3A_601] : memref<1600x32xf32, #tpu.memory_space<vmem>> -> memref<50x32xf32, #tpu.memory_space<vmem>>
    tpu.wait_dma2 semaphore(%arg14 : memref<!tpu.dma_semaphore, #tpu.memory_space<semaphore_mem>>) src(%dma_wait3A_602 : memref<50x32xf32, #tpu.memory_space<vmem>>) dst(%dma_wait3A_599 : memref<50x32xf32, #tpu.memory_space<hbm>>)
    %dma_wait3A_603 = arith.constant 0 : i32
    %dma_wait3A_604 = arith.constant 0 : i32
    %dma_wait3A_605 = arith.constant 0 : i32
    %dma_wait3A_606 = tpu.memref_slice %arg8[%dma_wait3A_604, %dma_wait3A_605] : memref<1600x32xf32, #tpu.memory_space<vmem>> -> memref<50x32xf32, #tpu.memory_space<vmem>>
    %dma_wait3A_607 = arith.constant 0 : i32
    %dma_wait3A_608 = arith.constant 0 : i32
    %dma_wait3A_609 = tpu.memref_slice %arg4[%dma_wait3A_603, %dma_wait3A_607, %dma_wait3A_608] : memref<16384x56x128xf32, #tpu.memory_space<hbm>> -> memref<1x50x32xf32, #tpu.memory_space<hbm>>
    %dma_wait3A_610 = tpu.memref_squeeze %dma_wait3A_609 : memref<1x50x32xf32, #tpu.memory_space<hbm>> -> memref<50x32xf32, #tpu.memory_space<hbm>>
    %dma_wait3A_611 = arith.constant 0 : i32
    %dma_wait3A_612 = arith.constant 0 : i32
    %dma_wait3A_613 = tpu.memref_slice %arg4[%dma_wait3A_603, %dma_wait3A_611, %dma_wait3A_612] : memref<16384x56x128xf32, #tpu.memory_space<hbm>> -> memref<1x50x32xf32, #tpu.memory_space<hbm>>
    %dma_wait3A_614 = tpu.memref_squeeze %dma_wait3A_613 : memref<1x50x32xf32, #tpu.memory_space<hbm>> -> memref<50x32xf32, #tpu.memory_space<hbm>>
    %dma_wait3A_615 = arith.constant 0 : i32
    %dma_wait3A_616 = arith.constant 0 : i32
    %dma_wait3A_617 = tpu.memref_slice %arg8[%dma_wait3A_615, %dma_wait3A_616] : memref<1600x32xf32, #tpu.memory_space<vmem>> -> memref<50x32xf32, #tpu.memory_space<vmem>>
    tpu.wait_dma2 semaphore(%arg14 : memref<!tpu.dma_semaphore, #tpu.memory_space<semaphore_mem>>) src(%dma_wait3A_617 : memref<50x32xf32, #tpu.memory_space<vmem>>) dst(%dma_wait3A_614 : memref<50x32xf32, #tpu.memory_space<hbm>>)
    %dma_wait3A_618 = arith.constant 0 : i32
    %dma_wait3A_619 = arith.constant 0 : i32
    %dma_wait3A_620 = arith.constant 0 : i32
    %dma_wait3A_621 = tpu.memref_slice %arg8[%dma_wait3A_619, %dma_wait3A_620] : memref<1600x32xf32, #tpu.memory_space<vmem>> -> memref<50x32xf32, #tpu.memory_space<vmem>>
    %dma_wait3A_622 = arith.constant 0 : i32
    %dma_wait3A_623 = arith.constant 0 : i32
    %dma_wait3A_624 = tpu.memref_slice %arg4[%dma_wait3A_618, %dma_wait3A_622, %dma_wait3A_623] : memref<16384x56x128xf32, #tpu.memory_space<hbm>> -> memref<1x50x32xf32, #tpu.memory_space<hbm>>
    %dma_wait3A_625 = tpu.memref_squeeze %dma_wait3A_624 : memref<1x50x32xf32, #tpu.memory_space<hbm>> -> memref<50x32xf32, #tpu.memory_space<hbm>>
    %dma_wait3A_626 = arith.constant 0 : i32
    %dma_wait3A_627 = arith.constant 0 : i32
    %dma_wait3A_628 = tpu.memref_slice %arg4[%dma_wait3A_618, %dma_wait3A_626, %dma_wait3A_627] : memref<16384x56x128xf32, #tpu.memory_space<hbm>> -> memref<1x50x32xf32, #tpu.memory_space<hbm>>
    %dma_wait3A_629 = tpu.memref_squeeze %dma_wait3A_628 : memref<1x50x32xf32, #tpu.memory_space<hbm>> -> memref<50x32xf32, #tpu.memory_space<hbm>>
    %dma_wait3A_630 = arith.constant 0 : i32
    %dma_wait3A_631 = arith.constant 0 : i32
    %dma_wait3A_632 = tpu.memref_slice %arg8[%dma_wait3A_630, %dma_wait3A_631] : memref<1600x32xf32, #tpu.memory_space<vmem>> -> memref<50x32xf32, #tpu.memory_space<vmem>>
    tpu.wait_dma2 semaphore(%arg14 : memref<!tpu.dma_semaphore, #tpu.memory_space<semaphore_mem>>) src(%dma_wait3A_632 : memref<50x32xf32, #tpu.memory_space<vmem>>) dst(%dma_wait3A_629 : memref<50x32xf32, #tpu.memory_space<hbm>>)
    %dma_wait3A_633 = arith.constant 0 : i32
    %dma_wait3A_634 = arith.constant 0 : i32
    %dma_wait3A_635 = arith.constant 0 : i32
    %dma_wait3A_636 = tpu.memref_slice %arg8[%dma_wait3A_634, %dma_wait3A_635] : memref<1600x32xf32, #tpu.memory_space<vmem>> -> memref<50x32xf32, #tpu.memory_space<vmem>>
    %dma_wait3A_637 = arith.constant 0 : i32
    %dma_wait3A_638 = arith.constant 0 : i32
    %dma_wait3A_639 = tpu.memref_slice %arg4[%dma_wait3A_633, %dma_wait3A_637, %dma_wait3A_638] : memref<16384x56x128xf32, #tpu.memory_space<hbm>> -> memref<1x50x32xf32, #tpu.memory_space<hbm>>
    %dma_wait3A_640 = tpu.memref_squeeze %dma_wait3A_639 : memref<1x50x32xf32, #tpu.memory_space<hbm>> -> memref<50x32xf32, #tpu.memory_space<hbm>>
    %dma_wait3A_641 = arith.constant 0 : i32
    %dma_wait3A_642 = arith.constant 0 : i32
    %dma_wait3A_643 = tpu.memref_slice %arg4[%dma_wait3A_633, %dma_wait3A_641, %dma_wait3A_642] : memref<16384x56x128xf32, #tpu.memory_space<hbm>> -> memref<1x50x32xf32, #tpu.memory_space<hbm>>
    %dma_wait3A_644 = tpu.memref_squeeze %dma_wait3A_643 : memref<1x50x32xf32, #tpu.memory_space<hbm>> -> memref<50x32xf32, #tpu.memory_space<hbm>>
    %dma_wait3A_645 = arith.constant 0 : i32
    %dma_wait3A_646 = arith.constant 0 : i32
    %dma_wait3A_647 = tpu.memref_slice %arg8[%dma_wait3A_645, %dma_wait3A_646] : memref<1600x32xf32, #tpu.memory_space<vmem>> -> memref<50x32xf32, #tpu.memory_space<vmem>>
    tpu.wait_dma2 semaphore(%arg14 : memref<!tpu.dma_semaphore, #tpu.memory_space<semaphore_mem>>) src(%dma_wait3A_647 : memref<50x32xf32, #tpu.memory_space<vmem>>) dst(%dma_wait3A_644 : memref<50x32xf32, #tpu.memory_space<hbm>>)
    %dma_wait3A_648 = arith.constant 0 : i32
    %dma_wait3A_649 = arith.constant 0 : i32
    %dma_wait3A_650 = arith.constant 0 : i32
    %dma_wait3A_651 = tpu.memref_slice %arg8[%dma_wait3A_649, %dma_wait3A_650] : memref<1600x32xf32, #tpu.memory_space<vmem>> -> memref<50x32xf32, #tpu.memory_space<vmem>>
    %dma_wait3A_652 = arith.constant 0 : i32
    %dma_wait3A_653 = arith.constant 0 : i32
    %dma_wait3A_654 = tpu.memref_slice %arg4[%dma_wait3A_648, %dma_wait3A_652, %dma_wait3A_653] : memref<16384x56x128xf32, #tpu.memory_space<hbm>> -> memref<1x50x32xf32, #tpu.memory_space<hbm>>
    %dma_wait3A_655 = tpu.memref_squeeze %dma_wait3A_654 : memref<1x50x32xf32, #tpu.memory_space<hbm>> -> memref<50x32xf32, #tpu.memory_space<hbm>>
    %dma_wait3A_656 = arith.constant 0 : i32
    %dma_wait3A_657 = arith.constant 0 : i32
    %dma_wait3A_658 = tpu.memref_slice %arg4[%dma_wait3A_648, %dma_wait3A_656, %dma_wait3A_657] : memref<16384x56x128xf32, #tpu.memory_space<hbm>> -> memref<1x50x32xf32, #tpu.memory_space<hbm>>
    %dma_wait3A_659 = tpu.memref_squeeze %dma_wait3A_658 : memref<1x50x32xf32, #tpu.memory_space<hbm>> -> memref<50x32xf32, #tpu.memory_space<hbm>>
    %dma_wait3A_660 = arith.constant 0 : i32
    %dma_wait3A_661 = arith.constant 0 : i32
    %dma_wait3A_662 = tpu.memref_slice %arg8[%dma_wait3A_660, %dma_wait3A_661] : memref<1600x32xf32, #tpu.memory_space<vmem>> -> memref<50x32xf32, #tpu.memory_space<vmem>>
    tpu.wait_dma2 semaphore(%arg14 : memref<!tpu.dma_semaphore, #tpu.memory_space<semaphore_mem>>) src(%dma_wait3A_662 : memref<50x32xf32, #tpu.memory_space<vmem>>) dst(%dma_wait3A_659 : memref<50x32xf32, #tpu.memory_space<hbm>>)
    %dma_wait3A_663 = arith.constant 0 : i32
    %dma_wait3A_664 = arith.constant 0 : i32
    %dma_wait3A_665 = arith.constant 0 : i32
    %dma_wait3A_666 = tpu.memref_slice %arg8[%dma_wait3A_664, %dma_wait3A_665] : memref<1600x32xf32, #tpu.memory_space<vmem>> -> memref<50x32xf32, #tpu.memory_space<vmem>>
    %dma_wait3A_667 = arith.constant 0 : i32
    %dma_wait3A_668 = arith.constant 0 : i32
    %dma_wait3A_669 = tpu.memref_slice %arg4[%dma_wait3A_663, %dma_wait3A_667, %dma_wait3A_668] : memref<16384x56x128xf32, #tpu.memory_space<hbm>> -> memref<1x50x32xf32, #tpu.memory_space<hbm>>
    %dma_wait3A_670 = tpu.memref_squeeze %dma_wait3A_669 : memref<1x50x32xf32, #tpu.memory_space<hbm>> -> memref<50x32xf32, #tpu.memory_space<hbm>>
    %dma_wait3A_671 = arith.constant 0 : i32
    %dma_wait3A_672 = arith.constant 0 : i32
    %dma_wait3A_673 = tpu.memref_slice %arg4[%dma_wait3A_663, %dma_wait3A_671, %dma_wait3A_672] : memref<16384x56x128xf32, #tpu.memory_space<hbm>> -> memref<1x50x32xf32, #tpu.memory_space<hbm>>
    %dma_wait3A_674 = tpu.memref_squeeze %dma_wait3A_673 : memref<1x50x32xf32, #tpu.memory_space<hbm>> -> memref<50x32xf32, #tpu.memory_space<hbm>>
    %dma_wait3A_675 = arith.constant 0 : i32
    %dma_wait3A_676 = arith.constant 0 : i32
    %dma_wait3A_677 = tpu.memref_slice %arg8[%dma_wait3A_675, %dma_wait3A_676] : memref<1600x32xf32, #tpu.memory_space<vmem>> -> memref<50x32xf32, #tpu.memory_space<vmem>>
    tpu.wait_dma2 semaphore(%arg14 : memref<!tpu.dma_semaphore, #tpu.memory_space<semaphore_mem>>) src(%dma_wait3A_677 : memref<50x32xf32, #tpu.memory_space<vmem>>) dst(%dma_wait3A_674 : memref<50x32xf32, #tpu.memory_space<hbm>>)
    %dma_wait3A_678 = arith.constant 0 : i32
    %dma_wait3A_679 = arith.constant 0 : i32
    %dma_wait3A_680 = arith.constant 0 : i32
    %dma_wait3A_681 = tpu.memref_slice %arg8[%dma_wait3A_679, %dma_wait3A_680] : memref<1600x32xf32, #tpu.memory_space<vmem>> -> memref<50x32xf32, #tpu.memory_space<vmem>>
    %dma_wait3A_682 = arith.constant 0 : i32
    %dma_wait3A_683 = arith.constant 0 : i32
    %dma_wait3A_684 = tpu.memref_slice %arg4[%dma_wait3A_678, %dma_wait3A_682, %dma_wait3A_683] : memref<16384x56x128xf32, #tpu.memory_space<hbm>> -> memref<1x50x32xf32, #tpu.memory_space<hbm>>
    %dma_wait3A_685 = tpu.memref_squeeze %dma_wait3A_684 : memref<1x50x32xf32, #tpu.memory_space<hbm>> -> memref<50x32xf32, #tpu.memory_space<hbm>>
    %dma_wait3A_686 = arith.constant 0 : i32
    %dma_wait3A_687 = arith.constant 0 : i32
    %dma_wait3A_688 = tpu.memref_slice %arg4[%dma_wait3A_678, %dma_wait3A_686, %dma_wait3A_687] : memref<16384x56x128xf32, #tpu.memory_space<hbm>> -> memref<1x50x32xf32, #tpu.memory_space<hbm>>
    %dma_wait3A_689 = tpu.memref_squeeze %dma_wait3A_688 : memref<1x50x32xf32, #tpu.memory_space<hbm>> -> memref<50x32xf32, #tpu.memory_space<hbm>>
    %dma_wait3A_690 = arith.constant 0 : i32
    %dma_wait3A_691 = arith.constant 0 : i32
    %dma_wait3A_692 = tpu.memref_slice %arg8[%dma_wait3A_690, %dma_wait3A_691] : memref<1600x32xf32, #tpu.memory_space<vmem>> -> memref<50x32xf32, #tpu.memory_space<vmem>>
    tpu.wait_dma2 semaphore(%arg14 : memref<!tpu.dma_semaphore, #tpu.memory_space<semaphore_mem>>) src(%dma_wait3A_692 : memref<50x32xf32, #tpu.memory_space<vmem>>) dst(%dma_wait3A_689 : memref<50x32xf32, #tpu.memory_space<hbm>>)
    %dma_wait3A_693 = arith.constant 0 : i32
    %dma_wait3A_694 = arith.constant 0 : i32
    %dma_wait3A_695 = arith.constant 0 : i32
    %dma_wait3A_696 = tpu.memref_slice %arg8[%dma_wait3A_694, %dma_wait3A_695] : memref<1600x32xf32, #tpu.memory_space<vmem>> -> memref<50x32xf32, #tpu.memory_space<vmem>>
    %dma_wait3A_697 = arith.constant 0 : i32
    %dma_wait3A_698 = arith.constant 0 : i32
    %dma_wait3A_699 = tpu.memref_slice %arg4[%dma_wait3A_693, %dma_wait3A_697, %dma_wait3A_698] : memref<16384x56x128xf32, #tpu.memory_space<hbm>> -> memref<1x50x32xf32, #tpu.memory_space<hbm>>
    %dma_wait3A_700 = tpu.memref_squeeze %dma_wait3A_699 : memref<1x50x32xf32, #tpu.memory_space<hbm>> -> memref<50x32xf32, #tpu.memory_space<hbm>>
    %dma_wait3A_701 = arith.constant 0 : i32
    %dma_wait3A_702 = arith.constant 0 : i32
    %dma_wait3A_703 = tpu.memref_slice %arg4[%dma_wait3A_693, %dma_wait3A_701, %dma_wait3A_702] : memref<16384x56x128xf32, #tpu.memory_space<hbm>> -> memref<1x50x32xf32, #tpu.memory_space<hbm>>
    %dma_wait3A_704 = tpu.memref_squeeze %dma_wait3A_703 : memref<1x50x32xf32, #tpu.memory_space<hbm>> -> memref<50x32xf32, #tpu.memory_space<hbm>>
    %dma_wait3A_705 = arith.constant 0 : i32
    %dma_wait3A_706 = arith.constant 0 : i32
    %dma_wait3A_707 = tpu.memref_slice %arg8[%dma_wait3A_705, %dma_wait3A_706] : memref<1600x32xf32, #tpu.memory_space<vmem>> -> memref<50x32xf32, #tpu.memory_space<vmem>>
    tpu.wait_dma2 semaphore(%arg14 : memref<!tpu.dma_semaphore, #tpu.memory_space<semaphore_mem>>) src(%dma_wait3A_707 : memref<50x32xf32, #tpu.memory_space<vmem>>) dst(%dma_wait3A_704 : memref<50x32xf32, #tpu.memory_space<hbm>>)
    %dma_wait3A_708 = arith.constant 0 : i32
    %dma_wait3A_709 = arith.constant 0 : i32
    %dma_wait3A_710 = arith.constant 0 : i32
    %dma_wait3A_711 = tpu.memref_slice %arg8[%dma_wait3A_709, %dma_wait3A_710] : memref<1600x32xf32, #tpu.memory_space<vmem>> -> memref<50x32xf32, #tpu.memory_space<vmem>>
    %dma_wait3A_712 = arith.constant 0 : i32
    %dma_wait3A_713 = arith.constant 0 : i32
    %dma_wait3A_714 = tpu.memref_slice %arg4[%dma_wait3A_708, %dma_wait3A_712, %dma_wait3A_713] : memref<16384x56x128xf32, #tpu.memory_space<hbm>> -> memref<1x50x32xf32, #tpu.memory_space<hbm>>
    %dma_wait3A_715 = tpu.memref_squeeze %dma_wait3A_714 : memref<1x50x32xf32, #tpu.memory_space<hbm>> -> memref<50x32xf32, #tpu.memory_space<hbm>>
    %dma_wait3A_716 = arith.constant 0 : i32
    %dma_wait3A_717 = arith.constant 0 : i32
    %dma_wait3A_718 = tpu.memref_slice %arg4[%dma_wait3A_708, %dma_wait3A_716, %dma_wait3A_717] : memref<16384x56x128xf32, #tpu.memory_space<hbm>> -> memref<1x50x32xf32, #tpu.memory_space<hbm>>
    %dma_wait3A_719 = tpu.memref_squeeze %dma_wait3A_718 : memref<1x50x32xf32, #tpu.memory_space<hbm>> -> memref<50x32xf32, #tpu.memory_space<hbm>>
    %dma_wait3A_720 = arith.constant 0 : i32
    %dma_wait3A_721 = arith.constant 0 : i32
    %dma_wait3A_722 = tpu.memref_slice %arg8[%dma_wait3A_720, %dma_wait3A_721] : memref<1600x32xf32, #tpu.memory_space<vmem>> -> memref<50x32xf32, #tpu.memory_space<vmem>>
    tpu.wait_dma2 semaphore(%arg14 : memref<!tpu.dma_semaphore, #tpu.memory_space<semaphore_mem>>) src(%dma_wait3A_722 : memref<50x32xf32, #tpu.memory_space<vmem>>) dst(%dma_wait3A_719 : memref<50x32xf32, #tpu.memory_space<hbm>>)
    %dma_wait3A_723 = arith.constant 0 : i32
    %dma_wait3A_724 = arith.constant 0 : i32
    %dma_wait3A_725 = arith.constant 0 : i32
    %dma_wait3A_726 = tpu.memref_slice %arg8[%dma_wait3A_724, %dma_wait3A_725] : memref<1600x32xf32, #tpu.memory_space<vmem>> -> memref<50x32xf32, #tpu.memory_space<vmem>>
    %dma_wait3A_727 = arith.constant 0 : i32
    %dma_wait3A_728 = arith.constant 0 : i32
    %dma_wait3A_729 = tpu.memref_slice %arg4[%dma_wait3A_723, %dma_wait3A_727, %dma_wait3A_728] : memref<16384x56x128xf32, #tpu.memory_space<hbm>> -> memref<1x50x32xf32, #tpu.memory_space<hbm>>
    %dma_wait3A_730 = tpu.memref_squeeze %dma_wait3A_729 : memref<1x50x32xf32, #tpu.memory_space<hbm>> -> memref<50x32xf32, #tpu.memory_space<hbm>>
    %dma_wait3A_731 = arith.constant 0 : i32
    %dma_wait3A_732 = arith.constant 0 : i32
    %dma_wait3A_733 = tpu.memref_slice %arg4[%dma_wait3A_723, %dma_wait3A_731, %dma_wait3A_732] : memref<16384x56x128xf32, #tpu.memory_space<hbm>> -> memref<1x50x32xf32, #tpu.memory_space<hbm>>
    %dma_wait3A_734 = tpu.memref_squeeze %dma_wait3A_733 : memref<1x50x32xf32, #tpu.memory_space<hbm>> -> memref<50x32xf32, #tpu.memory_space<hbm>>
    %dma_wait3A_735 = arith.constant 0 : i32
    %dma_wait3A_736 = arith.constant 0 : i32
    %dma_wait3A_737 = tpu.memref_slice %arg8[%dma_wait3A_735, %dma_wait3A_736] : memref<1600x32xf32, #tpu.memory_space<vmem>> -> memref<50x32xf32, #tpu.memory_space<vmem>>
    tpu.wait_dma2 semaphore(%arg14 : memref<!tpu.dma_semaphore, #tpu.memory_space<semaphore_mem>>) src(%dma_wait3A_737 : memref<50x32xf32, #tpu.memory_space<vmem>>) dst(%dma_wait3A_734 : memref<50x32xf32, #tpu.memory_space<hbm>>)
    %dma_wait3A_738 = arith.constant 0 : i32
    %dma_wait3A_739 = arith.constant 0 : i32
    %dma_wait3A_740 = arith.constant 0 : i32
    %dma_wait3A_741 = tpu.memref_slice %arg8[%dma_wait3A_739, %dma_wait3A_740] : memref<1600x32xf32, #tpu.memory_space<vmem>> -> memref<50x32xf32, #tpu.memory_space<vmem>>
    %dma_wait3A_742 = arith.constant 0 : i32
    %dma_wait3A_743 = arith.constant 0 : i32
    %dma_wait3A_744 = tpu.memref_slice %arg4[%dma_wait3A_738, %dma_wait3A_742, %dma_wait3A_743] : memref<16384x56x128xf32, #tpu.memory_space<hbm>> -> memref<1x50x32xf32, #tpu.memory_space<hbm>>
    %dma_wait3A_745 = tpu.memref_squeeze %dma_wait3A_744 : memref<1x50x32xf32, #tpu.memory_space<hbm>> -> memref<50x32xf32, #tpu.memory_space<hbm>>
    %dma_wait3A_746 = arith.constant 0 : i32
    %dma_wait3A_747 = arith.constant 0 : i32
    %dma_wait3A_748 = tpu.memref_slice %arg4[%dma_wait3A_738, %dma_wait3A_746, %dma_wait3A_747] : memref<16384x56x128xf32, #tpu.memory_space<hbm>> -> memref<1x50x32xf32, #tpu.memory_space<hbm>>
    %dma_wait3A_749 = tpu.memref_squeeze %dma_wait3A_748 : memref<1x50x32xf32, #tpu.memory_space<hbm>> -> memref<50x32xf32, #tpu.memory_space<hbm>>
    %dma_wait3A_750 = arith.constant 0 : i32
    %dma_wait3A_751 = arith.constant 0 : i32
    %dma_wait3A_752 = tpu.memref_slice %arg8[%dma_wait3A_750, %dma_wait3A_751] : memref<1600x32xf32, #tpu.memory_space<vmem>> -> memref<50x32xf32, #tpu.memory_space<vmem>>
    tpu.wait_dma2 semaphore(%arg14 : memref<!tpu.dma_semaphore, #tpu.memory_space<semaphore_mem>>) src(%dma_wait3A_752 : memref<50x32xf32, #tpu.memory_space<vmem>>) dst(%dma_wait3A_749 : memref<50x32xf32, #tpu.memory_space<hbm>>)
    %dma_wait3A_753 = arith.constant 0 : i32
    %dma_wait3A_754 = arith.constant 0 : i32
    %dma_wait3A_755 = arith.constant 0 : i32
    %dma_wait3A_756 = tpu.memref_slice %arg8[%dma_wait3A_754, %dma_wait3A_755] : memref<1600x32xf32, #tpu.memory_space<vmem>> -> memref<50x32xf32, #tpu.memory_space<vmem>>
    %dma_wait3A_757 = arith.constant 0 : i32
    %dma_wait3A_758 = arith.constant 0 : i32
    %dma_wait3A_759 = tpu.memref_slice %arg4[%dma_wait3A_753, %dma_wait3A_757, %dma_wait3A_758] : memref<16384x56x128xf32, #tpu.memory_space<hbm>> -> memref<1x50x32xf32, #tpu.memory_space<hbm>>
    %dma_wait3A_760 = tpu.memref_squeeze %dma_wait3A_759 : memref<1x50x32xf32, #tpu.memory_space<hbm>> -> memref<50x32xf32, #tpu.memory_space<hbm>>
    %dma_wait3A_761 = arith.constant 0 : i32
    %dma_wait3A_762 = arith.constant 0 : i32
    %dma_wait3A_763 = tpu.memref_slice %arg4[%dma_wait3A_753, %dma_wait3A_761, %dma_wait3A_762] : memref<16384x56x128xf32, #tpu.memory_space<hbm>> -> memref<1x50x32xf32, #tpu.memory_space<hbm>>
    %dma_wait3A_764 = tpu.memref_squeeze %dma_wait3A_763 : memref<1x50x32xf32, #tpu.memory_space<hbm>> -> memref<50x32xf32, #tpu.memory_space<hbm>>
    %dma_wait3A_765 = arith.constant 0 : i32
    %dma_wait3A_766 = arith.constant 0 : i32
    %dma_wait3A_767 = tpu.memref_slice %arg8[%dma_wait3A_765, %dma_wait3A_766] : memref<1600x32xf32, #tpu.memory_space<vmem>> -> memref<50x32xf32, #tpu.memory_space<vmem>>
    tpu.wait_dma2 semaphore(%arg14 : memref<!tpu.dma_semaphore, #tpu.memory_space<semaphore_mem>>) src(%dma_wait3A_767 : memref<50x32xf32, #tpu.memory_space<vmem>>) dst(%dma_wait3A_764 : memref<50x32xf32, #tpu.memory_space<hbm>>)
    %dma_wait3A_768 = arith.constant 0 : i32
    %dma_wait3A_769 = arith.constant 0 : i32
    %dma_wait3A_770 = arith.constant 0 : i32
    %dma_wait3A_771 = tpu.memref_slice %arg8[%dma_wait3A_769, %dma_wait3A_770] : memref<1600x32xf32, #tpu.memory_space<vmem>> -> memref<50x32xf32, #tpu.memory_space<vmem>>
    %dma_wait3A_772 = arith.constant 0 : i32
    %dma_wait3A_773 = arith.constant 0 : i32
    %dma_wait3A_774 = tpu.memref_slice %arg4[%dma_wait3A_768, %dma_wait3A_772, %dma_wait3A_773] : memref<16384x56x128xf32, #tpu.memory_space<hbm>> -> memref<1x50x32xf32, #tpu.memory_space<hbm>>
    %dma_wait3A_775 = tpu.memref_squeeze %dma_wait3A_774 : memref<1x50x32xf32, #tpu.memory_space<hbm>> -> memref<50x32xf32, #tpu.memory_space<hbm>>
    %dma_wait3A_776 = arith.constant 0 : i32
    %dma_wait3A_777 = arith.constant 0 : i32
    %dma_wait3A_778 = tpu.memref_slice %arg4[%dma_wait3A_768, %dma_wait3A_776, %dma_wait3A_777] : memref<16384x56x128xf32, #tpu.memory_space<hbm>> -> memref<1x50x32xf32, #tpu.memory_space<hbm>>
    %dma_wait3A_779 = tpu.memref_squeeze %dma_wait3A_778 : memref<1x50x32xf32, #tpu.memory_space<hbm>> -> memref<50x32xf32, #tpu.memory_space<hbm>>
    %dma_wait3A_780 = arith.constant 0 : i32
    %dma_wait3A_781 = arith.constant 0 : i32
    %dma_wait3A_782 = tpu.memref_slice %arg8[%dma_wait3A_780, %dma_wait3A_781] : memref<1600x32xf32, #tpu.memory_space<vmem>> -> memref<50x32xf32, #tpu.memory_space<vmem>>
    tpu.wait_dma2 semaphore(%arg14 : memref<!tpu.dma_semaphore, #tpu.memory_space<semaphore_mem>>) src(%dma_wait3A_782 : memref<50x32xf32, #tpu.memory_space<vmem>>) dst(%dma_wait3A_779 : memref<50x32xf32, #tpu.memory_space<hbm>>)
    %dma_wait3A_783 = arith.constant 0 : i32
    %dma_wait3A_784 = arith.constant 0 : i32
    %dma_wait3A_785 = arith.constant 0 : i32
    %dma_wait3A_786 = tpu.memref_slice %arg8[%dma_wait3A_784, %dma_wait3A_785] : memref<1600x32xf32, #tpu.memory_space<vmem>> -> memref<50x32xf32, #tpu.memory_space<vmem>>
    %dma_wait3A_787 = arith.constant 0 : i32
    %dma_wait3A_788 = arith.constant 0 : i32
    %dma_wait3A_789 = tpu.memref_slice %arg4[%dma_wait3A_783, %dma_wait3A_787, %dma_wait3A_788] : memref<16384x56x128xf32, #tpu.memory_space<hbm>> -> memref<1x50x32xf32, #tpu.memory_space<hbm>>
    %dma_wait3A_790 = tpu.memref_squeeze %dma_wait3A_789 : memref<1x50x32xf32, #tpu.memory_space<hbm>> -> memref<50x32xf32, #tpu.memory_space<hbm>>
    %dma_wait3A_791 = arith.constant 0 : i32
    %dma_wait3A_792 = arith.constant 0 : i32
    %dma_wait3A_793 = tpu.memref_slice %arg4[%dma_wait3A_783, %dma_wait3A_791, %dma_wait3A_792] : memref<16384x56x128xf32, #tpu.memory_space<hbm>> -> memref<1x50x32xf32, #tpu.memory_space<hbm>>
    %dma_wait3A_794 = tpu.memref_squeeze %dma_wait3A_793 : memref<1x50x32xf32, #tpu.memory_space<hbm>> -> memref<50x32xf32, #tpu.memory_space<hbm>>
    %dma_wait3A_795 = arith.constant 0 : i32
    %dma_wait3A_796 = arith.constant 0 : i32
    %dma_wait3A_797 = tpu.memref_slice %arg8[%dma_wait3A_795, %dma_wait3A_796] : memref<1600x32xf32, #tpu.memory_space<vmem>> -> memref<50x32xf32, #tpu.memory_space<vmem>>
    tpu.wait_dma2 semaphore(%arg14 : memref<!tpu.dma_semaphore, #tpu.memory_space<semaphore_mem>>) src(%dma_wait3A_797 : memref<50x32xf32, #tpu.memory_space<vmem>>) dst(%dma_wait3A_794 : memref<50x32xf32, #tpu.memory_space<hbm>>)
    %dma_wait3A_798 = arith.constant 0 : i32
    %dma_wait3A_799 = arith.constant 0 : i32
    %dma_wait3A_800 = arith.constant 0 : i32
    %dma_wait3A_801 = tpu.memref_slice %arg8[%dma_wait3A_799, %dma_wait3A_800] : memref<1600x32xf32, #tpu.memory_space<vmem>> -> memref<50x32xf32, #tpu.memory_space<vmem>>
    %dma_wait3A_802 = arith.constant 0 : i32
    %dma_wait3A_803 = arith.constant 0 : i32
    %dma_wait3A_804 = tpu.memref_slice %arg4[%dma_wait3A_798, %dma_wait3A_802, %dma_wait3A_803] : memref<16384x56x128xf32, #tpu.memory_space<hbm>> -> memref<1x50x32xf32, #tpu.memory_space<hbm>>
    %dma_wait3A_805 = tpu.memref_squeeze %dma_wait3A_804 : memref<1x50x32xf32, #tpu.memory_space<hbm>> -> memref<50x32xf32, #tpu.memory_space<hbm>>
    %dma_wait3A_806 = arith.constant 0 : i32
    %dma_wait3A_807 = arith.constant 0 : i32
    %dma_wait3A_808 = tpu.memref_slice %arg4[%dma_wait3A_798, %dma_wait3A_806, %dma_wait3A_807] : memref<16384x56x128xf32, #tpu.memory_space<hbm>> -> memref<1x50x32xf32, #tpu.memory_space<hbm>>
    %dma_wait3A_809 = tpu.memref_squeeze %dma_wait3A_808 : memref<1x50x32xf32, #tpu.memory_space<hbm>> -> memref<50x32xf32, #tpu.memory_space<hbm>>
    %dma_wait3A_810 = arith.constant 0 : i32
    %dma_wait3A_811 = arith.constant 0 : i32
    %dma_wait3A_812 = tpu.memref_slice %arg8[%dma_wait3A_810, %dma_wait3A_811] : memref<1600x32xf32, #tpu.memory_space<vmem>> -> memref<50x32xf32, #tpu.memory_space<vmem>>
    tpu.wait_dma2 semaphore(%arg14 : memref<!tpu.dma_semaphore, #tpu.memory_space<semaphore_mem>>) src(%dma_wait3A_812 : memref<50x32xf32, #tpu.memory_space<vmem>>) dst(%dma_wait3A_809 : memref<50x32xf32, #tpu.memory_space<hbm>>)
    %dma_wait3A_813 = arith.constant 0 : i32
    %dma_wait3A_814 = arith.constant 0 : i32
    %dma_wait3A_815 = arith.constant 0 : i32
    %dma_wait3A_816 = tpu.memref_slice %arg8[%dma_wait3A_814, %dma_wait3A_815] : memref<1600x32xf32, #tpu.memory_space<vmem>> -> memref<50x32xf32, #tpu.memory_space<vmem>>
    %dma_wait3A_817 = arith.constant 0 : i32
    %dma_wait3A_818 = arith.constant 0 : i32
    %dma_wait3A_819 = tpu.memref_slice %arg4[%dma_wait3A_813, %dma_wait3A_817, %dma_wait3A_818] : memref<16384x56x128xf32, #tpu.memory_space<hbm>> -> memref<1x50x32xf32, #tpu.memory_space<hbm>>
    %dma_wait3A_820 = tpu.memref_squeeze %dma_wait3A_819 : memref<1x50x32xf32, #tpu.memory_space<hbm>> -> memref<50x32xf32, #tpu.memory_space<hbm>>
    %dma_wait3A_821 = arith.constant 0 : i32
    %dma_wait3A_822 = arith.constant 0 : i32
    %dma_wait3A_823 = tpu.memref_slice %arg4[%dma_wait3A_813, %dma_wait3A_821, %dma_wait3A_822] : memref<16384x56x128xf32, #tpu.memory_space<hbm>> -> memref<1x50x32xf32, #tpu.memory_space<hbm>>
    %dma_wait3A_824 = tpu.memref_squeeze %dma_wait3A_823 : memref<1x50x32xf32, #tpu.memory_space<hbm>> -> memref<50x32xf32, #tpu.memory_space<hbm>>
    %dma_wait3A_825 = arith.constant 0 : i32
    %dma_wait3A_826 = arith.constant 0 : i32
    %dma_wait3A_827 = tpu.memref_slice %arg8[%dma_wait3A_825, %dma_wait3A_826] : memref<1600x32xf32, #tpu.memory_space<vmem>> -> memref<50x32xf32, #tpu.memory_space<vmem>>
    tpu.wait_dma2 semaphore(%arg14 : memref<!tpu.dma_semaphore, #tpu.memory_space<semaphore_mem>>) src(%dma_wait3A_827 : memref<50x32xf32, #tpu.memory_space<vmem>>) dst(%dma_wait3A_824 : memref<50x32xf32, #tpu.memory_space<hbm>>)
    %dma_wait3A_828 = arith.constant 0 : i32
    %dma_wait3A_829 = arith.constant 0 : i32
    %dma_wait3A_830 = arith.constant 0 : i32
    %dma_wait3A_831 = tpu.memref_slice %arg8[%dma_wait3A_829, %dma_wait3A_830] : memref<1600x32xf32, #tpu.memory_space<vmem>> -> memref<50x32xf32, #tpu.memory_space<vmem>>
    %dma_wait3A_832 = arith.constant 0 : i32
    %dma_wait3A_833 = arith.constant 0 : i32
    %dma_wait3A_834 = tpu.memref_slice %arg4[%dma_wait3A_828, %dma_wait3A_832, %dma_wait3A_833] : memref<16384x56x128xf32, #tpu.memory_space<hbm>> -> memref<1x50x32xf32, #tpu.memory_space<hbm>>
    %dma_wait3A_835 = tpu.memref_squeeze %dma_wait3A_834 : memref<1x50x32xf32, #tpu.memory_space<hbm>> -> memref<50x32xf32, #tpu.memory_space<hbm>>
    %dma_wait3A_836 = arith.constant 0 : i32
    %dma_wait3A_837 = arith.constant 0 : i32
    %dma_wait3A_838 = tpu.memref_slice %arg4[%dma_wait3A_828, %dma_wait3A_836, %dma_wait3A_837] : memref<16384x56x128xf32, #tpu.memory_space<hbm>> -> memref<1x50x32xf32, #tpu.memory_space<hbm>>
    %dma_wait3A_839 = tpu.memref_squeeze %dma_wait3A_838 : memref<1x50x32xf32, #tpu.memory_space<hbm>> -> memref<50x32xf32, #tpu.memory_space<hbm>>
    %dma_wait3A_840 = arith.constant 0 : i32
    %dma_wait3A_841 = arith.constant 0 : i32
    %dma_wait3A_842 = tpu.memref_slice %arg8[%dma_wait3A_840, %dma_wait3A_841] : memref<1600x32xf32, #tpu.memory_space<vmem>> -> memref<50x32xf32, #tpu.memory_space<vmem>>
    tpu.wait_dma2 semaphore(%arg14 : memref<!tpu.dma_semaphore, #tpu.memory_space<semaphore_mem>>) src(%dma_wait3A_842 : memref<50x32xf32, #tpu.memory_space<vmem>>) dst(%dma_wait3A_839 : memref<50x32xf32, #tpu.memory_space<hbm>>)
    %dma_wait3A_843 = arith.constant 0 : i32
    %dma_wait3A_844 = arith.constant 0 : i32
    %dma_wait3A_845 = arith.constant 0 : i32
    %dma_wait3A_846 = tpu.memref_slice %arg8[%dma_wait3A_844, %dma_wait3A_845] : memref<1600x32xf32, #tpu.memory_space<vmem>> -> memref<50x32xf32, #tpu.memory_space<vmem>>
    %dma_wait3A_847 = arith.constant 0 : i32
    %dma_wait3A_848 = arith.constant 0 : i32
    %dma_wait3A_849 = tpu.memref_slice %arg4[%dma_wait3A_843, %dma_wait3A_847, %dma_wait3A_848] : memref<16384x56x128xf32, #tpu.memory_space<hbm>> -> memref<1x50x32xf32, #tpu.memory_space<hbm>>
    %dma_wait3A_850 = tpu.memref_squeeze %dma_wait3A_849 : memref<1x50x32xf32, #tpu.memory_space<hbm>> -> memref<50x32xf32, #tpu.memory_space<hbm>>
    %dma_wait3A_851 = arith.constant 0 : i32
    %dma_wait3A_852 = arith.constant 0 : i32
    %dma_wait3A_853 = tpu.memref_slice %arg4[%dma_wait3A_843, %dma_wait3A_851, %dma_wait3A_852] : memref<16384x56x128xf32, #tpu.memory_space<hbm>> -> memref<1x50x32xf32, #tpu.memory_space<hbm>>
    %dma_wait3A_854 = tpu.memref_squeeze %dma_wait3A_853 : memref<1x50x32xf32, #tpu.memory_space<hbm>> -> memref<50x32xf32, #tpu.memory_space<hbm>>
    %dma_wait3A_855 = arith.constant 0 : i32
    %dma_wait3A_856 = arith.constant 0 : i32
    %dma_wait3A_857 = tpu.memref_slice %arg8[%dma_wait3A_855, %dma_wait3A_856] : memref<1600x32xf32, #tpu.memory_space<vmem>> -> memref<50x32xf32, #tpu.memory_space<vmem>>
    tpu.wait_dma2 semaphore(%arg14 : memref<!tpu.dma_semaphore, #tpu.memory_space<semaphore_mem>>) src(%dma_wait3A_857 : memref<50x32xf32, #tpu.memory_space<vmem>>) dst(%dma_wait3A_854 : memref<50x32xf32, #tpu.memory_space<hbm>>)
    %dma_wait3A_858 = arith.constant 0 : i32
    %dma_wait3A_859 = arith.constant 0 : i32
    %dma_wait3A_860 = arith.constant 0 : i32
    %dma_wait3A_861 = tpu.memref_slice %arg8[%dma_wait3A_859, %dma_wait3A_860] : memref<1600x32xf32, #tpu.memory_space<vmem>> -> memref<50x32xf32, #tpu.memory_space<vmem>>
    %dma_wait3A_862 = arith.constant 0 : i32
    %dma_wait3A_863 = arith.constant 0 : i32
    %dma_wait3A_864 = tpu.memref_slice %arg4[%dma_wait3A_858, %dma_wait3A_862, %dma_wait3A_863] : memref<16384x56x128xf32, #tpu.memory_space<hbm>> -> memref<1x50x32xf32, #tpu.memory_space<hbm>>
    %dma_wait3A_865 = tpu.memref_squeeze %dma_wait3A_864 : memref<1x50x32xf32, #tpu.memory_space<hbm>> -> memref<50x32xf32, #tpu.memory_space<hbm>>
    %dma_wait3A_866 = arith.constant 0 : i32
    %dma_wait3A_867 = arith.constant 0 : i32
    %dma_wait3A_868 = tpu.memref_slice %arg4[%dma_wait3A_858, %dma_wait3A_866, %dma_wait3A_867] : memref<16384x56x128xf32, #tpu.memory_space<hbm>> -> memref<1x50x32xf32, #tpu.memory_space<hbm>>
    %dma_wait3A_869 = tpu.memref_squeeze %dma_wait3A_868 : memref<1x50x32xf32, #tpu.memory_space<hbm>> -> memref<50x32xf32, #tpu.memory_space<hbm>>
    %dma_wait3A_870 = arith.constant 0 : i32
    %dma_wait3A_871 = arith.constant 0 : i32
    %dma_wait3A_872 = tpu.memref_slice %arg8[%dma_wait3A_870, %dma_wait3A_871] : memref<1600x32xf32, #tpu.memory_space<vmem>> -> memref<50x32xf32, #tpu.memory_space<vmem>>
    tpu.wait_dma2 semaphore(%arg14 : memref<!tpu.dma_semaphore, #tpu.memory_space<semaphore_mem>>) src(%dma_wait3A_872 : memref<50x32xf32, #tpu.memory_space<vmem>>) dst(%dma_wait3A_869 : memref<50x32xf32, #tpu.memory_space<hbm>>)
    %dma_wait3A_873 = arith.constant 0 : i32
    %dma_wait3A_874 = arith.constant 0 : i32
    %dma_wait3A_875 = arith.constant 0 : i32
    %dma_wait3A_876 = tpu.memref_slice %arg8[%dma_wait3A_874, %dma_wait3A_875] : memref<1600x32xf32, #tpu.memory_space<vmem>> -> memref<50x32xf32, #tpu.memory_space<vmem>>
    %dma_wait3A_877 = arith.constant 0 : i32
    %dma_wait3A_878 = arith.constant 0 : i32
    %dma_wait3A_879 = tpu.memref_slice %arg4[%dma_wait3A_873, %dma_wait3A_877, %dma_wait3A_878] : memref<16384x56x128xf32, #tpu.memory_space<hbm>> -> memref<1x50x32xf32, #tpu.memory_space<hbm>>
    %dma_wait3A_880 = tpu.memref_squeeze %dma_wait3A_879 : memref<1x50x32xf32, #tpu.memory_space<hbm>> -> memref<50x32xf32, #tpu.memory_space<hbm>>
    %dma_wait3A_881 = arith.constant 0 : i32
    %dma_wait3A_882 = arith.constant 0 : i32
    %dma_wait3A_883 = tpu.memref_slice %arg4[%dma_wait3A_873, %dma_wait3A_881, %dma_wait3A_882] : memref<16384x56x128xf32, #tpu.memory_space<hbm>> -> memref<1x50x32xf32, #tpu.memory_space<hbm>>
    %dma_wait3A_884 = tpu.memref_squeeze %dma_wait3A_883 : memref<1x50x32xf32, #tpu.memory_space<hbm>> -> memref<50x32xf32, #tpu.memory_space<hbm>>
    %dma_wait3A_885 = arith.constant 0 : i32
    %dma_wait3A_886 = arith.constant 0 : i32
    %dma_wait3A_887 = tpu.memref_slice %arg8[%dma_wait3A_885, %dma_wait3A_886] : memref<1600x32xf32, #tpu.memory_space<vmem>> -> memref<50x32xf32, #tpu.memory_space<vmem>>
    tpu.wait_dma2 semaphore(%arg14 : memref<!tpu.dma_semaphore, #tpu.memory_space<semaphore_mem>>) src(%dma_wait3A_887 : memref<50x32xf32, #tpu.memory_space<vmem>>) dst(%dma_wait3A_884 : memref<50x32xf32, #tpu.memory_space<hbm>>)
    %dma_wait3A_888 = arith.constant 0 : i32
    %dma_wait3A_889 = arith.constant 0 : i32
    %dma_wait3A_890 = arith.constant 0 : i32
    %dma_wait3A_891 = tpu.memref_slice %arg8[%dma_wait3A_889, %dma_wait3A_890] : memref<1600x32xf32, #tpu.memory_space<vmem>> -> memref<50x32xf32, #tpu.memory_space<vmem>>
    %dma_wait3A_892 = arith.constant 0 : i32
    %dma_wait3A_893 = arith.constant 0 : i32
    %dma_wait3A_894 = tpu.memref_slice %arg4[%dma_wait3A_888, %dma_wait3A_892, %dma_wait3A_893] : memref<16384x56x128xf32, #tpu.memory_space<hbm>> -> memref<1x50x32xf32, #tpu.memory_space<hbm>>
    %dma_wait3A_895 = tpu.memref_squeeze %dma_wait3A_894 : memref<1x50x32xf32, #tpu.memory_space<hbm>> -> memref<50x32xf32, #tpu.memory_space<hbm>>
    %dma_wait3A_896 = arith.constant 0 : i32
    %dma_wait3A_897 = arith.constant 0 : i32
    %dma_wait3A_898 = tpu.memref_slice %arg4[%dma_wait3A_888, %dma_wait3A_896, %dma_wait3A_897] : memref<16384x56x128xf32, #tpu.memory_space<hbm>> -> memref<1x50x32xf32, #tpu.memory_space<hbm>>
    %dma_wait3A_899 = tpu.memref_squeeze %dma_wait3A_898 : memref<1x50x32xf32, #tpu.memory_space<hbm>> -> memref<50x32xf32, #tpu.memory_space<hbm>>
    %dma_wait3A_900 = arith.constant 0 : i32
    %dma_wait3A_901 = arith.constant 0 : i32
    %dma_wait3A_902 = tpu.memref_slice %arg8[%dma_wait3A_900, %dma_wait3A_901] : memref<1600x32xf32, #tpu.memory_space<vmem>> -> memref<50x32xf32, #tpu.memory_space<vmem>>
    tpu.wait_dma2 semaphore(%arg14 : memref<!tpu.dma_semaphore, #tpu.memory_space<semaphore_mem>>) src(%dma_wait3A_902 : memref<50x32xf32, #tpu.memory_space<vmem>>) dst(%dma_wait3A_899 : memref<50x32xf32, #tpu.memory_space<hbm>>)
    %dma_wait3A_903 = arith.constant 0 : i32
    %dma_wait3A_904 = arith.constant 0 : i32
    %dma_wait3A_905 = arith.constant 0 : i32
    %dma_wait3A_906 = tpu.memref_slice %arg8[%dma_wait3A_904, %dma_wait3A_905] : memref<1600x32xf32, #tpu.memory_space<vmem>> -> memref<50x32xf32, #tpu.memory_space<vmem>>
    %dma_wait3A_907 = arith.constant 0 : i32
    %dma_wait3A_908 = arith.constant 0 : i32
    %dma_wait3A_909 = tpu.memref_slice %arg4[%dma_wait3A_903, %dma_wait3A_907, %dma_wait3A_908] : memref<16384x56x128xf32, #tpu.memory_space<hbm>> -> memref<1x50x32xf32, #tpu.memory_space<hbm>>
    %dma_wait3A_910 = tpu.memref_squeeze %dma_wait3A_909 : memref<1x50x32xf32, #tpu.memory_space<hbm>> -> memref<50x32xf32, #tpu.memory_space<hbm>>
    %dma_wait3A_911 = arith.constant 0 : i32
    %dma_wait3A_912 = arith.constant 0 : i32
    %dma_wait3A_913 = tpu.memref_slice %arg4[%dma_wait3A_903, %dma_wait3A_911, %dma_wait3A_912] : memref<16384x56x128xf32, #tpu.memory_space<hbm>> -> memref<1x50x32xf32, #tpu.memory_space<hbm>>
    %dma_wait3A_914 = tpu.memref_squeeze %dma_wait3A_913 : memref<1x50x32xf32, #tpu.memory_space<hbm>> -> memref<50x32xf32, #tpu.memory_space<hbm>>
    %dma_wait3A_915 = arith.constant 0 : i32
    %dma_wait3A_916 = arith.constant 0 : i32
    %dma_wait3A_917 = tpu.memref_slice %arg8[%dma_wait3A_915, %dma_wait3A_916] : memref<1600x32xf32, #tpu.memory_space<vmem>> -> memref<50x32xf32, #tpu.memory_space<vmem>>
    tpu.wait_dma2 semaphore(%arg14 : memref<!tpu.dma_semaphore, #tpu.memory_space<semaphore_mem>>) src(%dma_wait3A_917 : memref<50x32xf32, #tpu.memory_space<vmem>>) dst(%dma_wait3A_914 : memref<50x32xf32, #tpu.memory_space<hbm>>)
    %dma_wait3A_918 = arith.constant 0 : i32
    %dma_wait3A_919 = arith.constant 0 : i32
    %dma_wait3A_920 = arith.constant 0 : i32
    %dma_wait3A_921 = tpu.memref_slice %arg8[%dma_wait3A_919, %dma_wait3A_920] : memref<1600x32xf32, #tpu.memory_space<vmem>> -> memref<50x32xf32, #tpu.memory_space<vmem>>
    %dma_wait3A_922 = arith.constant 0 : i32
    %dma_wait3A_923 = arith.constant 0 : i32
    %dma_wait3A_924 = tpu.memref_slice %arg4[%dma_wait3A_918, %dma_wait3A_922, %dma_wait3A_923] : memref<16384x56x128xf32, #tpu.memory_space<hbm>> -> memref<1x50x32xf32, #tpu.memory_space<hbm>>
    %dma_wait3A_925 = tpu.memref_squeeze %dma_wait3A_924 : memref<1x50x32xf32, #tpu.memory_space<hbm>> -> memref<50x32xf32, #tpu.memory_space<hbm>>
    %dma_wait3A_926 = arith.constant 0 : i32
    %dma_wait3A_927 = arith.constant 0 : i32
    %dma_wait3A_928 = tpu.memref_slice %arg4[%dma_wait3A_918, %dma_wait3A_926, %dma_wait3A_927] : memref<16384x56x128xf32, #tpu.memory_space<hbm>> -> memref<1x50x32xf32, #tpu.memory_space<hbm>>
    %dma_wait3A_929 = tpu.memref_squeeze %dma_wait3A_928 : memref<1x50x32xf32, #tpu.memory_space<hbm>> -> memref<50x32xf32, #tpu.memory_space<hbm>>
    %dma_wait3A_930 = arith.constant 0 : i32
    %dma_wait3A_931 = arith.constant 0 : i32
    %dma_wait3A_932 = tpu.memref_slice %arg8[%dma_wait3A_930, %dma_wait3A_931] : memref<1600x32xf32, #tpu.memory_space<vmem>> -> memref<50x32xf32, #tpu.memory_space<vmem>>
    tpu.wait_dma2 semaphore(%arg14 : memref<!tpu.dma_semaphore, #tpu.memory_space<semaphore_mem>>) src(%dma_wait3A_932 : memref<50x32xf32, #tpu.memory_space<vmem>>) dst(%dma_wait3A_929 : memref<50x32xf32, #tpu.memory_space<hbm>>)
    %dma_wait3A_933 = arith.constant 0 : i32
    %dma_wait3A_934 = arith.constant 0 : i32
    %dma_wait3A_935 = arith.constant 0 : i32
    %dma_wait3A_936 = tpu.memref_slice %arg8[%dma_wait3A_934, %dma_wait3A_935] : memref<1600x32xf32, #tpu.memory_space<vmem>> -> memref<50x32xf32, #tpu.memory_space<vmem>>
    %dma_wait3A_937 = arith.constant 0 : i32
    %dma_wait3A_938 = arith.constant 0 : i32
    %dma_wait3A_939 = tpu.memref_slice %arg4[%dma_wait3A_933, %dma_wait3A_937, %dma_wait3A_938] : memref<16384x56x128xf32, #tpu.memory_space<hbm>> -> memref<1x50x32xf32, #tpu.memory_space<hbm>>
    %dma_wait3A_940 = tpu.memref_squeeze %dma_wait3A_939 : memref<1x50x32xf32, #tpu.memory_space<hbm>> -> memref<50x32xf32, #tpu.memory_space<hbm>>
    %dma_wait3A_941 = arith.constant 0 : i32
    %dma_wait3A_942 = arith.constant 0 : i32
    %dma_wait3A_943 = tpu.memref_slice %arg4[%dma_wait3A_933, %dma_wait3A_941, %dma_wait3A_942] : memref<16384x56x128xf32, #tpu.memory_space<hbm>> -> memref<1x50x32xf32, #tpu.memory_space<hbm>>
    %dma_wait3A_944 = tpu.memref_squeeze %dma_wait3A_943 : memref<1x50x32xf32, #tpu.memory_space<hbm>> -> memref<50x32xf32, #tpu.memory_space<hbm>>
    %dma_wait3A_945 = arith.constant 0 : i32
    %dma_wait3A_946 = arith.constant 0 : i32
    %dma_wait3A_947 = tpu.memref_slice %arg8[%dma_wait3A_945, %dma_wait3A_946] : memref<1600x32xf32, #tpu.memory_space<vmem>> -> memref<50x32xf32, #tpu.memory_space<vmem>>
    tpu.wait_dma2 semaphore(%arg14 : memref<!tpu.dma_semaphore, #tpu.memory_space<semaphore_mem>>) src(%dma_wait3A_947 : memref<50x32xf32, #tpu.memory_space<vmem>>) dst(%dma_wait3A_944 : memref<50x32xf32, #tpu.memory_space<hbm>>)
    %dma_wait3A_948 = arith.constant 0 : i32
    %dma_wait3A_949 = arith.constant 0 : i32
    %dma_wait3A_950 = arith.constant 0 : i32
    %dma_wait3A_951 = tpu.memref_slice %arg8[%dma_wait3A_949, %dma_wait3A_950] : memref<1600x32xf32, #tpu.memory_space<vmem>> -> memref<50x32xf32, #tpu.memory_space<vmem>>
    %dma_wait3A_952 = arith.constant 0 : i32
    %dma_wait3A_953 = arith.constant 0 : i32
    %dma_wait3A_954 = tpu.memref_slice %arg4[%dma_wait3A_948, %dma_wait3A_952, %dma_wait3A_953] : memref<16384x56x128xf32, #tpu.memory_space<hbm>> -> memref<1x50x32xf32, #tpu.memory_space<hbm>>
    %dma_wait3A_955 = tpu.memref_squeeze %dma_wait3A_954 : memref<1x50x32xf32, #tpu.memory_space<hbm>> -> memref<50x32xf32, #tpu.memory_space<hbm>>
    %dma_wait3A_956 = arith.constant 0 : i32
    %dma_wait3A_957 = arith.constant 0 : i32
    %dma_wait3A_958 = tpu.memref_slice %arg4[%dma_wait3A_948, %dma_wait3A_956, %dma_wait3A_957] : memref<16384x56x128xf32, #tpu.memory_space<hbm>> -> memref<1x50x32xf32, #tpu.memory_space<hbm>>
    %dma_wait3A_959 = tpu.memref_squeeze %dma_wait3A_958 : memref<1x50x32xf32, #tpu.memory_space<hbm>> -> memref<50x32xf32, #tpu.memory_space<hbm>>
    %dma_wait3A_960 = arith.constant 0 : i32
    %dma_wait3A_961 = arith.constant 0 : i32
    %dma_wait3A_962 = tpu.memref_slice %arg8[%dma_wait3A_960, %dma_wait3A_961] : memref<1600x32xf32, #tpu.memory_space<vmem>> -> memref<50x32xf32, #tpu.memory_space<vmem>>
    tpu.wait_dma2 semaphore(%arg14 : memref<!tpu.dma_semaphore, #tpu.memory_space<semaphore_mem>>) src(%dma_wait3A_962 : memref<50x32xf32, #tpu.memory_space<vmem>>) dst(%dma_wait3A_959 : memref<50x32xf32, #tpu.memory_space<hbm>>)
    %dma_wait3A_963 = arith.constant 0 : i32
    %dma_wait3A_964 = arith.constant 0 : i32
    %dma_wait3A_965 = arith.constant 0 : i32
    %dma_wait3A_966 = tpu.memref_slice %arg8[%dma_wait3A_964, %dma_wait3A_965] : memref<1600x32xf32, #tpu.memory_space<vmem>> -> memref<50x32xf32, #tpu.memory_space<vmem>>
    %dma_wait3A_967 = arith.constant 0 : i32
    %dma_wait3A_968 = arith.constant 0 : i32
    %dma_wait3A_969 = tpu.memref_slice %arg4[%dma_wait3A_963, %dma_wait3A_967, %dma_wait3A_968] : memref<16384x56x128xf32, #tpu.memory_space<hbm>> -> memref<1x50x32xf32, #tpu.memory_space<hbm>>
    %dma_wait3A_970 = tpu.memref_squeeze %dma_wait3A_969 : memref<1x50x32xf32, #tpu.memory_space<hbm>> -> memref<50x32xf32, #tpu.memory_space<hbm>>
    %dma_wait3A_971 = arith.constant 0 : i32
    %dma_wait3A_972 = arith.constant 0 : i32
    %dma_wait3A_973 = tpu.memref_slice %arg4[%dma_wait3A_963, %dma_wait3A_971, %dma_wait3A_972] : memref<16384x56x128xf32, #tpu.memory_space<hbm>> -> memref<1x50x32xf32, #tpu.memory_space<hbm>>
    %dma_wait3A_974 = tpu.memref_squeeze %dma_wait3A_973 : memref<1x50x32xf32, #tpu.memory_space<hbm>> -> memref<50x32xf32, #tpu.memory_space<hbm>>
    %dma_wait3A_975 = arith.constant 0 : i32
    %dma_wait3A_976 = arith.constant 0 : i32
    %dma_wait3A_977 = tpu.memref_slice %arg8[%dma_wait3A_975, %dma_wait3A_976] : memref<1600x32xf32, #tpu.memory_space<vmem>> -> memref<50x32xf32, #tpu.memory_space<vmem>>
    tpu.wait_dma2 semaphore(%arg14 : memref<!tpu.dma_semaphore, #tpu.memory_space<semaphore_mem>>) src(%dma_wait3A_977 : memref<50x32xf32, #tpu.memory_space<vmem>>) dst(%dma_wait3A_974 : memref<50x32xf32, #tpu.memory_space<hbm>>)
    return
  }
}

</mosaic_0001>

<sc_bundles>
// kernel: kernel.3.cloned.1.call-start
scs
__scs_entry_jumppad:
0x0: {  	(pc) =	sbr.rel $0x88, $3  }
0x1: {  	(tag) =	ssettag $0x0;
	lr =	simm.s32 $0x1  }
0x2: {  	[smem:$0x3F9F] =	sst lr;
	_ =	strace $0xD0000000  }
0x3: {  	_ = 	snop  }
0x4: {  	_ = 	snop  }
0x5: {  	_ = 	snop  }
0x6: {  	_ = 	snop  }
0x7: {  	_ = 	snop  }
__scs_overlays_trampoline_lowered:
0x8: {  	[smem:$0x3FAE] =	sst s0  }
0x9: {  	[smem:$0x3FAF] =	sst s1  }
0xa: {  	[smem:$0x3FB0] =	sst s2  }
0xb: {  	[smem:$0x3FB1] =	sst s3  }
0xc: {  	[smem:$0x3FB2] =	sst s4  }
0xd: {  	[smem:$0x3FB3] =	sst s5  }
0xe: {  	[smem:$0x3FB4] =	sst s6  }
0xf: {  	[smem:$0x3FB5] =	sst s7  }
0x10: {  	[smem:$0x3FB6] =	sst s8  }
0x11: {  	[smem:$0x3FB7] =	sst s9;
	s0 =	simm.s32 @!p0 $0x0  }
0x12: {  	s1 =	sld [smem:$0x3F9D];
	s0 =	simm.s32 @p0 $0x1  }
0x13: {  	[smem:$0x3FB8] =	sst s0;
	s0 =	simm.s32 @!p1 $0x0  }
0x14: {  	s2 =	sld [smem:$0x3F9C];
	s0 =	simm.s32 @p1 $0x1  }
0x15: {  	[smem:$0x3FB9] =	sst s0;
	s0 =	simm.s32 @!p2 $0x0  }
0x16: {  	s3 =	sld [smem:$0x3FDB];
	s0 =	simm.s32 @p2 $0x1  }
0x17: {  	s4 =	simm.s32 $0x1BF5;
	[smem:$0x3FBB] =	sst s0  }
0x18: {  	s0 =	sld [smem:$0x3F9E];
	_ =	swait.ge [sflag:s4], $0x0  }
0x19: {  	s7 =	sld [smem:$0x3F9F]  }
0x1a: {  	s8 =	sadd.s32 $0xFFFFE003, lr  }
0x1b: {  	s9 =	sadd.s32 $0xFFFFFEF7, lr;
	s5 =	simm.s32 $0xFFFFFFFF;
	p2 =	slt.u32 s8, $0xFFFFF086  }
0x1c: {  	p1 =	slt.u32 s9, $0xF7A;
	s5 =	simm.s32 @!p2 $0x0  }
0x1d: {  	s5 =	simm.s32 @p1 $0x1;
	p0 =	seq.s32 s7, s2  }
0x1e: {  	s7 =	smul.u32 @!p0 $0xF7A, s2;
	p2 =	seq.s32 @!p0 s5, $0x0  }
0x1f: {  	s9 =	smul.u32 $0xF7A, s1;
	s8 =	simm.s32 @!p0 $0x1BF5;
	p2 =	por !p2, p0  }
0x20: {  	[sflag:s8] =	ssyncset.s32 @!p0 $0xFFFFF086;
	s6 =	sadd.s32 @!p0 s3, s7;
	s7 =	simm.s32 @!p0 $0x108  }
0x21: {  	s3 =	sadd.s32 s3, s9;
	s6 =	sadd.s32 @!p0 $0x88, s6;
	s7 =	simm.s32 @p2 $0x1082  }
0x22: {  	[simem:s7], [sflag:s8] =	dma.local @!p0 [hbm:s6], $0xF7A  }
0x23: {  	s9 =	sor.u32 $0xD0000000, s2;
	s6 =	simm.s32 $0x108;
	_ =	swait.ge @!p0 [sflag:s8], $0x0  }
0x24: {  	s3 =	sadd.s32 $0x88, s3;
	s6 =	simm.s32 @!p1 $0x1082;
	[sflag:s4] =	ssyncset.s32 $0xFFFFF086  }
0x25: {  	[simem:s6], [sflag:s4] =	dma.local [hbm:s3], $0xF7A  }
0x26: {  	[smem:$0x3F9F] =	sst s1;
	(tag) =	ssettag s2;
	_ =	strace s9  }
0x27: {  	s1 =	sld [smem:$0x3FAF]  }
0x28: {  	s2 =	sld [smem:$0x3FB0]  }
0x29: {  	s4 =	sld [smem:$0x3FB2]  }
0x2a: {  	p0 =	seq.s32 s5, $0x0;
	s5 =	sld [smem:$0x3FB3]  }
0x2b: {  	s6 =	sld [smem:$0x3FB4]  }
0x2c: {  	s7 =	sld [smem:$0x3FB5]  }
0x2d: {  	s3 =	simm.s32 $0x108;
	s8 =	sld [smem:$0x3FB6]  }
0x2e: {  	s3 =	simm.s32 @!p0 $0x1082;
	s9 =	sld [smem:$0x3FB7]  }
0x2f: {  	lr =	sadd.s32 s0, s3;
	s0 =	sld [smem:$0x3FAE]  }
0x30: {  	s3 =	sld [smem:$0x3FB1]  }
0x31: {  	[smem:$0x3FBA] =	sst s10  }
0x32: {  	s10 =	sld [smem:$0x3FB8];
	_ =	sdelay $0x3  }
0x33: {  	p0 =	seq.s32 s10, $0x1;
	s10 =	sld [smem:$0x3FBA];
	_ =	sdelay $0x3  }
0x34: {  	[smem:$0x3FBA] =	sst s10  }
0x35: {  	s10 =	sld [smem:$0x3FB9];
	_ =	sdelay $0x3  }
0x36: {  	p1 =	seq.s32 s10, $0x1;
	s10 =	sld [smem:$0x3FBA];
	_ =	sdelay $0x3  }
0x37: {  	[smem:$0x3FBA] =	sst s10  }
0x38: {  	s10 =	sld [smem:$0x3FBB]  }
0x39: {  	_ = 	snop;
	(pc) =	sbr.ind lr, $3  }
0x3a: {  	_ = 	snop  }
0x3b: {  	_ = 	snop  }
0x3c: {  	p2 =	seq.s32 s10, $0x1;
	s10 =	sld [smem:$0x3FBA]  }
0x3d: {  	_ =	shalt  }
0x3e: {  	_ =	shalt  }
0x3f: {  	_ =	shalt  }
0x40: {  	_ =	shalt  }
0x41: {  	_ =	shalt  }
0x42: {  	_ =	shalt  }
0x43: {  	_ =	shalt  }
0x44: {  	_ =	shalt  }
0x45: {  	_ =	shalt  }
0x46: {  	_ =	shalt  }
0x47: {  	_ =	shalt  }
0x48: {  	_ =	shalt  }
0x49: {  	_ =	shalt  }
0x4a: {  	_ =	shalt  }
0x4b: {  	_ =	shalt  }
0x4c: {  	_ =	shalt  }
0x4d: {  	_ =	shalt  }
0x4e: {  	_ =	shalt  }
0x4f: {  	_ =	shalt  }
0x50: {  	_ =	shalt  }
0x51: {  	_ =	shalt  }
0x52: {  	_ =	shalt  }
0x53: {  	_ =	shalt  }
0x54: {  	_ =	shalt  }
0x55: {  	_ =	shalt  }
0x56: {  	_ =	shalt  }
0x57: {  	_ =	shalt  }
0x58: {  	_ =	shalt  }
0x59: {  	_ =	shalt  }
0x5a: {  	_ =	shalt  }
0x5b: {  	_ =	shalt  }
0x5c: {  	_ =	shalt  }
0x5d: {  	_ =	shalt  }
0x5e: {  	_ =	shalt  }
0x5f: {  	_ =	shalt  }
0x60: {  	_ =	shalt  }
0x61: {  	_ =	shalt  }
0x62: {  	_ =	shalt  }
0x63: {  	_ =	shalt  }
0x64: {  	_ =	shalt  }
0x65: {  	_ =	shalt  }
0x66: {  	_ =	shalt  }
0x67: {  	_ =	shalt  }
0x68: {  	_ =	shalt  }
0x69: {  	_ =	shalt  }
0x6a: {  	_ =	shalt  }
0x6b: {  	_ =	shalt  }
0x6c: {  	_ =	shalt  }
0x6d: {  	_ =	shalt  }
0x6e: {  	_ =	shalt  }
0x6f: {  	_ =	shalt  }
0x70: {  	_ =	shalt  }
0x71: {  	_ =	shalt  }
0x72: {  	_ =	shalt  }
0x73: {  	_ =	shalt  }
0x74: {  	_ =	shalt  }
0x75: {  	_ =	shalt  }
0x76: {  	_ =	shalt  }
0x77: {  	_ =	shalt  }
0x78: {  	_ =	shalt  }
0x79: {  	_ =	shalt  }
0x7a: {  	_ =	shalt  }
0x7b: {  	_ =	shalt  }
0x7c: {  	_ =	shalt  }
0x7d: {  	_ =	shalt  }
0x7e: {  	_ =	shalt  }
0x7f: {  	_ =	shalt  }
0x80: {  	_ =	shalt  }
0x81: {  	_ =	shalt  }
0x82: {  	_ =	shalt  }
0x83: {  	_ =	shalt  }
0x84: {  	_ =	shalt  }
0x85: {  	_ =	shalt  }
0x86: {  	_ =	shalt  }
0x87: {  	_ =	shalt  }
.Lfunc_end0:
.L_simem_size_0:
called_computation.1_lowered:
.L_overlay_start_0:
0x88: {  	s2 =	sld [smem:$0x3FD9]  }
0x89: {  	s3 =	sld [smem:$0x3FFE];
	_ =	sdelay $0x1  }
0x8a: {  	s1 =	srdreg.scid  }
0x8b: {  	s0 =	sand.u32 $0x1, s1  }
0x8c: {  	s17 =	sshll.u32 s0, $0xA;
	s2 =	sadd.s32 s3, s2  }
0x8d: {  	s2 =	sadd.s32 s2, s17  }
0x8e: {  	[smem:$0x3FC6] =	sst s2  }
0x8f: {  	_ = 	snop  }
0x90: {  	s2 =	sld [smem:$0x3FD0];
	(tm) =	ssettm $0x1  }
0x91: {  	s18 =	sld [smem:$0x3FFB];
	_ =	sdelay $0x3  }
0x92: {  	_ =	strace s18  }
0x93: {  	s3 =	sld [smem:$0x3FFC];
	_ =	sdelay $0x3  }
0x94: {  	_ =	strace s3  }
0x95: {  	s3 =	sld [smem:$0x3FFD];
	_ =	sdelay $0x3  }
0x96: {  	_ =	strace s3  }
0x97: {  	_ =	strace $0x8FFFFFFF  }
0x98: {  	s19 =	sld [smem:$0x3FDB];
	_ =	sdelay $0x1  }
0x99: {  	s4 =	simm.s32 $_scs_section_size  }
0x9a: {  	s5 =	simm.s32 $_size__tile_overlayer_lowered;
	s6 =	simm.s32 $_tile_overlayer_lowered  }
0x9b: {  	s22 =	simm.s32 $0x1BFF;
	s21 =	sshll.u32 s6, $0x1;
	s3 =	sadd.s32 s4, s19  }
0x9c: {  	s7 =	simm.s32 $0x0;
	s20 =	sshll.u32 s5, $0x1;
	s5 =	sadd.s32 s21, s3  }
0x9d: {  	[timem:s7], [sflag:s22] =	dma.local [hbm:s5], s20  }
0x9e: {  	_ =	swait.ge [sflag:s22], s20  }
0x9f: {  	s4 =	ssub.s32 $0x0, s20;
	[sflag:s22] =	ssyncset.done $0x0  }
0xa0: {  	[sflag:s22] =	ssyncadd.s32 s4;
	_ =	sdelay $0x1  }
0xa1: {  	s23 =	simm.s32 $0x1B8B  }
0xa2: {  	_ =	swait.ge [sflag:s23], $0x1  }
0xa3: {  	[sflag:s23] =	ssyncset.done $0x0  }
0xa4: {  	s25 =	simm.s32 $0x1B8E;
	s24 =	sld [smem:$0x3FFE];
	[sflag:s23] =	ssyncadd.s32 $0xFFFFFFFF  }
0xa5: {  	s26 =	simm.s32 $execute0_lowered;
	[smem:$0x3FD2] =	sst s25  }
0xa6: {  	s5 =	sshll.u32 s26, $0x1;
	_ =	strace $0x80000046;
	[dreg:$0x1] =	wrdreg $0xFFFFFFFF  }
0xa7: {  	s28 =	simm.s32 $_size_execute0_lowered;
	s3 =	sadd.s32 s3, s5;
	[dreg:$0x0] =	wrdreg $0x0  }
0xa8: {  	s5 =	sshll.u32 s28, $0x1;
	[dreg:$0x2] =	wrdreg s3  }
0xa9: {  	[dreg:$0x3] =	wrdreg s5  }
0xaa: {  	[dreg:$0x4] =	wrdreg $0xC0  }
0xab: {  	_ =	task [dreg:s7], $0x5FFFF  }
0xac: {  	[dreg:$0x1] =	wrdreg $0xFFFFFFFF  }
0xad: {  	[dreg:$0x0] =	wrdreg $0x60  }
0xae: {  	[dreg:$0x2] =	wrdreg s2  }
0xaf: {  	[dreg:$0x3] =	wrdreg s24  }
0xb0: {  	[dreg:$0x4] =	wrdreg $0x9  }
0xb1: {  	_ =	task.clear_ibuf [dreg:s7], $0x5FFFF;
	_ =	strace $0x90000046  }
0xb2: {  	s29 =	simm.s32 $0x9;
	_ =	strace $0x80000048  }
0xb3: {  	_ =	swait.ge [sflag:s29], $0x1  }
0xb4: {  	[sflag:s29] =	ssyncadd.s32 $0xFFFFFFFF  }
0xb5: {  	_ =	strace $0x90000048  }
0xb6: {  	_ =	sfence  }
0xb7: {  	s30 =	sld [smem:$0x0];
	_ =	sdelay $0x2  }
0xb8: {  	s31 =	sshll.u32 s1, $0xD;
	s1 =	sshrl.u32 s1, $0x2  }
0xb9: {  	s3 =	sand.u32 $0x4000, s31;
	s1 =	sadd.s32 s1, s30  }
0xba: {  	s0 =	sor.u32 s3, s0;
	s1 =	sshll.u32 s1, $0x11  }
0xbb: {  	s0 =	sor.u32 s1, s0  }
0xbc: {  	s0 =	sadd.s32 $0x8F2B, s0  }
0xbd: {  	[sflag:s0] =	ssyncadd.remote.s32 $0x1  }
0xbe: {  	_ =	sfence.sel $0xFFFF  }
0xbf: {  	[dreg:$0x0] =	wrdreg $0xFFFFFFFF;
	(pc) =	sbr.abs _section_cstart, $3  }
0xc0: {  	[dreg:$0x1] =	wrdreg $0xFFFFFFFF  }
0xc1: {  	_ =	task.clear_ibuf [dreg:s7], $0x2FFFF;
	_ =	strace $0x9FFFFFFF  }
0xc2: {  	(tm) =	ssettm $0x7FFFFFFF  }
0xc3: {  	_ =	shalt  }
tec
execute0_lowered:
.L_overlay_start_1:
0x0: {  	(tag) =	ssettag $0x1  }
0x1: {  	s6 =	rddreg [dreg:$0x0]  }
0x2: {  	s1 =	srdreg.scid;
	s11 =	stileid.u32  }
0x3: {  	s0 =	rddreg [dreg:$0x1];
	s7 =	simm.s32 $0x0;
	s28 =	simm.s32 $0x1  }
0x4: {  	s29 =	simm.s32 $0xC80;
	s30 =	simm.s32 $0x3;
	s31 =	simm.s32 $0x20  }
0x5: {  	s5 =	sand.u32 $0x1, s1;
	s25 =	sshll.u32 s11, $0x1;
	s2 =	sshll.u32 s11, $0xA  }
0x6: {  	[smem:$0x7FF] =	sst s7;
	s9 =	smul.u32 $0x700000, s11;
	s1 =	sor.u32 s5, s25  }
0x7: {  	s4 =	sshll.u32 s5, $0x9;
	_ =	strace $0x80000047;
	s3 =	smul.u32 $0xC80, s1  }
0x8: {  	s26 =	smul.u32 $0x6400, s1;
	s2 =	sor.u32 s4, s2;
	s4 =	ssub.s32 $0x2, s5  }
0x9: {  	s1 =	sadd.s32 $0xA00, s0;
	s8 =	smul.u32 $0x19, s2;
	s10 =	sshrl.u32 s4, $0x1  }
0xa: {  	s2 =	ssub.s32 s4, s10;
	s10 =	smul.u32 $0x380000, s5;
	s3 =	sadd.s32 s6, s3  }
0xb: {  	s13 =	sshrl.u32 s26, $0x3;
	s5 =	smul.u32 $0x70000, s5;
	s12 =	sadd.s32 $0x960, s8  }
0xc: {  	[dreg:$0x3] =	wrdreg s3;
	s14 =	sadd.s32 $0x640, s8;
	s4 =	sshrl.u32 s12, $0x2  }
0xd: {  	s3 =	sadd.s32 s6, s13;
	s7 =	sshrl.u32 s14, $0x2;
	s4 =	sadd.s32 s4, s6  }
0xe: {  	s6 =	sadd.s32 s7, s6;
	[dreg:$0x4] =	wrdreg s4;
	s4 =	sadd.s32 s10, s9  }
0xf: {  	[dreg:$0x5] =	wrdreg s6;
	s15 =	sor.u32 $0x6E400, s4;
	s9 =	sor.u32 $0x6C800, s4  }
0x10: {  	s18 =	sor.u32 $0x6AC00, s4;
	s19 =	sor.u32 $0x69000, s4;
	s20 =	sor.u32 $0x67400, s4  }
0x11: {  	s23 =	sor.u32 $0x65800, s4;
	s24 =	sor.u32 $0x63C00, s4;
	s25 =	sor.u32 $0x62000, s4  }
0x12: {  	s10 =	sor.u32 $0x5CC00, s4;
	s14 =	sor.u32 $0x5B000, s4;
	s8 =	sshrl.u32 s15, $0x3  }
0x13: {  	s9 =	sshrl.u32 s9, $0x3;
	s6 =	sshrl.u32 s18, $0x3;
	s7 =	sshrl.u32 s19, $0x3  }
0x14: {  	s15 =	sor.u32 $0x59400, s4;
	s19 =	sor.u32 $0x57800, s4;
	s16 =	sadd.s32 s8, s1  }
0x15: {  	s17 =	sadd.s32 s9, s1;
	s8 =	sshrl.u32 s20, $0x3;
	[dreg:$0x6] =	wrdreg s16  }
0x16: {  	s6 =	sadd.s32 s6, s1;
	s21 =	sadd.s32 s7, s1;
	[dreg:$0x7] =	wrdreg s17  }
0x17: {  	s7 =	sshrl.u32 s24, $0x3;
	s9 =	sor.u32 $0x5E800, s4;
	[dreg:$0x8] =	wrdreg s6  }
0x18: {  	s20 =	sor.u32 $0x55C00, s4;
	s24 =	sor.u32 $0x52400, s4;
	[dreg:$0x9] =	wrdreg s21  }
0x19: {  	s22 =	sadd.s32 s8, s1;
	s6 =	sshrl.u32 s23, $0x3;
	s8 =	sshrl.u32 s25, $0x3  }
0x1a: {  	s26 =	sadd.s32 s7, s1;
	s16 =	smul.u32 $0xE0000, s11;
	s21 =	sor.u32 $0x54000, s4  }
0x1b: {  	s25 =	sor.u32 $0x50800, s4;
	s11 =	sor.u32 $0x49800, s4;
	[dreg:$0xa] =	wrdreg s22  }
0x1c: {  	s6 =	sadd.s32 s6, s1;
	[dreg:$0xc] =	wrdreg s26;
	s7 =	sadd.s32 s8, s1  }
0x1d: {  	s8 =	sor.u32 $0x60400, s4;
	s23 =	sshrl.u32 s21, $0x3;
	[dreg:$0xb] =	wrdreg s6  }
0x1e: {  	s26 =	sor.u32 $0x4EC00, s4;
	s21 =	sor.u32 $0x36400, s4;
	[dreg:$0xd] =	wrdreg s7  }
0x1f: {  	s6 =	sshrl.u32 s8, $0x3;
	s7 =	sshrl.u32 s9, $0x3;
	s8 =	sshrl.u32 s10, $0x3  }
0x20: {  	s18 =	sadd.s32 s16, s1;
	s9 =	sor.u32 $0x4D000, s4;
	s10 =	sor.u32 $0x4B400, s4  }
0x21: {  	s16 =	sor.u32 $0x44400, s4;
	s6 =	sadd.s32 s6, s1;
	s12 =	sadd.s32 s7, s1  }
0x22: {  	s13 =	sadd.s32 s8, s1;
	s7 =	sshrl.u32 s15, $0x3;
	s5 =	sadd.s32 s5, s18  }
0x23: {  	s8 =	sshrl.u32 s26, $0x3;
	s15 =	sor.u32 $0x46000, s4;
	[dreg:$0xe] =	wrdreg s6  }
0x24: {  	s18 =	sshrl.u32 s16, $0x3;
	s26 =	sor.u32 $0x31000, s4;
	[dreg:$0xf] =	wrdreg s12  }
0x25: {  	s16 =	sor.u32 $0x26800, s4;
	[dreg:$0x10] =	wrdreg s13;
	s6 =	sshrl.u32 s14, $0x3  }
0x26: {  	s17 =	sadd.s32 s7, s1;
	[dreg:$0x13] =	wrdreg s5;
	s5 =	sshrl.u32 s19, $0x3  }
0x27: {  	s13 =	sshrl.u32 s11, $0x3;
	s14 =	sor.u32 $0x47C00, s4;
	s19 =	sor.u32 $0x42800, s4  }
0x28: {  	s11 =	sor.u32 $0x2BC00, s4;
	s6 =	sadd.s32 s6, s1;
	[dreg:$0x12] =	wrdreg s17  }
0x29: {  	s7 =	sor.u32 $0x18800, s4;
	s5 =	sadd.s32 s5, s1;
	[dreg:$0x11] =	wrdreg s6  }
0x2a: {  	s6 =	sshrl.u32 s20, $0x3;
	[dreg:$0x14] =	wrdreg s5;
	s5 =	sadd.s32 s23, s1  }
0x2b: {  	s20 =	sor.u32 $0x40C00, s4;
	s23 =	sshrl.u32 s21, $0x3;
	s21 =	sor.u32 $0x21400, s4  }
0x2c: {  	s22 =	sadd.s32 s6, s1;
	[dreg:$0x16] =	wrdreg s5;
	s5 =	sshrl.u32 s24, $0x3  }
0x2d: {  	s6 =	sshrl.u32 s25, $0x3;
	[dreg:$0x15] =	wrdreg s22;
	s5 =	sadd.s32 s5, s1  }
0x2e: {  	s24 =	sor.u32 $0x34800, s4;
	s6 =	sadd.s32 s6, s1;
	[dreg:$0x17] =	wrdreg s5  }
0x2f: {  	s25 =	sor.u32 $0x32C00, s4;
	[dreg:$0x18] =	wrdreg s6;
	s5 =	sadd.s32 s8, s1  }
0x30: {  	s6 =	sshrl.u32 s10, $0x3;
	s8 =	sshrl.u32 s26, $0x3;
	s10 =	sor.u32 $0x2D800, s4  }
0x31: {  	[dreg:$0x19] =	wrdreg s5;
	s5 =	sshrl.u32 s9, $0x3;
	s12 =	sadd.s32 s6, s1  }
0x32: {  	s6 =	sshrl.u32 s15, $0x3;
	s9 =	sor.u32 $0x2F400, s4;
	s15 =	sor.u32 $0x28400, s4  }
0x33: {  	s5 =	sadd.s32 s5, s1;
	[dreg:$0x1b] =	wrdreg s12;
	s17 =	sadd.s32 s6, s1  }
0x34: {  	s6 =	sshrl.u32 s20, $0x3;
	s20 =	sor.u32 $0x23000, s4;
	[dreg:$0x1a] =	wrdreg s5  }
0x35: {  	s5 =	sadd.s32 s13, s1;
	[dreg:$0x1e] =	wrdreg s17;
	s22 =	sadd.s32 s6, s1  }
0x36: {  	s6 =	sshrl.u32 s25, $0x3;
	s13 =	sshrl.u32 s11, $0x3;
	s25 =	sor.u32 $0x1C000, s4  }
0x37: {  	s11 =	sor.u32 $0x13400, s4;
	[dreg:$0x1c] =	wrdreg s5;
	s5 =	sshrl.u32 s14, $0x3  }
0x38: {  	[smem:$0x7F1] =	sst s22;
	s6 =	sadd.s32 s6, s1;
	s14 =	sor.u32 $0x2A000, s4  }
0x39: {  	s22 =	sshrl.u32 s21, $0x3;
	s26 =	sshrl.u32 s25, $0x3;
	s25 =	sadd.s32 $0xF42E00, s0  }
0x3a: {  	s0 =	simm.s32 $0x2;
	s5 =	sadd.s32 s5, s1;
	[smem:$0x7F4] =	sst s6  }
0x3b: {  	s6 =	sshrl.u32 s10, $0x3;
	s10 =	sor.u32 $0x15000, s4;
	[dreg:$0x1d] =	wrdreg s5  }
0x3c: {  	s5 =	sadd.s32 s18, s1;
	s12 =	sadd.s32 s6, s1;
	s6 =	sshrl.u32 s15, $0x3  }
0x3d: {  	s18 =	sshrl.u32 s16, $0x3;
	[dreg:$0x1f] =	wrdreg s5;
	s5 =	sshrl.u32 s19, $0x3  }
0x3e: {  	s15 =	sadd.s32 s22, s1;
	[smem:$0x7F7] =	sst s12;
	s5 =	sadd.s32 s5, s1  }
0x3f: {  	s17 =	sadd.s32 s6, s1;
	[smem:$0x7F0] =	sst s5;
	s5 =	sadd.s32 s23, s1  }
0x40: {  	s19 =	sor.u32 $0x24C00, s4;
	[smem:$0x7F2] =	sst s5;
	s5 =	sshrl.u32 s24, $0x3  }
0x41: {  	s6 =	sshrl.u32 s20, $0x3;
	[smem:$0x7FA] =	sst s17;
	s5 =	sadd.s32 s5, s1  }
0x42: {  	s12 =	sadd.s32 $0xC8, s3;
	[smem:$0x7F3] =	sst s5;
	s5 =	sadd.s32 s8, s1  }
0x43: {  	s3 =	simm.s32 $0xD480;
	[smem:$0x7F5] =	sst s5;
	s5 =	sshrl.u32 s9, $0x3  }
0x44: {  	[smem:$0x7FC] =	sst s12;
	s23 =	sor.u32 $0x1F800, s4;
	s5 =	sadd.s32 s5, s1  }
0x45: {  	s8 =	sor.u32 $0x16C00, s4;
	[smem:$0x7F6] =	sst s5;
	s5 =	sadd.s32 s13, s1  }
0x46: {  	s24 =	sor.u32 $0x1DC00, s4;
	s9 =	sshrl.u32 s8, $0x3;
	[smem:$0x7F8] =	sst s5  }
0x47: {  	s5 =	sshrl.u32 s14, $0x3;
	s14 =	sadd.s32 s6, s1;
	s6 =	sshrl.u32 s24, $0x3  }
0x48: {  	s21 =	sadd.s32 s9, s1;
	s5 =	sadd.s32 s5, s1;
	s17 =	sadd.s32 s6, s1  }
0x49: {  	s6 =	sor.u32 $0x1A400, s4;
	s4 =	sor.u32 $0x11800, s4;
	[smem:$0x7F9] =	sst s5  }
0x4a: {  	s5 =	sadd.s32 s18, s1;
	s18 =	sadd.s32 s26, s1;
	s4 =	sshrl.u32 s4, $0x3  }
0x4b: {  	s26 =	smax.u32 s2, $0x1;
	s2 =	simm.s32 $0x6;
	[smem:$0x7FB] =	sst s5  }
0x4c: {  	s5 =	sshrl.u32 s19, $0x3;
	s24 =	sadd.s32 s4, s1;
	[smem:$0x7FD] =	sst s26  }
0x4d: {  	s26 =	simm.s32 $0x640;
	s13 =	sadd.s32 s5, s1;
	s5 =	sshrl.u32 s23, $0x3  }
.Ltmp0:
0x4e: {  	s4 =	simm.s32 $0x4;
	s16 =	sadd.s32 s5, s1;
	(pc) =	sbr.rel .LBB2_1-.Ltmp0, $4  }
0x4f: {  	s5 =	sshrl.u32 s6, $0x3;
	s6 =	sshrl.u32 s7, $0x3;
	s7 =	simm.s32 $0x0  }
0x50: {  	s19 =	sadd.s32 s5, s1;
	s20 =	sadd.s32 s6, s1;
	s5 =	sshrl.u32 s10, $0x3  }
0x51: {  	s6 =	sshrl.u32 s11, $0x3;
	s11 =	simm.s32 $0x0;
	s22 =	sadd.s32 s5, s1  }
0x52: {  	s23 =	sadd.s32 s6, s1;
	s1 =	simm.s32 $0x80;
	s5 =	simm.s32 $0x5  }
.LBB2_8:
0x53: {  	_ =	swait.ge [sflag:s5], $0x640  }
0x54: {  	[sflag:s5] =	ssyncset.done $0x0  }
0x55: {  	[sflag:s5] =	ssyncadd.s32 $0xFFFFF9C0  }
0x56: {  	_ =	swait.ge [sflag:s5], $0x640  }
0x57: {  	[sflag:s5] =	ssyncset.done $0x0  }
0x58: {  	[sflag:s5] =	ssyncadd.s32 $0xFFFFF9C0  }
0x59: {  	_ =	swait.ge [sflag:s5], $0x640  }
0x5a: {  	[sflag:s5] =	ssyncset.done $0x0  }
0x5b: {  	[sflag:s5] =	ssyncadd.s32 $0xFFFFF9C0  }
0x5c: {  	_ =	swait.ge [sflag:s5], $0x640  }
0x5d: {  	[sflag:s5] =	ssyncset.done $0x0  }
0x5e: {  	[sflag:s5] =	ssyncadd.s32 $0xFFFFF9C0  }
0x5f: {  	_ =	swait.ge [sflag:s5], $0x640  }
0x60: {  	[sflag:s5] =	ssyncset.done $0x0  }
0x61: {  	[sflag:s5] =	ssyncadd.s32 $0xFFFFF9C0  }
0x62: {  	_ =	swait.ge [sflag:s5], $0x640  }
0x63: {  	[sflag:s5] =	ssyncset.done $0x0  }
0x64: {  	[sflag:s5] =	ssyncadd.s32 $0xFFFFF9C0  }
0x65: {  	_ =	swait.ge [sflag:s5], $0x640  }
0x66: {  	[sflag:s5] =	ssyncset.done $0x0  }
0x67: {  	[sflag:s5] =	ssyncadd.s32 $0xFFFFF9C0  }
0x68: {  	_ =	swait.ge [sflag:s5], $0x640  }
0x69: {  	[sflag:s5] =	ssyncset.done $0x0  }
0x6a: {  	[sflag:s5] =	ssyncadd.s32 $0xFFFFF9C0  }
0x6b: {  	_ =	swait.ge [sflag:s5], $0x640  }
0x6c: {  	[sflag:s5] =	ssyncset.done $0x0  }
0x6d: {  	[sflag:s5] =	ssyncadd.s32 $0xFFFFF9C0  }
0x6e: {  	_ =	swait.ge [sflag:s5], $0x640  }
0x6f: {  	[sflag:s5] =	ssyncset.done $0x0  }
0x70: {  	[sflag:s5] =	ssyncadd.s32 $0xFFFFF9C0  }
0x71: {  	_ =	swait.ge [sflag:s5], $0x640  }
0x72: {  	[sflag:s5] =	ssyncset.done $0x0  }
0x73: {  	[sflag:s5] =	ssyncadd.s32 $0xFFFFF9C0  }
0x74: {  	_ =	swait.ge [sflag:s5], $0x640  }
0x75: {  	[sflag:s5] =	ssyncset.done $0x0  }
0x76: {  	[sflag:s5] =	ssyncadd.s32 $0xFFFFF9C0  }
0x77: {  	_ =	swait.ge [sflag:s5], $0x640  }
0x78: {  	[sflag:s5] =	ssyncset.done $0x0  }
0x79: {  	[sflag:s5] =	ssyncadd.s32 $0xFFFFF9C0  }
0x7a: {  	_ =	swait.ge [sflag:s5], $0x640  }
0x7b: {  	[sflag:s5] =	ssyncset.done $0x0  }
0x7c: {  	[sflag:s5] =	ssyncadd.s32 $0xFFFFF9C0  }
0x7d: {  	_ =	swait.ge [sflag:s5], $0x640  }
0x7e: {  	[sflag:s5] =	ssyncset.done $0x0  }
0x7f: {  	[sflag:s5] =	ssyncadd.s32 $0xFFFFF9C0  }
0x80: {  	_ =	swait.ge [sflag:s5], $0x640  }
0x81: {  	[sflag:s5] =	ssyncset.done $0x0  }
0x82: {  	[sflag:s5] =	ssyncadd.s32 $0xFFFFF9C0  }
0x83: {  	_ =	swait.ge [sflag:s5], $0x640  }
0x84: {  	[sflag:s5] =	ssyncset.done $0x0  }
0x85: {  	[sflag:s5] =	ssyncadd.s32 $0xFFFFF9C0  }
0x86: {  	_ =	swait.ge [sflag:s5], $0x640  }
0x87: {  	[sflag:s5] =	ssyncset.done $0x0  }
0x88: {  	[sflag:s5] =	ssyncadd.s32 $0xFFFFF9C0  }
0x89: {  	_ =	swait.ge [sflag:s5], $0x640  }
0x8a: {  	[sflag:s5] =	ssyncset.done $0x0  }
0x8b: {  	[sflag:s5] =	ssyncadd.s32 $0xFFFFF9C0  }
0x8c: {  	_ =	swait.ge [sflag:s5], $0x640  }
0x8d: {  	[sflag:s5] =	ssyncset.done $0x0  }
0x8e: {  	[sflag:s5] =	ssyncadd.s32 $0xFFFFF9C0  }
0x8f: {  	_ =	swait.ge [sflag:s5], $0x640  }
0x90: {  	[sflag:s5] =	ssyncset.done $0x0  }
0x91: {  	[sflag:s5] =	ssyncadd.s32 $0xFFFFF9C0  }
0x92: {  	_ =	swait.ge [sflag:s5], $0x640  }
0x93: {  	[sflag:s5] =	ssyncset.done $0x0  }
0x94: {  	[sflag:s5] =	ssyncadd.s32 $0xFFFFF9C0  }
0x95: {  	_ =	swait.ge [sflag:s5], $0x640  }
0x96: {  	[sflag:s5] =	ssyncset.done $0x0  }
0x97: {  	[sflag:s5] =	ssyncadd.s32 $0xFFFFF9C0  }
0x98: {  	_ =	swait.ge [sflag:s5], $0x640  }
0x99: {  	[sflag:s5] =	ssyncset.done $0x0  }
0x9a: {  	[sflag:s5] =	ssyncadd.s32 $0xFFFFF9C0  }
0x9b: {  	_ =	swait.ge [sflag:s5], $0x640  }
0x9c: {  	[sflag:s5] =	ssyncset.done $0x0  }
0x9d: {  	[sflag:s5] =	ssyncadd.s32 $0xFFFFF9C0  }
0x9e: {  	_ =	swait.ge [sflag:s5], $0x640  }
0x9f: {  	[sflag:s5] =	ssyncset.done $0x0  }
0xa0: {  	[sflag:s5] =	ssyncadd.s32 $0xFFFFF9C0  }
0xa1: {  	_ =	swait.ge [sflag:s5], $0x640  }
0xa2: {  	[sflag:s5] =	ssyncset.done $0x0  }
0xa3: {  	[sflag:s5] =	ssyncadd.s32 $0xFFFFF9C0  }
0xa4: {  	_ =	swait.ge [sflag:s5], $0x640  }
0xa5: {  	[sflag:s5] =	ssyncset.done $0x0  }
0xa6: {  	[sflag:s5] =	ssyncadd.s32 $0xFFFFF9C0  }
0xa7: {  	_ =	swait.ge [sflag:s5], $0x640  }
0xa8: {  	[sflag:s5] =	ssyncset.done $0x0  }
0xa9: {  	[sflag:s5] =	ssyncadd.s32 $0xFFFFF9C0  }
0xaa: {  	_ =	swait.ge [sflag:s5], $0x640  }
0xab: {  	[sflag:s5] =	ssyncset.done $0x0  }
0xac: {  	[sflag:s5] =	ssyncadd.s32 $0xFFFFF9C0  }
0xad: {  	_ =	swait.ge [sflag:s5], $0x640  }
0xae: {  	[sflag:s5] =	ssyncset.done $0x0  }
0xaf: {  	[sflag:s5] =	ssyncadd.s32 $0xFFFFF9C0  }
0xb0: {  	_ =	swait.ge [sflag:s5], $0x640  }
0xb1: {  	[sflag:s5] =	ssyncset.done $0x0  }
0xb2: {  	[sflag:s5] =	ssyncadd.s32 $0xFFFFF9C0  }
0xb3: {  	_ =	swait.ge [sflag:s2], $0x640  }
0xb4: {  	[sflag:s2] =	ssyncset.done $0x0  }
0xb5: {  	[sflag:s2] =	ssyncadd.s32 $0xFFFFF9C0  }
0xb6: {  	_ =	swait.ge [sflag:s2], $0x640  }
0xb7: {  	[sflag:s2] =	ssyncset.done $0x0  }
0xb8: {  	[sflag:s2] =	ssyncadd.s32 $0xFFFFF9C0  }
0xb9: {  	_ =	swait.ge [sflag:s2], $0x640  }
0xba: {  	[sflag:s2] =	ssyncset.done $0x0  }
0xbb: {  	[sflag:s2] =	ssyncadd.s32 $0xFFFFF9C0  }
0xbc: {  	_ =	swait.ge [sflag:s2], $0x640  }
0xbd: {  	[sflag:s2] =	ssyncset.done $0x0  }
0xbe: {  	[sflag:s2] =	ssyncadd.s32 $0xFFFFF9C0  }
0xbf: {  	_ =	swait.ge [sflag:s2], $0x640  }
0xc0: {  	[sflag:s2] =	ssyncset.done $0x0  }
0xc1: {  	[sflag:s2] =	ssyncadd.s32 $0xFFFFF9C0  }
0xc2: {  	_ =	swait.ge [sflag:s2], $0x640  }
0xc3: {  	[sflag:s2] =	ssyncset.done $0x0  }
0xc4: {  	[sflag:s2] =	ssyncadd.s32 $0xFFFFF9C0  }
0xc5: {  	_ =	swait.ge [sflag:s2], $0x640  }
0xc6: {  	[sflag:s2] =	ssyncset.done $0x0  }
0xc7: {  	[sflag:s2] =	ssyncadd.s32 $0xFFFFF9C0  }
0xc8: {  	_ =	swait.ge [sflag:s2], $0x640  }
0xc9: {  	[sflag:s2] =	ssyncset.done $0x0  }
0xca: {  	[sflag:s2] =	ssyncadd.s32 $0xFFFFF9C0  }
0xcb: {  	_ =	swait.ge [sflag:s2], $0x640  }
0xcc: {  	[sflag:s2] =	ssyncset.done $0x0  }
0xcd: {  	[sflag:s2] =	ssyncadd.s32 $0xFFFFF9C0  }
0xce: {  	_ =	swait.ge [sflag:s2], $0x640  }
0xcf: {  	[sflag:s2] =	ssyncset.done $0x0  }
0xd0: {  	[sflag:s2] =	ssyncadd.s32 $0xFFFFF9C0  }
0xd1: {  	_ =	swait.ge [sflag:s2], $0x640  }
0xd2: {  	[sflag:s2] =	ssyncset.done $0x0  }
0xd3: {  	[sflag:s2] =	ssyncadd.s32 $0xFFFFF9C0  }
0xd4: {  	_ =	swait.ge [sflag:s2], $0x640  }
0xd5: {  	[sflag:s2] =	ssyncset.done $0x0  }
0xd6: {  	[sflag:s2] =	ssyncadd.s32 $0xFFFFF9C0  }
0xd7: {  	_ =	swait.ge [sflag:s2], $0x640  }
0xd8: {  	[sflag:s2] =	ssyncset.done $0x0  }
0xd9: {  	[sflag:s2] =	ssyncadd.s32 $0xFFFFF9C0  }
0xda: {  	_ =	swait.ge [sflag:s2], $0x640  }
0xdb: {  	[sflag:s2] =	ssyncset.done $0x0  }
0xdc: {  	[sflag:s2] =	ssyncadd.s32 $0xFFFFF9C0  }
0xdd: {  	_ =	swait.ge [sflag:s2], $0x640  }
0xde: {  	[sflag:s2] =	ssyncset.done $0x0  }
0xdf: {  	[sflag:s2] =	ssyncadd.s32 $0xFFFFF9C0  }
0xe0: {  	_ =	swait.ge [sflag:s2], $0x640  }
0xe1: {  	[sflag:s2] =	ssyncset.done $0x0  }
0xe2: {  	[sflag:s2] =	ssyncadd.s32 $0xFFFFF9C0  }
0xe3: {  	_ =	swait.ge [sflag:s2], $0x640  }
0xe4: {  	[sflag:s2] =	ssyncset.done $0x0  }
0xe5: {  	[sflag:s2] =	ssyncadd.s32 $0xFFFFF9C0  }
0xe6: {  	_ =	swait.ge [sflag:s2], $0x640  }
0xe7: {  	[sflag:s2] =	ssyncset.done $0x0  }
0xe8: {  	[sflag:s2] =	ssyncadd.s32 $0xFFFFF9C0  }
0xe9: {  	_ =	swait.ge [sflag:s2], $0x640  }
0xea: {  	[sflag:s2] =	ssyncset.done $0x0  }
0xeb: {  	[sflag:s2] =	ssyncadd.s32 $0xFFFFF9C0  }
0xec: {  	_ =	swait.ge [sflag:s2], $0x640  }
0xed: {  	[sflag:s2] =	ssyncset.done $0x0  }
0xee: {  	[sflag:s2] =	ssyncadd.s32 $0xFFFFF9C0  }
0xef: {  	_ =	swait.ge [sflag:s2], $0x640  }
0xf0: {  	[sflag:s2] =	ssyncset.done $0x0  }
0xf1: {  	[sflag:s2] =	ssyncadd.s32 $0xFFFFF9C0  }
0xf2: {  	_ =	swait.ge [sflag:s2], $0x640  }
0xf3: {  	[sflag:s2] =	ssyncset.done $0x0  }
0xf4: {  	[sflag:s2] =	ssyncadd.s32 $0xFFFFF9C0  }
0xf5: {  	_ =	swait.ge [sflag:s2], $0x640  }
0xf6: {  	[sflag:s2] =	ssyncset.done $0x0  }
0xf7: {  	[sflag:s2] =	ssyncadd.s32 $0xFFFFF9C0  }
0xf8: {  	_ =	swait.ge [sflag:s2], $0x640  }
0xf9: {  	[sflag:s2] =	ssyncset.done $0x0  }
0xfa: {  	[sflag:s2] =	ssyncadd.s32 $0xFFFFF9C0  }
0xfb: {  	_ =	swait.ge [sflag:s2], $0x640  }
0xfc: {  	[sflag:s2] =	ssyncset.done $0x0  }
0xfd: {  	[sflag:s2] =	ssyncadd.s32 $0xFFFFF9C0  }
0xfe: {  	_ =	swait.ge [sflag:s2], $0x640  }
0xff: {  	[sflag:s2] =	ssyncset.done $0x0  }
0x100: {  	[sflag:s2] =	ssyncadd.s32 $0xFFFFF9C0  }
0x101: {  	_ =	swait.ge [sflag:s2], $0x640  }
0x102: {  	[sflag:s2] =	ssyncset.done $0x0  }
0x103: {  	[sflag:s2] =	ssyncadd.s32 $0xFFFFF9C0  }
0x104: {  	_ =	swait.ge [sflag:s2], $0x640  }
0x105: {  	[sflag:s2] =	ssyncset.done $0x0  }
0x106: {  	[sflag:s2] =	ssyncadd.s32 $0xFFFFF9C0  }
0x107: {  	_ =	swait.ge [sflag:s2], $0x640  }
0x108: {  	[sflag:s2] =	ssyncset.done $0x0  }
0x109: {  	[sflag:s2] =	ssyncadd.s32 $0xFFFFF9C0  }
0x10a: {  	_ =	swait.ge [sflag:s2], $0x640  }
0x10b: {  	[sflag:s2] =	ssyncset.done $0x0  }
0x10c: {  	[sflag:s2] =	ssyncadd.s32 $0xFFFFF9C0  }
0x10d: {  	_ =	swait.ge [sflag:s2], $0x640  }
0x10e: {  	[sflag:s2] =	ssyncset.done $0x0  }
0x10f: {  	[sflag:s2] =	ssyncadd.s32 $0xFFFFF9C0  }
0x110: {  	_ =	swait.ge [sflag:s2], $0x640  }
0x111: {  	s7 =	sld [smem:$0x7EF]  }
0x112: {  	s6 =	sld [smem:$0x7FD];
	_ =	sdelay $0x1  }
0x113: {  	s7 =	sadd.s32 $0x1, s7  }
0x114: {  	p0 =	sne.s32 s7, s6  }
.Ltmp1:
0x115: {  	_ = 	snop;
	(pc) =	sbr.rel @!p0 .LBB2_9-.Ltmp1, $3  }
0x116: {  	_ =	sdelay $0x1  }
0x117: {  	[sflag:s2] =	ssyncset.done $0x0  }
0x118: {  	[sflag:s2] =	ssyncadd.s32 $0xFFFFF9C0  }
.LBB2_1:
0x119: {  	[smem:$0x7EF] =	sst s7  }
0x11a: {  	s10 =	rddreg [dreg:$0x3]  }
0x11b: {  	s6 =	simm.s32 $0x0;
	s12 =	sld [smem:$0x7FC]  }
0x11c: {  	[tilespmem:s6], [sflag:$0x1] =	stream.linear.gather [hbm4b:s10+s6], $0x640, $0x38;
	[tilespmem:$0x19C80] =	vst v63  }
0x11d: {  	s7 =	rddreg [dreg:$0x5]  }
0x11e: {  	[tilespmem:s26], [sflag:$0x2] =	stream.linear.gather [hbm4b:s12+s6], $0x640, $0x38;
	[tilespmem:$0x19C80] =	vst v63  }
0x11f: {  	s8 =	rddreg [dreg:$0x4];
	s6 =	simm.s32 $0x0  }
.LBB2_2:
0x120: {  	p0 =	seq.s32 s6, $0x0  }
.Ltmp2:
0x121: {  	_ = 	snop;
	(pc) =	sbr.rel @p0 .LBB2_4-.Ltmp2, $4  }
0x122: {  	_ = 	snop  }
0x123: {  	_ =	swait.ge [sflag:s28], $0x640  }
0x124: {  	[sflag:s28] =	ssyncset.done $0x0  }
0x125: {  	[sflag:s28] =	ssyncadd.s32 $0xFFFFF9C0  }
0x126: {  	_ =	swait.ge [sflag:s5], $0x640  }
0x127: {  	[sflag:s5] =	ssyncset.done $0x0  }
0x128: {  	[sflag:s5] =	ssyncadd.s32 $0xFFFFF9C0  }
0x129: {  	_ =	swait.ge [sflag:s5], $0x640  }
0x12a: {  	[sflag:s5] =	ssyncset.done $0x0  }
0x12b: {  	[sflag:s5] =	ssyncadd.s32 $0xFFFFF9C0  }
0x12c: {  	_ =	swait.ge [sflag:s5], $0x640  }
0x12d: {  	[sflag:s5] =	ssyncset.done $0x0  }
0x12e: {  	[sflag:s5] =	ssyncadd.s32 $0xFFFFF9C0  }
0x12f: {  	_ =	swait.ge [sflag:s5], $0x640  }
0x130: {  	[sflag:s5] =	ssyncset.done $0x0  }
0x131: {  	[sflag:s5] =	ssyncadd.s32 $0xFFFFF9C0  }
0x132: {  	_ =	swait.ge [sflag:s5], $0x640  }
0x133: {  	[sflag:s5] =	ssyncset.done $0x0  }
0x134: {  	[sflag:s5] =	ssyncadd.s32 $0xFFFFF9C0  }
0x135: {  	_ =	swait.ge [sflag:s5], $0x640  }
0x136: {  	[sflag:s5] =	ssyncset.done $0x0  }
0x137: {  	[sflag:s5] =	ssyncadd.s32 $0xFFFFF9C0  }
0x138: {  	_ =	swait.ge [sflag:s5], $0x640  }
0x139: {  	[sflag:s5] =	ssyncset.done $0x0  }
0x13a: {  	[sflag:s5] =	ssyncadd.s32 $0xFFFFF9C0  }
0x13b: {  	_ =	swait.ge [sflag:s5], $0x640  }
0x13c: {  	[sflag:s5] =	ssyncset.done $0x0  }
0x13d: {  	[sflag:s5] =	ssyncadd.s32 $0xFFFFF9C0  }
0x13e: {  	_ =	swait.ge [sflag:s5], $0x640  }
0x13f: {  	[sflag:s5] =	ssyncset.done $0x0  }
0x140: {  	[sflag:s5] =	ssyncadd.s32 $0xFFFFF9C0  }
0x141: {  	_ =	swait.ge [sflag:s5], $0x640  }
0x142: {  	[sflag:s5] =	ssyncset.done $0x0  }
0x143: {  	[sflag:s5] =	ssyncadd.s32 $0xFFFFF9C0  }
0x144: {  	_ =	swait.ge [sflag:s5], $0x640  }
0x145: {  	[sflag:s5] =	ssyncset.done $0x0  }
0x146: {  	[sflag:s5] =	ssyncadd.s32 $0xFFFFF9C0  }
0x147: {  	_ =	swait.ge [sflag:s5], $0x640  }
0x148: {  	[sflag:s5] =	ssyncset.done $0x0  }
0x149: {  	[sflag:s5] =	ssyncadd.s32 $0xFFFFF9C0  }
0x14a: {  	_ =	swait.ge [sflag:s5], $0x640  }
0x14b: {  	[sflag:s5] =	ssyncset.done $0x0  }
0x14c: {  	[sflag:s5] =	ssyncadd.s32 $0xFFFFF9C0  }
0x14d: {  	_ =	swait.ge [sflag:s5], $0x640  }
0x14e: {  	[sflag:s5] =	ssyncset.done $0x0  }
0x14f: {  	[sflag:s5] =	ssyncadd.s32 $0xFFFFF9C0  }
0x150: {  	_ =	swait.ge [sflag:s5], $0x640  }
0x151: {  	[sflag:s5] =	ssyncset.done $0x0  }
0x152: {  	[sflag:s5] =	ssyncadd.s32 $0xFFFFF9C0  }
0x153: {  	_ =	swait.ge [sflag:s5], $0x640  }
0x154: {  	[sflag:s5] =	ssyncset.done $0x0  }
0x155: {  	[sflag:s5] =	ssyncadd.s32 $0xFFFFF9C0  }
0x156: {  	_ =	swait.ge [sflag:s5], $0x640  }
0x157: {  	[sflag:s5] =	ssyncset.done $0x0  }
0x158: {  	[sflag:s5] =	ssyncadd.s32 $0xFFFFF9C0  }
0x159: {  	_ =	swait.ge [sflag:s5], $0x640  }
0x15a: {  	[sflag:s5] =	ssyncset.done $0x0  }
0x15b: {  	[sflag:s5] =	ssyncadd.s32 $0xFFFFF9C0  }
0x15c: {  	_ =	swait.ge [sflag:s5], $0x640  }
0x15d: {  	[sflag:s5] =	ssyncset.done $0x0  }
0x15e: {  	[sflag:s5] =	ssyncadd.s32 $0xFFFFF9C0  }
0x15f: {  	_ =	swait.ge [sflag:s5], $0x640  }
0x160: {  	[sflag:s5] =	ssyncset.done $0x0  }
0x161: {  	[sflag:s5] =	ssyncadd.s32 $0xFFFFF9C0  }
0x162: {  	_ =	swait.ge [sflag:s5], $0x640  }
0x163: {  	[sflag:s5] =	ssyncset.done $0x0  }
0x164: {  	[sflag:s5] =	ssyncadd.s32 $0xFFFFF9C0  }
0x165: {  	_ =	swait.ge [sflag:s5], $0x640  }
0x166: {  	[sflag:s5] =	ssyncset.done $0x0  }
0x167: {  	[sflag:s5] =	ssyncadd.s32 $0xFFFFF9C0  }
0x168: {  	_ =	swait.ge [sflag:s5], $0x640  }
0x169: {  	[sflag:s5] =	ssyncset.done $0x0  }
0x16a: {  	[sflag:s5] =	ssyncadd.s32 $0xFFFFF9C0  }
0x16b: {  	_ =	swait.ge [sflag:s5], $0x640  }
0x16c: {  	[sflag:s5] =	ssyncset.done $0x0  }
0x16d: {  	[sflag:s5] =	ssyncadd.s32 $0xFFFFF9C0  }
0x16e: {  	_ =	swait.ge [sflag:s5], $0x640  }
0x16f: {  	[sflag:s5] =	ssyncset.done $0x0  }
0x170: {  	[sflag:s5] =	ssyncadd.s32 $0xFFFFF9C0  }
0x171: {  	_ =	swait.ge [sflag:s5], $0x640  }
0x172: {  	[sflag:s5] =	ssyncset.done $0x0  }
0x173: {  	[sflag:s5] =	ssyncadd.s32 $0xFFFFF9C0  }
0x174: {  	_ =	swait.ge [sflag:s5], $0x640  }
0x175: {  	[sflag:s5] =	ssyncset.done $0x0  }
0x176: {  	[sflag:s5] =	ssyncadd.s32 $0xFFFFF9C0  }
0x177: {  	_ =	swait.ge [sflag:s5], $0x640  }
0x178: {  	[sflag:s5] =	ssyncset.done $0x0  }
0x179: {  	[sflag:s5] =	ssyncadd.s32 $0xFFFFF9C0  }
0x17a: {  	_ =	swait.ge [sflag:s5], $0x640  }
0x17b: {  	[sflag:s5] =	ssyncset.done $0x0  }
0x17c: {  	[sflag:s5] =	ssyncadd.s32 $0xFFFFF9C0  }
0x17d: {  	_ =	swait.ge [sflag:s5], $0x640  }
0x17e: {  	[sflag:s5] =	ssyncset.done $0x0  }
0x17f: {  	[sflag:s5] =	ssyncadd.s32 $0xFFFFF9C0  }
0x180: {  	_ =	swait.ge [sflag:s5], $0x640  }
0x181: {  	[sflag:s5] =	ssyncset.done $0x0  }
0x182: {  	[sflag:s5] =	ssyncadd.s32 $0xFFFFF9C0  }
0x183: {  	_ =	swait.ge [sflag:s5], $0x640  }
0x184: {  	[sflag:s5] =	ssyncset.done $0x0  }
0x185: {  	[sflag:s5] =	ssyncadd.s32 $0xFFFFF9C0  }
.LBB2_4:
0x186: {  	[tilespmem:s29], [sflag:$0x3] =	stream.indirect.gather [hbm4b:s25+s26], $0x20, s11, s26, $0xb8;
	[tilespmem:$0x19C80] =	vst v63  }
0x187: {  	_ =	swait.ge [sflag:s30], $0xC800  }
0x188: {  	[sflag:s30] =	ssyncset.done $0x0;
	s9 =	rddreg [dreg:$0x13]  }
0x189: {  	[sflag:s30] =	ssyncadd.s32 $0xFFFF3800;
	s9 =	sadd.s32 s6, s9  }
0x18a: {  	[hbm4b:s9+s31] =	stream.strided.scatter [tilespmem:s29], [sflag:$0x5], $0x640, s1, s31, $0x38;
	[tilespmem:$0x19C80] =	vst v63  }
0x18b: {  	s12 =	simm.s32 $0x12C0;
	s10 =	sadd.s32 $0x380, s9  }
0x18c: {  	[hbm4b:s10+s31] =	stream.strided.scatter [tilespmem:s12], [sflag:$0x5], $0x640, s1, s31, $0x38;
	[tilespmem:$0x19C80] =	vst v63  }
0x18d: {  	s10 =	sadd.s32 $0x700, s9;
	s12 =	simm.s32 $0x1900  }
0x18e: {  	[hbm4b:s10+s31] =	stream.strided.scatter [tilespmem:s12], [sflag:$0x5], $0x640, s1, s31, $0x38;
	[tilespmem:$0x19C80] =	vst v63  }
0x18f: {  	s10 =	sadd.s32 $0xA80, s9;
	s12 =	simm.s32 $0x1F40  }
0x190: {  	[hbm4b:s10+s31] =	stream.strided.scatter [tilespmem:s12], [sflag:$0x5], $0x640, s1, s31, $0x38;
	[tilespmem:$0x19C80] =	vst v63  }
0x191: {  	s10 =	sadd.s32 $0xE00, s9;
	s12 =	simm.s32 $0x2580  }
0x192: {  	[hbm4b:s10+s31] =	stream.strided.scatter [tilespmem:s12], [sflag:$0x5], $0x640, s1, s31, $0x38;
	[tilespmem:$0x19C80] =	vst v63  }
0x193: {  	s10 =	sadd.s32 $0x1180, s9;
	s12 =	simm.s32 $0x2BC0  }
0x194: {  	[hbm4b:s10+s31] =	stream.strided.scatter [tilespmem:s12], [sflag:$0x5], $0x640, s1, s31, $0x38;
	[tilespmem:$0x19C80] =	vst v63  }
0x195: {  	s10 =	sadd.s32 $0x1500, s9;
	s12 =	simm.s32 $0x3200  }
0x196: {  	[hbm4b:s10+s31] =	stream.strided.scatter [tilespmem:s12], [sflag:$0x5], $0x640, s1, s31, $0x38;
	[tilespmem:$0x19C80] =	vst v63  }
0x197: {  	s10 =	sadd.s32 $0x1880, s9;
	s12 =	simm.s32 $0x3840  }
0x198: {  	[hbm4b:s10+s31] =	stream.strided.scatter [tilespmem:s12], [sflag:$0x5], $0x640, s1, s31, $0x38;
	[tilespmem:$0x19C80] =	vst v63  }
0x199: {  	s10 =	sadd.s32 $0x1C00, s9;
	s12 =	simm.s32 $0x3E80  }
0x19a: {  	[hbm4b:s10+s31] =	stream.strided.scatter [tilespmem:s12], [sflag:$0x5], $0x640, s1, s31, $0x38;
	[tilespmem:$0x19C80] =	vst v63  }
0x19b: {  	s10 =	sadd.s32 $0x1F80, s9;
	s12 =	simm.s32 $0x44C0  }
0x19c: {  	[hbm4b:s10+s31] =	stream.strided.scatter [tilespmem:s12], [sflag:$0x5], $0x640, s1, s31, $0x38;
	[tilespmem:$0x19C80] =	vst v63  }
0x19d: {  	s10 =	sadd.s32 s6, s24;
	s12 =	simm.s32 $0x4B00  }
0x19e: {  	[hbm4b:s10+s31] =	stream.strided.scatter [tilespmem:s12], [sflag:$0x5], $0x640, s1, s31, $0x38;
	[tilespmem:$0x19C80] =	vst v63  }
0x19f: {  	s10 =	sadd.s32 s6, s23;
	s12 =	simm.s32 $0x5140  }
0x1a0: {  	[hbm4b:s10+s31] =	stream.strided.scatter [tilespmem:s12], [sflag:$0x5], $0x640, s1, s31, $0x38;
	[tilespmem:$0x19C80] =	vst v63  }
0x1a1: {  	s10 =	sadd.s32 s6, s22;
	s12 =	simm.s32 $0x5780  }
0x1a2: {  	[hbm4b:s10+s31] =	stream.strided.scatter [tilespmem:s12], [sflag:$0x5], $0x640, s1, s31, $0x38;
	[tilespmem:$0x19C80] =	vst v63  }
0x1a3: {  	s10 =	sadd.s32 s6, s21;
	s12 =	simm.s32 $0x5DC0  }
0x1a4: {  	[hbm4b:s10+s31] =	stream.strided.scatter [tilespmem:s12], [sflag:$0x5], $0x640, s1, s31, $0x38;
	[tilespmem:$0x19C80] =	vst v63  }
0x1a5: {  	s10 =	sadd.s32 s6, s20;
	s12 =	simm.s32 $0x6400  }
0x1a6: {  	[hbm4b:s10+s31] =	stream.strided.scatter [tilespmem:s12], [sflag:$0x5], $0x640, s1, s31, $0x38;
	[tilespmem:$0x19C80] =	vst v63  }
0x1a7: {  	s10 =	sadd.s32 s6, s19;
	s12 =	simm.s32 $0x6A40  }
0x1a8: {  	[hbm4b:s10+s31] =	stream.strided.scatter [tilespmem:s12], [sflag:$0x5], $0x640, s1, s31, $0x38;
	[tilespmem:$0x19C80] =	vst v63  }
0x1a9: {  	s10 =	sadd.s32 s6, s18;
	s12 =	simm.s32 $0x7080  }
0x1aa: {  	[hbm4b:s10+s31] =	stream.strided.scatter [tilespmem:s12], [sflag:$0x5], $0x640, s1, s31, $0x38;
	[tilespmem:$0x19C80] =	vst v63  }
0x1ab: {  	s10 =	sadd.s32 s6, s17;
	s12 =	simm.s32 $0x76C0  }
0x1ac: {  	[hbm4b:s10+s31] =	stream.strided.scatter [tilespmem:s12], [sflag:$0x5], $0x640, s1, s31, $0x38;
	[tilespmem:$0x19C80] =	vst v63  }
0x1ad: {  	s10 =	sadd.s32 s6, s16;
	s12 =	simm.s32 $0x7D00  }
0x1ae: {  	[hbm4b:s10+s31] =	stream.strided.scatter [tilespmem:s12], [sflag:$0x5], $0x640, s1, s31, $0x38;
	[tilespmem:$0x19C80] =	vst v63  }
0x1af: {  	s10 =	sadd.s32 s6, s15;
	s12 =	simm.s32 $0x8340  }
0x1b0: {  	[hbm4b:s10+s31] =	stream.strided.scatter [tilespmem:s12], [sflag:$0x5], $0x640, s1, s31, $0x38;
	[tilespmem:$0x19C80] =	vst v63  }
0x1b1: {  	s10 =	sadd.s32 s6, s14;
	s12 =	simm.s32 $0x8980  }
0x1b2: {  	[hbm4b:s10+s31] =	stream.strided.scatter [tilespmem:s12], [sflag:$0x5], $0x640, s1, s31, $0x38;
	[tilespmem:$0x19C80] =	vst v63  }
0x1b3: {  	s10 =	sadd.s32 s6, s13;
	s12 =	simm.s32 $0x8FC0  }
0x1b4: {  	[hbm4b:s10+s31] =	stream.strided.scatter [tilespmem:s12], [sflag:$0x5], $0x640, s1, s31, $0x38;
	[tilespmem:$0x19C80] =	vst v63  }
0x1b5: {  	s12 =	sld [smem:$0x7FB];
	_ =	sdelay $0x2  }
0x1b6: {  	s10 =	sadd.s32 s6, s12;
	s12 =	simm.s32 $0x9600  }
0x1b7: {  	[hbm4b:s10+s31] =	stream.strided.scatter [tilespmem:s12], [sflag:$0x5], $0x640, s1, s31, $0x38;
	[tilespmem:$0x19C80] =	vst v63  }
0x1b8: {  	s12 =	sld [smem:$0x7FA];
	_ =	sdelay $0x2  }
0x1b9: {  	s10 =	sadd.s32 s6, s12;
	s12 =	simm.s32 $0x9C40  }
0x1ba: {  	[hbm4b:s10+s31] =	stream.strided.scatter [tilespmem:s12], [sflag:$0x5], $0x640, s1, s31, $0x38;
	[tilespmem:$0x19C80] =	vst v63  }
0x1bb: {  	s12 =	sld [smem:$0x7F9];
	_ =	sdelay $0x2  }
0x1bc: {  	s10 =	sadd.s32 s6, s12;
	s12 =	simm.s32 $0xA280  }
0x1bd: {  	[hbm4b:s10+s31] =	stream.strided.scatter [tilespmem:s12], [sflag:$0x5], $0x640, s1, s31, $0x38;
	[tilespmem:$0x19C80] =	vst v63  }
0x1be: {  	s12 =	sld [smem:$0x7F8];
	_ =	sdelay $0x2  }
0x1bf: {  	s10 =	sadd.s32 s6, s12;
	s12 =	simm.s32 $0xA8C0  }
0x1c0: {  	[hbm4b:s10+s31] =	stream.strided.scatter [tilespmem:s12], [sflag:$0x5], $0x640, s1, s31, $0x38;
	[tilespmem:$0x19C80] =	vst v63  }
0x1c1: {  	s12 =	sld [smem:$0x7F7];
	_ =	sdelay $0x2  }
0x1c2: {  	s10 =	sadd.s32 s6, s12;
	s12 =	simm.s32 $0xAF00  }
0x1c3: {  	[hbm4b:s10+s31] =	stream.strided.scatter [tilespmem:s12], [sflag:$0x5], $0x640, s1, s31, $0x38;
	[tilespmem:$0x19C80] =	vst v63  }
0x1c4: {  	s12 =	sld [smem:$0x7F6];
	_ =	sdelay $0x2  }
0x1c5: {  	s10 =	sadd.s32 s6, s12;
	s12 =	simm.s32 $0xB540  }
0x1c6: {  	[hbm4b:s10+s31] =	stream.strided.scatter [tilespmem:s12], [sflag:$0x5], $0x640, s1, s31, $0x38;
	[tilespmem:$0x19C80] =	vst v63  }
0x1c7: {  	s12 =	sld [smem:$0x7F5];
	_ =	sdelay $0x2  }
0x1c8: {  	s10 =	sadd.s32 s6, s12;
	s12 =	simm.s32 $0xBB80  }
0x1c9: {  	[hbm4b:s10+s31] =	stream.strided.scatter [tilespmem:s12], [sflag:$0x5], $0x640, s1, s31, $0x38;
	[tilespmem:$0x19C80] =	vst v63  }
0x1ca: {  	s12 =	sld [smem:$0x7F4];
	_ =	sdelay $0x2  }
0x1cb: {  	s10 =	sadd.s32 s6, s12;
	s12 =	simm.s32 $0xC1C0  }
0x1cc: {  	[hbm4b:s10+s31] =	stream.strided.scatter [tilespmem:s12], [sflag:$0x5], $0x640, s1, s31, $0x38;
	[tilespmem:$0x19C80] =	vst v63  }
0x1cd: {  	s12 =	sld [smem:$0x7F3];
	_ =	sdelay $0x2  }
0x1ce: {  	s10 =	sadd.s32 s6, s12;
	s12 =	simm.s32 $0xC800  }
0x1cf: {  	[hbm4b:s10+s31] =	stream.strided.scatter [tilespmem:s12], [sflag:$0x5], $0x640, s1, s31, $0x38;
	[tilespmem:$0x19C80] =	vst v63  }
0x1d0: {  	s12 =	sld [smem:$0x7F2];
	_ =	sdelay $0x2  }
0x1d1: {  	p1 =	seq.s32 s6, $0x62000;
	s10 =	sadd.s32 s6, s12;
	s12 =	simm.s32 $0xCE40  }
0x1d2: {  	[hbm4b:s10+s31] =	stream.strided.scatter [tilespmem:s12], [sflag:$0x5], $0x640, s1, s31, $0x38;
	[tilespmem:$0x19C80] =	vst v63  }
.Ltmp3:
0x1d3: {  	s10 =	simm.s32 @!p1 $0x0;
	(pc) =	sbr.rel @p0 .LBB2_6-.Ltmp3, $4  }
0x1d4: {  	[tilespmem:s10], [sflag:$0x1] =	stream.linear.gather @!p1 [hbm4b:s7+s10], $0x640, $0x38;
	[tilespmem:$0x19C80] =	vst v63  }
0x1d5: {  	_ =	swait.ge [sflag:s0], $0x640  }
0x1d6: {  	[sflag:s0] =	ssyncset.done $0x0  }
0x1d7: {  	[sflag:s0] =	ssyncadd.s32 $0xFFFFF9C0  }
0x1d8: {  	_ =	swait.ge [sflag:s2], $0x640  }
0x1d9: {  	[sflag:s2] =	ssyncset.done $0x0  }
0x1da: {  	[sflag:s2] =	ssyncadd.s32 $0xFFFFF9C0  }
0x1db: {  	_ =	swait.ge [sflag:s2], $0x640  }
0x1dc: {  	[sflag:s2] =	ssyncset.done $0x0  }
0x1dd: {  	[sflag:s2] =	ssyncadd.s32 $0xFFFFF9C0  }
0x1de: {  	_ =	swait.ge [sflag:s2], $0x640  }
0x1df: {  	[sflag:s2] =	ssyncset.done $0x0  }
0x1e0: {  	[sflag:s2] =	ssyncadd.s32 $0xFFFFF9C0  }
0x1e1: {  	_ =	swait.ge [sflag:s2], $0x640  }
0x1e2: {  	[sflag:s2] =	ssyncset.done $0x0  }
0x1e3: {  	[sflag:s2] =	ssyncadd.s32 $0xFFFFF9C0  }
0x1e4: {  	_ =	swait.ge [sflag:s2], $0x640  }
0x1e5: {  	[sflag:s2] =	ssyncset.done $0x0  }
0x1e6: {  	[sflag:s2] =	ssyncadd.s32 $0xFFFFF9C0  }
0x1e7: {  	_ =	swait.ge [sflag:s2], $0x640  }
0x1e8: {  	[sflag:s2] =	ssyncset.done $0x0  }
0x1e9: {  	[sflag:s2] =	ssyncadd.s32 $0xFFFFF9C0  }
0x1ea: {  	_ =	swait.ge [sflag:s2], $0x640  }
0x1eb: {  	[sflag:s2] =	ssyncset.done $0x0  }
0x1ec: {  	[sflag:s2] =	ssyncadd.s32 $0xFFFFF9C0  }
0x1ed: {  	_ =	swait.ge [sflag:s2], $0x640  }
0x1ee: {  	[sflag:s2] =	ssyncset.done $0x0  }
0x1ef: {  	[sflag:s2] =	ssyncadd.s32 $0xFFFFF9C0  }
0x1f0: {  	_ =	swait.ge [sflag:s2], $0x640  }
0x1f1: {  	[sflag:s2] =	ssyncset.done $0x0  }
0x1f2: {  	[sflag:s2] =	ssyncadd.s32 $0xFFFFF9C0  }
0x1f3: {  	_ =	swait.ge [sflag:s2], $0x640  }
0x1f4: {  	[sflag:s2] =	ssyncset.done $0x0  }
0x1f5: {  	[sflag:s2] =	ssyncadd.s32 $0xFFFFF9C0  }
0x1f6: {  	_ =	swait.ge [sflag:s2], $0x640  }
0x1f7: {  	[sflag:s2] =	ssyncset.done $0x0  }
0x1f8: {  	[sflag:s2] =	ssyncadd.s32 $0xFFFFF9C0  }
0x1f9: {  	_ =	swait.ge [sflag:s2], $0x640  }
0x1fa: {  	[sflag:s2] =	ssyncset.done $0x0  }
0x1fb: {  	[sflag:s2] =	ssyncadd.s32 $0xFFFFF9C0  }
0x1fc: {  	_ =	swait.ge [sflag:s2], $0x640  }
0x1fd: {  	[sflag:s2] =	ssyncset.done $0x0  }
0x1fe: {  	[sflag:s2] =	ssyncadd.s32 $0xFFFFF9C0  }
0x1ff: {  	_ =	swait.ge [sflag:s2], $0x640  }
0x200: {  	[sflag:s2] =	ssyncset.done $0x0  }
0x201: {  	[sflag:s2] =	ssyncadd.s32 $0xFFFFF9C0  }
0x202: {  	_ =	swait.ge [sflag:s2], $0x640  }
0x203: {  	[sflag:s2] =	ssyncset.done $0x0  }
0x204: {  	[sflag:s2] =	ssyncadd.s32 $0xFFFFF9C0  }
0x205: {  	_ =	swait.ge [sflag:s2], $0x640  }
0x206: {  	[sflag:s2] =	ssyncset.done $0x0  }
0x207: {  	[sflag:s2] =	ssyncadd.s32 $0xFFFFF9C0  }
0x208: {  	_ =	swait.ge [sflag:s2], $0x640  }
0x209: {  	[sflag:s2] =	ssyncset.done $0x0  }
0x20a: {  	[sflag:s2] =	ssyncadd.s32 $0xFFFFF9C0  }
0x20b: {  	_ =	swait.ge [sflag:s2], $0x640  }
0x20c: {  	[sflag:s2] =	ssyncset.done $0x0  }
0x20d: {  	[sflag:s2] =	ssyncadd.s32 $0xFFFFF9C0  }
0x20e: {  	_ =	swait.ge [sflag:s2], $0x640  }
0x20f: {  	[sflag:s2] =	ssyncset.done $0x0  }
0x210: {  	[sflag:s2] =	ssyncadd.s32 $0xFFFFF9C0  }
0x211: {  	_ =	swait.ge [sflag:s2], $0x640  }
0x212: {  	[sflag:s2] =	ssyncset.done $0x0  }
0x213: {  	[sflag:s2] =	ssyncadd.s32 $0xFFFFF9C0  }
0x214: {  	_ =	swait.ge [sflag:s2], $0x640  }
0x215: {  	[sflag:s2] =	ssyncset.done $0x0  }
0x216: {  	[sflag:s2] =	ssyncadd.s32 $0xFFFFF9C0  }
0x217: {  	_ =	swait.ge [sflag:s2], $0x640  }
0x218: {  	[sflag:s2] =	ssyncset.done $0x0  }
0x219: {  	[sflag:s2] =	ssyncadd.s32 $0xFFFFF9C0  }
0x21a: {  	_ =	swait.ge [sflag:s2], $0x640  }
0x21b: {  	[sflag:s2] =	ssyncset.done $0x0  }
0x21c: {  	[sflag:s2] =	ssyncadd.s32 $0xFFFFF9C0  }
0x21d: {  	_ =	swait.ge [sflag:s2], $0x640  }
0x21e: {  	[sflag:s2] =	ssyncset.done $0x0  }
0x21f: {  	[sflag:s2] =	ssyncadd.s32 $0xFFFFF9C0  }
0x220: {  	_ =	swait.ge [sflag:s2], $0x640  }
0x221: {  	[sflag:s2] =	ssyncset.done $0x0  }
0x222: {  	[sflag:s2] =	ssyncadd.s32 $0xFFFFF9C0  }
0x223: {  	_ =	swait.ge [sflag:s2], $0x640  }
0x224: {  	[sflag:s2] =	ssyncset.done $0x0  }
0x225: {  	[sflag:s2] =	ssyncadd.s32 $0xFFFFF9C0  }
0x226: {  	_ =	swait.ge [sflag:s2], $0x640  }
0x227: {  	[sflag:s2] =	ssyncset.done $0x0  }
0x228: {  	[sflag:s2] =	ssyncadd.s32 $0xFFFFF9C0  }
0x229: {  	_ =	swait.ge [sflag:s2], $0x640  }
0x22a: {  	[sflag:s2] =	ssyncset.done $0x0  }
0x22b: {  	[sflag:s2] =	ssyncadd.s32 $0xFFFFF9C0  }
0x22c: {  	_ =	swait.ge [sflag:s2], $0x640  }
0x22d: {  	[sflag:s2] =	ssyncset.done $0x0  }
0x22e: {  	[sflag:s2] =	ssyncadd.s32 $0xFFFFF9C0  }
0x22f: {  	_ =	swait.ge [sflag:s2], $0x640  }
0x230: {  	[sflag:s2] =	ssyncset.done $0x0  }
0x231: {  	[sflag:s2] =	ssyncadd.s32 $0xFFFFF9C0  }
0x232: {  	_ =	swait.ge [sflag:s2], $0x640  }
0x233: {  	[sflag:s2] =	ssyncset.done $0x0  }
0x234: {  	[sflag:s2] =	ssyncadd.s32 $0xFFFFF9C0  }
0x235: {  	_ =	swait.ge [sflag:s2], $0x640  }
0x236: {  	[sflag:s2] =	ssyncset.done $0x0  }
0x237: {  	[sflag:s2] =	ssyncadd.s32 $0xFFFFF9C0  }
.LBB2_6:
0x238: {  	[tilespmem:s3], [sflag:$0x4] =	stream.indirect.gather [hbm4b:s25+s26], $0x20, s26, s26, $0xb8;
	[tilespmem:$0x19C80] =	vst v63  }
0x239: {  	_ =	swait.ge [sflag:s4], $0xC800  }
0x23a: {  	[sflag:s4] =	ssyncset.done $0x0  }
0x23b: {  	s10 =	sadd.s32 $0x7000, s9;
	[sflag:s4] =	ssyncadd.s32 $0xFFFF3800  }
0x23c: {  	[hbm4b:s10+s31] =	stream.strided.scatter [tilespmem:s3], [sflag:$0x6], $0x640, s1, s31, $0x38;
	[tilespmem:$0x19C80] =	vst v63  }
0x23d: {  	s12 =	simm.s32 $0xDAC0;
	s10 =	sadd.s32 $0x7380, s9  }
0x23e: {  	[hbm4b:s10+s31] =	stream.strided.scatter [tilespmem:s12], [sflag:$0x6], $0x640, s1, s31, $0x38;
	[tilespmem:$0x19C80] =	vst v63  }
0x23f: {  	s10 =	sadd.s32 $0x7700, s9;
	s12 =	simm.s32 $0xE100  }
0x240: {  	[hbm4b:s10+s31] =	stream.strided.scatter [tilespmem:s12], [sflag:$0x6], $0x640, s1, s31, $0x38;
	[tilespmem:$0x19C80] =	vst v63  }
0x241: {  	s10 =	sadd.s32 $0x7A80, s9;
	s12 =	simm.s32 $0xE740  }
0x242: {  	[hbm4b:s10+s31] =	stream.strided.scatter [tilespmem:s12], [sflag:$0x6], $0x640, s1, s31, $0x38;
	[tilespmem:$0x19C80] =	vst v63  }
0x243: {  	s10 =	sadd.s32 $0x7E00, s9;
	s12 =	simm.s32 $0xED80  }
0x244: {  	[hbm4b:s10+s31] =	stream.strided.scatter [tilespmem:s12], [sflag:$0x6], $0x640, s1, s31, $0x38;
	[tilespmem:$0x19C80] =	vst v63  }
0x245: {  	s10 =	sld [smem:$0x7F1];
	_ =	sdelay $0x2  }
0x246: {  	s9 =	sadd.s32 s6, s10;
	s10 =	sld [smem:$0x7F0]  }
0x247: {  	s12 =	simm.s32 $0xF3C0  }
0x248: {  	[hbm4b:s9+s31] =	stream.strided.scatter [tilespmem:s12], [sflag:$0x6], $0x640, s1, s31, $0x38;
	[tilespmem:$0x19C80] =	vst v63  }
0x249: {  	s12 =	simm.s32 $0xFA00;
	s9 =	sadd.s32 s6, s10;
	s10 =	rddreg [dreg:$0x1f]  }
0x24a: {  	[hbm4b:s9+s31] =	stream.strided.scatter [tilespmem:s12], [sflag:$0x6], $0x640, s1, s31, $0x38;
	[tilespmem:$0x19C80] =	vst v63  }
0x24b: {  	s9 =	sadd.s32 s6, s10;
	s12 =	simm.s32 $0x10040;
	s10 =	rddreg [dreg:$0x1e]  }
0x24c: {  	[hbm4b:s9+s31] =	stream.strided.scatter [tilespmem:s12], [sflag:$0x6], $0x640, s1, s31, $0x38;
	[tilespmem:$0x19C80] =	vst v63  }
0x24d: {  	s9 =	sadd.s32 s6, s10;
	s12 =	simm.s32 $0x10680;
	s10 =	rddreg [dreg:$0x1d]  }
0x24e: {  	[hbm4b:s9+s31] =	stream.strided.scatter [tilespmem:s12], [sflag:$0x6], $0x640, s1, s31, $0x38;
	[tilespmem:$0x19C80] =	vst v63  }
0x24f: {  	s9 =	sadd.s32 s6, s10;
	s12 =	simm.s32 $0x10CC0;
	s10 =	rddreg [dreg:$0x1c]  }
0x250: {  	[hbm4b:s9+s31] =	stream.strided.scatter [tilespmem:s12], [sflag:$0x6], $0x640, s1, s31, $0x38;
	[tilespmem:$0x19C80] =	vst v63  }
0x251: {  	s9 =	sadd.s32 s6, s10;
	s12 =	simm.s32 $0x11300;
	s10 =	rddreg [dreg:$0x1b]  }
0x252: {  	[hbm4b:s9+s31] =	stream.strided.scatter [tilespmem:s12], [sflag:$0x6], $0x640, s1, s31, $0x38;
	[tilespmem:$0x19C80] =	vst v63  }
0x253: {  	s9 =	sadd.s32 s6, s10;
	s12 =	simm.s32 $0x11940;
	s10 =	rddreg [dreg:$0x1a]  }
0x254: {  	[hbm4b:s9+s31] =	stream.strided.scatter [tilespmem:s12], [sflag:$0x6], $0x640, s1, s31, $0x38;
	[tilespmem:$0x19C80] =	vst v63  }
0x255: {  	s9 =	sadd.s32 s6, s10;
	s12 =	simm.s32 $0x11F80;
	s10 =	rddreg [dreg:$0x19]  }
0x256: {  	[hbm4b:s9+s31] =	stream.strided.scatter [tilespmem:s12], [sflag:$0x6], $0x640, s1, s31, $0x38;
	[tilespmem:$0x19C80] =	vst v63  }
0x257: {  	s9 =	sadd.s32 s6, s10;
	s12 =	simm.s32 $0x125C0;
	s10 =	rddreg [dreg:$0x18]  }
0x258: {  	[hbm4b:s9+s31] =	stream.strided.scatter [tilespmem:s12], [sflag:$0x6], $0x640, s1, s31, $0x38;
	[tilespmem:$0x19C80] =	vst v63  }
0x259: {  	s9 =	sadd.s32 s6, s10;
	s12 =	simm.s32 $0x12C00;
	s10 =	rddreg [dreg:$0x17]  }
0x25a: {  	[hbm4b:s9+s31] =	stream.strided.scatter [tilespmem:s12], [sflag:$0x6], $0x640, s1, s31, $0x38;
	[tilespmem:$0x19C80] =	vst v63  }
0x25b: {  	s9 =	sadd.s32 s6, s10;
	s12 =	simm.s32 $0x13240;
	s10 =	rddreg [dreg:$0x16]  }
0x25c: {  	[hbm4b:s9+s31] =	stream.strided.scatter [tilespmem:s12], [sflag:$0x6], $0x640, s1, s31, $0x38;
	[tilespmem:$0x19C80] =	vst v63  }
0x25d: {  	s9 =	sadd.s32 s6, s10;
	s12 =	simm.s32 $0x13880;
	s10 =	rddreg [dreg:$0x15]  }
0x25e: {  	[hbm4b:s9+s31] =	stream.strided.scatter [tilespmem:s12], [sflag:$0x6], $0x640, s1, s31, $0x38;
	[tilespmem:$0x19C80] =	vst v63  }
0x25f: {  	s9 =	sadd.s32 s6, s10;
	s12 =	simm.s32 $0x13EC0;
	s10 =	rddreg [dreg:$0x14]  }
0x260: {  	[hbm4b:s9+s31] =	stream.strided.scatter [tilespmem:s12], [sflag:$0x6], $0x640, s1, s31, $0x38;
	[tilespmem:$0x19C80] =	vst v63  }
0x261: {  	s9 =	sadd.s32 s6, s10;
	s12 =	simm.s32 $0x14500;
	s10 =	rddreg [dreg:$0x12]  }
0x262: {  	[hbm4b:s9+s31] =	stream.strided.scatter [tilespmem:s12], [sflag:$0x6], $0x640, s1, s31, $0x38;
	[tilespmem:$0x19C80] =	vst v63  }
0x263: {  	s9 =	sadd.s32 s6, s10;
	s12 =	simm.s32 $0x14B40;
	s10 =	rddreg [dreg:$0x11]  }
0x264: {  	[hbm4b:s9+s31] =	stream.strided.scatter [tilespmem:s12], [sflag:$0x6], $0x640, s1, s31, $0x38;
	[tilespmem:$0x19C80] =	vst v63  }
0x265: {  	s9 =	sadd.s32 s6, s10;
	s12 =	simm.s32 $0x15180;
	s10 =	rddreg [dreg:$0x10]  }
0x266: {  	[hbm4b:s9+s31] =	stream.strided.scatter [tilespmem:s12], [sflag:$0x6], $0x640, s1, s31, $0x38;
	[tilespmem:$0x19C80] =	vst v63  }
0x267: {  	s9 =	sadd.s32 s6, s10;
	s12 =	simm.s32 $0x157C0;
	s10 =	rddreg [dreg:$0xf]  }
0x268: {  	[hbm4b:s9+s31] =	stream.strided.scatter [tilespmem:s12], [sflag:$0x6], $0x640, s1, s31, $0x38;
	[tilespmem:$0x19C80] =	vst v63  }
0x269: {  	s9 =	sadd.s32 s6, s10;
	s12 =	simm.s32 $0x15E00;
	s10 =	rddreg [dreg:$0xe]  }
0x26a: {  	[hbm4b:s9+s31] =	stream.strided.scatter [tilespmem:s12], [sflag:$0x6], $0x640, s1, s31, $0x38;
	[tilespmem:$0x19C80] =	vst v63  }
0x26b: {  	s9 =	sadd.s32 s6, s10;
	s12 =	simm.s32 $0x16440;
	s10 =	rddreg [dreg:$0xd]  }
0x26c: {  	[hbm4b:s9+s31] =	stream.strided.scatter [tilespmem:s12], [sflag:$0x6], $0x640, s1, s31, $0x38;
	[tilespmem:$0x19C80] =	vst v63  }
0x26d: {  	s9 =	sadd.s32 s6, s10;
	s12 =	simm.s32 $0x16A80;
	s10 =	rddreg [dreg:$0xc]  }
0x26e: {  	[hbm4b:s9+s31] =	stream.strided.scatter [tilespmem:s12], [sflag:$0x6], $0x640, s1, s31, $0x38;
	[tilespmem:$0x19C80] =	vst v63  }
0x26f: {  	s9 =	sadd.s32 s6, s10;
	s12 =	simm.s32 $0x170C0;
	s10 =	rddreg [dreg:$0xb]  }
0x270: {  	[hbm4b:s9+s31] =	stream.strided.scatter [tilespmem:s12], [sflag:$0x6], $0x640, s1, s31, $0x38;
	[tilespmem:$0x19C80] =	vst v63  }
0x271: {  	s9 =	sadd.s32 s6, s10;
	s12 =	simm.s32 $0x17700;
	s10 =	rddreg [dreg:$0xa]  }
0x272: {  	[hbm4b:s9+s31] =	stream.strided.scatter [tilespmem:s12], [sflag:$0x6], $0x640, s1, s31, $0x38;
	[tilespmem:$0x19C80] =	vst v63  }
0x273: {  	s9 =	sadd.s32 s6, s10;
	s12 =	simm.s32 $0x17D40;
	s10 =	rddreg [dreg:$0x9]  }
0x274: {  	[hbm4b:s9+s31] =	stream.strided.scatter [tilespmem:s12], [sflag:$0x6], $0x640, s1, s31, $0x38;
	[tilespmem:$0x19C80] =	vst v63  }
0x275: {  	s9 =	sadd.s32 s6, s10;
	s12 =	simm.s32 $0x18380;
	s10 =	rddreg [dreg:$0x8]  }
0x276: {  	[hbm4b:s9+s31] =	stream.strided.scatter [tilespmem:s12], [sflag:$0x6], $0x640, s1, s31, $0x38;
	[tilespmem:$0x19C80] =	vst v63  }
0x277: {  	s9 =	sadd.s32 s6, s10;
	s12 =	simm.s32 $0x189C0  }
0x278: {  	[hbm4b:s9+s31] =	stream.strided.scatter [tilespmem:s12], [sflag:$0x6], $0x640, s1, s31, $0x38;
	[tilespmem:$0x19C80] =	vst v63  }
.Ltmp4:
0x279: {  	s10 =	rddreg [dreg:$0x7];
	(pc) =	sbr.rel @p1 .LBB2_8-.Ltmp4, $4  }
0x27a: {  	s9 =	sadd.s32 s6, s10;
	s12 =	simm.s32 $0x19000;
	s10 =	rddreg [dreg:$0x6]  }
0x27b: {  	[hbm4b:s9+s31] =	stream.strided.scatter [tilespmem:s12], [sflag:$0x6], $0x640, s1, s31, $0x38;
	[tilespmem:$0x19C80] =	vst v63  }
0x27c: {  	s9 =	sadd.s32 s6, s10;
	s12 =	simm.s32 $0x19640  }
0x27d: {  	[hbm4b:s9+s31] =	stream.strided.scatter [tilespmem:s12], [sflag:$0x6], $0x640, s1, s31, $0x38;
	[tilespmem:$0x19C80] =	vst v63  }
.Ltmp5:
0x27e: {  	(pc) =	sbr.rel .LBB2_2-.Ltmp5, $3  }
0x27f: {  	_ =	sdelay $0x1  }
0x280: {  	[tilespmem:s26], [sflag:$0x2] =	stream.linear.gather [hbm4b:s8+s11], $0x640, $0x38;
	[tilespmem:$0x19C80] =	vst v63  }
0x281: {  	s8 =	sadd.s32 $0x190, s8;
	s7 =	sadd.s32 $0x190, s7;
	s6 =	sadd.s32 $0xE000, s6  }
.LBB2_9:
0x282: {  	_ =	sfence.sel $0x180000  }
0x283: {  	[bflag:$0x0] =	sbarrier.arrive $0xFFFF  }
0x284: {  	_ =	strace $0x90000047  }
0x285: {  	s0 =	stileid.u32;
	[bflag:$0x2] =	sbarrier.arrive $0xFFFF  }
0x286: {  	p0 =	sne.s32 s0, $0x0;
	s0 =	rddreg [dreg:$0x2]  }
0x287: {  	s0 =	sadd.s32 @!p0 $0x100000, s0  }
0x288: {  	[sflag:s0] =	ssyncadd.tile.s32 @!p0 $0x1;
	_ =	shalt  }
.Lfunc_end2:
_tile_overlayer_lowered:
.L_overlay_start_2:
0x289: {  	(tag) =	ssettag $0x2  }
0x28a: {  	s0 =	rddreg [dreg:$0x0];
	s2 =	stileid.u32  }
0x28b: {  	s1 =	rddreg [dreg:$0x1];
	p0 =	sne.s32 s2, $0x0  }
0x28c: {  	s3 =	rddreg [dreg:$0x2];
	[bflag:$0x3] =	sbarrier.arrive $0xFFFF;
	s2 =	simm.s32 @!p0 $0x1C07  }
0x28d: {  	[timem:s3], [sflag:s2] =	dma.local @!p0 [hbm:s0], s1  }
0x28e: {  	s0 =	simm.s32 @!p0 $0x7  }
0x28f: {  	_ =	swait.ge @!p0 [sflag:s0], s1  }
0x290: {  	s1 =	ssub.s32 @!p0 $0x0, s1;
	[sflag:s0] =	ssyncset.done @!p0 $0x0  }
0x291: {  	[sflag:s0] =	ssyncadd.s32 @!p0 s1  }
0x292: {  	[bflag:$0x3] =	sbarrier.arrive $0xFFFF  }
0x293: {  	_ =	shalt  }

// kernel: sparse-core-data-format-call.cloned.1.call-start
scs
called_computation_lowered:
.L_overlay_start_0:
0x0: {  	s2 =	sld [smem:$0x3FD9]  }
0x1: {  	s3 =	sld [smem:$0x3FFE];
	_ =	sdelay $0x1  }
0x2: {  	s1 =	srdreg.scid  }
0x3: {  	s0 =	sand.u32 $0x1, s1  }
0x4: {  	s18 =	sshll.u32 s0, $0xA;
	s2 =	sadd.s32 s3, s2  }
0x5: {  	s2 =	sadd.s32 s2, s18  }
0x6: {  	[smem:$0x3FC6] =	sst s2  }
0x7: {  	_ = 	snop  }
0x8: {  	s2 =	sld [smem:$0x3FD0];
	(tm) =	ssettm $0x1  }
0x9: {  	s19 =	sld [smem:$0x3FFB];
	_ =	sdelay $0x3  }
0xa: {  	_ =	strace s19  }
0xb: {  	s3 =	sld [smem:$0x3FFC];
	_ =	sdelay $0x3  }
0xc: {  	_ =	strace s3  }
0xd: {  	s3 =	sld [smem:$0x3FFD];
	_ =	sdelay $0x3  }
0xe: {  	_ =	strace s3  }
0xf: {  	_ =	strace $0x8FFFFFFF  }
0x10: {  	s20 =	sld [smem:$0x3FDB];
	_ =	sdelay $0x1  }
0x11: {  	s4 =	simm.s32 $_scs_section_size  }
0x12: {  	s5 =	simm.s32 $_size__tile_overlayer_lowered;
	s6 =	simm.s32 $_tile_overlayer_lowered  }
0x13: {  	s23 =	simm.s32 $0x1BFF;
	s22 =	sshll.u32 s6, $0x1;
	s3 =	sadd.s32 s4, s20  }
0x14: {  	s7 =	simm.s32 $0x0;
	s21 =	sshll.u32 s5, $0x1;
	s5 =	sadd.s32 s22, s3  }
0x15: {  	[timem:s7], [sflag:s23] =	dma.local [hbm:s5], s21  }
0x16: {  	_ =	swait.ge [sflag:s23], s21  }
0x17: {  	s4 =	ssub.s32 $0x0, s21;
	[sflag:s23] =	ssyncset.done $0x0  }
0x18: {  	[sflag:s23] =	ssyncadd.s32 s4;
	_ =	sdelay $0x1  }
0x19: {  	s24 =	simm.s32 $0x1B8B  }
0x1a: {  	_ =	swait.ge [sflag:s24], $0x1  }
0x1b: {  	[sflag:s24] =	ssyncset.done $0x0  }
0x1c: {  	s26 =	simm.s32 $0x1B8E;
	s25 =	sld [smem:$0x3FFE];
	[sflag:s24] =	ssyncadd.s32 $0xFFFFFFFF  }
0x1d: {  	s27 =	simm.s32 $execute0_lowered;
	[smem:$0x3FD2] =	sst s26  }
0x1e: {  	s5 =	sshll.u32 s27, $0x1;
	_ =	strace $0x80000049;
	[dreg:$0x1] =	wrdreg $0xFFFFFFFF  }
0x1f: {  	s28 =	simm.s32 $_size_execute0_lowered;
	s3 =	sadd.s32 s3, s5;
	[dreg:$0x0] =	wrdreg $0x0  }
0x20: {  	s5 =	sshll.u32 s28, $0x1;
	[dreg:$0x2] =	wrdreg s3  }
0x21: {  	[dreg:$0x3] =	wrdreg s5  }
0x22: {  	[dreg:$0x4] =	wrdreg $0xC0  }
0x23: {  	_ =	task [dreg:s7], $0x5FFFF  }
0x24: {  	[dreg:$0x1] =	wrdreg $0xFFFFFFFF  }
0x25: {  	[dreg:$0x0] =	wrdreg $0x60  }
0x26: {  	[dreg:$0x2] =	wrdreg s25  }
0x27: {  	[dreg:$0x3] =	wrdreg s2  }
0x28: {  	[dreg:$0x4] =	wrdreg $0x9  }
0x29: {  	_ =	task.clear_ibuf [dreg:s7], $0x5FFFF;
	_ =	strace $0x90000049  }
0x2a: {  	s29 =	simm.s32 $0x9;
	_ =	strace $0x8000004B  }
0x2b: {  	_ =	swait.ge [sflag:s29], $0x1  }
0x2c: {  	[sflag:s29] =	ssyncadd.s32 $0xFFFFFFFF  }
0x2d: {  	_ =	strace $0x9000004B  }
0x2e: {  	_ =	sfence  }
0x2f: {  	s30 =	sld [smem:$0x0];
	_ =	sdelay $0x2  }
0x30: {  	s31 =	sshll.u32 s1, $0xD;
	s1 =	sshrl.u32 s1, $0x2  }
0x31: {  	s3 =	sand.u32 $0x4000, s31;
	s1 =	sadd.s32 s1, s30  }
0x32: {  	s0 =	sor.u32 s3, s0;
	s1 =	sshll.u32 s1, $0x11  }
0x33: {  	s0 =	sor.u32 s1, s0  }
0x34: {  	s0 =	sadd.s32 $0x8F2B, s0  }
0x35: {  	[sflag:s0] =	ssyncadd.remote.s32 $0x1  }
0x36: {  	_ =	sfence.sel $0xFFFF  }
0x37: {  	[dreg:$0x0] =	wrdreg $0xFFFFFFFF;
	(pc) =	sbr.abs _section_cstart, $3  }
0x38: {  	[dreg:$0x1] =	wrdreg $0xFFFFFFFF  }
0x39: {  	_ =	task.clear_ibuf [dreg:s7], $0x2FFFF;
	_ =	strace $0x9FFFFFFF  }
0x3a: {  	(tm) =	ssettm $0x7FFFFFFF  }
0x3b: {  	_ =	shalt  }
tec
execute0_lowered:
.L_overlay_start_1:
0x0: {  	(tag) =	ssettag $0x1  }
0x1: {  	s0 =	srdreg.scid  }
0x2: {  	s1 =	sshll.u32 s0, $0x4  }
0x3: {  	s0 =	stileid.u32;
	s1 =	sand.u32 $0x10, s1  }
0x4: {  	s1 =	sor.u32 s0, s1  }
0x5: {  	s6 =	rddreg [dreg:$0x0];
	s4 =	simm.s32 $0x1;
	s2 =	sshll.u32 s1, $0x7  }
0x6: {  	s7 =	simm.s32 $0x2;
	s12 =	simm.s32 $0x0;
	s1 =	ssub.s32 $0x4000, s2  }
0x7: {  	s8 =	simm.s32 $0x20000;
	s13 =	simm.s32 $0x0;
	s3 =	sand.u32 $0xF80, s1  }
0x8: {  	s9 =	simm.s32 $0x0;
	s5 =	sshrl.u32 s1, $0xC;
	p0 =	sne.s32 s3, $0x0  }
.Ltmp0:
0x9: {  	s1 =	rddreg [dreg:$0x2];
	s4 =	simm.s32 @!p0 $0x0;
	(pc) =	sbr.rel .LBB1_1-.Ltmp0, $4  }
0xa: {  	s11 =	simm.s32 $0x0;
	s3 =	rddreg [dreg:$0x1];
	s5 =	sadd.s32 s4, s5  }
0xb: {  	_ =	strace $0x8000004A;
	s4 =	simm.s32 $0x1;
	s5 =	smul.u32 $0x32, s5  }
0xc: {  	s6 =	sadd.s32 $0xA00, s6;
	s10 =	smov.u32 s2;
	[sflag:s4] =	ssyncpa.u1 $0x0  }
0xd: {  	p0 =	por $0x0, $0x0;
	[sflag:s7] =	ssyncpa.u1 $0x0;
	s7 =	sor.u32 $0x1, s5  }
.LBB1_4:
0xe: {  	s16 =	sshll.u32 s13, $0x3;
	s17 =	sand.u32 $0x78, s13  }
0xf: {  	s30 =	sand.u32 $0xF800, s13;
	s12 =	sshll.u32 s12, $0x10;
	s16 =	sand.u32 $0x3C00, s16  }
0x10: {  	s31 =	sand.u32 $0x7, s13;
	s16 =	sor.u32 s17, s16;
	s17 =	sadd.s32 s3, s30  }
0x11: {  	s13 =	sshll.u32 s31, $0x12;
	s16 =	sshrl.u32 s16, $0x3;
	s12 =	sadd.s32 s12, s17  }
0x12: {  	[tilespmem:s15+$0x0 ss:$0x81] =	vst.msk $0xffff, v0;
	s13 =	sor.u32 $0x400, s13;
	s12 =	sadd.s32 s16, s12  }
0x13: {  	[hbm4b:s12+s13] =	stream.strided.scatter [tilespmem:s14], [sflag:$0x2], $0x1000, s8, s13, $0x20;
	[tilespmem:$0x4040] =	vst v63  }
.LBB1_5:
0x14: {  	s14 =	sadd.s32 $0x1, s9  }
0x15: {  	s12 =	sadd.s32 $0x1000, s10;
	s16 =	smov.u32 s10;
	p2 =	sgt.s32 s14, $0x31  }
0x16: {  	s16 =	smov.u32 @p2 s12  }
0x17: {  	s14 =	simm.s32 @p2 $0x0;
	p2 =	sgt.s32 s16, $0x3FFF  }
0x18: {  	s16 =	smov.u32 @p2 s2;
	p2 =	sne.s32 s11, s7  }
.Ltmp1:
0x19: {  	p1 =	slt.u32 s11, $0x2;
	(pc) =	sbr.rel @!p2 .LBB1_6-.Ltmp1, $4  }
0x1a: {  	s15 =	simm.s32 @!p1 $0x2  }
0x1b: {  	s13 =	smov.u32 s10;
	p0 =	por !p0, !p0;
	_ =	swait.ge @!p1 [sflag:s15], $0x1000  }
0x1c: {  	s12 =	smov.u32 s9;
	[sflag:s15] =	ssyncset.done @!p1 $0x0;
	s9 =	smov.u32 s14  }
0x1d: {  	s11 =	sadd.s32 $0x1, s11;
	[sflag:s15] =	ssyncadd.s32 @!p1 $0xFFFFF000;
	s10 =	smov.u32 s16  }
.LBB1_1:
0x1e: {  	p1 =	sge.u32 s11, s5  }
0x1f: {  	s14 =	sand.u32 @!p1 $0x1FFFFFF, s9  }
0x20: {  	s15 =	smulhi.u32 @!p1 $0x4924925, s14;
	_ =	sdelay $0x1  }
0x21: {  	s15 =	smul.u32 @!p1 $0x38, s15  }
0x22: {  	s16 =	sxor.u32 @!p1 $0xFFFFFFFF, s11;
	s17 =	smul.u32 @!p1 $0x380, s10  }
0x23: {  	s31 =	sadd.s32 $0xFFFFFFFF, s11;
	s16 =	sshll.u32 @!p1 s16, $0xC;
	s14 =	ssub.s32 @!p1 s14, s15  }
0x24: {  	s15 =	sand.u32 @!p1 $0x1000, s16;
	s16 =	sadd.s32 @!p1 s6, s17;
	s14 =	sshll.u32 @!p1 s14, $0x4  }
0x25: {  	s17 =	simm.s32 @!p1 $0x1C00;
	s14 =	sadd.s32 @!p1 s14, s16;
	s16 =	simm.s32 @!p1 $0x20  }
0x26: {  	[tilespmem:s15], [sflag:$0x1] =	stream.strided.gather @!p1 [hbm4b:s14+s16], $0x1000, s17, s16, $0x38;
	[tilespmem:$0x4040] =	vst v63  }
0x27: {  	p1 =	sge.u32 s31, s5  }
.Ltmp2:
0x28: {  	_ = 	snop;
	(pc) =	sbr.rel @p1 .LBB1_5-.Ltmp2, $1  }
0x29: {  	_ =	sdelay $0x3  }
0x2a: {  	s14 =	simm.s32 $0x1  }
0x2b: {  	_ =	swait.ge [sflag:s4], $0x1000;
	s14 =	simm.s32 @!p0 $0x0  }
0x2c: {  	[sflag:s4] =	ssyncset.done $0x0;
	s15 =	sshll.u32 s14, $0xC  }
0x2d: {  	[sflag:s4] =	ssyncadd.s32 $0xFFFFF000;
	s18 =	sor.u32 $0x10, s15  }
0x2e: {  	s14 =	smul.u32 $0x4080, s14;
	v1 =	vld [tilespmem:s18+$0x0]  }
0x2f: {  	s30 =	sand.u32 $0x1, s11;
	v0 =	vld [tilespmem:s18+$0xFFFFFFF0]  }
0x30: {  	s15 =	smul.u32 $0x4080, s30;
	s14 =	sshrl.u32 s14, $0x2  }
0x31: {  	s16 =	sor.u32 $0x2000, s14  }
0x32: {  	s31 =	sshrl.u32 s15, $0x2;
	s15 =	sadd.s32 $0x0, s16  }
0x33: {  	s17 =	simm.s32 $0x4;
	s18 =	sadd.s32 $0x20, s18;
	s14 =	sor.u32 $0x2000, s31;
	[tilespmem:s15+$0x810 ss:$0x81] =	vst.msk $0xffff, v1  }
.LBB1_3:
0x34: {  	v1 =	vld [tilespmem:s18+$0x0];
	p1 =	sne.s32 s17, $0x1FC;
	[tilespmem:s15+$0x0 ss:$0x81] =	vst.msk $0xffff, v0;
	s15 =	smov.u32 s17;
	s17 =	sadd.s32 $0x4, s17  }
.Ltmp3:
0x35: {  	v0 =	vld [tilespmem:s18+$0xFFFFFFF0];
	(pc) =	sbr.rel @p1 .LBB1_3-.Ltmp3, $4  }
0x36: {  	_ = 	snop  }
0x37: {  	s15 =	sshra.s32 s15, $0x2  }
0x38: {  	s15 =	sadd.s32 s15, s16  }
0x39: {  	s18 =	sadd.s32 $0x20, s18;
	[tilespmem:s15+$0x810 ss:$0x81] =	vst.msk $0xffff, v1  }
.Ltmp4:
0x3a: {  	_ = 	snop;
	(pc) =	sbr.rel .LBB1_4-.Ltmp4, $1  }
0x3b: {  	_ =	sdelay $0x3  }
.LBB1_6:
0x3c: {  	_ =	sfence.sel $0x180000  }
0x3d: {  	s2 =	simm.s32 $0x1;
	[bflag:$0x0] =	sbarrier.arrive $0xFFFF  }
0x3e: {  	s31 =	simm.s32 $0x2;
	[sflag:s2] =	ssyncpa.u1 $0x1  }
0x3f: {  	[sflag:s31] =	ssyncpa.u1 $0x1  }
0x40: {  	p0 =	sne.s32 s0, $0x0;
	_ =	strace $0x9000004A  }
0x41: {  	s0 =	sadd.s32 @!p0 $0x100000, s1;
	[bflag:$0x2] =	sbarrier.arrive $0xFFFF  }
0x42: {  	[sflag:s0] =	ssyncadd.tile.s32 @!p0 $0x1;
	_ =	shalt  }
.Lfunc_end1:
_tile_overlayer_lowered:
.L_overlay_start_2:
0x43: {  	(tag) =	ssettag $0x2  }
0x44: {  	s0 =	rddreg [dreg:$0x0];
	s2 =	stileid.u32  }
0x45: {  	s1 =	rddreg [dreg:$0x1];
	p0 =	sne.s32 s2, $0x0  }
0x46: {  	s3 =	rddreg [dreg:$0x2];
	[bflag:$0x3] =	sbarrier.arrive $0xFFFF;
	s2 =	simm.s32 @!p0 $0x1C01  }
0x47: {  	[timem:s3], [sflag:s2] =	dma.local @!p0 [hbm:s0], s1  }
0x48: {  	s0 =	simm.s32 @!p0 $0x1  }
0x49: {  	_ =	swait.ge @!p0 [sflag:s0], s1  }
0x4a: {  	s1 =	ssub.s32 @!p0 $0x0, s1;
	[sflag:s0] =	ssyncset.done @!p0 $0x0  }
0x4b: {  	[sflag:s0] =	ssyncadd.s32 @!p0 s1  }
0x4c: {  	[bflag:$0x3] =	sbarrier.arrive $0xFFFF  }
0x4d: {  	_ =	shalt  }

</sc_bundles>
